<compile_context>
chip_gen: v7x
topology: tpu7x:2x2x1
jax: 0.10.2.dev20260603
libtpu: 0.0.44.dev20260713+nightly
codegen_flags: <defaults>
</compile_context>

<pallas_src>
import functools

import jax
import jax.numpy as jnp
from jax import lax
from jax.experimental import pallas as pl
from jax.experimental.pallas import tpu as pltpu
from jax.experimental.pallas import tpu_sc as plsc

B, C, N, P = 8, 192, 576, 768
_BIG = 3.0e38

NW = 32
ROWS_W = (B * N) // NW
SEG = ROWS_W * N


def _tc_body(xp_ref, w_ref, b_ref, y_ref, idx_ref):
    xb = xp_ref[0]
    w = w_ref[...]
    bias = b_ref[...]
    yb = jnp.dot(xb, w, preferred_element_type=jnp.float32) + bias
    y_ref[0] = yb
    g = lax.dot_general(yb, yb, (((1,), (1,)), ((), ())),
                        preferred_element_type=jnp.float32)
    sq = jnp.sum(yb * yb, axis=1)
    work = jnp.maximum(sq[:, None] + sq[None, :] - 2.0 * g, 0.0)
    col = lax.broadcasted_iota(jnp.int32, (N, N), 1)
    lane = lax.broadcasted_iota(jnp.int32, (N, 16), 1)
    idxs = jnp.zeros((N, 16), jnp.int32)
    for k in range(7):
        m = jnp.min(work, axis=1, keepdims=True)
        cand = jnp.where(work == m, col, jnp.int32(1 << 30))
        idx = jnp.min(cand, axis=1, keepdims=True)
        sel = cand == idx
        idxs = jnp.where(lane == k, idx, idxs)
        work = jnp.where(sel, _BIG, work)
    idx_ref[0] = idxs


def _sc_adj_body(idx_hbm, adj_hbm, idx_v, buf):
    wid = lax.axis_index("s") * 2 + lax.axis_index("c")
    b = wid // 4
    r0 = (wid % 4) * ROWS_W
    pltpu.sync_copy(idx_hbm.at[b, pl.ds(r0, ROWS_W)], idx_v)
    il = lax.broadcasted_iota(jnp.int32, (16,), 0)
    zeros = jnp.zeros((16,), jnp.float32)
    ones = jnp.ones((16,), jnp.float32)
    mask7 = il < 7

    def zero_body(r, _):
        for c in range(N // 16):
            buf[r, pl.ds(c * 16, 16)] = zeros
        return 0

    lax.fori_loop(0, ROWS_W, zero_body, 0)

    def row_body(r, _):
        rowidx = idx_v[r]
        rvec = jnp.full((16,), 0, jnp.int32) + r
        plsc.store_scatter(buf, [rvec, rowidx], ones, mask=mask7)
        return 0

    lax.fori_loop(0, ROWS_W, row_body, 0)
    pltpu.sync_copy(buf, adj_hbm.at[b, pl.ds(r0, ROWS_W)])


@functools.partial(
    pl.kernel,
    out_type=jax.ShapeDtypeStruct((B, N, N), jnp.float32),
    mesh=plsc.VectorSubcoreMesh(core_axis_name="c", subcore_axis_name="s"),
    compiler_params=pltpu.CompilerParams(needs_layout_passes=False),
    scratch_types=[
        pltpu.VMEM((ROWS_W, 16), jnp.int32),
        pltpu.VMEM((ROWS_W, N), jnp.float32),
    ],
)
def _sc_adj(idx_hbm, adj_hbm, idx_v, buf):
    _sc_adj_body(idx_hbm, adj_hbm, idx_v, buf)


ROWS_I = (B * 3 * 384) // NW
COMBO_W = ROWS_I // 16


def _sc_im2col_body(x_hbm, xp_hbm, slab, xp_loc, sem):
    wid = lax.axis_index("s") * 2 + lax.axis_index("c")
    b = wid // 4
    ibase = (wid % 4) * 6
    for hh in range(2):
        i0 = ibase + hh * 3
        for c in range(3):
            pltpu.sync_copy(
                x_hbm.at[pl.ds((b * 3 + c) * 384 + i0 * 16, 48)],
                slab.at[pl.ds(c * 48, 48)])
        for c in range(3):

            @plsc.parallel_loop(0, 48, step=1, unroll=2)
            def move(t, c=c):
                u = t // 3
                ii = t % 3
                col = (c * 16 + u) * 16
                src_row = c * 48 + ii * 16 + u
                dst_row = ii * 24
                for j in range(24):
                    xp_loc[dst_row + j, pl.ds(col, 16)] = (
                        slab[src_row, pl.ds(j * 16, 16)])
        pltpu.sync_copy(xp_loc, xp_hbm.at[b, pl.ds(i0 * 24, 72)])


@functools.partial(
    pl.kernel,
    out_type=jax.ShapeDtypeStruct((B, N, P), jnp.float32),
    mesh=plsc.VectorSubcoreMesh(core_axis_name="c", subcore_axis_name="s"),
    compiler_params=pltpu.CompilerParams(needs_layout_passes=False),
    scratch_types=[
        pltpu.VMEM((144, 384), jnp.float32),
        pltpu.VMEM((72, P), jnp.float32),
        pltpu.SemaphoreType.DMA,
    ],
)
def _sc_im2col(x_hbm, xp_hbm, slab, xp_loc, sem):
    _sc_im2col_body(x_hbm, xp_hbm, slab, xp_loc, sem)


def kernel(x, W_conv, b_conv):
    xp = _sc_im2col(x.reshape(B * 3 * 384, 384))
    wm = W_conv.reshape(C, P).T
    bias = b_conv.reshape(1, C)
    y, idxs = pl.pallas_call(
        _tc_body,
        grid=(B,),
        in_specs=[
            pl.BlockSpec((1, N, P), lambda b: (b, 0, 0)),
            pl.BlockSpec((P, C), lambda b: (0, 0)),
            pl.BlockSpec((1, C), lambda b: (0, 0)),
        ],
        out_specs=[
            pl.BlockSpec((1, N, C), lambda b: (b, 0, 0)),
            pl.BlockSpec((1, N, 16), lambda b: (b, 0, 0)),
        ],
        out_shape=[
            jax.ShapeDtypeStruct((B, N, C), jnp.float32),
            jax.ShapeDtypeStruct((B, N, 16), jnp.int32),
        ],
    )(xp, wm, bias)
    adj = _sc_adj(idxs)
    return (y, adj)

# --- scband reference (transcript-rebuilt; emitter-appended) ---
"""Pipeline reference for scband-pre-process-layer-graph-35081292873880 (READ-ONLY COPY).

The authoritative reference and input builder live on the scoring server;
editing this copy changes nothing except your own understanding.
"""

import jax, jax.numpy as jnp
import numpy as np


def setup_inputs(seed: int = 0) -> dict:
    key = jax.random.key(seed)
    k1, k2, k3 = jax.random.split(key, 3)
    x = jax.random.normal(k1, (8, 3, 384, 384), dtype=jnp.float32)
    # Conv2d(in_feats=3, out_feats=192, kernel_size=16, stride=16, bias=True) params
    fan_in = 3 * 16 * 16
    W_conv = jax.random.normal(k2, (192, 3, 16, 16), dtype=jnp.float32) * np.float32(1.0 / np.sqrt(fan_in))
    b_conv = jax.random.normal(k3, (192,), dtype=jnp.float32) * 0.01
    return {"x": x, "W_conv": W_conv, "b_conv": b_conv}


def _pairwise_euclidean(y):
    # y: [B, N, C] -> dist: [B, N, N], euclidean cdist per batch element
    sq = jnp.sum(y * y, axis=-1)
    inner = jnp.einsum('bnd,bmd->bnm', y, y)
    d2 = sq[:, :, None] + sq[:, None, :] - 2.0 * inner
    return jnp.sqrt(jnp.maximum(d2, 0.0))


def reference(x, W_conv, b_conv):
    # head: prosessing_conv == strided Conv2d (patch-embedding style)
    out = jax.lax.conv_general_dilated(
        x, W_conv, window_strides=(16, 16), padding='VALID',
        dimension_numbers=('NCHW', 'OIHW', 'NCHW'))
    out = out + b_conv[None, :, None, None]
    B, C, H, W = out.shape
    N = H * W
    y = jnp.reshape(out, (B, C, N))
    y = jnp.transpose(y, (0, 2, 1))  # [B, N, C]
    # adjacency built from detached features in the torch code (numpy cdist)
    y_det = jax.lax.stop_gradient(y)
    dist = _pairwise_euclidean(y_det)
    # dist.argsort(1).argsort(1) <= 6  -> rank of each distance along last axis
    ranks = jnp.argsort(jnp.argsort(dist, axis=-1), axis=-1)
    adj = (ranks <= 6).astype(jnp.float32)  # [B, N, N]
    return (y, adj)

if __name__ == "__main__":
    import jax
    _d = setup_inputs()
    print(jax.jit(kernel)(*tuple(_d.values())))

</pallas_src>

<mosaic_0001>
#map = affine_map<(d0, d1) -> (0, 0)>
#map1 = affine_map<(d0, d1) -> (0, 0, 0)>
module attributes {stable_mosaic.version = 14 : i64} {
  func.func @_sc_im2col(%arg0: i32, %arg1: i32, %arg2: memref<9216x384xf32, #tpu.memory_space<hbm>>, %arg3: memref<8x576x768xf32, #tpu.memory_space<hbm>>, %arg4: memref<144x384xf32, #tpu.memory_space<vmem>>, %arg5: memref<72x768xf32, #tpu.memory_space<vmem>>, %arg6: memref<!tpu.dma_semaphore, #tpu.memory_space<semaphore_mem>>) attributes {dimension_semantics = [#tpu.dimension_semantics<core_parallel>, #tpu.dimension_semantics<subcore_parallel>], iteration_bounds = array<i64: 2, 16>, scalar_prefetch = 0 : i64, scratch_operands = 3 : i64, tpu.core_type = #tpu.core_type<sc_vector_subcore>, window_params = [{transform_indices = #map}, {transform_indices = #map1}]} {
    %mul3A = arith.constant 2 : i32
    %mul3A_0 = arith.muli %arg1, %mul3A : i32
    %add3A = arith.addi %mul3A_0, %arg0 : i32
    %jit3A = arith.constant 4 : i32
    %div3A = arith.divsi %add3A, %jit3A : i32
    %sign3A = arith.constant 0 : i32
    %sign3A_1 = arith.cmpi sgt, %add3A, %sign3A : i32
    %sign3A_2 = arith.extui %sign3A_1 : i1 to i32
    %sign3A_3 = arith.constant 0 : i32
    %sign3A_4 = arith.cmpi slt, %add3A, %sign3A_3 : i32
    %sign3A_5 = arith.extui %sign3A_4 : i1 to i32
    %sign3A_6 = arith.subi %sign3A_2, %sign3A_5 : i32
    %sign3A_7 = arith.constant 0 : i32
    %sign3A_8 = arith.cmpi sgt, %jit3A, %sign3A_7 : i32
    %sign3A_9 = arith.extui %sign3A_8 : i1 to i32
    %sign3A_10 = arith.constant 0 : i32
    %sign3A_11 = arith.cmpi slt, %jit3A, %sign3A_10 : i32
    %sign3A_12 = arith.extui %sign3A_11 : i1 to i32
    %sign3A_13 = arith.subi %sign3A_9, %sign3A_12 : i32
    %ne3A = arith.cmpi ne, %sign3A_6, %sign3A_13 : i32
    %rem3A = arith.remsi %add3A, %jit3A : i32
    %ne3A_14 = arith.constant 0 : i32
    %ne3A_15 = arith.cmpi ne, %rem3A, %ne3A_14 : i32
    %and3A = arith.andi %ne3A, %ne3A_15 : i1
    %sub3A = arith.constant 1 : i32
    %sub3A_16 = arith.subi %div3A, %sub3A : i32
    %select_n3A = arith.select %and3A, %sub3A_16, %div3A : i32
    %jit3A_17 = arith.constant 4 : i32
    %eq3A = arith.constant 0 : i32
    %eq3A_18 = arith.cmpi eq, %jit3A_17, %eq3A : i32
    %jit3A_19 = arith.constant 1 : i32
    %select_n3A_20 = arith.select %eq3A_18, %jit3A_19, %jit3A_17 : i32
    %rem3A_21 = arith.remsi %add3A, %select_n3A_20 : i32
    %ne3A_22 = arith.constant 0 : i32
    %ne3A_23 = arith.cmpi ne, %rem3A_21, %ne3A_22 : i32
    %lt3A = arith.constant 0 : i32
    %lt3A_24 = arith.cmpi slt, %rem3A_21, %lt3A : i32
    %lt3A_25 = arith.constant 0 : i32
    %lt3A_26 = arith.cmpi slt, %select_n3A_20, %lt3A_25 : i32
    %ne3A_27 = arith.xori %lt3A_24, %lt3A_26 : i1
    %and3A_28 = arith.andi %ne3A_27, %ne3A_23 : i1
    %add3A_29 = arith.addi %rem3A_21, %select_n3A_20 : i32
    %select_n3A_30 = arith.select %and3A_28, %add3A_29, %rem3A_21 : i32
    %mul3A_31 = arith.constant 6 : i32
    %mul3A_32 = arith.muli %select_n3A_30, %mul3A_31 : i32
    %add3A_33 = arith.constant 0 : i32
    %add3A_34 = arith.addi %mul3A_32, %add3A_33 : i32
    %mul3A_35 = arith.constant 3 : i32
    %mul3A_36 = arith.muli %select_n3A, %mul3A_35 : i32
    %add3A_37 = arith.constant 0 : i32
    %add3A_38 = arith.addi %mul3A_36, %add3A_37 : i32
    %mul3A_39 = arith.constant 384 : i32
    %mul3A_40 = arith.muli %add3A_38, %mul3A_39 : i32
    %mul3A_41 = arith.constant 16 : i32
    %mul3A_42 = arith.muli %add3A_34, %mul3A_41 : i32
    %add3A_43 = arith.addi %mul3A_40, %mul3A_42 : i32
    "tpu.region"() ({
      %run_scoped3A = tpu.sem_alloc : memref<!tpu.dma_semaphore, #tpu.memory_space<semaphore_mem>>
      %dma_start3A = arith.constant 0 : i32
      %dma_start3A_112 = arith.constant 0 : i32
      %dma_start3A_113 = tpu.memref_slice %arg4[%dma_start3A, %dma_start3A_112] : memref<144x384xf32, #tpu.memory_space<vmem>> -> memref<48x384xf32, #tpu.memory_space<vmem>>
      %dma_start3A_114 = arith.constant 0 : i32
      %dma_start3A_115 = tpu.memref_slice %arg2[%add3A_43, %dma_start3A_114] : memref<9216x384xf32, #tpu.memory_space<hbm>> -> memref<48x384xf32, #tpu.memory_space<hbm>>
      %dma_start3A_116 = arith.constant 0 : i32
      %dma_start3A_117 = arith.constant 0 : i32
      %dma_start3A_118 = tpu.memref_slice %arg4[%dma_start3A_116, %dma_start3A_117] : memref<144x384xf32, #tpu.memory_space<vmem>> -> memref<48x384xf32, #tpu.memory_space<vmem>>
      %dma_start3A_119 = arith.constant 0 : i32
      %dma_start3A_120 = tpu.memref_slice %arg2[%add3A_43, %dma_start3A_119] : memref<9216x384xf32, #tpu.memory_space<hbm>> -> memref<48x384xf32, #tpu.memory_space<hbm>>
      tpu.enqueue_dma source(%dma_start3A_120 : memref<48x384xf32, #tpu.memory_space<hbm>>) target(%dma_start3A_118 : memref<48x384xf32, #tpu.memory_space<vmem>>) target_semaphore(%run_scoped3A : memref<!tpu.dma_semaphore, #tpu.memory_space<semaphore_mem>>)
      %dma_wait3A = arith.constant 0 : i32
      %dma_wait3A_121 = arith.constant 0 : i32
      %dma_wait3A_122 = tpu.memref_slice %arg4[%dma_wait3A, %dma_wait3A_121] : memref<144x384xf32, #tpu.memory_space<vmem>> -> memref<48x384xf32, #tpu.memory_space<vmem>>
      %dma_wait3A_123 = arith.constant 0 : i32
      %dma_wait3A_124 = tpu.memref_slice %arg2[%add3A_43, %dma_wait3A_123] : memref<9216x384xf32, #tpu.memory_space<hbm>> -> memref<48x384xf32, #tpu.memory_space<hbm>>
      %dma_wait3A_125 = arith.constant 0 : i32
      %dma_wait3A_126 = arith.constant 0 : i32
      %dma_wait3A_127 = tpu.memref_slice %arg4[%dma_wait3A_125, %dma_wait3A_126] : memref<144x384xf32, #tpu.memory_space<vmem>> -> memref<48x384xf32, #tpu.memory_space<vmem>>
      %dma_wait3A_128 = arith.constant 0 : i32
      %dma_wait3A_129 = tpu.memref_slice %arg2[%add3A_43, %dma_wait3A_128] : memref<9216x384xf32, #tpu.memory_space<hbm>> -> memref<48x384xf32, #tpu.memory_space<hbm>>
      tpu.wait_dma2 semaphore(%run_scoped3A : memref<!tpu.dma_semaphore, #tpu.memory_space<semaphore_mem>>) src(%dma_wait3A_129 : memref<48x384xf32, #tpu.memory_space<hbm>>) dst(%dma_wait3A_127 : memref<48x384xf32, #tpu.memory_space<vmem>>)
      tpu.yield
    }) : () -> ()
    %mul3A_44 = arith.constant 3 : i32
    %mul3A_45 = arith.muli %select_n3A, %mul3A_44 : i32
    %add3A_46 = arith.constant 1 : i32
    %add3A_47 = arith.addi %mul3A_45, %add3A_46 : i32
    %mul3A_48 = arith.constant 384 : i32
    %mul3A_49 = arith.muli %add3A_47, %mul3A_48 : i32
    %mul3A_50 = arith.constant 16 : i32
    %mul3A_51 = arith.muli %add3A_34, %mul3A_50 : i32
    %add3A_52 = arith.addi %mul3A_49, %mul3A_51 : i32
    "tpu.region"() ({
      %run_scoped3A = tpu.sem_alloc : memref<!tpu.dma_semaphore, #tpu.memory_space<semaphore_mem>>
      %dma_start3A = arith.constant 48 : i32
      %dma_start3A_112 = arith.constant 0 : i32
      %dma_start3A_113 = tpu.memref_slice %arg4[%dma_start3A, %dma_start3A_112] : memref<144x384xf32, #tpu.memory_space<vmem>> -> memref<48x384xf32, #tpu.memory_space<vmem>>
      %dma_start3A_114 = arith.constant 0 : i32
      %dma_start3A_115 = tpu.memref_slice %arg2[%add3A_52, %dma_start3A_114] : memref<9216x384xf32, #tpu.memory_space<hbm>> -> memref<48x384xf32, #tpu.memory_space<hbm>>
      %dma_start3A_116 = arith.constant 48 : i32
      %dma_start3A_117 = arith.constant 0 : i32
      %dma_start3A_118 = tpu.memref_slice %arg4[%dma_start3A_116, %dma_start3A_117] : memref<144x384xf32, #tpu.memory_space<vmem>> -> memref<48x384xf32, #tpu.memory_space<vmem>>
      %dma_start3A_119 = arith.constant 0 : i32
      %dma_start3A_120 = tpu.memref_slice %arg2[%add3A_52, %dma_start3A_119] : memref<9216x384xf32, #tpu.memory_space<hbm>> -> memref<48x384xf32, #tpu.memory_space<hbm>>
      tpu.enqueue_dma source(%dma_start3A_120 : memref<48x384xf32, #tpu.memory_space<hbm>>) target(%dma_start3A_118 : memref<48x384xf32, #tpu.memory_space<vmem>>) target_semaphore(%run_scoped3A : memref<!tpu.dma_semaphore, #tpu.memory_space<semaphore_mem>>)
      %dma_wait3A = arith.constant 48 : i32
      %dma_wait3A_121 = arith.constant 0 : i32
      %dma_wait3A_122 = tpu.memref_slice %arg4[%dma_wait3A, %dma_wait3A_121] : memref<144x384xf32, #tpu.memory_space<vmem>> -> memref<48x384xf32, #tpu.memory_space<vmem>>
      %dma_wait3A_123 = arith.constant 0 : i32
      %dma_wait3A_124 = tpu.memref_slice %arg2[%add3A_52, %dma_wait3A_123] : memref<9216x384xf32, #tpu.memory_space<hbm>> -> memref<48x384xf32, #tpu.memory_space<hbm>>
      %dma_wait3A_125 = arith.constant 48 : i32
      %dma_wait3A_126 = arith.constant 0 : i32
      %dma_wait3A_127 = tpu.memref_slice %arg4[%dma_wait3A_125, %dma_wait3A_126] : memref<144x384xf32, #tpu.memory_space<vmem>> -> memref<48x384xf32, #tpu.memory_space<vmem>>
      %dma_wait3A_128 = arith.constant 0 : i32
      %dma_wait3A_129 = tpu.memref_slice %arg2[%add3A_52, %dma_wait3A_128] : memref<9216x384xf32, #tpu.memory_space<hbm>> -> memref<48x384xf32, #tpu.memory_space<hbm>>
      tpu.wait_dma2 semaphore(%run_scoped3A : memref<!tpu.dma_semaphore, #tpu.memory_space<semaphore_mem>>) src(%dma_wait3A_129 : memref<48x384xf32, #tpu.memory_space<hbm>>) dst(%dma_wait3A_127 : memref<48x384xf32, #tpu.memory_space<vmem>>)
      tpu.yield
    }) : () -> ()
    %mul3A_53 = arith.constant 3 : i32
    %mul3A_54 = arith.muli %select_n3A, %mul3A_53 : i32
    %add3A_55 = arith.constant 2 : i32
    %add3A_56 = arith.addi %mul3A_54, %add3A_55 : i32
    %mul3A_57 = arith.constant 384 : i32
    %mul3A_58 = arith.muli %add3A_56, %mul3A_57 : i32
    %mul3A_59 = arith.constant 16 : i32
    %mul3A_60 = arith.muli %add3A_34, %mul3A_59 : i32
    %add3A_61 = arith.addi %mul3A_58, %mul3A_60 : i32
    "tpu.region"() ({
      %run_scoped3A = tpu.sem_alloc : memref<!tpu.dma_semaphore, #tpu.memory_space<semaphore_mem>>
      %dma_start3A = arith.constant 96 : i32
      %dma_start3A_112 = arith.constant 0 : i32
      %dma_start3A_113 = tpu.memref_slice %arg4[%dma_start3A, %dma_start3A_112] : memref<144x384xf32, #tpu.memory_space<vmem>> -> memref<48x384xf32, #tpu.memory_space<vmem>>
      %dma_start3A_114 = arith.constant 0 : i32
      %dma_start3A_115 = tpu.memref_slice %arg2[%add3A_61, %dma_start3A_114] : memref<9216x384xf32, #tpu.memory_space<hbm>> -> memref<48x384xf32, #tpu.memory_space<hbm>>
      %dma_start3A_116 = arith.constant 96 : i32
      %dma_start3A_117 = arith.constant 0 : i32
      %dma_start3A_118 = tpu.memref_slice %arg4[%dma_start3A_116, %dma_start3A_117] : memref<144x384xf32, #tpu.memory_space<vmem>> -> memref<48x384xf32, #tpu.memory_space<vmem>>
      %dma_start3A_119 = arith.constant 0 : i32
      %dma_start3A_120 = tpu.memref_slice %arg2[%add3A_61, %dma_start3A_119] : memref<9216x384xf32, #tpu.memory_space<hbm>> -> memref<48x384xf32, #tpu.memory_space<hbm>>
      tpu.enqueue_dma source(%dma_start3A_120 : memref<48x384xf32, #tpu.memory_space<hbm>>) target(%dma_start3A_118 : memref<48x384xf32, #tpu.memory_space<vmem>>) target_semaphore(%run_scoped3A : memref<!tpu.dma_semaphore, #tpu.memory_space<semaphore_mem>>)
      %dma_wait3A = arith.constant 96 : i32
      %dma_wait3A_121 = arith.constant 0 : i32
      %dma_wait3A_122 = tpu.memref_slice %arg4[%dma_wait3A, %dma_wait3A_121] : memref<144x384xf32, #tpu.memory_space<vmem>> -> memref<48x384xf32, #tpu.memory_space<vmem>>
      %dma_wait3A_123 = arith.constant 0 : i32
      %dma_wait3A_124 = tpu.memref_slice %arg2[%add3A_61, %dma_wait3A_123] : memref<9216x384xf32, #tpu.memory_space<hbm>> -> memref<48x384xf32, #tpu.memory_space<hbm>>
      %dma_wait3A_125 = arith.constant 96 : i32
      %dma_wait3A_126 = arith.constant 0 : i32
      %dma_wait3A_127 = tpu.memref_slice %arg4[%dma_wait3A_125, %dma_wait3A_126] : memref<144x384xf32, #tpu.memory_space<vmem>> -> memref<48x384xf32, #tpu.memory_space<vmem>>
      %dma_wait3A_128 = arith.constant 0 : i32
      %dma_wait3A_129 = tpu.memref_slice %arg2[%add3A_61, %dma_wait3A_128] : memref<9216x384xf32, #tpu.memory_space<hbm>> -> memref<48x384xf32, #tpu.memory_space<hbm>>
      tpu.wait_dma2 semaphore(%run_scoped3A : memref<!tpu.dma_semaphore, #tpu.memory_space<semaphore_mem>>) src(%dma_wait3A_129 : memref<48x384xf32, #tpu.memory_space<hbm>>) dst(%dma_wait3A_127 : memref<48x384xf32, #tpu.memory_space<vmem>>)
      tpu.yield
    }) : () -> ()
    %parallel_loop3A = arith.constant 0 : i32
    %parallel_loop3A_62 = arith.constant 48 : i32
    %parallel_loop3A_63 = arith.constant 1 : i32
    scf.for %parallel_loop3A_112 = %parallel_loop3A to %parallel_loop3A_62 step %parallel_loop3A_63  : i32 {
      %parallel_loop3A_113 = arith.constant 3 : i32
      %parallel_loop3A_114 = arith.divsi %parallel_loop3A_112, %parallel_loop3A_113 : i32
      %parallel_loop3A_115 = arith.constant 0 : i32
      %parallel_loop3A_116 = arith.cmpi sgt, %parallel_loop3A_112, %parallel_loop3A_115 : i32
      %parallel_loop3A_117 = arith.extui %parallel_loop3A_116 : i1 to i32
      %parallel_loop3A_118 = arith.constant 0 : i32
      %parallel_loop3A_119 = arith.cmpi slt, %parallel_loop3A_112, %parallel_loop3A_118 : i32
      %parallel_loop3A_120 = arith.extui %parallel_loop3A_119 : i1 to i32
      %parallel_loop3A_121 = arith.subi %parallel_loop3A_117, %parallel_loop3A_120 : i32
      %parallel_loop3A_122 = arith.constant 0 : i32
      %parallel_loop3A_123 = arith.cmpi sgt, %parallel_loop3A_113, %parallel_loop3A_122 : i32
      %parallel_loop3A_124 = arith.extui %parallel_loop3A_123 : i1 to i32
      %parallel_loop3A_125 = arith.constant 0 : i32
      %parallel_loop3A_126 = arith.cmpi slt, %parallel_loop3A_113, %parallel_loop3A_125 : i32
      %parallel_loop3A_127 = arith.extui %parallel_loop3A_126 : i1 to i32
      %parallel_loop3A_128 = arith.subi %parallel_loop3A_124, %parallel_loop3A_127 : i32
      %parallel_loop3A_129 = arith.cmpi ne, %parallel_loop3A_121, %parallel_loop3A_128 : i32
      %parallel_loop3A_130 = arith.remsi %parallel_loop3A_112, %parallel_loop3A_113 : i32
      %parallel_loop3A_131 = arith.constant 0 : i32
      %parallel_loop3A_132 = arith.cmpi ne, %parallel_loop3A_130, %parallel_loop3A_131 : i32
      %parallel_loop3A_133 = arith.andi %parallel_loop3A_129, %parallel_loop3A_132 : i1
      %parallel_loop3A_134 = arith.constant 1 : i32
      %parallel_loop3A_135 = arith.subi %parallel_loop3A_114, %parallel_loop3A_134 : i32
      %parallel_loop3A_136 = arith.select %parallel_loop3A_133, %parallel_loop3A_135, %parallel_loop3A_114 : i32
      %parallel_loop3A_137 = arith.constant 3 : i32
      %parallel_loop3A_138 = arith.constant 0 : i32
      %parallel_loop3A_139 = arith.cmpi eq, %parallel_loop3A_137, %parallel_loop3A_138 : i32
      %parallel_loop3A_140 = arith.constant 1 : i32
      %parallel_loop3A_141 = arith.select %parallel_loop3A_139, %parallel_loop3A_140, %parallel_loop3A_137 : i32
      %parallel_loop3A_142 = arith.remsi %parallel_loop3A_112, %parallel_loop3A_141 : i32
      %parallel_loop3A_143 = arith.constant 0 : i32
      %parallel_loop3A_144 = arith.cmpi ne, %parallel_loop3A_142, %parallel_loop3A_143 : i32
      %parallel_loop3A_145 = arith.constant 0 : i32
      %parallel_loop3A_146 = arith.cmpi slt, %parallel_loop3A_142, %parallel_loop3A_145 : i32
      %parallel_loop3A_147 = arith.constant 0 : i32
      %parallel_loop3A_148 = arith.cmpi slt, %parallel_loop3A_141, %parallel_loop3A_147 : i32
      %parallel_loop3A_149 = arith.xori %parallel_loop3A_146, %parallel_loop3A_148 : i1
      %parallel_loop3A_150 = arith.andi %parallel_loop3A_149, %parallel_loop3A_144 : i1
      %parallel_loop3A_151 = arith.addi %parallel_loop3A_142, %parallel_loop3A_141 : i32
      %parallel_loop3A_152 = arith.select %parallel_loop3A_150, %parallel_loop3A_151, %parallel_loop3A_142 : i32
      %parallel_loop3A_153 = arith.constant 0 : i32
      %parallel_loop3A_154 = arith.addi %parallel_loop3A_153, %parallel_loop3A_136 : i32
      %parallel_loop3A_155 = arith.constant 16 : i32
      %parallel_loop3A_156 = arith.muli %parallel_loop3A_154, %parallel_loop3A_155 : i32
      %parallel_loop3A_157 = arith.constant 16 : i32
      %parallel_loop3A_158 = arith.muli %parallel_loop3A_152, %parallel_loop3A_157 : i32
      %parallel_loop3A_159 = arith.constant 0 : i32
      %parallel_loop3A_160 = arith.addi %parallel_loop3A_159, %parallel_loop3A_158 : i32
      %parallel_loop3A_161 = arith.addi %parallel_loop3A_160, %parallel_loop3A_136 : i32
      %parallel_loop3A_162 = arith.constant 24 : i32
      %parallel_loop3A_163 = arith.muli %parallel_loop3A_152, %parallel_loop3A_162 : i32
      %parallel_loop3A_164 = arith.index_cast %parallel_loop3A_161 : i32 to index
      %parallel_loop3A_165 = arith.constant 0 : index
      %parallel_loop3A_166 = tpu.vector_load %arg4[%parallel_loop3A_164, %parallel_loop3A_165] {strides = array<i32>} : memref<144x384xf32, #tpu.memory_space<vmem>>, vector<16xf32>,
      %parallel_loop3A_167 = arith.constant 0 : i32
      %parallel_loop3A_168 = arith.addi %parallel_loop3A_163, %parallel_loop3A_167 : i32
      %parallel_loop3A_169 = arith.index_cast %parallel_loop3A_168 : i32 to index
      %parallel_loop3A_170 = arith.index_cast %parallel_loop3A_156 : i32 to index
      %parallel_loop3A_171 = tpu.vector_load %arg5[%parallel_loop3A_169, %parallel_loop3A_170] {strides = array<i32>} : memref<72x768xf32, #tpu.memory_space<vmem>>, vector<16xf32>,
      tpu.vector_store %arg5[%parallel_loop3A_169, %parallel_loop3A_170], %parallel_loop3A_166 {strides = array<i32>} : memref<72x768xf32, #tpu.memory_space<vmem>>, vector<16xf32>,
      %parallel_loop3A_172 = arith.index_cast %parallel_loop3A_161 : i32 to index
      %parallel_loop3A_173 = arith.constant 16 : index
      %parallel_loop3A_174 = tpu.vector_load %arg4[%parallel_loop3A_172, %parallel_loop3A_173] {strides = array<i32>} : memref<144x384xf32, #tpu.memory_space<vmem>>, vector<16xf32>,
      %parallel_loop3A_175 = arith.constant 1 : i32
      %parallel_loop3A_176 = arith.addi %parallel_loop3A_163, %parallel_loop3A_175 : i32
      %parallel_loop3A_177 = arith.index_cast %parallel_loop3A_176 : i32 to index
      %parallel_loop3A_178 = arith.index_cast %parallel_loop3A_156 : i32 to index
      %parallel_loop3A_179 = tpu.vector_load %arg5[%parallel_loop3A_177, %parallel_loop3A_178] {strides = array<i32>} : memref<72x768xf32, #tpu.memory_space<vmem>>, vector<16xf32>,
      tpu.vector_store %arg5[%parallel_loop3A_177, %parallel_loop3A_178], %parallel_loop3A_174 {strides = array<i32>} : memref<72x768xf32, #tpu.memory_space<vmem>>, vector<16xf32>,
      %parallel_loop3A_180 = arith.index_cast %parallel_loop3A_161 : i32 to index
      %parallel_loop3A_181 = arith.constant 32 : index
      %parallel_loop3A_182 = tpu.vector_load %arg4[%parallel_loop3A_180, %parallel_loop3A_181] {strides = array<i32>} : memref<144x384xf32, #tpu.memory_space<vmem>>, vector<16xf32>,
      %parallel_loop3A_183 = arith.constant 2 : i32
      %parallel_loop3A_184 = arith.addi %parallel_loop3A_163, %parallel_loop3A_183 : i32
      %parallel_loop3A_185 = arith.index_cast %parallel_loop3A_184 : i32 to index
      %parallel_loop3A_186 = arith.index_cast %parallel_loop3A_156 : i32 to index
      %parallel_loop3A_187 = tpu.vector_load %arg5[%parallel_loop3A_185, %parallel_loop3A_186] {strides = array<i32>} : memref<72x768xf32, #tpu.memory_space<vmem>>, vector<16xf32>,
      tpu.vector_store %arg5[%parallel_loop3A_185, %parallel_loop3A_186], %parallel_loop3A_182 {strides = array<i32>} : memref<72x768xf32, #tpu.memory_space<vmem>>, vector<16xf32>,
      %parallel_loop3A_188 = arith.index_cast %parallel_loop3A_161 : i32 to index
      %parallel_loop3A_189 = arith.constant 48 : index
      %parallel_loop3A_190 = tpu.vector_load %arg4[%parallel_loop3A_188, %parallel_loop3A_189] {strides = array<i32>} : memref<144x384xf32, #tpu.memory_space<vmem>>, vector<16xf32>,
      %parallel_loop3A_191 = arith.constant 3 : i32
      %parallel_loop3A_192 = arith.addi %parallel_loop3A_163, %parallel_loop3A_191 : i32
      %parallel_loop3A_193 = arith.index_cast %parallel_loop3A_192 : i32 to index
      %parallel_loop3A_194 = arith.index_cast %parallel_loop3A_156 : i32 to index
      %parallel_loop3A_195 = tpu.vector_load %arg5[%parallel_loop3A_193, %parallel_loop3A_194] {strides = array<i32>} : memref<72x768xf32, #tpu.memory_space<vmem>>, vector<16xf32>,
      tpu.vector_store %arg5[%parallel_loop3A_193, %parallel_loop3A_194], %parallel_loop3A_190 {strides = array<i32>} : memref<72x768xf32, #tpu.memory_space<vmem>>, vector<16xf32>,
      %parallel_loop3A_196 = arith.index_cast %parallel_loop3A_161 : i32 to index
      %parallel_loop3A_197 = arith.constant 64 : index
      %parallel_loop3A_198 = tpu.vector_load %arg4[%parallel_loop3A_196, %parallel_loop3A_197] {strides = array<i32>} : memref<144x384xf32, #tpu.memory_space<vmem>>, vector<16xf32>,
      %parallel_loop3A_199 = arith.constant 4 : i32
      %parallel_loop3A_200 = arith.addi %parallel_loop3A_163, %parallel_loop3A_199 : i32
      %parallel_loop3A_201 = arith.index_cast %parallel_loop3A_200 : i32 to index
      %parallel_loop3A_202 = arith.index_cast %parallel_loop3A_156 : i32 to index
      %parallel_loop3A_203 = tpu.vector_load %arg5[%parallel_loop3A_201, %parallel_loop3A_202] {strides = array<i32>} : memref<72x768xf32, #tpu.memory_space<vmem>>, vector<16xf32>,
      tpu.vector_store %arg5[%parallel_loop3A_201, %parallel_loop3A_202], %parallel_loop3A_198 {strides = array<i32>} : memref<72x768xf32, #tpu.memory_space<vmem>>, vector<16xf32>,
      %parallel_loop3A_204 = arith.index_cast %parallel_loop3A_161 : i32 to index
      %parallel_loop3A_205 = arith.constant 80 : index
      %parallel_loop3A_206 = tpu.vector_load %arg4[%parallel_loop3A_204, %parallel_loop3A_205] {strides = array<i32>} : memref<144x384xf32, #tpu.memory_space<vmem>>, vector<16xf32>,
      %parallel_loop3A_207 = arith.constant 5 : i32
      %parallel_loop3A_208 = arith.addi %parallel_loop3A_163, %parallel_loop3A_207 : i32
      %parallel_loop3A_209 = arith.index_cast %parallel_loop3A_208 : i32 to index
      %parallel_loop3A_210 = arith.index_cast %parallel_loop3A_156 : i32 to index
      %parallel_loop3A_211 = tpu.vector_load %arg5[%parallel_loop3A_209, %parallel_loop3A_210] {strides = array<i32>} : memref<72x768xf32, #tpu.memory_space<vmem>>, vector<16xf32>,
      tpu.vector_store %arg5[%parallel_loop3A_209, %parallel_loop3A_210], %parallel_loop3A_206 {strides = array<i32>} : memref<72x768xf32, #tpu.memory_space<vmem>>, vector<16xf32>,
      %parallel_loop3A_212 = arith.index_cast %parallel_loop3A_161 : i32 to index
      %parallel_loop3A_213 = arith.constant 96 : index
      %parallel_loop3A_214 = tpu.vector_load %arg4[%parallel_loop3A_212, %parallel_loop3A_213] {strides = array<i32>} : memref<144x384xf32, #tpu.memory_space<vmem>>, vector<16xf32>,
      %parallel_loop3A_215 = arith.constant 6 : i32
      %parallel_loop3A_216 = arith.addi %parallel_loop3A_163, %parallel_loop3A_215 : i32
      %parallel_loop3A_217 = arith.index_cast %parallel_loop3A_216 : i32 to index
      %parallel_loop3A_218 = arith.index_cast %parallel_loop3A_156 : i32 to index
      %parallel_loop3A_219 = tpu.vector_load %arg5[%parallel_loop3A_217, %parallel_loop3A_218] {strides = array<i32>} : memref<72x768xf32, #tpu.memory_space<vmem>>, vector<16xf32>,
      tpu.vector_store %arg5[%parallel_loop3A_217, %parallel_loop3A_218], %parallel_loop3A_214 {strides = array<i32>} : memref<72x768xf32, #tpu.memory_space<vmem>>, vector<16xf32>,
      %parallel_loop3A_220 = arith.index_cast %parallel_loop3A_161 : i32 to index
      %parallel_loop3A_221 = arith.constant 112 : index
      %parallel_loop3A_222 = tpu.vector_load %arg4[%parallel_loop3A_220, %parallel_loop3A_221] {strides = array<i32>} : memref<144x384xf32, #tpu.memory_space<vmem>>, vector<16xf32>,
      %parallel_loop3A_223 = arith.constant 7 : i32
      %parallel_loop3A_224 = arith.addi %parallel_loop3A_163, %parallel_loop3A_223 : i32
      %parallel_loop3A_225 = arith.index_cast %parallel_loop3A_224 : i32 to index
      %parallel_loop3A_226 = arith.index_cast %parallel_loop3A_156 : i32 to index
      %parallel_loop3A_227 = tpu.vector_load %arg5[%parallel_loop3A_225, %parallel_loop3A_226] {strides = array<i32>} : memref<72x768xf32, #tpu.memory_space<vmem>>, vector<16xf32>,
      tpu.vector_store %arg5[%parallel_loop3A_225, %parallel_loop3A_226], %parallel_loop3A_222 {strides = array<i32>} : memref<72x768xf32, #tpu.memory_space<vmem>>, vector<16xf32>,
      %parallel_loop3A_228 = arith.index_cast %parallel_loop3A_161 : i32 to index
      %parallel_loop3A_229 = arith.constant 128 : index
      %parallel_loop3A_230 = tpu.vector_load %arg4[%parallel_loop3A_228, %parallel_loop3A_229] {strides = array<i32>} : memref<144x384xf32, #tpu.memory_space<vmem>>, vector<16xf32>,
      %parallel_loop3A_231 = arith.constant 8 : i32
      %parallel_loop3A_232 = arith.addi %parallel_loop3A_163, %parallel_loop3A_231 : i32
      %parallel_loop3A_233 = arith.index_cast %parallel_loop3A_232 : i32 to index
      %parallel_loop3A_234 = arith.index_cast %parallel_loop3A_156 : i32 to index
      %parallel_loop3A_235 = tpu.vector_load %arg5[%parallel_loop3A_233, %parallel_loop3A_234] {strides = array<i32>} : memref<72x768xf32, #tpu.memory_space<vmem>>, vector<16xf32>,
      tpu.vector_store %arg5[%parallel_loop3A_233, %parallel_loop3A_234], %parallel_loop3A_230 {strides = array<i32>} : memref<72x768xf32, #tpu.memory_space<vmem>>, vector<16xf32>,
      %parallel_loop3A_236 = arith.index_cast %parallel_loop3A_161 : i32 to index
      %parallel_loop3A_237 = arith.constant 144 : index
      %parallel_loop3A_238 = tpu.vector_load %arg4[%parallel_loop3A_236, %parallel_loop3A_237] {strides = array<i32>} : memref<144x384xf32, #tpu.memory_space<vmem>>, vector<16xf32>,
      %parallel_loop3A_239 = arith.constant 9 : i32
      %parallel_loop3A_240 = arith.addi %parallel_loop3A_163, %parallel_loop3A_239 : i32
      %parallel_loop3A_241 = arith.index_cast %parallel_loop3A_240 : i32 to index
      %parallel_loop3A_242 = arith.index_cast %parallel_loop3A_156 : i32 to index
      %parallel_loop3A_243 = tpu.vector_load %arg5[%parallel_loop3A_241, %parallel_loop3A_242] {strides = array<i32>} : memref<72x768xf32, #tpu.memory_space<vmem>>, vector<16xf32>,
      tpu.vector_store %arg5[%parallel_loop3A_241, %parallel_loop3A_242], %parallel_loop3A_238 {strides = array<i32>} : memref<72x768xf32, #tpu.memory_space<vmem>>, vector<16xf32>,
      %parallel_loop3A_244 = arith.index_cast %parallel_loop3A_161 : i32 to index
      %parallel_loop3A_245 = arith.constant 160 : index
      %parallel_loop3A_246 = tpu.vector_load %arg4[%parallel_loop3A_244, %parallel_loop3A_245] {strides = array<i32>} : memref<144x384xf32, #tpu.memory_space<vmem>>, vector<16xf32>,
      %parallel_loop3A_247 = arith.constant 10 : i32
      %parallel_loop3A_248 = arith.addi %parallel_loop3A_163, %parallel_loop3A_247 : i32
      %parallel_loop3A_249 = arith.index_cast %parallel_loop3A_248 : i32 to index
      %parallel_loop3A_250 = arith.index_cast %parallel_loop3A_156 : i32 to index
      %parallel_loop3A_251 = tpu.vector_load %arg5[%parallel_loop3A_249, %parallel_loop3A_250] {strides = array<i32>} : memref<72x768xf32, #tpu.memory_space<vmem>>, vector<16xf32>,
      tpu.vector_store %arg5[%parallel_loop3A_249, %parallel_loop3A_250], %parallel_loop3A_246 {strides = array<i32>} : memref<72x768xf32, #tpu.memory_space<vmem>>, vector<16xf32>,
      %parallel_loop3A_252 = arith.index_cast %parallel_loop3A_161 : i32 to index
      %parallel_loop3A_253 = arith.constant 176 : index
      %parallel_loop3A_254 = tpu.vector_load %arg4[%parallel_loop3A_252, %parallel_loop3A_253] {strides = array<i32>} : memref<144x384xf32, #tpu.memory_space<vmem>>, vector<16xf32>,
      %parallel_loop3A_255 = arith.constant 11 : i32
      %parallel_loop3A_256 = arith.addi %parallel_loop3A_163, %parallel_loop3A_255 : i32
      %parallel_loop3A_257 = arith.index_cast %parallel_loop3A_256 : i32 to index
      %parallel_loop3A_258 = arith.index_cast %parallel_loop3A_156 : i32 to index
      %parallel_loop3A_259 = tpu.vector_load %arg5[%parallel_loop3A_257, %parallel_loop3A_258] {strides = array<i32>} : memref<72x768xf32, #tpu.memory_space<vmem>>, vector<16xf32>,
      tpu.vector_store %arg5[%parallel_loop3A_257, %parallel_loop3A_258], %parallel_loop3A_254 {strides = array<i32>} : memref<72x768xf32, #tpu.memory_space<vmem>>, vector<16xf32>,
      %parallel_loop3A_260 = arith.index_cast %parallel_loop3A_161 : i32 to index
      %parallel_loop3A_261 = arith.constant 192 : index
      %parallel_loop3A_262 = tpu.vector_load %arg4[%parallel_loop3A_260, %parallel_loop3A_261] {strides = array<i32>} : memref<144x384xf32, #tpu.memory_space<vmem>>, vector<16xf32>,
      %parallel_loop3A_263 = arith.constant 12 : i32
      %parallel_loop3A_264 = arith.addi %parallel_loop3A_163, %parallel_loop3A_263 : i32
      %parallel_loop3A_265 = arith.index_cast %parallel_loop3A_264 : i32 to index
      %parallel_loop3A_266 = arith.index_cast %parallel_loop3A_156 : i32 to index
      %parallel_loop3A_267 = tpu.vector_load %arg5[%parallel_loop3A_265, %parallel_loop3A_266] {strides = array<i32>} : memref<72x768xf32, #tpu.memory_space<vmem>>, vector<16xf32>,
      tpu.vector_store %arg5[%parallel_loop3A_265, %parallel_loop3A_266], %parallel_loop3A_262 {strides = array<i32>} : memref<72x768xf32, #tpu.memory_space<vmem>>, vector<16xf32>,
      %parallel_loop3A_268 = arith.index_cast %parallel_loop3A_161 : i32 to index
      %parallel_loop3A_269 = arith.constant 208 : index
      %parallel_loop3A_270 = tpu.vector_load %arg4[%parallel_loop3A_268, %parallel_loop3A_269] {strides = array<i32>} : memref<144x384xf32, #tpu.memory_space<vmem>>, vector<16xf32>,
      %parallel_loop3A_271 = arith.constant 13 : i32
      %parallel_loop3A_272 = arith.addi %parallel_loop3A_163, %parallel_loop3A_271 : i32
      %parallel_loop3A_273 = arith.index_cast %parallel_loop3A_272 : i32 to index
      %parallel_loop3A_274 = arith.index_cast %parallel_loop3A_156 : i32 to index
      %parallel_loop3A_275 = tpu.vector_load %arg5[%parallel_loop3A_273, %parallel_loop3A_274] {strides = array<i32>} : memref<72x768xf32, #tpu.memory_space<vmem>>, vector<16xf32>,
      tpu.vector_store %arg5[%parallel_loop3A_273, %parallel_loop3A_274], %parallel_loop3A_270 {strides = array<i32>} : memref<72x768xf32, #tpu.memory_space<vmem>>, vector<16xf32>,
      %parallel_loop3A_276 = arith.index_cast %parallel_loop3A_161 : i32 to index
      %parallel_loop3A_277 = arith.constant 224 : index
      %parallel_loop3A_278 = tpu.vector_load %arg4[%parallel_loop3A_276, %parallel_loop3A_277] {strides = array<i32>} : memref<144x384xf32, #tpu.memory_space<vmem>>, vector<16xf32>,
      %parallel_loop3A_279 = arith.constant 14 : i32
      %parallel_loop3A_280 = arith.addi %parallel_loop3A_163, %parallel_loop3A_279 : i32
      %parallel_loop3A_281 = arith.index_cast %parallel_loop3A_280 : i32 to index
      %parallel_loop3A_282 = arith.index_cast %parallel_loop3A_156 : i32 to index
      %parallel_loop3A_283 = tpu.vector_load %arg5[%parallel_loop3A_281, %parallel_loop3A_282] {strides = array<i32>} : memref<72x768xf32, #tpu.memory_space<vmem>>, vector<16xf32>,
      tpu.vector_store %arg5[%parallel_loop3A_281, %parallel_loop3A_282], %parallel_loop3A_278 {strides = array<i32>} : memref<72x768xf32, #tpu.memory_space<vmem>>, vector<16xf32>,
      %parallel_loop3A_284 = arith.index_cast %parallel_loop3A_161 : i32 to index
      %parallel_loop3A_285 = arith.constant 240 : index
      %parallel_loop3A_286 = tpu.vector_load %arg4[%parallel_loop3A_284, %parallel_loop3A_285] {strides = array<i32>} : memref<144x384xf32, #tpu.memory_space<vmem>>, vector<16xf32>,
      %parallel_loop3A_287 = arith.constant 15 : i32
      %parallel_loop3A_288 = arith.addi %parallel_loop3A_163, %parallel_loop3A_287 : i32
      %parallel_loop3A_289 = arith.index_cast %parallel_loop3A_288 : i32 to index
      %parallel_loop3A_290 = arith.index_cast %parallel_loop3A_156 : i32 to index
      %parallel_loop3A_291 = tpu.vector_load %arg5[%parallel_loop3A_289, %parallel_loop3A_290] {strides = array<i32>} : memref<72x768xf32, #tpu.memory_space<vmem>>, vector<16xf32>,
      tpu.vector_store %arg5[%parallel_loop3A_289, %parallel_loop3A_290], %parallel_loop3A_286 {strides = array<i32>} : memref<72x768xf32, #tpu.memory_space<vmem>>, vector<16xf32>,
      %parallel_loop3A_292 = arith.index_cast %parallel_loop3A_161 : i32 to index
      %parallel_loop3A_293 = arith.constant 256 : index
      %parallel_loop3A_294 = tpu.vector_load %arg4[%parallel_loop3A_292, %parallel_loop3A_293] {strides = array<i32>} : memref<144x384xf32, #tpu.memory_space<vmem>>, vector<16xf32>,
      %parallel_loop3A_295 = arith.constant 16 : i32
      %parallel_loop3A_296 = arith.addi %parallel_loop3A_163, %parallel_loop3A_295 : i32
      %parallel_loop3A_297 = arith.index_cast %parallel_loop3A_296 : i32 to index
      %parallel_loop3A_298 = arith.index_cast %parallel_loop3A_156 : i32 to index
      %parallel_loop3A_299 = tpu.vector_load %arg5[%parallel_loop3A_297, %parallel_loop3A_298] {strides = array<i32>} : memref<72x768xf32, #tpu.memory_space<vmem>>, vector<16xf32>,
      tpu.vector_store %arg5[%parallel_loop3A_297, %parallel_loop3A_298], %parallel_loop3A_294 {strides = array<i32>} : memref<72x768xf32, #tpu.memory_space<vmem>>, vector<16xf32>,
      %parallel_loop3A_300 = arith.index_cast %parallel_loop3A_161 : i32 to index
      %parallel_loop3A_301 = arith.constant 272 : index
      %parallel_loop3A_302 = tpu.vector_load %arg4[%parallel_loop3A_300, %parallel_loop3A_301] {strides = array<i32>} : memref<144x384xf32, #tpu.memory_space<vmem>>, vector<16xf32>,
      %parallel_loop3A_303 = arith.constant 17 : i32
      %parallel_loop3A_304 = arith.addi %parallel_loop3A_163, %parallel_loop3A_303 : i32
      %parallel_loop3A_305 = arith.index_cast %parallel_loop3A_304 : i32 to index
      %parallel_loop3A_306 = arith.index_cast %parallel_loop3A_156 : i32 to index
      %parallel_loop3A_307 = tpu.vector_load %arg5[%parallel_loop3A_305, %parallel_loop3A_306] {strides = array<i32>} : memref<72x768xf32, #tpu.memory_space<vmem>>, vector<16xf32>,
      tpu.vector_store %arg5[%parallel_loop3A_305, %parallel_loop3A_306], %parallel_loop3A_302 {strides = array<i32>} : memref<72x768xf32, #tpu.memory_space<vmem>>, vector<16xf32>,
      %parallel_loop3A_308 = arith.index_cast %parallel_loop3A_161 : i32 to index
      %parallel_loop3A_309 = arith.constant 288 : index
      %parallel_loop3A_310 = tpu.vector_load %arg4[%parallel_loop3A_308, %parallel_loop3A_309] {strides = array<i32>} : memref<144x384xf32, #tpu.memory_space<vmem>>, vector<16xf32>,
      %parallel_loop3A_311 = arith.constant 18 : i32
      %parallel_loop3A_312 = arith.addi %parallel_loop3A_163, %parallel_loop3A_311 : i32
      %parallel_loop3A_313 = arith.index_cast %parallel_loop3A_312 : i32 to index
      %parallel_loop3A_314 = arith.index_cast %parallel_loop3A_156 : i32 to index
      %parallel_loop3A_315 = tpu.vector_load %arg5[%parallel_loop3A_313, %parallel_loop3A_314] {strides = array<i32>} : memref<72x768xf32, #tpu.memory_space<vmem>>, vector<16xf32>,
      tpu.vector_store %arg5[%parallel_loop3A_313, %parallel_loop3A_314], %parallel_loop3A_310 {strides = array<i32>} : memref<72x768xf32, #tpu.memory_space<vmem>>, vector<16xf32>,
      %parallel_loop3A_316 = arith.index_cast %parallel_loop3A_161 : i32 to index
      %parallel_loop3A_317 = arith.constant 304 : index
      %parallel_loop3A_318 = tpu.vector_load %arg4[%parallel_loop3A_316, %parallel_loop3A_317] {strides = array<i32>} : memref<144x384xf32, #tpu.memory_space<vmem>>, vector<16xf32>,
      %parallel_loop3A_319 = arith.constant 19 : i32
      %parallel_loop3A_320 = arith.addi %parallel_loop3A_163, %parallel_loop3A_319 : i32
      %parallel_loop3A_321 = arith.index_cast %parallel_loop3A_320 : i32 to index
      %parallel_loop3A_322 = arith.index_cast %parallel_loop3A_156 : i32 to index
      %parallel_loop3A_323 = tpu.vector_load %arg5[%parallel_loop3A_321, %parallel_loop3A_322] {strides = array<i32>} : memref<72x768xf32, #tpu.memory_space<vmem>>, vector<16xf32>,
      tpu.vector_store %arg5[%parallel_loop3A_321, %parallel_loop3A_322], %parallel_loop3A_318 {strides = array<i32>} : memref<72x768xf32, #tpu.memory_space<vmem>>, vector<16xf32>,
      %parallel_loop3A_324 = arith.index_cast %parallel_loop3A_161 : i32 to index
      %parallel_loop3A_325 = arith.constant 320 : index
      %parallel_loop3A_326 = tpu.vector_load %arg4[%parallel_loop3A_324, %parallel_loop3A_325] {strides = array<i32>} : memref<144x384xf32, #tpu.memory_space<vmem>>, vector<16xf32>,
      %parallel_loop3A_327 = arith.constant 20 : i32
      %parallel_loop3A_328 = arith.addi %parallel_loop3A_163, %parallel_loop3A_327 : i32
      %parallel_loop3A_329 = arith.index_cast %parallel_loop3A_328 : i32 to index
      %parallel_loop3A_330 = arith.index_cast %parallel_loop3A_156 : i32 to index
      %parallel_loop3A_331 = tpu.vector_load %arg5[%parallel_loop3A_329, %parallel_loop3A_330] {strides = array<i32>} : memref<72x768xf32, #tpu.memory_space<vmem>>, vector<16xf32>,
      tpu.vector_store %arg5[%parallel_loop3A_329, %parallel_loop3A_330], %parallel_loop3A_326 {strides = array<i32>} : memref<72x768xf32, #tpu.memory_space<vmem>>, vector<16xf32>,
      %parallel_loop3A_332 = arith.index_cast %parallel_loop3A_161 : i32 to index
      %parallel_loop3A_333 = arith.constant 336 : index
      %parallel_loop3A_334 = tpu.vector_load %arg4[%parallel_loop3A_332, %parallel_loop3A_333] {strides = array<i32>} : memref<144x384xf32, #tpu.memory_space<vmem>>, vector<16xf32>,
      %parallel_loop3A_335 = arith.constant 21 : i32
      %parallel_loop3A_336 = arith.addi %parallel_loop3A_163, %parallel_loop3A_335 : i32
      %parallel_loop3A_337 = arith.index_cast %parallel_loop3A_336 : i32 to index
      %parallel_loop3A_338 = arith.index_cast %parallel_loop3A_156 : i32 to index
      %parallel_loop3A_339 = tpu.vector_load %arg5[%parallel_loop3A_337, %parallel_loop3A_338] {strides = array<i32>} : memref<72x768xf32, #tpu.memory_space<vmem>>, vector<16xf32>,
      tpu.vector_store %arg5[%parallel_loop3A_337, %parallel_loop3A_338], %parallel_loop3A_334 {strides = array<i32>} : memref<72x768xf32, #tpu.memory_space<vmem>>, vector<16xf32>,
      %parallel_loop3A_340 = arith.index_cast %parallel_loop3A_161 : i32 to index
      %parallel_loop3A_341 = arith.constant 352 : index
      %parallel_loop3A_342 = tpu.vector_load %arg4[%parallel_loop3A_340, %parallel_loop3A_341] {strides = array<i32>} : memref<144x384xf32, #tpu.memory_space<vmem>>, vector<16xf32>,
      %parallel_loop3A_343 = arith.constant 22 : i32
      %parallel_loop3A_344 = arith.addi %parallel_loop3A_163, %parallel_loop3A_343 : i32
      %parallel_loop3A_345 = arith.index_cast %parallel_loop3A_344 : i32 to index
      %parallel_loop3A_346 = arith.index_cast %parallel_loop3A_156 : i32 to index
      %parallel_loop3A_347 = tpu.vector_load %arg5[%parallel_loop3A_345, %parallel_loop3A_346] {strides = array<i32>} : memref<72x768xf32, #tpu.memory_space<vmem>>, vector<16xf32>,
      tpu.vector_store %arg5[%parallel_loop3A_345, %parallel_loop3A_346], %parallel_loop3A_342 {strides = array<i32>} : memref<72x768xf32, #tpu.memory_space<vmem>>, vector<16xf32>,
      %parallel_loop3A_348 = arith.index_cast %parallel_loop3A_161 : i32 to index
      %parallel_loop3A_349 = arith.constant 368 : index
      %parallel_loop3A_350 = tpu.vector_load %arg4[%parallel_loop3A_348, %parallel_loop3A_349] {strides = array<i32>} : memref<144x384xf32, #tpu.memory_space<vmem>>, vector<16xf32>,
      %parallel_loop3A_351 = arith.constant 23 : i32
      %parallel_loop3A_352 = arith.addi %parallel_loop3A_163, %parallel_loop3A_351 : i32
      %parallel_loop3A_353 = arith.index_cast %parallel_loop3A_352 : i32 to index
      %parallel_loop3A_354 = arith.index_cast %parallel_loop3A_156 : i32 to index
      %parallel_loop3A_355 = tpu.vector_load %arg5[%parallel_loop3A_353, %parallel_loop3A_354] {strides = array<i32>} : memref<72x768xf32, #tpu.memory_space<vmem>>, vector<16xf32>,
      tpu.vector_store %arg5[%parallel_loop3A_353, %parallel_loop3A_354], %parallel_loop3A_350 {strides = array<i32>} : memref<72x768xf32, #tpu.memory_space<vmem>>, vector<16xf32>,
    } {sc.loop_unroll_factor = 2 : i64, sc.parallel_access}
    %parallel_loop3A_64 = arith.constant 0 : i32
    %parallel_loop3A_65 = arith.constant 48 : i32
    %parallel_loop3A_66 = arith.constant 1 : i32
    scf.for %parallel_loop3A_112 = %parallel_loop3A_64 to %parallel_loop3A_65 step %parallel_loop3A_66  : i32 {
      %parallel_loop3A_113 = arith.constant 3 : i32
      %parallel_loop3A_114 = arith.divsi %parallel_loop3A_112, %parallel_loop3A_113 : i32
      %parallel_loop3A_115 = arith.constant 0 : i32
      %parallel_loop3A_116 = arith.cmpi sgt, %parallel_loop3A_112, %parallel_loop3A_115 : i32
      %parallel_loop3A_117 = arith.extui %parallel_loop3A_116 : i1 to i32
      %parallel_loop3A_118 = arith.constant 0 : i32
      %parallel_loop3A_119 = arith.cmpi slt, %parallel_loop3A_112, %parallel_loop3A_118 : i32
      %parallel_loop3A_120 = arith.extui %parallel_loop3A_119 : i1 to i32
      %parallel_loop3A_121 = arith.subi %parallel_loop3A_117, %parallel_loop3A_120 : i32
      %parallel_loop3A_122 = arith.constant 0 : i32
      %parallel_loop3A_123 = arith.cmpi sgt, %parallel_loop3A_113, %parallel_loop3A_122 : i32
      %parallel_loop3A_124 = arith.extui %parallel_loop3A_123 : i1 to i32
      %parallel_loop3A_125 = arith.constant 0 : i32
      %parallel_loop3A_126 = arith.cmpi slt, %parallel_loop3A_113, %parallel_loop3A_125 : i32
      %parallel_loop3A_127 = arith.extui %parallel_loop3A_126 : i1 to i32
      %parallel_loop3A_128 = arith.subi %parallel_loop3A_124, %parallel_loop3A_127 : i32
      %parallel_loop3A_129 = arith.cmpi ne, %parallel_loop3A_121, %parallel_loop3A_128 : i32
      %parallel_loop3A_130 = arith.remsi %parallel_loop3A_112, %parallel_loop3A_113 : i32
      %parallel_loop3A_131 = arith.constant 0 : i32
      %parallel_loop3A_132 = arith.cmpi ne, %parallel_loop3A_130, %parallel_loop3A_131 : i32
      %parallel_loop3A_133 = arith.andi %parallel_loop3A_129, %parallel_loop3A_132 : i1
      %parallel_loop3A_134 = arith.constant 1 : i32
      %parallel_loop3A_135 = arith.subi %parallel_loop3A_114, %parallel_loop3A_134 : i32
      %parallel_loop3A_136 = arith.select %parallel_loop3A_133, %parallel_loop3A_135, %parallel_loop3A_114 : i32
      %parallel_loop3A_137 = arith.constant 3 : i32
      %parallel_loop3A_138 = arith.constant 0 : i32
      %parallel_loop3A_139 = arith.cmpi eq, %parallel_loop3A_137, %parallel_loop3A_138 : i32
      %parallel_loop3A_140 = arith.constant 1 : i32
      %parallel_loop3A_141 = arith.select %parallel_loop3A_139, %parallel_loop3A_140, %parallel_loop3A_137 : i32
      %parallel_loop3A_142 = arith.remsi %parallel_loop3A_112, %parallel_loop3A_141 : i32
      %parallel_loop3A_143 = arith.constant 0 : i32
      %parallel_loop3A_144 = arith.cmpi ne, %parallel_loop3A_142, %parallel_loop3A_143 : i32
      %parallel_loop3A_145 = arith.constant 0 : i32
      %parallel_loop3A_146 = arith.cmpi slt, %parallel_loop3A_142, %parallel_loop3A_145 : i32
      %parallel_loop3A_147 = arith.constant 0 : i32
      %parallel_loop3A_148 = arith.cmpi slt, %parallel_loop3A_141, %parallel_loop3A_147 : i32
      %parallel_loop3A_149 = arith.xori %parallel_loop3A_146, %parallel_loop3A_148 : i1
      %parallel_loop3A_150 = arith.andi %parallel_loop3A_149, %parallel_loop3A_144 : i1
      %parallel_loop3A_151 = arith.addi %parallel_loop3A_142, %parallel_loop3A_141 : i32
      %parallel_loop3A_152 = arith.select %parallel_loop3A_150, %parallel_loop3A_151, %parallel_loop3A_142 : i32
      %parallel_loop3A_153 = arith.constant 16 : i32
      %parallel_loop3A_154 = arith.addi %parallel_loop3A_153, %parallel_loop3A_136 : i32
      %parallel_loop3A_155 = arith.constant 16 : i32
      %parallel_loop3A_156 = arith.muli %parallel_loop3A_154, %parallel_loop3A_155 : i32
      %parallel_loop3A_157 = arith.constant 16 : i32
      %parallel_loop3A_158 = arith.muli %parallel_loop3A_152, %parallel_loop3A_157 : i32
      %parallel_loop3A_159 = arith.constant 48 : i32
      %parallel_loop3A_160 = arith.addi %parallel_loop3A_159, %parallel_loop3A_158 : i32
      %parallel_loop3A_161 = arith.addi %parallel_loop3A_160, %parallel_loop3A_136 : i32
      %parallel_loop3A_162 = arith.constant 24 : i32
      %parallel_loop3A_163 = arith.muli %parallel_loop3A_152, %parallel_loop3A_162 : i32
      %parallel_loop3A_164 = arith.index_cast %parallel_loop3A_161 : i32 to index
      %parallel_loop3A_165 = arith.constant 0 : index
      %parallel_loop3A_166 = tpu.vector_load %arg4[%parallel_loop3A_164, %parallel_loop3A_165] {strides = array<i32>} : memref<144x384xf32, #tpu.memory_space<vmem>>, vector<16xf32>,
      %parallel_loop3A_167 = arith.constant 0 : i32
      %parallel_loop3A_168 = arith.addi %parallel_loop3A_163, %parallel_loop3A_167 : i32
      %parallel_loop3A_169 = arith.index_cast %parallel_loop3A_168 : i32 to index
      %parallel_loop3A_170 = arith.index_cast %parallel_loop3A_156 : i32 to index
      %parallel_loop3A_171 = tpu.vector_load %arg5[%parallel_loop3A_169, %parallel_loop3A_170] {strides = array<i32>} : memref<72x768xf32, #tpu.memory_space<vmem>>, vector<16xf32>,
      tpu.vector_store %arg5[%parallel_loop3A_169, %parallel_loop3A_170], %parallel_loop3A_166 {strides = array<i32>} : memref<72x768xf32, #tpu.memory_space<vmem>>, vector<16xf32>,
      %parallel_loop3A_172 = arith.index_cast %parallel_loop3A_161 : i32 to index
      %parallel_loop3A_173 = arith.constant 16 : index
      %parallel_loop3A_174 = tpu.vector_load %arg4[%parallel_loop3A_172, %parallel_loop3A_173] {strides = array<i32>} : memref<144x384xf32, #tpu.memory_space<vmem>>, vector<16xf32>,
      %parallel_loop3A_175 = arith.constant 1 : i32
      %parallel_loop3A_176 = arith.addi %parallel_loop3A_163, %parallel_loop3A_175 : i32
      %parallel_loop3A_177 = arith.index_cast %parallel_loop3A_176 : i32 to index
      %parallel_loop3A_178 = arith.index_cast %parallel_loop3A_156 : i32 to index
      %parallel_loop3A_179 = tpu.vector_load %arg5[%parallel_loop3A_177, %parallel_loop3A_178] {strides = array<i32>} : memref<72x768xf32, #tpu.memory_space<vmem>>, vector<16xf32>,
      tpu.vector_store %arg5[%parallel_loop3A_177, %parallel_loop3A_178], %parallel_loop3A_174 {strides = array<i32>} : memref<72x768xf32, #tpu.memory_space<vmem>>, vector<16xf32>,
      %parallel_loop3A_180 = arith.index_cast %parallel_loop3A_161 : i32 to index
      %parallel_loop3A_181 = arith.constant 32 : index
      %parallel_loop3A_182 = tpu.vector_load %arg4[%parallel_loop3A_180, %parallel_loop3A_181] {strides = array<i32>} : memref<144x384xf32, #tpu.memory_space<vmem>>, vector<16xf32>,
      %parallel_loop3A_183 = arith.constant 2 : i32
      %parallel_loop3A_184 = arith.addi %parallel_loop3A_163, %parallel_loop3A_183 : i32
      %parallel_loop3A_185 = arith.index_cast %parallel_loop3A_184 : i32 to index
      %parallel_loop3A_186 = arith.index_cast %parallel_loop3A_156 : i32 to index
      %parallel_loop3A_187 = tpu.vector_load %arg5[%parallel_loop3A_185, %parallel_loop3A_186] {strides = array<i32>} : memref<72x768xf32, #tpu.memory_space<vmem>>, vector<16xf32>,
      tpu.vector_store %arg5[%parallel_loop3A_185, %parallel_loop3A_186], %parallel_loop3A_182 {strides = array<i32>} : memref<72x768xf32, #tpu.memory_space<vmem>>, vector<16xf32>,
      %parallel_loop3A_188 = arith.index_cast %parallel_loop3A_161 : i32 to index
      %parallel_loop3A_189 = arith.constant 48 : index
      %parallel_loop3A_190 = tpu.vector_load %arg4[%parallel_loop3A_188, %parallel_loop3A_189] {strides = array<i32>} : memref<144x384xf32, #tpu.memory_space<vmem>>, vector<16xf32>,
      %parallel_loop3A_191 = arith.constant 3 : i32
      %parallel_loop3A_192 = arith.addi %parallel_loop3A_163, %parallel_loop3A_191 : i32
      %parallel_loop3A_193 = arith.index_cast %parallel_loop3A_192 : i32 to index
      %parallel_loop3A_194 = arith.index_cast %parallel_loop3A_156 : i32 to index
      %parallel_loop3A_195 = tpu.vector_load %arg5[%parallel_loop3A_193, %parallel_loop3A_194] {strides = array<i32>} : memref<72x768xf32, #tpu.memory_space<vmem>>, vector<16xf32>,
      tpu.vector_store %arg5[%parallel_loop3A_193, %parallel_loop3A_194], %parallel_loop3A_190 {strides = array<i32>} : memref<72x768xf32, #tpu.memory_space<vmem>>, vector<16xf32>,
      %parallel_loop3A_196 = arith.index_cast %parallel_loop3A_161 : i32 to index
      %parallel_loop3A_197 = arith.constant 64 : index
      %parallel_loop3A_198 = tpu.vector_load %arg4[%parallel_loop3A_196, %parallel_loop3A_197] {strides = array<i32>} : memref<144x384xf32, #tpu.memory_space<vmem>>, vector<16xf32>,
      %parallel_loop3A_199 = arith.constant 4 : i32
      %parallel_loop3A_200 = arith.addi %parallel_loop3A_163, %parallel_loop3A_199 : i32
      %parallel_loop3A_201 = arith.index_cast %parallel_loop3A_200 : i32 to index
      %parallel_loop3A_202 = arith.index_cast %parallel_loop3A_156 : i32 to index
      %parallel_loop3A_203 = tpu.vector_load %arg5[%parallel_loop3A_201, %parallel_loop3A_202] {strides = array<i32>} : memref<72x768xf32, #tpu.memory_space<vmem>>, vector<16xf32>,
      tpu.vector_store %arg5[%parallel_loop3A_201, %parallel_loop3A_202], %parallel_loop3A_198 {strides = array<i32>} : memref<72x768xf32, #tpu.memory_space<vmem>>, vector<16xf32>,
      %parallel_loop3A_204 = arith.index_cast %parallel_loop3A_161 : i32 to index
      %parallel_loop3A_205 = arith.constant 80 : index
      %parallel_loop3A_206 = tpu.vector_load %arg4[%parallel_loop3A_204, %parallel_loop3A_205] {strides = array<i32>} : memref<144x384xf32, #tpu.memory_space<vmem>>, vector<16xf32>,
      %parallel_loop3A_207 = arith.constant 5 : i32
      %parallel_loop3A_208 = arith.addi %parallel_loop3A_163, %parallel_loop3A_207 : i32
      %parallel_loop3A_209 = arith.index_cast %parallel_loop3A_208 : i32 to index
      %parallel_loop3A_210 = arith.index_cast %parallel_loop3A_156 : i32 to index
      %parallel_loop3A_211 = tpu.vector_load %arg5[%parallel_loop3A_209, %parallel_loop3A_210] {strides = array<i32>} : memref<72x768xf32, #tpu.memory_space<vmem>>, vector<16xf32>,
      tpu.vector_store %arg5[%parallel_loop3A_209, %parallel_loop3A_210], %parallel_loop3A_206 {strides = array<i32>} : memref<72x768xf32, #tpu.memory_space<vmem>>, vector<16xf32>,
      %parallel_loop3A_212 = arith.index_cast %parallel_loop3A_161 : i32 to index
      %parallel_loop3A_213 = arith.constant 96 : index
      %parallel_loop3A_214 = tpu.vector_load %arg4[%parallel_loop3A_212, %parallel_loop3A_213] {strides = array<i32>} : memref<144x384xf32, #tpu.memory_space<vmem>>, vector<16xf32>,
      %parallel_loop3A_215 = arith.constant 6 : i32
      %parallel_loop3A_216 = arith.addi %parallel_loop3A_163, %parallel_loop3A_215 : i32
      %parallel_loop3A_217 = arith.index_cast %parallel_loop3A_216 : i32 to index
      %parallel_loop3A_218 = arith.index_cast %parallel_loop3A_156 : i32 to index
      %parallel_loop3A_219 = tpu.vector_load %arg5[%parallel_loop3A_217, %parallel_loop3A_218] {strides = array<i32>} : memref<72x768xf32, #tpu.memory_space<vmem>>, vector<16xf32>,
      tpu.vector_store %arg5[%parallel_loop3A_217, %parallel_loop3A_218], %parallel_loop3A_214 {strides = array<i32>} : memref<72x768xf32, #tpu.memory_space<vmem>>, vector<16xf32>,
      %parallel_loop3A_220 = arith.index_cast %parallel_loop3A_161 : i32 to index
      %parallel_loop3A_221 = arith.constant 112 : index
      %parallel_loop3A_222 = tpu.vector_load %arg4[%parallel_loop3A_220, %parallel_loop3A_221] {strides = array<i32>} : memref<144x384xf32, #tpu.memory_space<vmem>>, vector<16xf32>,
      %parallel_loop3A_223 = arith.constant 7 : i32
      %parallel_loop3A_224 = arith.addi %parallel_loop3A_163, %parallel_loop3A_223 : i32
      %parallel_loop3A_225 = arith.index_cast %parallel_loop3A_224 : i32 to index
      %parallel_loop3A_226 = arith.index_cast %parallel_loop3A_156 : i32 to index
      %parallel_loop3A_227 = tpu.vector_load %arg5[%parallel_loop3A_225, %parallel_loop3A_226] {strides = array<i32>} : memref<72x768xf32, #tpu.memory_space<vmem>>, vector<16xf32>,
      tpu.vector_store %arg5[%parallel_loop3A_225, %parallel_loop3A_226], %parallel_loop3A_222 {strides = array<i32>} : memref<72x768xf32, #tpu.memory_space<vmem>>, vector<16xf32>,
      %parallel_loop3A_228 = arith.index_cast %parallel_loop3A_161 : i32 to index
      %parallel_loop3A_229 = arith.constant 128 : index
      %parallel_loop3A_230 = tpu.vector_load %arg4[%parallel_loop3A_228, %parallel_loop3A_229] {strides = array<i32>} : memref<144x384xf32, #tpu.memory_space<vmem>>, vector<16xf32>,
      %parallel_loop3A_231 = arith.constant 8 : i32
      %parallel_loop3A_232 = arith.addi %parallel_loop3A_163, %parallel_loop3A_231 : i32
      %parallel_loop3A_233 = arith.index_cast %parallel_loop3A_232 : i32 to index
      %parallel_loop3A_234 = arith.index_cast %parallel_loop3A_156 : i32 to index
      %parallel_loop3A_235 = tpu.vector_load %arg5[%parallel_loop3A_233, %parallel_loop3A_234] {strides = array<i32>} : memref<72x768xf32, #tpu.memory_space<vmem>>, vector<16xf32>,
      tpu.vector_store %arg5[%parallel_loop3A_233, %parallel_loop3A_234], %parallel_loop3A_230 {strides = array<i32>} : memref<72x768xf32, #tpu.memory_space<vmem>>, vector<16xf32>,
      %parallel_loop3A_236 = arith.index_cast %parallel_loop3A_161 : i32 to index
      %parallel_loop3A_237 = arith.constant 144 : index
      %parallel_loop3A_238 = tpu.vector_load %arg4[%parallel_loop3A_236, %parallel_loop3A_237] {strides = array<i32>} : memref<144x384xf32, #tpu.memory_space<vmem>>, vector<16xf32>,
      %parallel_loop3A_239 = arith.constant 9 : i32
      %parallel_loop3A_240 = arith.addi %parallel_loop3A_163, %parallel_loop3A_239 : i32
      %parallel_loop3A_241 = arith.index_cast %parallel_loop3A_240 : i32 to index
      %parallel_loop3A_242 = arith.index_cast %parallel_loop3A_156 : i32 to index
      %parallel_loop3A_243 = tpu.vector_load %arg5[%parallel_loop3A_241, %parallel_loop3A_242] {strides = array<i32>} : memref<72x768xf32, #tpu.memory_space<vmem>>, vector<16xf32>,
      tpu.vector_store %arg5[%parallel_loop3A_241, %parallel_loop3A_242], %parallel_loop3A_238 {strides = array<i32>} : memref<72x768xf32, #tpu.memory_space<vmem>>, vector<16xf32>,
      %parallel_loop3A_244 = arith.index_cast %parallel_loop3A_161 : i32 to index
      %parallel_loop3A_245 = arith.constant 160 : index
      %parallel_loop3A_246 = tpu.vector_load %arg4[%parallel_loop3A_244, %parallel_loop3A_245] {strides = array<i32>} : memref<144x384xf32, #tpu.memory_space<vmem>>, vector<16xf32>,
      %parallel_loop3A_247 = arith.constant 10 : i32
      %parallel_loop3A_248 = arith.addi %parallel_loop3A_163, %parallel_loop3A_247 : i32
      %parallel_loop3A_249 = arith.index_cast %parallel_loop3A_248 : i32 to index
      %parallel_loop3A_250 = arith.index_cast %parallel_loop3A_156 : i32 to index
      %parallel_loop3A_251 = tpu.vector_load %arg5[%parallel_loop3A_249, %parallel_loop3A_250] {strides = array<i32>} : memref<72x768xf32, #tpu.memory_space<vmem>>, vector<16xf32>,
      tpu.vector_store %arg5[%parallel_loop3A_249, %parallel_loop3A_250], %parallel_loop3A_246 {strides = array<i32>} : memref<72x768xf32, #tpu.memory_space<vmem>>, vector<16xf32>,
      %parallel_loop3A_252 = arith.index_cast %parallel_loop3A_161 : i32 to index
      %parallel_loop3A_253 = arith.constant 176 : index
      %parallel_loop3A_254 = tpu.vector_load %arg4[%parallel_loop3A_252, %parallel_loop3A_253] {strides = array<i32>} : memref<144x384xf32, #tpu.memory_space<vmem>>, vector<16xf32>,
      %parallel_loop3A_255 = arith.constant 11 : i32
      %parallel_loop3A_256 = arith.addi %parallel_loop3A_163, %parallel_loop3A_255 : i32
      %parallel_loop3A_257 = arith.index_cast %parallel_loop3A_256 : i32 to index
      %parallel_loop3A_258 = arith.index_cast %parallel_loop3A_156 : i32 to index
      %parallel_loop3A_259 = tpu.vector_load %arg5[%parallel_loop3A_257, %parallel_loop3A_258] {strides = array<i32>} : memref<72x768xf32, #tpu.memory_space<vmem>>, vector<16xf32>,
      tpu.vector_store %arg5[%parallel_loop3A_257, %parallel_loop3A_258], %parallel_loop3A_254 {strides = array<i32>} : memref<72x768xf32, #tpu.memory_space<vmem>>, vector<16xf32>,
      %parallel_loop3A_260 = arith.index_cast %parallel_loop3A_161 : i32 to index
      %parallel_loop3A_261 = arith.constant 192 : index
      %parallel_loop3A_262 = tpu.vector_load %arg4[%parallel_loop3A_260, %parallel_loop3A_261] {strides = array<i32>} : memref<144x384xf32, #tpu.memory_space<vmem>>, vector<16xf32>,
      %parallel_loop3A_263 = arith.constant 12 : i32
      %parallel_loop3A_264 = arith.addi %parallel_loop3A_163, %parallel_loop3A_263 : i32
      %parallel_loop3A_265 = arith.index_cast %parallel_loop3A_264 : i32 to index
      %parallel_loop3A_266 = arith.index_cast %parallel_loop3A_156 : i32 to index
      %parallel_loop3A_267 = tpu.vector_load %arg5[%parallel_loop3A_265, %parallel_loop3A_266] {strides = array<i32>} : memref<72x768xf32, #tpu.memory_space<vmem>>, vector<16xf32>,
      tpu.vector_store %arg5[%parallel_loop3A_265, %parallel_loop3A_266], %parallel_loop3A_262 {strides = array<i32>} : memref<72x768xf32, #tpu.memory_space<vmem>>, vector<16xf32>,
      %parallel_loop3A_268 = arith.index_cast %parallel_loop3A_161 : i32 to index
      %parallel_loop3A_269 = arith.constant 208 : index
      %parallel_loop3A_270 = tpu.vector_load %arg4[%parallel_loop3A_268, %parallel_loop3A_269] {strides = array<i32>} : memref<144x384xf32, #tpu.memory_space<vmem>>, vector<16xf32>,
      %parallel_loop3A_271 = arith.constant 13 : i32
      %parallel_loop3A_272 = arith.addi %parallel_loop3A_163, %parallel_loop3A_271 : i32
      %parallel_loop3A_273 = arith.index_cast %parallel_loop3A_272 : i32 to index
      %parallel_loop3A_274 = arith.index_cast %parallel_loop3A_156 : i32 to index
      %parallel_loop3A_275 = tpu.vector_load %arg5[%parallel_loop3A_273, %parallel_loop3A_274] {strides = array<i32>} : memref<72x768xf32, #tpu.memory_space<vmem>>, vector<16xf32>,
      tpu.vector_store %arg5[%parallel_loop3A_273, %parallel_loop3A_274], %parallel_loop3A_270 {strides = array<i32>} : memref<72x768xf32, #tpu.memory_space<vmem>>, vector<16xf32>,
      %parallel_loop3A_276 = arith.index_cast %parallel_loop3A_161 : i32 to index
      %parallel_loop3A_277 = arith.constant 224 : index
      %parallel_loop3A_278 = tpu.vector_load %arg4[%parallel_loop3A_276, %parallel_loop3A_277] {strides = array<i32>} : memref<144x384xf32, #tpu.memory_space<vmem>>, vector<16xf32>,
      %parallel_loop3A_279 = arith.constant 14 : i32
      %parallel_loop3A_280 = arith.addi %parallel_loop3A_163, %parallel_loop3A_279 : i32
      %parallel_loop3A_281 = arith.index_cast %parallel_loop3A_280 : i32 to index
      %parallel_loop3A_282 = arith.index_cast %parallel_loop3A_156 : i32 to index
      %parallel_loop3A_283 = tpu.vector_load %arg5[%parallel_loop3A_281, %parallel_loop3A_282] {strides = array<i32>} : memref<72x768xf32, #tpu.memory_space<vmem>>, vector<16xf32>,
      tpu.vector_store %arg5[%parallel_loop3A_281, %parallel_loop3A_282], %parallel_loop3A_278 {strides = array<i32>} : memref<72x768xf32, #tpu.memory_space<vmem>>, vector<16xf32>,
      %parallel_loop3A_284 = arith.index_cast %parallel_loop3A_161 : i32 to index
      %parallel_loop3A_285 = arith.constant 240 : index
      %parallel_loop3A_286 = tpu.vector_load %arg4[%parallel_loop3A_284, %parallel_loop3A_285] {strides = array<i32>} : memref<144x384xf32, #tpu.memory_space<vmem>>, vector<16xf32>,
      %parallel_loop3A_287 = arith.constant 15 : i32
      %parallel_loop3A_288 = arith.addi %parallel_loop3A_163, %parallel_loop3A_287 : i32
      %parallel_loop3A_289 = arith.index_cast %parallel_loop3A_288 : i32 to index
      %parallel_loop3A_290 = arith.index_cast %parallel_loop3A_156 : i32 to index
      %parallel_loop3A_291 = tpu.vector_load %arg5[%parallel_loop3A_289, %parallel_loop3A_290] {strides = array<i32>} : memref<72x768xf32, #tpu.memory_space<vmem>>, vector<16xf32>,
      tpu.vector_store %arg5[%parallel_loop3A_289, %parallel_loop3A_290], %parallel_loop3A_286 {strides = array<i32>} : memref<72x768xf32, #tpu.memory_space<vmem>>, vector<16xf32>,
      %parallel_loop3A_292 = arith.index_cast %parallel_loop3A_161 : i32 to index
      %parallel_loop3A_293 = arith.constant 256 : index
      %parallel_loop3A_294 = tpu.vector_load %arg4[%parallel_loop3A_292, %parallel_loop3A_293] {strides = array<i32>} : memref<144x384xf32, #tpu.memory_space<vmem>>, vector<16xf32>,
      %parallel_loop3A_295 = arith.constant 16 : i32
      %parallel_loop3A_296 = arith.addi %parallel_loop3A_163, %parallel_loop3A_295 : i32
      %parallel_loop3A_297 = arith.index_cast %parallel_loop3A_296 : i32 to index
      %parallel_loop3A_298 = arith.index_cast %parallel_loop3A_156 : i32 to index
      %parallel_loop3A_299 = tpu.vector_load %arg5[%parallel_loop3A_297, %parallel_loop3A_298] {strides = array<i32>} : memref<72x768xf32, #tpu.memory_space<vmem>>, vector<16xf32>,
      tpu.vector_store %arg5[%parallel_loop3A_297, %parallel_loop3A_298], %parallel_loop3A_294 {strides = array<i32>} : memref<72x768xf32, #tpu.memory_space<vmem>>, vector<16xf32>,
      %parallel_loop3A_300 = arith.index_cast %parallel_loop3A_161 : i32 to index
      %parallel_loop3A_301 = arith.constant 272 : index
      %parallel_loop3A_302 = tpu.vector_load %arg4[%parallel_loop3A_300, %parallel_loop3A_301] {strides = array<i32>} : memref<144x384xf32, #tpu.memory_space<vmem>>, vector<16xf32>,
      %parallel_loop3A_303 = arith.constant 17 : i32
      %parallel_loop3A_304 = arith.addi %parallel_loop3A_163, %parallel_loop3A_303 : i32
      %parallel_loop3A_305 = arith.index_cast %parallel_loop3A_304 : i32 to index
      %parallel_loop3A_306 = arith.index_cast %parallel_loop3A_156 : i32 to index
      %parallel_loop3A_307 = tpu.vector_load %arg5[%parallel_loop3A_305, %parallel_loop3A_306] {strides = array<i32>} : memref<72x768xf32, #tpu.memory_space<vmem>>, vector<16xf32>,
      tpu.vector_store %arg5[%parallel_loop3A_305, %parallel_loop3A_306], %parallel_loop3A_302 {strides = array<i32>} : memref<72x768xf32, #tpu.memory_space<vmem>>, vector<16xf32>,
      %parallel_loop3A_308 = arith.index_cast %parallel_loop3A_161 : i32 to index
      %parallel_loop3A_309 = arith.constant 288 : index
      %parallel_loop3A_310 = tpu.vector_load %arg4[%parallel_loop3A_308, %parallel_loop3A_309] {strides = array<i32>} : memref<144x384xf32, #tpu.memory_space<vmem>>, vector<16xf32>,
      %parallel_loop3A_311 = arith.constant 18 : i32
      %parallel_loop3A_312 = arith.addi %parallel_loop3A_163, %parallel_loop3A_311 : i32
      %parallel_loop3A_313 = arith.index_cast %parallel_loop3A_312 : i32 to index
      %parallel_loop3A_314 = arith.index_cast %parallel_loop3A_156 : i32 to index
      %parallel_loop3A_315 = tpu.vector_load %arg5[%parallel_loop3A_313, %parallel_loop3A_314] {strides = array<i32>} : memref<72x768xf32, #tpu.memory_space<vmem>>, vector<16xf32>,
      tpu.vector_store %arg5[%parallel_loop3A_313, %parallel_loop3A_314], %parallel_loop3A_310 {strides = array<i32>} : memref<72x768xf32, #tpu.memory_space<vmem>>, vector<16xf32>,
      %parallel_loop3A_316 = arith.index_cast %parallel_loop3A_161 : i32 to index
      %parallel_loop3A_317 = arith.constant 304 : index
      %parallel_loop3A_318 = tpu.vector_load %arg4[%parallel_loop3A_316, %parallel_loop3A_317] {strides = array<i32>} : memref<144x384xf32, #tpu.memory_space<vmem>>, vector<16xf32>,
      %parallel_loop3A_319 = arith.constant 19 : i32
      %parallel_loop3A_320 = arith.addi %parallel_loop3A_163, %parallel_loop3A_319 : i32
      %parallel_loop3A_321 = arith.index_cast %parallel_loop3A_320 : i32 to index
      %parallel_loop3A_322 = arith.index_cast %parallel_loop3A_156 : i32 to index
      %parallel_loop3A_323 = tpu.vector_load %arg5[%parallel_loop3A_321, %parallel_loop3A_322] {strides = array<i32>} : memref<72x768xf32, #tpu.memory_space<vmem>>, vector<16xf32>,
      tpu.vector_store %arg5[%parallel_loop3A_321, %parallel_loop3A_322], %parallel_loop3A_318 {strides = array<i32>} : memref<72x768xf32, #tpu.memory_space<vmem>>, vector<16xf32>,
      %parallel_loop3A_324 = arith.index_cast %parallel_loop3A_161 : i32 to index
      %parallel_loop3A_325 = arith.constant 320 : index
      %parallel_loop3A_326 = tpu.vector_load %arg4[%parallel_loop3A_324, %parallel_loop3A_325] {strides = array<i32>} : memref<144x384xf32, #tpu.memory_space<vmem>>, vector<16xf32>,
      %parallel_loop3A_327 = arith.constant 20 : i32
      %parallel_loop3A_328 = arith.addi %parallel_loop3A_163, %parallel_loop3A_327 : i32
      %parallel_loop3A_329 = arith.index_cast %parallel_loop3A_328 : i32 to index
      %parallel_loop3A_330 = arith.index_cast %parallel_loop3A_156 : i32 to index
      %parallel_loop3A_331 = tpu.vector_load %arg5[%parallel_loop3A_329, %parallel_loop3A_330] {strides = array<i32>} : memref<72x768xf32, #tpu.memory_space<vmem>>, vector<16xf32>,
      tpu.vector_store %arg5[%parallel_loop3A_329, %parallel_loop3A_330], %parallel_loop3A_326 {strides = array<i32>} : memref<72x768xf32, #tpu.memory_space<vmem>>, vector<16xf32>,
      %parallel_loop3A_332 = arith.index_cast %parallel_loop3A_161 : i32 to index
      %parallel_loop3A_333 = arith.constant 336 : index
      %parallel_loop3A_334 = tpu.vector_load %arg4[%parallel_loop3A_332, %parallel_loop3A_333] {strides = array<i32>} : memref<144x384xf32, #tpu.memory_space<vmem>>, vector<16xf32>,
      %parallel_loop3A_335 = arith.constant 21 : i32
      %parallel_loop3A_336 = arith.addi %parallel_loop3A_163, %parallel_loop3A_335 : i32
      %parallel_loop3A_337 = arith.index_cast %parallel_loop3A_336 : i32 to index
      %parallel_loop3A_338 = arith.index_cast %parallel_loop3A_156 : i32 to index
      %parallel_loop3A_339 = tpu.vector_load %arg5[%parallel_loop3A_337, %parallel_loop3A_338] {strides = array<i32>} : memref<72x768xf32, #tpu.memory_space<vmem>>, vector<16xf32>,
      tpu.vector_store %arg5[%parallel_loop3A_337, %parallel_loop3A_338], %parallel_loop3A_334 {strides = array<i32>} : memref<72x768xf32, #tpu.memory_space<vmem>>, vector<16xf32>,
      %parallel_loop3A_340 = arith.index_cast %parallel_loop3A_161 : i32 to index
      %parallel_loop3A_341 = arith.constant 352 : index
      %parallel_loop3A_342 = tpu.vector_load %arg4[%parallel_loop3A_340, %parallel_loop3A_341] {strides = array<i32>} : memref<144x384xf32, #tpu.memory_space<vmem>>, vector<16xf32>,
      %parallel_loop3A_343 = arith.constant 22 : i32
      %parallel_loop3A_344 = arith.addi %parallel_loop3A_163, %parallel_loop3A_343 : i32
      %parallel_loop3A_345 = arith.index_cast %parallel_loop3A_344 : i32 to index
      %parallel_loop3A_346 = arith.index_cast %parallel_loop3A_156 : i32 to index
      %parallel_loop3A_347 = tpu.vector_load %arg5[%parallel_loop3A_345, %parallel_loop3A_346] {strides = array<i32>} : memref<72x768xf32, #tpu.memory_space<vmem>>, vector<16xf32>,
      tpu.vector_store %arg5[%parallel_loop3A_345, %parallel_loop3A_346], %parallel_loop3A_342 {strides = array<i32>} : memref<72x768xf32, #tpu.memory_space<vmem>>, vector<16xf32>,
      %parallel_loop3A_348 = arith.index_cast %parallel_loop3A_161 : i32 to index
      %parallel_loop3A_349 = arith.constant 368 : index
      %parallel_loop3A_350 = tpu.vector_load %arg4[%parallel_loop3A_348, %parallel_loop3A_349] {strides = array<i32>} : memref<144x384xf32, #tpu.memory_space<vmem>>, vector<16xf32>,
      %parallel_loop3A_351 = arith.constant 23 : i32
      %parallel_loop3A_352 = arith.addi %parallel_loop3A_163, %parallel_loop3A_351 : i32
      %parallel_loop3A_353 = arith.index_cast %parallel_loop3A_352 : i32 to index
      %parallel_loop3A_354 = arith.index_cast %parallel_loop3A_156 : i32 to index
      %parallel_loop3A_355 = tpu.vector_load %arg5[%parallel_loop3A_353, %parallel_loop3A_354] {strides = array<i32>} : memref<72x768xf32, #tpu.memory_space<vmem>>, vector<16xf32>,
      tpu.vector_store %arg5[%parallel_loop3A_353, %parallel_loop3A_354], %parallel_loop3A_350 {strides = array<i32>} : memref<72x768xf32, #tpu.memory_space<vmem>>, vector<16xf32>,
    } {sc.loop_unroll_factor = 2 : i64, sc.parallel_access}
    %parallel_loop3A_67 = arith.constant 0 : i32
    %parallel_loop3A_68 = arith.constant 48 : i32
    %parallel_loop3A_69 = arith.constant 1 : i32
    scf.for %parallel_loop3A_112 = %parallel_loop3A_67 to %parallel_loop3A_68 step %parallel_loop3A_69  : i32 {
      %parallel_loop3A_113 = arith.constant 3 : i32
      %parallel_loop3A_114 = arith.divsi %parallel_loop3A_112, %parallel_loop3A_113 : i32
      %parallel_loop3A_115 = arith.constant 0 : i32
      %parallel_loop3A_116 = arith.cmpi sgt, %parallel_loop3A_112, %parallel_loop3A_115 : i32
      %parallel_loop3A_117 = arith.extui %parallel_loop3A_116 : i1 to i32
      %parallel_loop3A_118 = arith.constant 0 : i32
      %parallel_loop3A_119 = arith.cmpi slt, %parallel_loop3A_112, %parallel_loop3A_118 : i32
      %parallel_loop3A_120 = arith.extui %parallel_loop3A_119 : i1 to i32
      %parallel_loop3A_121 = arith.subi %parallel_loop3A_117, %parallel_loop3A_120 : i32
      %parallel_loop3A_122 = arith.constant 0 : i32
      %parallel_loop3A_123 = arith.cmpi sgt, %parallel_loop3A_113, %parallel_loop3A_122 : i32
      %parallel_loop3A_124 = arith.extui %parallel_loop3A_123 : i1 to i32
      %parallel_loop3A_125 = arith.constant 0 : i32
      %parallel_loop3A_126 = arith.cmpi slt, %parallel_loop3A_113, %parallel_loop3A_125 : i32
      %parallel_loop3A_127 = arith.extui %parallel_loop3A_126 : i1 to i32
      %parallel_loop3A_128 = arith.subi %parallel_loop3A_124, %parallel_loop3A_127 : i32
      %parallel_loop3A_129 = arith.cmpi ne, %parallel_loop3A_121, %parallel_loop3A_128 : i32
      %parallel_loop3A_130 = arith.remsi %parallel_loop3A_112, %parallel_loop3A_113 : i32
      %parallel_loop3A_131 = arith.constant 0 : i32
      %parallel_loop3A_132 = arith.cmpi ne, %parallel_loop3A_130, %parallel_loop3A_131 : i32
      %parallel_loop3A_133 = arith.andi %parallel_loop3A_129, %parallel_loop3A_132 : i1
      %parallel_loop3A_134 = arith.constant 1 : i32
      %parallel_loop3A_135 = arith.subi %parallel_loop3A_114, %parallel_loop3A_134 : i32
      %parallel_loop3A_136 = arith.select %parallel_loop3A_133, %parallel_loop3A_135, %parallel_loop3A_114 : i32
      %parallel_loop3A_137 = arith.constant 3 : i32
      %parallel_loop3A_138 = arith.constant 0 : i32
      %parallel_loop3A_139 = arith.cmpi eq, %parallel_loop3A_137, %parallel_loop3A_138 : i32
      %parallel_loop3A_140 = arith.constant 1 : i32
      %parallel_loop3A_141 = arith.select %parallel_loop3A_139, %parallel_loop3A_140, %parallel_loop3A_137 : i32
      %parallel_loop3A_142 = arith.remsi %parallel_loop3A_112, %parallel_loop3A_141 : i32
      %parallel_loop3A_143 = arith.constant 0 : i32
      %parallel_loop3A_144 = arith.cmpi ne, %parallel_loop3A_142, %parallel_loop3A_143 : i32
      %parallel_loop3A_145 = arith.constant 0 : i32
      %parallel_loop3A_146 = arith.cmpi slt, %parallel_loop3A_142, %parallel_loop3A_145 : i32
      %parallel_loop3A_147 = arith.constant 0 : i32
      %parallel_loop3A_148 = arith.cmpi slt, %parallel_loop3A_141, %parallel_loop3A_147 : i32
      %parallel_loop3A_149 = arith.xori %parallel_loop3A_146, %parallel_loop3A_148 : i1
      %parallel_loop3A_150 = arith.andi %parallel_loop3A_149, %parallel_loop3A_144 : i1
      %parallel_loop3A_151 = arith.addi %parallel_loop3A_142, %parallel_loop3A_141 : i32
      %parallel_loop3A_152 = arith.select %parallel_loop3A_150, %parallel_loop3A_151, %parallel_loop3A_142 : i32
      %parallel_loop3A_153 = arith.constant 32 : i32
      %parallel_loop3A_154 = arith.addi %parallel_loop3A_153, %parallel_loop3A_136 : i32
      %parallel_loop3A_155 = arith.constant 16 : i32
      %parallel_loop3A_156 = arith.muli %parallel_loop3A_154, %parallel_loop3A_155 : i32
      %parallel_loop3A_157 = arith.constant 16 : i32
      %parallel_loop3A_158 = arith.muli %parallel_loop3A_152, %parallel_loop3A_157 : i32
      %parallel_loop3A_159 = arith.constant 96 : i32
      %parallel_loop3A_160 = arith.addi %parallel_loop3A_159, %parallel_loop3A_158 : i32
      %parallel_loop3A_161 = arith.addi %parallel_loop3A_160, %parallel_loop3A_136 : i32
      %parallel_loop3A_162 = arith.constant 24 : i32
      %parallel_loop3A_163 = arith.muli %parallel_loop3A_152, %parallel_loop3A_162 : i32
      %parallel_loop3A_164 = arith.index_cast %parallel_loop3A_161 : i32 to index
      %parallel_loop3A_165 = arith.constant 0 : index
      %parallel_loop3A_166 = tpu.vector_load %arg4[%parallel_loop3A_164, %parallel_loop3A_165] {strides = array<i32>} : memref<144x384xf32, #tpu.memory_space<vmem>>, vector<16xf32>,
      %parallel_loop3A_167 = arith.constant 0 : i32
      %parallel_loop3A_168 = arith.addi %parallel_loop3A_163, %parallel_loop3A_167 : i32
      %parallel_loop3A_169 = arith.index_cast %parallel_loop3A_168 : i32 to index
      %parallel_loop3A_170 = arith.index_cast %parallel_loop3A_156 : i32 to index
      %parallel_loop3A_171 = tpu.vector_load %arg5[%parallel_loop3A_169, %parallel_loop3A_170] {strides = array<i32>} : memref<72x768xf32, #tpu.memory_space<vmem>>, vector<16xf32>,
      tpu.vector_store %arg5[%parallel_loop3A_169, %parallel_loop3A_170], %parallel_loop3A_166 {strides = array<i32>} : memref<72x768xf32, #tpu.memory_space<vmem>>, vector<16xf32>,
      %parallel_loop3A_172 = arith.index_cast %parallel_loop3A_161 : i32 to index
      %parallel_loop3A_173 = arith.constant 16 : index
      %parallel_loop3A_174 = tpu.vector_load %arg4[%parallel_loop3A_172, %parallel_loop3A_173] {strides = array<i32>} : memref<144x384xf32, #tpu.memory_space<vmem>>, vector<16xf32>,
      %parallel_loop3A_175 = arith.constant 1 : i32
      %parallel_loop3A_176 = arith.addi %parallel_loop3A_163, %parallel_loop3A_175 : i32
      %parallel_loop3A_177 = arith.index_cast %parallel_loop3A_176 : i32 to index
      %parallel_loop3A_178 = arith.index_cast %parallel_loop3A_156 : i32 to index
      %parallel_loop3A_179 = tpu.vector_load %arg5[%parallel_loop3A_177, %parallel_loop3A_178] {strides = array<i32>} : memref<72x768xf32, #tpu.memory_space<vmem>>, vector<16xf32>,
      tpu.vector_store %arg5[%parallel_loop3A_177, %parallel_loop3A_178], %parallel_loop3A_174 {strides = array<i32>} : memref<72x768xf32, #tpu.memory_space<vmem>>, vector<16xf32>,
      %parallel_loop3A_180 = arith.index_cast %parallel_loop3A_161 : i32 to index
      %parallel_loop3A_181 = arith.constant 32 : index
      %parallel_loop3A_182 = tpu.vector_load %arg4[%parallel_loop3A_180, %parallel_loop3A_181] {strides = array<i32>} : memref<144x384xf32, #tpu.memory_space<vmem>>, vector<16xf32>,
      %parallel_loop3A_183 = arith.constant 2 : i32
      %parallel_loop3A_184 = arith.addi %parallel_loop3A_163, %parallel_loop3A_183 : i32
      %parallel_loop3A_185 = arith.index_cast %parallel_loop3A_184 : i32 to index
      %parallel_loop3A_186 = arith.index_cast %parallel_loop3A_156 : i32 to index
      %parallel_loop3A_187 = tpu.vector_load %arg5[%parallel_loop3A_185, %parallel_loop3A_186] {strides = array<i32>} : memref<72x768xf32, #tpu.memory_space<vmem>>, vector<16xf32>,
      tpu.vector_store %arg5[%parallel_loop3A_185, %parallel_loop3A_186], %parallel_loop3A_182 {strides = array<i32>} : memref<72x768xf32, #tpu.memory_space<vmem>>, vector<16xf32>,
      %parallel_loop3A_188 = arith.index_cast %parallel_loop3A_161 : i32 to index
      %parallel_loop3A_189 = arith.constant 48 : index
      %parallel_loop3A_190 = tpu.vector_load %arg4[%parallel_loop3A_188, %parallel_loop3A_189] {strides = array<i32>} : memref<144x384xf32, #tpu.memory_space<vmem>>, vector<16xf32>,
      %parallel_loop3A_191 = arith.constant 3 : i32
      %parallel_loop3A_192 = arith.addi %parallel_loop3A_163, %parallel_loop3A_191 : i32
      %parallel_loop3A_193 = arith.index_cast %parallel_loop3A_192 : i32 to index
      %parallel_loop3A_194 = arith.index_cast %parallel_loop3A_156 : i32 to index
      %parallel_loop3A_195 = tpu.vector_load %arg5[%parallel_loop3A_193, %parallel_loop3A_194] {strides = array<i32>} : memref<72x768xf32, #tpu.memory_space<vmem>>, vector<16xf32>,
      tpu.vector_store %arg5[%parallel_loop3A_193, %parallel_loop3A_194], %parallel_loop3A_190 {strides = array<i32>} : memref<72x768xf32, #tpu.memory_space<vmem>>, vector<16xf32>,
      %parallel_loop3A_196 = arith.index_cast %parallel_loop3A_161 : i32 to index
      %parallel_loop3A_197 = arith.constant 64 : index
      %parallel_loop3A_198 = tpu.vector_load %arg4[%parallel_loop3A_196, %parallel_loop3A_197] {strides = array<i32>} : memref<144x384xf32, #tpu.memory_space<vmem>>, vector<16xf32>,
      %parallel_loop3A_199 = arith.constant 4 : i32
      %parallel_loop3A_200 = arith.addi %parallel_loop3A_163, %parallel_loop3A_199 : i32
      %parallel_loop3A_201 = arith.index_cast %parallel_loop3A_200 : i32 to index
      %parallel_loop3A_202 = arith.index_cast %parallel_loop3A_156 : i32 to index
      %parallel_loop3A_203 = tpu.vector_load %arg5[%parallel_loop3A_201, %parallel_loop3A_202] {strides = array<i32>} : memref<72x768xf32, #tpu.memory_space<vmem>>, vector<16xf32>,
      tpu.vector_store %arg5[%parallel_loop3A_201, %parallel_loop3A_202], %parallel_loop3A_198 {strides = array<i32>} : memref<72x768xf32, #tpu.memory_space<vmem>>, vector<16xf32>,
      %parallel_loop3A_204 = arith.index_cast %parallel_loop3A_161 : i32 to index
      %parallel_loop3A_205 = arith.constant 80 : index
      %parallel_loop3A_206 = tpu.vector_load %arg4[%parallel_loop3A_204, %parallel_loop3A_205] {strides = array<i32>} : memref<144x384xf32, #tpu.memory_space<vmem>>, vector<16xf32>,
      %parallel_loop3A_207 = arith.constant 5 : i32
      %parallel_loop3A_208 = arith.addi %parallel_loop3A_163, %parallel_loop3A_207 : i32
      %parallel_loop3A_209 = arith.index_cast %parallel_loop3A_208 : i32 to index
      %parallel_loop3A_210 = arith.index_cast %parallel_loop3A_156 : i32 to index
      %parallel_loop3A_211 = tpu.vector_load %arg5[%parallel_loop3A_209, %parallel_loop3A_210] {strides = array<i32>} : memref<72x768xf32, #tpu.memory_space<vmem>>, vector<16xf32>,
      tpu.vector_store %arg5[%parallel_loop3A_209, %parallel_loop3A_210], %parallel_loop3A_206 {strides = array<i32>} : memref<72x768xf32, #tpu.memory_space<vmem>>, vector<16xf32>,
      %parallel_loop3A_212 = arith.index_cast %parallel_loop3A_161 : i32 to index
      %parallel_loop3A_213 = arith.constant 96 : index
      %parallel_loop3A_214 = tpu.vector_load %arg4[%parallel_loop3A_212, %parallel_loop3A_213] {strides = array<i32>} : memref<144x384xf32, #tpu.memory_space<vmem>>, vector<16xf32>,
      %parallel_loop3A_215 = arith.constant 6 : i32
      %parallel_loop3A_216 = arith.addi %parallel_loop3A_163, %parallel_loop3A_215 : i32
      %parallel_loop3A_217 = arith.index_cast %parallel_loop3A_216 : i32 to index
      %parallel_loop3A_218 = arith.index_cast %parallel_loop3A_156 : i32 to index
      %parallel_loop3A_219 = tpu.vector_load %arg5[%parallel_loop3A_217, %parallel_loop3A_218] {strides = array<i32>} : memref<72x768xf32, #tpu.memory_space<vmem>>, vector<16xf32>,
      tpu.vector_store %arg5[%parallel_loop3A_217, %parallel_loop3A_218], %parallel_loop3A_214 {strides = array<i32>} : memref<72x768xf32, #tpu.memory_space<vmem>>, vector<16xf32>,
      %parallel_loop3A_220 = arith.index_cast %parallel_loop3A_161 : i32 to index
      %parallel_loop3A_221 = arith.constant 112 : index
      %parallel_loop3A_222 = tpu.vector_load %arg4[%parallel_loop3A_220, %parallel_loop3A_221] {strides = array<i32>} : memref<144x384xf32, #tpu.memory_space<vmem>>, vector<16xf32>,
      %parallel_loop3A_223 = arith.constant 7 : i32
      %parallel_loop3A_224 = arith.addi %parallel_loop3A_163, %parallel_loop3A_223 : i32
      %parallel_loop3A_225 = arith.index_cast %parallel_loop3A_224 : i32 to index
      %parallel_loop3A_226 = arith.index_cast %parallel_loop3A_156 : i32 to index
      %parallel_loop3A_227 = tpu.vector_load %arg5[%parallel_loop3A_225, %parallel_loop3A_226] {strides = array<i32>} : memref<72x768xf32, #tpu.memory_space<vmem>>, vector<16xf32>,
      tpu.vector_store %arg5[%parallel_loop3A_225, %parallel_loop3A_226], %parallel_loop3A_222 {strides = array<i32>} : memref<72x768xf32, #tpu.memory_space<vmem>>, vector<16xf32>,
      %parallel_loop3A_228 = arith.index_cast %parallel_loop3A_161 : i32 to index
      %parallel_loop3A_229 = arith.constant 128 : index
      %parallel_loop3A_230 = tpu.vector_load %arg4[%parallel_loop3A_228, %parallel_loop3A_229] {strides = array<i32>} : memref<144x384xf32, #tpu.memory_space<vmem>>, vector<16xf32>,
      %parallel_loop3A_231 = arith.constant 8 : i32
      %parallel_loop3A_232 = arith.addi %parallel_loop3A_163, %parallel_loop3A_231 : i32
      %parallel_loop3A_233 = arith.index_cast %parallel_loop3A_232 : i32 to index
      %parallel_loop3A_234 = arith.index_cast %parallel_loop3A_156 : i32 to index
      %parallel_loop3A_235 = tpu.vector_load %arg5[%parallel_loop3A_233, %parallel_loop3A_234] {strides = array<i32>} : memref<72x768xf32, #tpu.memory_space<vmem>>, vector<16xf32>,
      tpu.vector_store %arg5[%parallel_loop3A_233, %parallel_loop3A_234], %parallel_loop3A_230 {strides = array<i32>} : memref<72x768xf32, #tpu.memory_space<vmem>>, vector<16xf32>,
      %parallel_loop3A_236 = arith.index_cast %parallel_loop3A_161 : i32 to index
      %parallel_loop3A_237 = arith.constant 144 : index
      %parallel_loop3A_238 = tpu.vector_load %arg4[%parallel_loop3A_236, %parallel_loop3A_237] {strides = array<i32>} : memref<144x384xf32, #tpu.memory_space<vmem>>, vector<16xf32>,
      %parallel_loop3A_239 = arith.constant 9 : i32
      %parallel_loop3A_240 = arith.addi %parallel_loop3A_163, %parallel_loop3A_239 : i32
      %parallel_loop3A_241 = arith.index_cast %parallel_loop3A_240 : i32 to index
      %parallel_loop3A_242 = arith.index_cast %parallel_loop3A_156 : i32 to index
      %parallel_loop3A_243 = tpu.vector_load %arg5[%parallel_loop3A_241, %parallel_loop3A_242] {strides = array<i32>} : memref<72x768xf32, #tpu.memory_space<vmem>>, vector<16xf32>,
      tpu.vector_store %arg5[%parallel_loop3A_241, %parallel_loop3A_242], %parallel_loop3A_238 {strides = array<i32>} : memref<72x768xf32, #tpu.memory_space<vmem>>, vector<16xf32>,
      %parallel_loop3A_244 = arith.index_cast %parallel_loop3A_161 : i32 to index
      %parallel_loop3A_245 = arith.constant 160 : index
      %parallel_loop3A_246 = tpu.vector_load %arg4[%parallel_loop3A_244, %parallel_loop3A_245] {strides = array<i32>} : memref<144x384xf32, #tpu.memory_space<vmem>>, vector<16xf32>,
      %parallel_loop3A_247 = arith.constant 10 : i32
      %parallel_loop3A_248 = arith.addi %parallel_loop3A_163, %parallel_loop3A_247 : i32
      %parallel_loop3A_249 = arith.index_cast %parallel_loop3A_248 : i32 to index
      %parallel_loop3A_250 = arith.index_cast %parallel_loop3A_156 : i32 to index
      %parallel_loop3A_251 = tpu.vector_load %arg5[%parallel_loop3A_249, %parallel_loop3A_250] {strides = array<i32>} : memref<72x768xf32, #tpu.memory_space<vmem>>, vector<16xf32>,
      tpu.vector_store %arg5[%parallel_loop3A_249, %parallel_loop3A_250], %parallel_loop3A_246 {strides = array<i32>} : memref<72x768xf32, #tpu.memory_space<vmem>>, vector<16xf32>,
      %parallel_loop3A_252 = arith.index_cast %parallel_loop3A_161 : i32 to index
      %parallel_loop3A_253 = arith.constant 176 : index
      %parallel_loop3A_254 = tpu.vector_load %arg4[%parallel_loop3A_252, %parallel_loop3A_253] {strides = array<i32>} : memref<144x384xf32, #tpu.memory_space<vmem>>, vector<16xf32>,
      %parallel_loop3A_255 = arith.constant 11 : i32
      %parallel_loop3A_256 = arith.addi %parallel_loop3A_163, %parallel_loop3A_255 : i32
      %parallel_loop3A_257 = arith.index_cast %parallel_loop3A_256 : i32 to index
      %parallel_loop3A_258 = arith.index_cast %parallel_loop3A_156 : i32 to index
      %parallel_loop3A_259 = tpu.vector_load %arg5[%parallel_loop3A_257, %parallel_loop3A_258] {strides = array<i32>} : memref<72x768xf32, #tpu.memory_space<vmem>>, vector<16xf32>,
      tpu.vector_store %arg5[%parallel_loop3A_257, %parallel_loop3A_258], %parallel_loop3A_254 {strides = array<i32>} : memref<72x768xf32, #tpu.memory_space<vmem>>, vector<16xf32>,
      %parallel_loop3A_260 = arith.index_cast %parallel_loop3A_161 : i32 to index
      %parallel_loop3A_261 = arith.constant 192 : index
      %parallel_loop3A_262 = tpu.vector_load %arg4[%parallel_loop3A_260, %parallel_loop3A_261] {strides = array<i32>} : memref<144x384xf32, #tpu.memory_space<vmem>>, vector<16xf32>,
      %parallel_loop3A_263 = arith.constant 12 : i32
      %parallel_loop3A_264 = arith.addi %parallel_loop3A_163, %parallel_loop3A_263 : i32
      %parallel_loop3A_265 = arith.index_cast %parallel_loop3A_264 : i32 to index
      %parallel_loop3A_266 = arith.index_cast %parallel_loop3A_156 : i32 to index
      %parallel_loop3A_267 = tpu.vector_load %arg5[%parallel_loop3A_265, %parallel_loop3A_266] {strides = array<i32>} : memref<72x768xf32, #tpu.memory_space<vmem>>, vector<16xf32>,
      tpu.vector_store %arg5[%parallel_loop3A_265, %parallel_loop3A_266], %parallel_loop3A_262 {strides = array<i32>} : memref<72x768xf32, #tpu.memory_space<vmem>>, vector<16xf32>,
      %parallel_loop3A_268 = arith.index_cast %parallel_loop3A_161 : i32 to index
      %parallel_loop3A_269 = arith.constant 208 : index
      %parallel_loop3A_270 = tpu.vector_load %arg4[%parallel_loop3A_268, %parallel_loop3A_269] {strides = array<i32>} : memref<144x384xf32, #tpu.memory_space<vmem>>, vector<16xf32>,
      %parallel_loop3A_271 = arith.constant 13 : i32
      %parallel_loop3A_272 = arith.addi %parallel_loop3A_163, %parallel_loop3A_271 : i32
      %parallel_loop3A_273 = arith.index_cast %parallel_loop3A_272 : i32 to index
      %parallel_loop3A_274 = arith.index_cast %parallel_loop3A_156 : i32 to index
      %parallel_loop3A_275 = tpu.vector_load %arg5[%parallel_loop3A_273, %parallel_loop3A_274] {strides = array<i32>} : memref<72x768xf32, #tpu.memory_space<vmem>>, vector<16xf32>,
      tpu.vector_store %arg5[%parallel_loop3A_273, %parallel_loop3A_274], %parallel_loop3A_270 {strides = array<i32>} : memref<72x768xf32, #tpu.memory_space<vmem>>, vector<16xf32>,
      %parallel_loop3A_276 = arith.index_cast %parallel_loop3A_161 : i32 to index
      %parallel_loop3A_277 = arith.constant 224 : index
      %parallel_loop3A_278 = tpu.vector_load %arg4[%parallel_loop3A_276, %parallel_loop3A_277] {strides = array<i32>} : memref<144x384xf32, #tpu.memory_space<vmem>>, vector<16xf32>,
      %parallel_loop3A_279 = arith.constant 14 : i32
      %parallel_loop3A_280 = arith.addi %parallel_loop3A_163, %parallel_loop3A_279 : i32
      %parallel_loop3A_281 = arith.index_cast %parallel_loop3A_280 : i32 to index
      %parallel_loop3A_282 = arith.index_cast %parallel_loop3A_156 : i32 to index
      %parallel_loop3A_283 = tpu.vector_load %arg5[%parallel_loop3A_281, %parallel_loop3A_282] {strides = array<i32>} : memref<72x768xf32, #tpu.memory_space<vmem>>, vector<16xf32>,
      tpu.vector_store %arg5[%parallel_loop3A_281, %parallel_loop3A_282], %parallel_loop3A_278 {strides = array<i32>} : memref<72x768xf32, #tpu.memory_space<vmem>>, vector<16xf32>,
      %parallel_loop3A_284 = arith.index_cast %parallel_loop3A_161 : i32 to index
      %parallel_loop3A_285 = arith.constant 240 : index
      %parallel_loop3A_286 = tpu.vector_load %arg4[%parallel_loop3A_284, %parallel_loop3A_285] {strides = array<i32>} : memref<144x384xf32, #tpu.memory_space<vmem>>, vector<16xf32>,
      %parallel_loop3A_287 = arith.constant 15 : i32
      %parallel_loop3A_288 = arith.addi %parallel_loop3A_163, %parallel_loop3A_287 : i32
      %parallel_loop3A_289 = arith.index_cast %parallel_loop3A_288 : i32 to index
      %parallel_loop3A_290 = arith.index_cast %parallel_loop3A_156 : i32 to index
      %parallel_loop3A_291 = tpu.vector_load %arg5[%parallel_loop3A_289, %parallel_loop3A_290] {strides = array<i32>} : memref<72x768xf32, #tpu.memory_space<vmem>>, vector<16xf32>,
      tpu.vector_store %arg5[%parallel_loop3A_289, %parallel_loop3A_290], %parallel_loop3A_286 {strides = array<i32>} : memref<72x768xf32, #tpu.memory_space<vmem>>, vector<16xf32>,
      %parallel_loop3A_292 = arith.index_cast %parallel_loop3A_161 : i32 to index
      %parallel_loop3A_293 = arith.constant 256 : index
      %parallel_loop3A_294 = tpu.vector_load %arg4[%parallel_loop3A_292, %parallel_loop3A_293] {strides = array<i32>} : memref<144x384xf32, #tpu.memory_space<vmem>>, vector<16xf32>,
      %parallel_loop3A_295 = arith.constant 16 : i32
      %parallel_loop3A_296 = arith.addi %parallel_loop3A_163, %parallel_loop3A_295 : i32
      %parallel_loop3A_297 = arith.index_cast %parallel_loop3A_296 : i32 to index
      %parallel_loop3A_298 = arith.index_cast %parallel_loop3A_156 : i32 to index
      %parallel_loop3A_299 = tpu.vector_load %arg5[%parallel_loop3A_297, %parallel_loop3A_298] {strides = array<i32>} : memref<72x768xf32, #tpu.memory_space<vmem>>, vector<16xf32>,
      tpu.vector_store %arg5[%parallel_loop3A_297, %parallel_loop3A_298], %parallel_loop3A_294 {strides = array<i32>} : memref<72x768xf32, #tpu.memory_space<vmem>>, vector<16xf32>,
      %parallel_loop3A_300 = arith.index_cast %parallel_loop3A_161 : i32 to index
      %parallel_loop3A_301 = arith.constant 272 : index
      %parallel_loop3A_302 = tpu.vector_load %arg4[%parallel_loop3A_300, %parallel_loop3A_301] {strides = array<i32>} : memref<144x384xf32, #tpu.memory_space<vmem>>, vector<16xf32>,
      %parallel_loop3A_303 = arith.constant 17 : i32
      %parallel_loop3A_304 = arith.addi %parallel_loop3A_163, %parallel_loop3A_303 : i32
      %parallel_loop3A_305 = arith.index_cast %parallel_loop3A_304 : i32 to index
      %parallel_loop3A_306 = arith.index_cast %parallel_loop3A_156 : i32 to index
      %parallel_loop3A_307 = tpu.vector_load %arg5[%parallel_loop3A_305, %parallel_loop3A_306] {strides = array<i32>} : memref<72x768xf32, #tpu.memory_space<vmem>>, vector<16xf32>,
      tpu.vector_store %arg5[%parallel_loop3A_305, %parallel_loop3A_306], %parallel_loop3A_302 {strides = array<i32>} : memref<72x768xf32, #tpu.memory_space<vmem>>, vector<16xf32>,
      %parallel_loop3A_308 = arith.index_cast %parallel_loop3A_161 : i32 to index
      %parallel_loop3A_309 = arith.constant 288 : index
      %parallel_loop3A_310 = tpu.vector_load %arg4[%parallel_loop3A_308, %parallel_loop3A_309] {strides = array<i32>} : memref<144x384xf32, #tpu.memory_space<vmem>>, vector<16xf32>,
      %parallel_loop3A_311 = arith.constant 18 : i32
      %parallel_loop3A_312 = arith.addi %parallel_loop3A_163, %parallel_loop3A_311 : i32
      %parallel_loop3A_313 = arith.index_cast %parallel_loop3A_312 : i32 to index
      %parallel_loop3A_314 = arith.index_cast %parallel_loop3A_156 : i32 to index
      %parallel_loop3A_315 = tpu.vector_load %arg5[%parallel_loop3A_313, %parallel_loop3A_314] {strides = array<i32>} : memref<72x768xf32, #tpu.memory_space<vmem>>, vector<16xf32>,
      tpu.vector_store %arg5[%parallel_loop3A_313, %parallel_loop3A_314], %parallel_loop3A_310 {strides = array<i32>} : memref<72x768xf32, #tpu.memory_space<vmem>>, vector<16xf32>,
      %parallel_loop3A_316 = arith.index_cast %parallel_loop3A_161 : i32 to index
      %parallel_loop3A_317 = arith.constant 304 : index
      %parallel_loop3A_318 = tpu.vector_load %arg4[%parallel_loop3A_316, %parallel_loop3A_317] {strides = array<i32>} : memref<144x384xf32, #tpu.memory_space<vmem>>, vector<16xf32>,
      %parallel_loop3A_319 = arith.constant 19 : i32
      %parallel_loop3A_320 = arith.addi %parallel_loop3A_163, %parallel_loop3A_319 : i32
      %parallel_loop3A_321 = arith.index_cast %parallel_loop3A_320 : i32 to index
      %parallel_loop3A_322 = arith.index_cast %parallel_loop3A_156 : i32 to index
      %parallel_loop3A_323 = tpu.vector_load %arg5[%parallel_loop3A_321, %parallel_loop3A_322] {strides = array<i32>} : memref<72x768xf32, #tpu.memory_space<vmem>>, vector<16xf32>,
      tpu.vector_store %arg5[%parallel_loop3A_321, %parallel_loop3A_322], %parallel_loop3A_318 {strides = array<i32>} : memref<72x768xf32, #tpu.memory_space<vmem>>, vector<16xf32>,
      %parallel_loop3A_324 = arith.index_cast %parallel_loop3A_161 : i32 to index
      %parallel_loop3A_325 = arith.constant 320 : index
      %parallel_loop3A_326 = tpu.vector_load %arg4[%parallel_loop3A_324, %parallel_loop3A_325] {strides = array<i32>} : memref<144x384xf32, #tpu.memory_space<vmem>>, vector<16xf32>,
      %parallel_loop3A_327 = arith.constant 20 : i32
      %parallel_loop3A_328 = arith.addi %parallel_loop3A_163, %parallel_loop3A_327 : i32
      %parallel_loop3A_329 = arith.index_cast %parallel_loop3A_328 : i32 to index
      %parallel_loop3A_330 = arith.index_cast %parallel_loop3A_156 : i32 to index
      %parallel_loop3A_331 = tpu.vector_load %arg5[%parallel_loop3A_329, %parallel_loop3A_330] {strides = array<i32>} : memref<72x768xf32, #tpu.memory_space<vmem>>, vector<16xf32>,
      tpu.vector_store %arg5[%parallel_loop3A_329, %parallel_loop3A_330], %parallel_loop3A_326 {strides = array<i32>} : memref<72x768xf32, #tpu.memory_space<vmem>>, vector<16xf32>,
      %parallel_loop3A_332 = arith.index_cast %parallel_loop3A_161 : i32 to index
      %parallel_loop3A_333 = arith.constant 336 : index
      %parallel_loop3A_334 = tpu.vector_load %arg4[%parallel_loop3A_332, %parallel_loop3A_333] {strides = array<i32>} : memref<144x384xf32, #tpu.memory_space<vmem>>, vector<16xf32>,
      %parallel_loop3A_335 = arith.constant 21 : i32
      %parallel_loop3A_336 = arith.addi %parallel_loop3A_163, %parallel_loop3A_335 : i32
      %parallel_loop3A_337 = arith.index_cast %parallel_loop3A_336 : i32 to index
      %parallel_loop3A_338 = arith.index_cast %parallel_loop3A_156 : i32 to index
      %parallel_loop3A_339 = tpu.vector_load %arg5[%parallel_loop3A_337, %parallel_loop3A_338] {strides = array<i32>} : memref<72x768xf32, #tpu.memory_space<vmem>>, vector<16xf32>,
      tpu.vector_store %arg5[%parallel_loop3A_337, %parallel_loop3A_338], %parallel_loop3A_334 {strides = array<i32>} : memref<72x768xf32, #tpu.memory_space<vmem>>, vector<16xf32>,
      %parallel_loop3A_340 = arith.index_cast %parallel_loop3A_161 : i32 to index
      %parallel_loop3A_341 = arith.constant 352 : index
      %parallel_loop3A_342 = tpu.vector_load %arg4[%parallel_loop3A_340, %parallel_loop3A_341] {strides = array<i32>} : memref<144x384xf32, #tpu.memory_space<vmem>>, vector<16xf32>,
      %parallel_loop3A_343 = arith.constant 22 : i32
      %parallel_loop3A_344 = arith.addi %parallel_loop3A_163, %parallel_loop3A_343 : i32
      %parallel_loop3A_345 = arith.index_cast %parallel_loop3A_344 : i32 to index
      %parallel_loop3A_346 = arith.index_cast %parallel_loop3A_156 : i32 to index
      %parallel_loop3A_347 = tpu.vector_load %arg5[%parallel_loop3A_345, %parallel_loop3A_346] {strides = array<i32>} : memref<72x768xf32, #tpu.memory_space<vmem>>, vector<16xf32>,
      tpu.vector_store %arg5[%parallel_loop3A_345, %parallel_loop3A_346], %parallel_loop3A_342 {strides = array<i32>} : memref<72x768xf32, #tpu.memory_space<vmem>>, vector<16xf32>,
      %parallel_loop3A_348 = arith.index_cast %parallel_loop3A_161 : i32 to index
      %parallel_loop3A_349 = arith.constant 368 : index
      %parallel_loop3A_350 = tpu.vector_load %arg4[%parallel_loop3A_348, %parallel_loop3A_349] {strides = array<i32>} : memref<144x384xf32, #tpu.memory_space<vmem>>, vector<16xf32>,
      %parallel_loop3A_351 = arith.constant 23 : i32
      %parallel_loop3A_352 = arith.addi %parallel_loop3A_163, %parallel_loop3A_351 : i32
      %parallel_loop3A_353 = arith.index_cast %parallel_loop3A_352 : i32 to index
      %parallel_loop3A_354 = arith.index_cast %parallel_loop3A_156 : i32 to index
      %parallel_loop3A_355 = tpu.vector_load %arg5[%parallel_loop3A_353, %parallel_loop3A_354] {strides = array<i32>} : memref<72x768xf32, #tpu.memory_space<vmem>>, vector<16xf32>,
      tpu.vector_store %arg5[%parallel_loop3A_353, %parallel_loop3A_354], %parallel_loop3A_350 {strides = array<i32>} : memref<72x768xf32, #tpu.memory_space<vmem>>, vector<16xf32>,
    } {sc.loop_unroll_factor = 2 : i64, sc.parallel_access}
    %mul3A_70 = arith.constant 24 : i32
    %mul3A_71 = arith.muli %add3A_34, %mul3A_70 : i32
    "tpu.region"() ({
      %run_scoped3A = tpu.sem_alloc : memref<!tpu.dma_semaphore, #tpu.memory_space<semaphore_mem>>
      %dma_start3A = arith.constant 0 : i32
      %dma_start3A_112 = tpu.memref_slice %arg3[%select_n3A, %mul3A_71, %dma_start3A] : memref<8x576x768xf32, #tpu.memory_space<hbm>> -> memref<1x72x768xf32, #tpu.memory_space<hbm>>
      %dma_start3A_113 = tpu.memref_squeeze %dma_start3A_112 : memref<1x72x768xf32, #tpu.memory_space<hbm>> -> memref<72x768xf32, #tpu.memory_space<hbm>>
      %dma_start3A_114 = arith.constant 0 : i32
      %dma_start3A_115 = tpu.memref_slice %arg3[%select_n3A, %mul3A_71, %dma_start3A_114] : memref<8x576x768xf32, #tpu.memory_space<hbm>> -> memref<1x72x768xf32, #tpu.memory_space<hbm>>
      %dma_start3A_116 = tpu.memref_squeeze %dma_start3A_115 : memref<1x72x768xf32, #tpu.memory_space<hbm>> -> memref<72x768xf32, #tpu.memory_space<hbm>>
      tpu.enqueue_dma source(%arg5 : memref<72x768xf32, #tpu.memory_space<vmem>>) target(%dma_start3A_116 : memref<72x768xf32, #tpu.memory_space<hbm>>) target_semaphore(%run_scoped3A : memref<!tpu.dma_semaphore, #tpu.memory_space<semaphore_mem>>)
      %dma_wait3A = arith.constant 0 : i32
      %dma_wait3A_117 = tpu.memref_slice %arg3[%select_n3A, %mul3A_71, %dma_wait3A] : memref<8x576x768xf32, #tpu.memory_space<hbm>> -> memref<1x72x768xf32, #tpu.memory_space<hbm>>
      %dma_wait3A_118 = tpu.memref_squeeze %dma_wait3A_117 : memref<1x72x768xf32, #tpu.memory_space<hbm>> -> memref<72x768xf32, #tpu.memory_space<hbm>>
      %dma_wait3A_119 = arith.constant 0 : i32
      %dma_wait3A_120 = tpu.memref_slice %arg3[%select_n3A, %mul3A_71, %dma_wait3A_119] : memref<8x576x768xf32, #tpu.memory_space<hbm>> -> memref<1x72x768xf32, #tpu.memory_space<hbm>>
      %dma_wait3A_121 = tpu.memref_squeeze %dma_wait3A_120 : memref<1x72x768xf32, #tpu.memory_space<hbm>> -> memref<72x768xf32, #tpu.memory_space<hbm>>
      tpu.wait_dma2 semaphore(%run_scoped3A : memref<!tpu.dma_semaphore, #tpu.memory_space<semaphore_mem>>) src(%arg5 : memref<72x768xf32, #tpu.memory_space<vmem>>) dst(%dma_wait3A_121 : memref<72x768xf32, #tpu.memory_space<hbm>>)
      tpu.yield
    }) : () -> ()
    %add3A_72 = arith.constant 3 : i32
    %add3A_73 = arith.addi %mul3A_32, %add3A_72 : i32
    %mul3A_74 = arith.constant 3 : i32
    %mul3A_75 = arith.muli %select_n3A, %mul3A_74 : i32
    %add3A_76 = arith.constant 0 : i32
    %add3A_77 = arith.addi %mul3A_75, %add3A_76 : i32
    %mul3A_78 = arith.constant 384 : i32
    %mul3A_79 = arith.muli %add3A_77, %mul3A_78 : i32
    %mul3A_80 = arith.constant 16 : i32
    %mul3A_81 = arith.muli %add3A_73, %mul3A_80 : i32
    %add3A_82 = arith.addi %mul3A_79, %mul3A_81 : i32
    "tpu.region"() ({
      %run_scoped3A = tpu.sem_alloc : memref<!tpu.dma_semaphore, #tpu.memory_space<semaphore_mem>>
      %dma_start3A = arith.constant 0 : i32
      %dma_start3A_112 = arith.constant 0 : i32
      %dma_start3A_113 = tpu.memref_slice %arg4[%dma_start3A, %dma_start3A_112] : memref<144x384xf32, #tpu.memory_space<vmem>> -> memref<48x384xf32, #tpu.memory_space<vmem>>
      %dma_start3A_114 = arith.constant 0 : i32
      %dma_start3A_115 = tpu.memref_slice %arg2[%add3A_82, %dma_start3A_114] : memref<9216x384xf32, #tpu.memory_space<hbm>> -> memref<48x384xf32, #tpu.memory_space<hbm>>
      %dma_start3A_116 = arith.constant 0 : i32
      %dma_start3A_117 = arith.constant 0 : i32
      %dma_start3A_118 = tpu.memref_slice %arg4[%dma_start3A_116, %dma_start3A_117] : memref<144x384xf32, #tpu.memory_space<vmem>> -> memref<48x384xf32, #tpu.memory_space<vmem>>
      %dma_start3A_119 = arith.constant 0 : i32
      %dma_start3A_120 = tpu.memref_slice %arg2[%add3A_82, %dma_start3A_119] : memref<9216x384xf32, #tpu.memory_space<hbm>> -> memref<48x384xf32, #tpu.memory_space<hbm>>
      tpu.enqueue_dma source(%dma_start3A_120 : memref<48x384xf32, #tpu.memory_space<hbm>>) target(%dma_start3A_118 : memref<48x384xf32, #tpu.memory_space<vmem>>) target_semaphore(%run_scoped3A : memref<!tpu.dma_semaphore, #tpu.memory_space<semaphore_mem>>)
      %dma_wait3A = arith.constant 0 : i32
      %dma_wait3A_121 = arith.constant 0 : i32
      %dma_wait3A_122 = tpu.memref_slice %arg4[%dma_wait3A, %dma_wait3A_121] : memref<144x384xf32, #tpu.memory_space<vmem>> -> memref<48x384xf32, #tpu.memory_space<vmem>>
      %dma_wait3A_123 = arith.constant 0 : i32
      %dma_wait3A_124 = tpu.memref_slice %arg2[%add3A_82, %dma_wait3A_123] : memref<9216x384xf32, #tpu.memory_space<hbm>> -> memref<48x384xf32, #tpu.memory_space<hbm>>
      %dma_wait3A_125 = arith.constant 0 : i32
      %dma_wait3A_126 = arith.constant 0 : i32
      %dma_wait3A_127 = tpu.memref_slice %arg4[%dma_wait3A_125, %dma_wait3A_126] : memref<144x384xf32, #tpu.memory_space<vmem>> -> memref<48x384xf32, #tpu.memory_space<vmem>>
      %dma_wait3A_128 = arith.constant 0 : i32
      %dma_wait3A_129 = tpu.memref_slice %arg2[%add3A_82, %dma_wait3A_128] : memref<9216x384xf32, #tpu.memory_space<hbm>> -> memref<48x384xf32, #tpu.memory_space<hbm>>
      tpu.wait_dma2 semaphore(%run_scoped3A : memref<!tpu.dma_semaphore, #tpu.memory_space<semaphore_mem>>) src(%dma_wait3A_129 : memref<48x384xf32, #tpu.memory_space<hbm>>) dst(%dma_wait3A_127 : memref<48x384xf32, #tpu.memory_space<vmem>>)
      tpu.yield
    }) : () -> ()
    %mul3A_83 = arith.constant 3 : i32
    %mul3A_84 = arith.muli %select_n3A, %mul3A_83 : i32
    %add3A_85 = arith.constant 1 : i32
    %add3A_86 = arith.addi %mul3A_84, %add3A_85 : i32
    %mul3A_87 = arith.constant 384 : i32
    %mul3A_88 = arith.muli %add3A_86, %mul3A_87 : i32
    %mul3A_89 = arith.constant 16 : i32
    %mul3A_90 = arith.muli %add3A_73, %mul3A_89 : i32
    %add3A_91 = arith.addi %mul3A_88, %mul3A_90 : i32
    "tpu.region"() ({
      %run_scoped3A = tpu.sem_alloc : memref<!tpu.dma_semaphore, #tpu.memory_space<semaphore_mem>>
      %dma_start3A = arith.constant 48 : i32
      %dma_start3A_112 = arith.constant 0 : i32
      %dma_start3A_113 = tpu.memref_slice %arg4[%dma_start3A, %dma_start3A_112] : memref<144x384xf32, #tpu.memory_space<vmem>> -> memref<48x384xf32, #tpu.memory_space<vmem>>
      %dma_start3A_114 = arith.constant 0 : i32
      %dma_start3A_115 = tpu.memref_slice %arg2[%add3A_91, %dma_start3A_114] : memref<9216x384xf32, #tpu.memory_space<hbm>> -> memref<48x384xf32, #tpu.memory_space<hbm>>
      %dma_start3A_116 = arith.constant 48 : i32
      %dma_start3A_117 = arith.constant 0 : i32
      %dma_start3A_118 = tpu.memref_slice %arg4[%dma_start3A_116, %dma_start3A_117] : memref<144x384xf32, #tpu.memory_space<vmem>> -> memref<48x384xf32, #tpu.memory_space<vmem>>
      %dma_start3A_119 = arith.constant 0 : i32
      %dma_start3A_120 = tpu.memref_slice %arg2[%add3A_91, %dma_start3A_119] : memref<9216x384xf32, #tpu.memory_space<hbm>> -> memref<48x384xf32, #tpu.memory_space<hbm>>
      tpu.enqueue_dma source(%dma_start3A_120 : memref<48x384xf32, #tpu.memory_space<hbm>>) target(%dma_start3A_118 : memref<48x384xf32, #tpu.memory_space<vmem>>) target_semaphore(%run_scoped3A : memref<!tpu.dma_semaphore, #tpu.memory_space<semaphore_mem>>)
      %dma_wait3A = arith.constant 48 : i32
      %dma_wait3A_121 = arith.constant 0 : i32
      %dma_wait3A_122 = tpu.memref_slice %arg4[%dma_wait3A, %dma_wait3A_121] : memref<144x384xf32, #tpu.memory_space<vmem>> -> memref<48x384xf32, #tpu.memory_space<vmem>>
      %dma_wait3A_123 = arith.constant 0 : i32
      %dma_wait3A_124 = tpu.memref_slice %arg2[%add3A_91, %dma_wait3A_123] : memref<9216x384xf32, #tpu.memory_space<hbm>> -> memref<48x384xf32, #tpu.memory_space<hbm>>
      %dma_wait3A_125 = arith.constant 48 : i32
      %dma_wait3A_126 = arith.constant 0 : i32
      %dma_wait3A_127 = tpu.memref_slice %arg4[%dma_wait3A_125, %dma_wait3A_126] : memref<144x384xf32, #tpu.memory_space<vmem>> -> memref<48x384xf32, #tpu.memory_space<vmem>>
      %dma_wait3A_128 = arith.constant 0 : i32
      %dma_wait3A_129 = tpu.memref_slice %arg2[%add3A_91, %dma_wait3A_128] : memref<9216x384xf32, #tpu.memory_space<hbm>> -> memref<48x384xf32, #tpu.memory_space<hbm>>
      tpu.wait_dma2 semaphore(%run_scoped3A : memref<!tpu.dma_semaphore, #tpu.memory_space<semaphore_mem>>) src(%dma_wait3A_129 : memref<48x384xf32, #tpu.memory_space<hbm>>) dst(%dma_wait3A_127 : memref<48x384xf32, #tpu.memory_space<vmem>>)
      tpu.yield
    }) : () -> ()
    %mul3A_92 = arith.constant 3 : i32
    %mul3A_93 = arith.muli %select_n3A, %mul3A_92 : i32
    %add3A_94 = arith.constant 2 : i32
    %add3A_95 = arith.addi %mul3A_93, %add3A_94 : i32
    %mul3A_96 = arith.constant 384 : i32
    %mul3A_97 = arith.muli %add3A_95, %mul3A_96 : i32
    %mul3A_98 = arith.constant 16 : i32
    %mul3A_99 = arith.muli %add3A_73, %mul3A_98 : i32
    %add3A_100 = arith.addi %mul3A_97, %mul3A_99 : i32
    "tpu.region"() ({
      %run_scoped3A = tpu.sem_alloc : memref<!tpu.dma_semaphore, #tpu.memory_space<semaphore_mem>>
      %dma_start3A = arith.constant 96 : i32
      %dma_start3A_112 = arith.constant 0 : i32
      %dma_start3A_113 = tpu.memref_slice %arg4[%dma_start3A, %dma_start3A_112] : memref<144x384xf32, #tpu.memory_space<vmem>> -> memref<48x384xf32, #tpu.memory_space<vmem>>
      %dma_start3A_114 = arith.constant 0 : i32
      %dma_start3A_115 = tpu.memref_slice %arg2[%add3A_100, %dma_start3A_114] : memref<9216x384xf32, #tpu.memory_space<hbm>> -> memref<48x384xf32, #tpu.memory_space<hbm>>
      %dma_start3A_116 = arith.constant 96 : i32
      %dma_start3A_117 = arith.constant 0 : i32
      %dma_start3A_118 = tpu.memref_slice %arg4[%dma_start3A_116, %dma_start3A_117] : memref<144x384xf32, #tpu.memory_space<vmem>> -> memref<48x384xf32, #tpu.memory_space<vmem>>
      %dma_start3A_119 = arith.constant 0 : i32
      %dma_start3A_120 = tpu.memref_slice %arg2[%add3A_100, %dma_start3A_119] : memref<9216x384xf32, #tpu.memory_space<hbm>> -> memref<48x384xf32, #tpu.memory_space<hbm>>
      tpu.enqueue_dma source(%dma_start3A_120 : memref<48x384xf32, #tpu.memory_space<hbm>>) target(%dma_start3A_118 : memref<48x384xf32, #tpu.memory_space<vmem>>) target_semaphore(%run_scoped3A : memref<!tpu.dma_semaphore, #tpu.memory_space<semaphore_mem>>)
      %dma_wait3A = arith.constant 96 : i32
      %dma_wait3A_121 = arith.constant 0 : i32
      %dma_wait3A_122 = tpu.memref_slice %arg4[%dma_wait3A, %dma_wait3A_121] : memref<144x384xf32, #tpu.memory_space<vmem>> -> memref<48x384xf32, #tpu.memory_space<vmem>>
      %dma_wait3A_123 = arith.constant 0 : i32
      %dma_wait3A_124 = tpu.memref_slice %arg2[%add3A_100, %dma_wait3A_123] : memref<9216x384xf32, #tpu.memory_space<hbm>> -> memref<48x384xf32, #tpu.memory_space<hbm>>
      %dma_wait3A_125 = arith.constant 96 : i32
      %dma_wait3A_126 = arith.constant 0 : i32
      %dma_wait3A_127 = tpu.memref_slice %arg4[%dma_wait3A_125, %dma_wait3A_126] : memref<144x384xf32, #tpu.memory_space<vmem>> -> memref<48x384xf32, #tpu.memory_space<vmem>>
      %dma_wait3A_128 = arith.constant 0 : i32
      %dma_wait3A_129 = tpu.memref_slice %arg2[%add3A_100, %dma_wait3A_128] : memref<9216x384xf32, #tpu.memory_space<hbm>> -> memref<48x384xf32, #tpu.memory_space<hbm>>
      tpu.wait_dma2 semaphore(%run_scoped3A : memref<!tpu.dma_semaphore, #tpu.memory_space<semaphore_mem>>) src(%dma_wait3A_129 : memref<48x384xf32, #tpu.memory_space<hbm>>) dst(%dma_wait3A_127 : memref<48x384xf32, #tpu.memory_space<vmem>>)
      tpu.yield
    }) : () -> ()
    %parallel_loop3A_101 = arith.constant 0 : i32
    %parallel_loop3A_102 = arith.constant 48 : i32
    %parallel_loop3A_103 = arith.constant 1 : i32
    scf.for %parallel_loop3A_112 = %parallel_loop3A_101 to %parallel_loop3A_102 step %parallel_loop3A_103  : i32 {
      %parallel_loop3A_113 = arith.constant 3 : i32
      %parallel_loop3A_114 = arith.divsi %parallel_loop3A_112, %parallel_loop3A_113 : i32
      %parallel_loop3A_115 = arith.constant 0 : i32
      %parallel_loop3A_116 = arith.cmpi sgt, %parallel_loop3A_112, %parallel_loop3A_115 : i32
      %parallel_loop3A_117 = arith.extui %parallel_loop3A_116 : i1 to i32
      %parallel_loop3A_118 = arith.constant 0 : i32
      %parallel_loop3A_119 = arith.cmpi slt, %parallel_loop3A_112, %parallel_loop3A_118 : i32
      %parallel_loop3A_120 = arith.extui %parallel_loop3A_119 : i1 to i32
      %parallel_loop3A_121 = arith.subi %parallel_loop3A_117, %parallel_loop3A_120 : i32
      %parallel_loop3A_122 = arith.constant 0 : i32
      %parallel_loop3A_123 = arith.cmpi sgt, %parallel_loop3A_113, %parallel_loop3A_122 : i32
      %parallel_loop3A_124 = arith.extui %parallel_loop3A_123 : i1 to i32
      %parallel_loop3A_125 = arith.constant 0 : i32
      %parallel_loop3A_126 = arith.cmpi slt, %parallel_loop3A_113, %parallel_loop3A_125 : i32
      %parallel_loop3A_127 = arith.extui %parallel_loop3A_126 : i1 to i32
      %parallel_loop3A_128 = arith.subi %parallel_loop3A_124, %parallel_loop3A_127 : i32
      %parallel_loop3A_129 = arith.cmpi ne, %parallel_loop3A_121, %parallel_loop3A_128 : i32
      %parallel_loop3A_130 = arith.remsi %parallel_loop3A_112, %parallel_loop3A_113 : i32
      %parallel_loop3A_131 = arith.constant 0 : i32
      %parallel_loop3A_132 = arith.cmpi ne, %parallel_loop3A_130, %parallel_loop3A_131 : i32
      %parallel_loop3A_133 = arith.andi %parallel_loop3A_129, %parallel_loop3A_132 : i1
      %parallel_loop3A_134 = arith.constant 1 : i32
      %parallel_loop3A_135 = arith.subi %parallel_loop3A_114, %parallel_loop3A_134 : i32
      %parallel_loop3A_136 = arith.select %parallel_loop3A_133, %parallel_loop3A_135, %parallel_loop3A_114 : i32
      %parallel_loop3A_137 = arith.constant 3 : i32
      %parallel_loop3A_138 = arith.constant 0 : i32
      %parallel_loop3A_139 = arith.cmpi eq, %parallel_loop3A_137, %parallel_loop3A_138 : i32
      %parallel_loop3A_140 = arith.constant 1 : i32
      %parallel_loop3A_141 = arith.select %parallel_loop3A_139, %parallel_loop3A_140, %parallel_loop3A_137 : i32
      %parallel_loop3A_142 = arith.remsi %parallel_loop3A_112, %parallel_loop3A_141 : i32
      %parallel_loop3A_143 = arith.constant 0 : i32
      %parallel_loop3A_144 = arith.cmpi ne, %parallel_loop3A_142, %parallel_loop3A_143 : i32
      %parallel_loop3A_145 = arith.constant 0 : i32
      %parallel_loop3A_146 = arith.cmpi slt, %parallel_loop3A_142, %parallel_loop3A_145 : i32
      %parallel_loop3A_147 = arith.constant 0 : i32
      %parallel_loop3A_148 = arith.cmpi slt, %parallel_loop3A_141, %parallel_loop3A_147 : i32
      %parallel_loop3A_149 = arith.xori %parallel_loop3A_146, %parallel_loop3A_148 : i1
      %parallel_loop3A_150 = arith.andi %parallel_loop3A_149, %parallel_loop3A_144 : i1
      %parallel_loop3A_151 = arith.addi %parallel_loop3A_142, %parallel_loop3A_141 : i32
      %parallel_loop3A_152 = arith.select %parallel_loop3A_150, %parallel_loop3A_151, %parallel_loop3A_142 : i32
      %parallel_loop3A_153 = arith.constant 0 : i32
      %parallel_loop3A_154 = arith.addi %parallel_loop3A_153, %parallel_loop3A_136 : i32
      %parallel_loop3A_155 = arith.constant 16 : i32
      %parallel_loop3A_156 = arith.muli %parallel_loop3A_154, %parallel_loop3A_155 : i32
      %parallel_loop3A_157 = arith.constant 16 : i32
      %parallel_loop3A_158 = arith.muli %parallel_loop3A_152, %parallel_loop3A_157 : i32
      %parallel_loop3A_159 = arith.constant 0 : i32
      %parallel_loop3A_160 = arith.addi %parallel_loop3A_159, %parallel_loop3A_158 : i32
      %parallel_loop3A_161 = arith.addi %parallel_loop3A_160, %parallel_loop3A_136 : i32
      %parallel_loop3A_162 = arith.constant 24 : i32
      %parallel_loop3A_163 = arith.muli %parallel_loop3A_152, %parallel_loop3A_162 : i32
      %parallel_loop3A_164 = arith.index_cast %parallel_loop3A_161 : i32 to index
      %parallel_loop3A_165 = arith.constant 0 : index
      %parallel_loop3A_166 = tpu.vector_load %arg4[%parallel_loop3A_164, %parallel_loop3A_165] {strides = array<i32>} : memref<144x384xf32, #tpu.memory_space<vmem>>, vector<16xf32>,
      %parallel_loop3A_167 = arith.constant 0 : i32
      %parallel_loop3A_168 = arith.addi %parallel_loop3A_163, %parallel_loop3A_167 : i32
      %parallel_loop3A_169 = arith.index_cast %parallel_loop3A_168 : i32 to index
      %parallel_loop3A_170 = arith.index_cast %parallel_loop3A_156 : i32 to index
      %parallel_loop3A_171 = tpu.vector_load %arg5[%parallel_loop3A_169, %parallel_loop3A_170] {strides = array<i32>} : memref<72x768xf32, #tpu.memory_space<vmem>>, vector<16xf32>,
      tpu.vector_store %arg5[%parallel_loop3A_169, %parallel_loop3A_170], %parallel_loop3A_166 {strides = array<i32>} : memref<72x768xf32, #tpu.memory_space<vmem>>, vector<16xf32>,
      %parallel_loop3A_172 = arith.index_cast %parallel_loop3A_161 : i32 to index
      %parallel_loop3A_173 = arith.constant 16 : index
      %parallel_loop3A_174 = tpu.vector_load %arg4[%parallel_loop3A_172, %parallel_loop3A_173] {strides = array<i32>} : memref<144x384xf32, #tpu.memory_space<vmem>>, vector<16xf32>,
      %parallel_loop3A_175 = arith.constant 1 : i32
      %parallel_loop3A_176 = arith.addi %parallel_loop3A_163, %parallel_loop3A_175 : i32
      %parallel_loop3A_177 = arith.index_cast %parallel_loop3A_176 : i32 to index
      %parallel_loop3A_178 = arith.index_cast %parallel_loop3A_156 : i32 to index
      %parallel_loop3A_179 = tpu.vector_load %arg5[%parallel_loop3A_177, %parallel_loop3A_178] {strides = array<i32>} : memref<72x768xf32, #tpu.memory_space<vmem>>, vector<16xf32>,
      tpu.vector_store %arg5[%parallel_loop3A_177, %parallel_loop3A_178], %parallel_loop3A_174 {strides = array<i32>} : memref<72x768xf32, #tpu.memory_space<vmem>>, vector<16xf32>,
      %parallel_loop3A_180 = arith.index_cast %parallel_loop3A_161 : i32 to index
      %parallel_loop3A_181 = arith.constant 32 : index
      %parallel_loop3A_182 = tpu.vector_load %arg4[%parallel_loop3A_180, %parallel_loop3A_181] {strides = array<i32>} : memref<144x384xf32, #tpu.memory_space<vmem>>, vector<16xf32>,
      %parallel_loop3A_183 = arith.constant 2 : i32
      %parallel_loop3A_184 = arith.addi %parallel_loop3A_163, %parallel_loop3A_183 : i32
      %parallel_loop3A_185 = arith.index_cast %parallel_loop3A_184 : i32 to index
      %parallel_loop3A_186 = arith.index_cast %parallel_loop3A_156 : i32 to index
      %parallel_loop3A_187 = tpu.vector_load %arg5[%parallel_loop3A_185, %parallel_loop3A_186] {strides = array<i32>} : memref<72x768xf32, #tpu.memory_space<vmem>>, vector<16xf32>,
      tpu.vector_store %arg5[%parallel_loop3A_185, %parallel_loop3A_186], %parallel_loop3A_182 {strides = array<i32>} : memref<72x768xf32, #tpu.memory_space<vmem>>, vector<16xf32>,
      %parallel_loop3A_188 = arith.index_cast %parallel_loop3A_161 : i32 to index
      %parallel_loop3A_189 = arith.constant 48 : index
      %parallel_loop3A_190 = tpu.vector_load %arg4[%parallel_loop3A_188, %parallel_loop3A_189] {strides = array<i32>} : memref<144x384xf32, #tpu.memory_space<vmem>>, vector<16xf32>,
      %parallel_loop3A_191 = arith.constant 3 : i32
      %parallel_loop3A_192 = arith.addi %parallel_loop3A_163, %parallel_loop3A_191 : i32
      %parallel_loop3A_193 = arith.index_cast %parallel_loop3A_192 : i32 to index
      %parallel_loop3A_194 = arith.index_cast %parallel_loop3A_156 : i32 to index
      %parallel_loop3A_195 = tpu.vector_load %arg5[%parallel_loop3A_193, %parallel_loop3A_194] {strides = array<i32>} : memref<72x768xf32, #tpu.memory_space<vmem>>, vector<16xf32>,
      tpu.vector_store %arg5[%parallel_loop3A_193, %parallel_loop3A_194], %parallel_loop3A_190 {strides = array<i32>} : memref<72x768xf32, #tpu.memory_space<vmem>>, vector<16xf32>,
      %parallel_loop3A_196 = arith.index_cast %parallel_loop3A_161 : i32 to index
      %parallel_loop3A_197 = arith.constant 64 : index
      %parallel_loop3A_198 = tpu.vector_load %arg4[%parallel_loop3A_196, %parallel_loop3A_197] {strides = array<i32>} : memref<144x384xf32, #tpu.memory_space<vmem>>, vector<16xf32>,
      %parallel_loop3A_199 = arith.constant 4 : i32
      %parallel_loop3A_200 = arith.addi %parallel_loop3A_163, %parallel_loop3A_199 : i32
      %parallel_loop3A_201 = arith.index_cast %parallel_loop3A_200 : i32 to index
      %parallel_loop3A_202 = arith.index_cast %parallel_loop3A_156 : i32 to index
      %parallel_loop3A_203 = tpu.vector_load %arg5[%parallel_loop3A_201, %parallel_loop3A_202] {strides = array<i32>} : memref<72x768xf32, #tpu.memory_space<vmem>>, vector<16xf32>,
      tpu.vector_store %arg5[%parallel_loop3A_201, %parallel_loop3A_202], %parallel_loop3A_198 {strides = array<i32>} : memref<72x768xf32, #tpu.memory_space<vmem>>, vector<16xf32>,
      %parallel_loop3A_204 = arith.index_cast %parallel_loop3A_161 : i32 to index
      %parallel_loop3A_205 = arith.constant 80 : index
      %parallel_loop3A_206 = tpu.vector_load %arg4[%parallel_loop3A_204, %parallel_loop3A_205] {strides = array<i32>} : memref<144x384xf32, #tpu.memory_space<vmem>>, vector<16xf32>,
      %parallel_loop3A_207 = arith.constant 5 : i32
      %parallel_loop3A_208 = arith.addi %parallel_loop3A_163, %parallel_loop3A_207 : i32
      %parallel_loop3A_209 = arith.index_cast %parallel_loop3A_208 : i32 to index
      %parallel_loop3A_210 = arith.index_cast %parallel_loop3A_156 : i32 to index
      %parallel_loop3A_211 = tpu.vector_load %arg5[%parallel_loop3A_209, %parallel_loop3A_210] {strides = array<i32>} : memref<72x768xf32, #tpu.memory_space<vmem>>, vector<16xf32>,
      tpu.vector_store %arg5[%parallel_loop3A_209, %parallel_loop3A_210], %parallel_loop3A_206 {strides = array<i32>} : memref<72x768xf32, #tpu.memory_space<vmem>>, vector<16xf32>,
      %parallel_loop3A_212 = arith.index_cast %parallel_loop3A_161 : i32 to index
      %parallel_loop3A_213 = arith.constant 96 : index
      %parallel_loop3A_214 = tpu.vector_load %arg4[%parallel_loop3A_212, %parallel_loop3A_213] {strides = array<i32>} : memref<144x384xf32, #tpu.memory_space<vmem>>, vector<16xf32>,
      %parallel_loop3A_215 = arith.constant 6 : i32
      %parallel_loop3A_216 = arith.addi %parallel_loop3A_163, %parallel_loop3A_215 : i32
      %parallel_loop3A_217 = arith.index_cast %parallel_loop3A_216 : i32 to index
      %parallel_loop3A_218 = arith.index_cast %parallel_loop3A_156 : i32 to index
      %parallel_loop3A_219 = tpu.vector_load %arg5[%parallel_loop3A_217, %parallel_loop3A_218] {strides = array<i32>} : memref<72x768xf32, #tpu.memory_space<vmem>>, vector<16xf32>,
      tpu.vector_store %arg5[%parallel_loop3A_217, %parallel_loop3A_218], %parallel_loop3A_214 {strides = array<i32>} : memref<72x768xf32, #tpu.memory_space<vmem>>, vector<16xf32>,
      %parallel_loop3A_220 = arith.index_cast %parallel_loop3A_161 : i32 to index
      %parallel_loop3A_221 = arith.constant 112 : index
      %parallel_loop3A_222 = tpu.vector_load %arg4[%parallel_loop3A_220, %parallel_loop3A_221] {strides = array<i32>} : memref<144x384xf32, #tpu.memory_space<vmem>>, vector<16xf32>,
      %parallel_loop3A_223 = arith.constant 7 : i32
      %parallel_loop3A_224 = arith.addi %parallel_loop3A_163, %parallel_loop3A_223 : i32
      %parallel_loop3A_225 = arith.index_cast %parallel_loop3A_224 : i32 to index
      %parallel_loop3A_226 = arith.index_cast %parallel_loop3A_156 : i32 to index
      %parallel_loop3A_227 = tpu.vector_load %arg5[%parallel_loop3A_225, %parallel_loop3A_226] {strides = array<i32>} : memref<72x768xf32, #tpu.memory_space<vmem>>, vector<16xf32>,
      tpu.vector_store %arg5[%parallel_loop3A_225, %parallel_loop3A_226], %parallel_loop3A_222 {strides = array<i32>} : memref<72x768xf32, #tpu.memory_space<vmem>>, vector<16xf32>,
      %parallel_loop3A_228 = arith.index_cast %parallel_loop3A_161 : i32 to index
      %parallel_loop3A_229 = arith.constant 128 : index
      %parallel_loop3A_230 = tpu.vector_load %arg4[%parallel_loop3A_228, %parallel_loop3A_229] {strides = array<i32>} : memref<144x384xf32, #tpu.memory_space<vmem>>, vector<16xf32>,
      %parallel_loop3A_231 = arith.constant 8 : i32
      %parallel_loop3A_232 = arith.addi %parallel_loop3A_163, %parallel_loop3A_231 : i32
      %parallel_loop3A_233 = arith.index_cast %parallel_loop3A_232 : i32 to index
      %parallel_loop3A_234 = arith.index_cast %parallel_loop3A_156 : i32 to index
      %parallel_loop3A_235 = tpu.vector_load %arg5[%parallel_loop3A_233, %parallel_loop3A_234] {strides = array<i32>} : memref<72x768xf32, #tpu.memory_space<vmem>>, vector<16xf32>,
      tpu.vector_store %arg5[%parallel_loop3A_233, %parallel_loop3A_234], %parallel_loop3A_230 {strides = array<i32>} : memref<72x768xf32, #tpu.memory_space<vmem>>, vector<16xf32>,
      %parallel_loop3A_236 = arith.index_cast %parallel_loop3A_161 : i32 to index
      %parallel_loop3A_237 = arith.constant 144 : index
      %parallel_loop3A_238 = tpu.vector_load %arg4[%parallel_loop3A_236, %parallel_loop3A_237] {strides = array<i32>} : memref<144x384xf32, #tpu.memory_space<vmem>>, vector<16xf32>,
      %parallel_loop3A_239 = arith.constant 9 : i32
      %parallel_loop3A_240 = arith.addi %parallel_loop3A_163, %parallel_loop3A_239 : i32
      %parallel_loop3A_241 = arith.index_cast %parallel_loop3A_240 : i32 to index
      %parallel_loop3A_242 = arith.index_cast %parallel_loop3A_156 : i32 to index
      %parallel_loop3A_243 = tpu.vector_load %arg5[%parallel_loop3A_241, %parallel_loop3A_242] {strides = array<i32>} : memref<72x768xf32, #tpu.memory_space<vmem>>, vector<16xf32>,
      tpu.vector_store %arg5[%parallel_loop3A_241, %parallel_loop3A_242], %parallel_loop3A_238 {strides = array<i32>} : memref<72x768xf32, #tpu.memory_space<vmem>>, vector<16xf32>,
      %parallel_loop3A_244 = arith.index_cast %parallel_loop3A_161 : i32 to index
      %parallel_loop3A_245 = arith.constant 160 : index
      %parallel_loop3A_246 = tpu.vector_load %arg4[%parallel_loop3A_244, %parallel_loop3A_245] {strides = array<i32>} : memref<144x384xf32, #tpu.memory_space<vmem>>, vector<16xf32>,
      %parallel_loop3A_247 = arith.constant 10 : i32
      %parallel_loop3A_248 = arith.addi %parallel_loop3A_163, %parallel_loop3A_247 : i32
      %parallel_loop3A_249 = arith.index_cast %parallel_loop3A_248 : i32 to index
      %parallel_loop3A_250 = arith.index_cast %parallel_loop3A_156 : i32 to index
      %parallel_loop3A_251 = tpu.vector_load %arg5[%parallel_loop3A_249, %parallel_loop3A_250] {strides = array<i32>} : memref<72x768xf32, #tpu.memory_space<vmem>>, vector<16xf32>,
      tpu.vector_store %arg5[%parallel_loop3A_249, %parallel_loop3A_250], %parallel_loop3A_246 {strides = array<i32>} : memref<72x768xf32, #tpu.memory_space<vmem>>, vector<16xf32>,
      %parallel_loop3A_252 = arith.index_cast %parallel_loop3A_161 : i32 to index
      %parallel_loop3A_253 = arith.constant 176 : index
      %parallel_loop3A_254 = tpu.vector_load %arg4[%parallel_loop3A_252, %parallel_loop3A_253] {strides = array<i32>} : memref<144x384xf32, #tpu.memory_space<vmem>>, vector<16xf32>,
      %parallel_loop3A_255 = arith.constant 11 : i32
      %parallel_loop3A_256 = arith.addi %parallel_loop3A_163, %parallel_loop3A_255 : i32
      %parallel_loop3A_257 = arith.index_cast %parallel_loop3A_256 : i32 to index
      %parallel_loop3A_258 = arith.index_cast %parallel_loop3A_156 : i32 to index
      %parallel_loop3A_259 = tpu.vector_load %arg5[%parallel_loop3A_257, %parallel_loop3A_258] {strides = array<i32>} : memref<72x768xf32, #tpu.memory_space<vmem>>, vector<16xf32>,
      tpu.vector_store %arg5[%parallel_loop3A_257, %parallel_loop3A_258], %parallel_loop3A_254 {strides = array<i32>} : memref<72x768xf32, #tpu.memory_space<vmem>>, vector<16xf32>,
      %parallel_loop3A_260 = arith.index_cast %parallel_loop3A_161 : i32 to index
      %parallel_loop3A_261 = arith.constant 192 : index
      %parallel_loop3A_262 = tpu.vector_load %arg4[%parallel_loop3A_260, %parallel_loop3A_261] {strides = array<i32>} : memref<144x384xf32, #tpu.memory_space<vmem>>, vector<16xf32>,
      %parallel_loop3A_263 = arith.constant 12 : i32
      %parallel_loop3A_264 = arith.addi %parallel_loop3A_163, %parallel_loop3A_263 : i32
      %parallel_loop3A_265 = arith.index_cast %parallel_loop3A_264 : i32 to index
      %parallel_loop3A_266 = arith.index_cast %parallel_loop3A_156 : i32 to index
      %parallel_loop3A_267 = tpu.vector_load %arg5[%parallel_loop3A_265, %parallel_loop3A_266] {strides = array<i32>} : memref<72x768xf32, #tpu.memory_space<vmem>>, vector<16xf32>,
      tpu.vector_store %arg5[%parallel_loop3A_265, %parallel_loop3A_266], %parallel_loop3A_262 {strides = array<i32>} : memref<72x768xf32, #tpu.memory_space<vmem>>, vector<16xf32>,
      %parallel_loop3A_268 = arith.index_cast %parallel_loop3A_161 : i32 to index
      %parallel_loop3A_269 = arith.constant 208 : index
      %parallel_loop3A_270 = tpu.vector_load %arg4[%parallel_loop3A_268, %parallel_loop3A_269] {strides = array<i32>} : memref<144x384xf32, #tpu.memory_space<vmem>>, vector<16xf32>,
      %parallel_loop3A_271 = arith.constant 13 : i32
      %parallel_loop3A_272 = arith.addi %parallel_loop3A_163, %parallel_loop3A_271 : i32
      %parallel_loop3A_273 = arith.index_cast %parallel_loop3A_272 : i32 to index
      %parallel_loop3A_274 = arith.index_cast %parallel_loop3A_156 : i32 to index
      %parallel_loop3A_275 = tpu.vector_load %arg5[%parallel_loop3A_273, %parallel_loop3A_274] {strides = array<i32>} : memref<72x768xf32, #tpu.memory_space<vmem>>, vector<16xf32>,
      tpu.vector_store %arg5[%parallel_loop3A_273, %parallel_loop3A_274], %parallel_loop3A_270 {strides = array<i32>} : memref<72x768xf32, #tpu.memory_space<vmem>>, vector<16xf32>,
      %parallel_loop3A_276 = arith.index_cast %parallel_loop3A_161 : i32 to index
      %parallel_loop3A_277 = arith.constant 224 : index
      %parallel_loop3A_278 = tpu.vector_load %arg4[%parallel_loop3A_276, %parallel_loop3A_277] {strides = array<i32>} : memref<144x384xf32, #tpu.memory_space<vmem>>, vector<16xf32>,
      %parallel_loop3A_279 = arith.constant 14 : i32
      %parallel_loop3A_280 = arith.addi %parallel_loop3A_163, %parallel_loop3A_279 : i32
      %parallel_loop3A_281 = arith.index_cast %parallel_loop3A_280 : i32 to index
      %parallel_loop3A_282 = arith.index_cast %parallel_loop3A_156 : i32 to index
      %parallel_loop3A_283 = tpu.vector_load %arg5[%parallel_loop3A_281, %parallel_loop3A_282] {strides = array<i32>} : memref<72x768xf32, #tpu.memory_space<vmem>>, vector<16xf32>,
      tpu.vector_store %arg5[%parallel_loop3A_281, %parallel_loop3A_282], %parallel_loop3A_278 {strides = array<i32>} : memref<72x768xf32, #tpu.memory_space<vmem>>, vector<16xf32>,
      %parallel_loop3A_284 = arith.index_cast %parallel_loop3A_161 : i32 to index
      %parallel_loop3A_285 = arith.constant 240 : index
      %parallel_loop3A_286 = tpu.vector_load %arg4[%parallel_loop3A_284, %parallel_loop3A_285] {strides = array<i32>} : memref<144x384xf32, #tpu.memory_space<vmem>>, vector<16xf32>,
      %parallel_loop3A_287 = arith.constant 15 : i32
      %parallel_loop3A_288 = arith.addi %parallel_loop3A_163, %parallel_loop3A_287 : i32
      %parallel_loop3A_289 = arith.index_cast %parallel_loop3A_288 : i32 to index
      %parallel_loop3A_290 = arith.index_cast %parallel_loop3A_156 : i32 to index
      %parallel_loop3A_291 = tpu.vector_load %arg5[%parallel_loop3A_289, %parallel_loop3A_290] {strides = array<i32>} : memref<72x768xf32, #tpu.memory_space<vmem>>, vector<16xf32>,
      tpu.vector_store %arg5[%parallel_loop3A_289, %parallel_loop3A_290], %parallel_loop3A_286 {strides = array<i32>} : memref<72x768xf32, #tpu.memory_space<vmem>>, vector<16xf32>,
      %parallel_loop3A_292 = arith.index_cast %parallel_loop3A_161 : i32 to index
      %parallel_loop3A_293 = arith.constant 256 : index
      %parallel_loop3A_294 = tpu.vector_load %arg4[%parallel_loop3A_292, %parallel_loop3A_293] {strides = array<i32>} : memref<144x384xf32, #tpu.memory_space<vmem>>, vector<16xf32>,
      %parallel_loop3A_295 = arith.constant 16 : i32
      %parallel_loop3A_296 = arith.addi %parallel_loop3A_163, %parallel_loop3A_295 : i32
      %parallel_loop3A_297 = arith.index_cast %parallel_loop3A_296 : i32 to index
      %parallel_loop3A_298 = arith.index_cast %parallel_loop3A_156 : i32 to index
      %parallel_loop3A_299 = tpu.vector_load %arg5[%parallel_loop3A_297, %parallel_loop3A_298] {strides = array<i32>} : memref<72x768xf32, #tpu.memory_space<vmem>>, vector<16xf32>,
      tpu.vector_store %arg5[%parallel_loop3A_297, %parallel_loop3A_298], %parallel_loop3A_294 {strides = array<i32>} : memref<72x768xf32, #tpu.memory_space<vmem>>, vector<16xf32>,
      %parallel_loop3A_300 = arith.index_cast %parallel_loop3A_161 : i32 to index
      %parallel_loop3A_301 = arith.constant 272 : index
      %parallel_loop3A_302 = tpu.vector_load %arg4[%parallel_loop3A_300, %parallel_loop3A_301] {strides = array<i32>} : memref<144x384xf32, #tpu.memory_space<vmem>>, vector<16xf32>,
      %parallel_loop3A_303 = arith.constant 17 : i32
      %parallel_loop3A_304 = arith.addi %parallel_loop3A_163, %parallel_loop3A_303 : i32
      %parallel_loop3A_305 = arith.index_cast %parallel_loop3A_304 : i32 to index
      %parallel_loop3A_306 = arith.index_cast %parallel_loop3A_156 : i32 to index
      %parallel_loop3A_307 = tpu.vector_load %arg5[%parallel_loop3A_305, %parallel_loop3A_306] {strides = array<i32>} : memref<72x768xf32, #tpu.memory_space<vmem>>, vector<16xf32>,
      tpu.vector_store %arg5[%parallel_loop3A_305, %parallel_loop3A_306], %parallel_loop3A_302 {strides = array<i32>} : memref<72x768xf32, #tpu.memory_space<vmem>>, vector<16xf32>,
      %parallel_loop3A_308 = arith.index_cast %parallel_loop3A_161 : i32 to index
      %parallel_loop3A_309 = arith.constant 288 : index
      %parallel_loop3A_310 = tpu.vector_load %arg4[%parallel_loop3A_308, %parallel_loop3A_309] {strides = array<i32>} : memref<144x384xf32, #tpu.memory_space<vmem>>, vector<16xf32>,
      %parallel_loop3A_311 = arith.constant 18 : i32
      %parallel_loop3A_312 = arith.addi %parallel_loop3A_163, %parallel_loop3A_311 : i32
      %parallel_loop3A_313 = arith.index_cast %parallel_loop3A_312 : i32 to index
      %parallel_loop3A_314 = arith.index_cast %parallel_loop3A_156 : i32 to index
      %parallel_loop3A_315 = tpu.vector_load %arg5[%parallel_loop3A_313, %parallel_loop3A_314] {strides = array<i32>} : memref<72x768xf32, #tpu.memory_space<vmem>>, vector<16xf32>,
      tpu.vector_store %arg5[%parallel_loop3A_313, %parallel_loop3A_314], %parallel_loop3A_310 {strides = array<i32>} : memref<72x768xf32, #tpu.memory_space<vmem>>, vector<16xf32>,
      %parallel_loop3A_316 = arith.index_cast %parallel_loop3A_161 : i32 to index
      %parallel_loop3A_317 = arith.constant 304 : index
      %parallel_loop3A_318 = tpu.vector_load %arg4[%parallel_loop3A_316, %parallel_loop3A_317] {strides = array<i32>} : memref<144x384xf32, #tpu.memory_space<vmem>>, vector<16xf32>,
      %parallel_loop3A_319 = arith.constant 19 : i32
      %parallel_loop3A_320 = arith.addi %parallel_loop3A_163, %parallel_loop3A_319 : i32
      %parallel_loop3A_321 = arith.index_cast %parallel_loop3A_320 : i32 to index
      %parallel_loop3A_322 = arith.index_cast %parallel_loop3A_156 : i32 to index
      %parallel_loop3A_323 = tpu.vector_load %arg5[%parallel_loop3A_321, %parallel_loop3A_322] {strides = array<i32>} : memref<72x768xf32, #tpu.memory_space<vmem>>, vector<16xf32>,
      tpu.vector_store %arg5[%parallel_loop3A_321, %parallel_loop3A_322], %parallel_loop3A_318 {strides = array<i32>} : memref<72x768xf32, #tpu.memory_space<vmem>>, vector<16xf32>,
      %parallel_loop3A_324 = arith.index_cast %parallel_loop3A_161 : i32 to index
      %parallel_loop3A_325 = arith.constant 320 : index
      %parallel_loop3A_326 = tpu.vector_load %arg4[%parallel_loop3A_324, %parallel_loop3A_325] {strides = array<i32>} : memref<144x384xf32, #tpu.memory_space<vmem>>, vector<16xf32>,
      %parallel_loop3A_327 = arith.constant 20 : i32
      %parallel_loop3A_328 = arith.addi %parallel_loop3A_163, %parallel_loop3A_327 : i32
      %parallel_loop3A_329 = arith.index_cast %parallel_loop3A_328 : i32 to index
      %parallel_loop3A_330 = arith.index_cast %parallel_loop3A_156 : i32 to index
      %parallel_loop3A_331 = tpu.vector_load %arg5[%parallel_loop3A_329, %parallel_loop3A_330] {strides = array<i32>} : memref<72x768xf32, #tpu.memory_space<vmem>>, vector<16xf32>,
      tpu.vector_store %arg5[%parallel_loop3A_329, %parallel_loop3A_330], %parallel_loop3A_326 {strides = array<i32>} : memref<72x768xf32, #tpu.memory_space<vmem>>, vector<16xf32>,
      %parallel_loop3A_332 = arith.index_cast %parallel_loop3A_161 : i32 to index
      %parallel_loop3A_333 = arith.constant 336 : index
      %parallel_loop3A_334 = tpu.vector_load %arg4[%parallel_loop3A_332, %parallel_loop3A_333] {strides = array<i32>} : memref<144x384xf32, #tpu.memory_space<vmem>>, vector<16xf32>,
      %parallel_loop3A_335 = arith.constant 21 : i32
      %parallel_loop3A_336 = arith.addi %parallel_loop3A_163, %parallel_loop3A_335 : i32
      %parallel_loop3A_337 = arith.index_cast %parallel_loop3A_336 : i32 to index
      %parallel_loop3A_338 = arith.index_cast %parallel_loop3A_156 : i32 to index
      %parallel_loop3A_339 = tpu.vector_load %arg5[%parallel_loop3A_337, %parallel_loop3A_338] {strides = array<i32>} : memref<72x768xf32, #tpu.memory_space<vmem>>, vector<16xf32>,
      tpu.vector_store %arg5[%parallel_loop3A_337, %parallel_loop3A_338], %parallel_loop3A_334 {strides = array<i32>} : memref<72x768xf32, #tpu.memory_space<vmem>>, vector<16xf32>,
      %parallel_loop3A_340 = arith.index_cast %parallel_loop3A_161 : i32 to index
      %parallel_loop3A_341 = arith.constant 352 : index
      %parallel_loop3A_342 = tpu.vector_load %arg4[%parallel_loop3A_340, %parallel_loop3A_341] {strides = array<i32>} : memref<144x384xf32, #tpu.memory_space<vmem>>, vector<16xf32>,
      %parallel_loop3A_343 = arith.constant 22 : i32
      %parallel_loop3A_344 = arith.addi %parallel_loop3A_163, %parallel_loop3A_343 : i32
      %parallel_loop3A_345 = arith.index_cast %parallel_loop3A_344 : i32 to index
      %parallel_loop3A_346 = arith.index_cast %parallel_loop3A_156 : i32 to index
      %parallel_loop3A_347 = tpu.vector_load %arg5[%parallel_loop3A_345, %parallel_loop3A_346] {strides = array<i32>} : memref<72x768xf32, #tpu.memory_space<vmem>>, vector<16xf32>,
      tpu.vector_store %arg5[%parallel_loop3A_345, %parallel_loop3A_346], %parallel_loop3A_342 {strides = array<i32>} : memref<72x768xf32, #tpu.memory_space<vmem>>, vector<16xf32>,
      %parallel_loop3A_348 = arith.index_cast %parallel_loop3A_161 : i32 to index
      %parallel_loop3A_349 = arith.constant 368 : index
      %parallel_loop3A_350 = tpu.vector_load %arg4[%parallel_loop3A_348, %parallel_loop3A_349] {strides = array<i32>} : memref<144x384xf32, #tpu.memory_space<vmem>>, vector<16xf32>,
      %parallel_loop3A_351 = arith.constant 23 : i32
      %parallel_loop3A_352 = arith.addi %parallel_loop3A_163, %parallel_loop3A_351 : i32
      %parallel_loop3A_353 = arith.index_cast %parallel_loop3A_352 : i32 to index
      %parallel_loop3A_354 = arith.index_cast %parallel_loop3A_156 : i32 to index
      %parallel_loop3A_355 = tpu.vector_load %arg5[%parallel_loop3A_353, %parallel_loop3A_354] {strides = array<i32>} : memref<72x768xf32, #tpu.memory_space<vmem>>, vector<16xf32>,
      tpu.vector_store %arg5[%parallel_loop3A_353, %parallel_loop3A_354], %parallel_loop3A_350 {strides = array<i32>} : memref<72x768xf32, #tpu.memory_space<vmem>>, vector<16xf32>,
    } {sc.loop_unroll_factor = 2 : i64, sc.parallel_access}
    %parallel_loop3A_104 = arith.constant 0 : i32
    %parallel_loop3A_105 = arith.constant 48 : i32
    %parallel_loop3A_106 = arith.constant 1 : i32
    scf.for %parallel_loop3A_112 = %parallel_loop3A_104 to %parallel_loop3A_105 step %parallel_loop3A_106  : i32 {
      %parallel_loop3A_113 = arith.constant 3 : i32
      %parallel_loop3A_114 = arith.divsi %parallel_loop3A_112, %parallel_loop3A_113 : i32
      %parallel_loop3A_115 = arith.constant 0 : i32
      %parallel_loop3A_116 = arith.cmpi sgt, %parallel_loop3A_112, %parallel_loop3A_115 : i32
      %parallel_loop3A_117 = arith.extui %parallel_loop3A_116 : i1 to i32
      %parallel_loop3A_118 = arith.constant 0 : i32
      %parallel_loop3A_119 = arith.cmpi slt, %parallel_loop3A_112, %parallel_loop3A_118 : i32
      %parallel_loop3A_120 = arith.extui %parallel_loop3A_119 : i1 to i32
      %parallel_loop3A_121 = arith.subi %parallel_loop3A_117, %parallel_loop3A_120 : i32
      %parallel_loop3A_122 = arith.constant 0 : i32
      %parallel_loop3A_123 = arith.cmpi sgt, %parallel_loop3A_113, %parallel_loop3A_122 : i32
      %parallel_loop3A_124 = arith.extui %parallel_loop3A_123 : i1 to i32
      %parallel_loop3A_125 = arith.constant 0 : i32
      %parallel_loop3A_126 = arith.cmpi slt, %parallel_loop3A_113, %parallel_loop3A_125 : i32
      %parallel_loop3A_127 = arith.extui %parallel_loop3A_126 : i1 to i32
      %parallel_loop3A_128 = arith.subi %parallel_loop3A_124, %parallel_loop3A_127 : i32
      %parallel_loop3A_129 = arith.cmpi ne, %parallel_loop3A_121, %parallel_loop3A_128 : i32
      %parallel_loop3A_130 = arith.remsi %parallel_loop3A_112, %parallel_loop3A_113 : i32
      %parallel_loop3A_131 = arith.constant 0 : i32
      %parallel_loop3A_132 = arith.cmpi ne, %parallel_loop3A_130, %parallel_loop3A_131 : i32
      %parallel_loop3A_133 = arith.andi %parallel_loop3A_129, %parallel_loop3A_132 : i1
      %parallel_loop3A_134 = arith.constant 1 : i32
      %parallel_loop3A_135 = arith.subi %parallel_loop3A_114, %parallel_loop3A_134 : i32
      %parallel_loop3A_136 = arith.select %parallel_loop3A_133, %parallel_loop3A_135, %parallel_loop3A_114 : i32
      %parallel_loop3A_137 = arith.constant 3 : i32
      %parallel_loop3A_138 = arith.constant 0 : i32
      %parallel_loop3A_139 = arith.cmpi eq, %parallel_loop3A_137, %parallel_loop3A_138 : i32
      %parallel_loop3A_140 = arith.constant 1 : i32
      %parallel_loop3A_141 = arith.select %parallel_loop3A_139, %parallel_loop3A_140, %parallel_loop3A_137 : i32
      %parallel_loop3A_142 = arith.remsi %parallel_loop3A_112, %parallel_loop3A_141 : i32
      %parallel_loop3A_143 = arith.constant 0 : i32
      %parallel_loop3A_144 = arith.cmpi ne, %parallel_loop3A_142, %parallel_loop3A_143 : i32
      %parallel_loop3A_145 = arith.constant 0 : i32
      %parallel_loop3A_146 = arith.cmpi slt, %parallel_loop3A_142, %parallel_loop3A_145 : i32
      %parallel_loop3A_147 = arith.constant 0 : i32
      %parallel_loop3A_148 = arith.cmpi slt, %parallel_loop3A_141, %parallel_loop3A_147 : i32
      %parallel_loop3A_149 = arith.xori %parallel_loop3A_146, %parallel_loop3A_148 : i1
      %parallel_loop3A_150 = arith.andi %parallel_loop3A_149, %parallel_loop3A_144 : i1
      %parallel_loop3A_151 = arith.addi %parallel_loop3A_142, %parallel_loop3A_141 : i32
      %parallel_loop3A_152 = arith.select %parallel_loop3A_150, %parallel_loop3A_151, %parallel_loop3A_142 : i32
      %parallel_loop3A_153 = arith.constant 16 : i32
      %parallel_loop3A_154 = arith.addi %parallel_loop3A_153, %parallel_loop3A_136 : i32
      %parallel_loop3A_155 = arith.constant 16 : i32
      %parallel_loop3A_156 = arith.muli %parallel_loop3A_154, %parallel_loop3A_155 : i32
      %parallel_loop3A_157 = arith.constant 16 : i32
      %parallel_loop3A_158 = arith.muli %parallel_loop3A_152, %parallel_loop3A_157 : i32
      %parallel_loop3A_159 = arith.constant 48 : i32
      %parallel_loop3A_160 = arith.addi %parallel_loop3A_159, %parallel_loop3A_158 : i32
      %parallel_loop3A_161 = arith.addi %parallel_loop3A_160, %parallel_loop3A_136 : i32
      %parallel_loop3A_162 = arith.constant 24 : i32
      %parallel_loop3A_163 = arith.muli %parallel_loop3A_152, %parallel_loop3A_162 : i32
      %parallel_loop3A_164 = arith.index_cast %parallel_loop3A_161 : i32 to index
      %parallel_loop3A_165 = arith.constant 0 : index
      %parallel_loop3A_166 = tpu.vector_load %arg4[%parallel_loop3A_164, %parallel_loop3A_165] {strides = array<i32>} : memref<144x384xf32, #tpu.memory_space<vmem>>, vector<16xf32>,
      %parallel_loop3A_167 = arith.constant 0 : i32
      %parallel_loop3A_168 = arith.addi %parallel_loop3A_163, %parallel_loop3A_167 : i32
      %parallel_loop3A_169 = arith.index_cast %parallel_loop3A_168 : i32 to index
      %parallel_loop3A_170 = arith.index_cast %parallel_loop3A_156 : i32 to index
      %parallel_loop3A_171 = tpu.vector_load %arg5[%parallel_loop3A_169, %parallel_loop3A_170] {strides = array<i32>} : memref<72x768xf32, #tpu.memory_space<vmem>>, vector<16xf32>,
      tpu.vector_store %arg5[%parallel_loop3A_169, %parallel_loop3A_170], %parallel_loop3A_166 {strides = array<i32>} : memref<72x768xf32, #tpu.memory_space<vmem>>, vector<16xf32>,
      %parallel_loop3A_172 = arith.index_cast %parallel_loop3A_161 : i32 to index
      %parallel_loop3A_173 = arith.constant 16 : index
      %parallel_loop3A_174 = tpu.vector_load %arg4[%parallel_loop3A_172, %parallel_loop3A_173] {strides = array<i32>} : memref<144x384xf32, #tpu.memory_space<vmem>>, vector<16xf32>,
      %parallel_loop3A_175 = arith.constant 1 : i32
      %parallel_loop3A_176 = arith.addi %parallel_loop3A_163, %parallel_loop3A_175 : i32
      %parallel_loop3A_177 = arith.index_cast %parallel_loop3A_176 : i32 to index
      %parallel_loop3A_178 = arith.index_cast %parallel_loop3A_156 : i32 to index
      %parallel_loop3A_179 = tpu.vector_load %arg5[%parallel_loop3A_177, %parallel_loop3A_178] {strides = array<i32>} : memref<72x768xf32, #tpu.memory_space<vmem>>, vector<16xf32>,
      tpu.vector_store %arg5[%parallel_loop3A_177, %parallel_loop3A_178], %parallel_loop3A_174 {strides = array<i32>} : memref<72x768xf32, #tpu.memory_space<vmem>>, vector<16xf32>,
      %parallel_loop3A_180 = arith.index_cast %parallel_loop3A_161 : i32 to index
      %parallel_loop3A_181 = arith.constant 32 : index
      %parallel_loop3A_182 = tpu.vector_load %arg4[%parallel_loop3A_180, %parallel_loop3A_181] {strides = array<i32>} : memref<144x384xf32, #tpu.memory_space<vmem>>, vector<16xf32>,
      %parallel_loop3A_183 = arith.constant 2 : i32
      %parallel_loop3A_184 = arith.addi %parallel_loop3A_163, %parallel_loop3A_183 : i32
      %parallel_loop3A_185 = arith.index_cast %parallel_loop3A_184 : i32 to index
      %parallel_loop3A_186 = arith.index_cast %parallel_loop3A_156 : i32 to index
      %parallel_loop3A_187 = tpu.vector_load %arg5[%parallel_loop3A_185, %parallel_loop3A_186] {strides = array<i32>} : memref<72x768xf32, #tpu.memory_space<vmem>>, vector<16xf32>,
      tpu.vector_store %arg5[%parallel_loop3A_185, %parallel_loop3A_186], %parallel_loop3A_182 {strides = array<i32>} : memref<72x768xf32, #tpu.memory_space<vmem>>, vector<16xf32>,
      %parallel_loop3A_188 = arith.index_cast %parallel_loop3A_161 : i32 to index
      %parallel_loop3A_189 = arith.constant 48 : index
      %parallel_loop3A_190 = tpu.vector_load %arg4[%parallel_loop3A_188, %parallel_loop3A_189] {strides = array<i32>} : memref<144x384xf32, #tpu.memory_space<vmem>>, vector<16xf32>,
      %parallel_loop3A_191 = arith.constant 3 : i32
      %parallel_loop3A_192 = arith.addi %parallel_loop3A_163, %parallel_loop3A_191 : i32
      %parallel_loop3A_193 = arith.index_cast %parallel_loop3A_192 : i32 to index
      %parallel_loop3A_194 = arith.index_cast %parallel_loop3A_156 : i32 to index
      %parallel_loop3A_195 = tpu.vector_load %arg5[%parallel_loop3A_193, %parallel_loop3A_194] {strides = array<i32>} : memref<72x768xf32, #tpu.memory_space<vmem>>, vector<16xf32>,
      tpu.vector_store %arg5[%parallel_loop3A_193, %parallel_loop3A_194], %parallel_loop3A_190 {strides = array<i32>} : memref<72x768xf32, #tpu.memory_space<vmem>>, vector<16xf32>,
      %parallel_loop3A_196 = arith.index_cast %parallel_loop3A_161 : i32 to index
      %parallel_loop3A_197 = arith.constant 64 : index
      %parallel_loop3A_198 = tpu.vector_load %arg4[%parallel_loop3A_196, %parallel_loop3A_197] {strides = array<i32>} : memref<144x384xf32, #tpu.memory_space<vmem>>, vector<16xf32>,
      %parallel_loop3A_199 = arith.constant 4 : i32
      %parallel_loop3A_200 = arith.addi %parallel_loop3A_163, %parallel_loop3A_199 : i32
      %parallel_loop3A_201 = arith.index_cast %parallel_loop3A_200 : i32 to index
      %parallel_loop3A_202 = arith.index_cast %parallel_loop3A_156 : i32 to index
      %parallel_loop3A_203 = tpu.vector_load %arg5[%parallel_loop3A_201, %parallel_loop3A_202] {strides = array<i32>} : memref<72x768xf32, #tpu.memory_space<vmem>>, vector<16xf32>,
      tpu.vector_store %arg5[%parallel_loop3A_201, %parallel_loop3A_202], %parallel_loop3A_198 {strides = array<i32>} : memref<72x768xf32, #tpu.memory_space<vmem>>, vector<16xf32>,
      %parallel_loop3A_204 = arith.index_cast %parallel_loop3A_161 : i32 to index
      %parallel_loop3A_205 = arith.constant 80 : index
      %parallel_loop3A_206 = tpu.vector_load %arg4[%parallel_loop3A_204, %parallel_loop3A_205] {strides = array<i32>} : memref<144x384xf32, #tpu.memory_space<vmem>>, vector<16xf32>,
      %parallel_loop3A_207 = arith.constant 5 : i32
      %parallel_loop3A_208 = arith.addi %parallel_loop3A_163, %parallel_loop3A_207 : i32
      %parallel_loop3A_209 = arith.index_cast %parallel_loop3A_208 : i32 to index
      %parallel_loop3A_210 = arith.index_cast %parallel_loop3A_156 : i32 to index
      %parallel_loop3A_211 = tpu.vector_load %arg5[%parallel_loop3A_209, %parallel_loop3A_210] {strides = array<i32>} : memref<72x768xf32, #tpu.memory_space<vmem>>, vector<16xf32>,
      tpu.vector_store %arg5[%parallel_loop3A_209, %parallel_loop3A_210], %parallel_loop3A_206 {strides = array<i32>} : memref<72x768xf32, #tpu.memory_space<vmem>>, vector<16xf32>,
      %parallel_loop3A_212 = arith.index_cast %parallel_loop3A_161 : i32 to index
      %parallel_loop3A_213 = arith.constant 96 : index
      %parallel_loop3A_214 = tpu.vector_load %arg4[%parallel_loop3A_212, %parallel_loop3A_213] {strides = array<i32>} : memref<144x384xf32, #tpu.memory_space<vmem>>, vector<16xf32>,
      %parallel_loop3A_215 = arith.constant 6 : i32
      %parallel_loop3A_216 = arith.addi %parallel_loop3A_163, %parallel_loop3A_215 : i32
      %parallel_loop3A_217 = arith.index_cast %parallel_loop3A_216 : i32 to index
      %parallel_loop3A_218 = arith.index_cast %parallel_loop3A_156 : i32 to index
      %parallel_loop3A_219 = tpu.vector_load %arg5[%parallel_loop3A_217, %parallel_loop3A_218] {strides = array<i32>} : memref<72x768xf32, #tpu.memory_space<vmem>>, vector<16xf32>,
      tpu.vector_store %arg5[%parallel_loop3A_217, %parallel_loop3A_218], %parallel_loop3A_214 {strides = array<i32>} : memref<72x768xf32, #tpu.memory_space<vmem>>, vector<16xf32>,
      %parallel_loop3A_220 = arith.index_cast %parallel_loop3A_161 : i32 to index
      %parallel_loop3A_221 = arith.constant 112 : index
      %parallel_loop3A_222 = tpu.vector_load %arg4[%parallel_loop3A_220, %parallel_loop3A_221] {strides = array<i32>} : memref<144x384xf32, #tpu.memory_space<vmem>>, vector<16xf32>,
      %parallel_loop3A_223 = arith.constant 7 : i32
      %parallel_loop3A_224 = arith.addi %parallel_loop3A_163, %parallel_loop3A_223 : i32
      %parallel_loop3A_225 = arith.index_cast %parallel_loop3A_224 : i32 to index
      %parallel_loop3A_226 = arith.index_cast %parallel_loop3A_156 : i32 to index
      %parallel_loop3A_227 = tpu.vector_load %arg5[%parallel_loop3A_225, %parallel_loop3A_226] {strides = array<i32>} : memref<72x768xf32, #tpu.memory_space<vmem>>, vector<16xf32>,
      tpu.vector_store %arg5[%parallel_loop3A_225, %parallel_loop3A_226], %parallel_loop3A_222 {strides = array<i32>} : memref<72x768xf32, #tpu.memory_space<vmem>>, vector<16xf32>,
      %parallel_loop3A_228 = arith.index_cast %parallel_loop3A_161 : i32 to index
      %parallel_loop3A_229 = arith.constant 128 : index
      %parallel_loop3A_230 = tpu.vector_load %arg4[%parallel_loop3A_228, %parallel_loop3A_229] {strides = array<i32>} : memref<144x384xf32, #tpu.memory_space<vmem>>, vector<16xf32>,
      %parallel_loop3A_231 = arith.constant 8 : i32
      %parallel_loop3A_232 = arith.addi %parallel_loop3A_163, %parallel_loop3A_231 : i32
      %parallel_loop3A_233 = arith.index_cast %parallel_loop3A_232 : i32 to index
      %parallel_loop3A_234 = arith.index_cast %parallel_loop3A_156 : i32 to index
      %parallel_loop3A_235 = tpu.vector_load %arg5[%parallel_loop3A_233, %parallel_loop3A_234] {strides = array<i32>} : memref<72x768xf32, #tpu.memory_space<vmem>>, vector<16xf32>,
      tpu.vector_store %arg5[%parallel_loop3A_233, %parallel_loop3A_234], %parallel_loop3A_230 {strides = array<i32>} : memref<72x768xf32, #tpu.memory_space<vmem>>, vector<16xf32>,
      %parallel_loop3A_236 = arith.index_cast %parallel_loop3A_161 : i32 to index
      %parallel_loop3A_237 = arith.constant 144 : index
      %parallel_loop3A_238 = tpu.vector_load %arg4[%parallel_loop3A_236, %parallel_loop3A_237] {strides = array<i32>} : memref<144x384xf32, #tpu.memory_space<vmem>>, vector<16xf32>,
      %parallel_loop3A_239 = arith.constant 9 : i32
      %parallel_loop3A_240 = arith.addi %parallel_loop3A_163, %parallel_loop3A_239 : i32
      %parallel_loop3A_241 = arith.index_cast %parallel_loop3A_240 : i32 to index
      %parallel_loop3A_242 = arith.index_cast %parallel_loop3A_156 : i32 to index
      %parallel_loop3A_243 = tpu.vector_load %arg5[%parallel_loop3A_241, %parallel_loop3A_242] {strides = array<i32>} : memref<72x768xf32, #tpu.memory_space<vmem>>, vector<16xf32>,
      tpu.vector_store %arg5[%parallel_loop3A_241, %parallel_loop3A_242], %parallel_loop3A_238 {strides = array<i32>} : memref<72x768xf32, #tpu.memory_space<vmem>>, vector<16xf32>,
      %parallel_loop3A_244 = arith.index_cast %parallel_loop3A_161 : i32 to index
      %parallel_loop3A_245 = arith.constant 160 : index
      %parallel_loop3A_246 = tpu.vector_load %arg4[%parallel_loop3A_244, %parallel_loop3A_245] {strides = array<i32>} : memref<144x384xf32, #tpu.memory_space<vmem>>, vector<16xf32>,
      %parallel_loop3A_247 = arith.constant 10 : i32
      %parallel_loop3A_248 = arith.addi %parallel_loop3A_163, %parallel_loop3A_247 : i32
      %parallel_loop3A_249 = arith.index_cast %parallel_loop3A_248 : i32 to index
      %parallel_loop3A_250 = arith.index_cast %parallel_loop3A_156 : i32 to index
      %parallel_loop3A_251 = tpu.vector_load %arg5[%parallel_loop3A_249, %parallel_loop3A_250] {strides = array<i32>} : memref<72x768xf32, #tpu.memory_space<vmem>>, vector<16xf32>,
      tpu.vector_store %arg5[%parallel_loop3A_249, %parallel_loop3A_250], %parallel_loop3A_246 {strides = array<i32>} : memref<72x768xf32, #tpu.memory_space<vmem>>, vector<16xf32>,
      %parallel_loop3A_252 = arith.index_cast %parallel_loop3A_161 : i32 to index
      %parallel_loop3A_253 = arith.constant 176 : index
      %parallel_loop3A_254 = tpu.vector_load %arg4[%parallel_loop3A_252, %parallel_loop3A_253] {strides = array<i32>} : memref<144x384xf32, #tpu.memory_space<vmem>>, vector<16xf32>,
      %parallel_loop3A_255 = arith.constant 11 : i32
      %parallel_loop3A_256 = arith.addi %parallel_loop3A_163, %parallel_loop3A_255 : i32
      %parallel_loop3A_257 = arith.index_cast %parallel_loop3A_256 : i32 to index
      %parallel_loop3A_258 = arith.index_cast %parallel_loop3A_156 : i32 to index
      %parallel_loop3A_259 = tpu.vector_load %arg5[%parallel_loop3A_257, %parallel_loop3A_258] {strides = array<i32>} : memref<72x768xf32, #tpu.memory_space<vmem>>, vector<16xf32>,
      tpu.vector_store %arg5[%parallel_loop3A_257, %parallel_loop3A_258], %parallel_loop3A_254 {strides = array<i32>} : memref<72x768xf32, #tpu.memory_space<vmem>>, vector<16xf32>,
      %parallel_loop3A_260 = arith.index_cast %parallel_loop3A_161 : i32 to index
      %parallel_loop3A_261 = arith.constant 192 : index
      %parallel_loop3A_262 = tpu.vector_load %arg4[%parallel_loop3A_260, %parallel_loop3A_261] {strides = array<i32>} : memref<144x384xf32, #tpu.memory_space<vmem>>, vector<16xf32>,
      %parallel_loop3A_263 = arith.constant 12 : i32
      %parallel_loop3A_264 = arith.addi %parallel_loop3A_163, %parallel_loop3A_263 : i32
      %parallel_loop3A_265 = arith.index_cast %parallel_loop3A_264 : i32 to index
      %parallel_loop3A_266 = arith.index_cast %parallel_loop3A_156 : i32 to index
      %parallel_loop3A_267 = tpu.vector_load %arg5[%parallel_loop3A_265, %parallel_loop3A_266] {strides = array<i32>} : memref<72x768xf32, #tpu.memory_space<vmem>>, vector<16xf32>,
      tpu.vector_store %arg5[%parallel_loop3A_265, %parallel_loop3A_266], %parallel_loop3A_262 {strides = array<i32>} : memref<72x768xf32, #tpu.memory_space<vmem>>, vector<16xf32>,
      %parallel_loop3A_268 = arith.index_cast %parallel_loop3A_161 : i32 to index
      %parallel_loop3A_269 = arith.constant 208 : index
      %parallel_loop3A_270 = tpu.vector_load %arg4[%parallel_loop3A_268, %parallel_loop3A_269] {strides = array<i32>} : memref<144x384xf32, #tpu.memory_space<vmem>>, vector<16xf32>,
      %parallel_loop3A_271 = arith.constant 13 : i32
      %parallel_loop3A_272 = arith.addi %parallel_loop3A_163, %parallel_loop3A_271 : i32
      %parallel_loop3A_273 = arith.index_cast %parallel_loop3A_272 : i32 to index
      %parallel_loop3A_274 = arith.index_cast %parallel_loop3A_156 : i32 to index
      %parallel_loop3A_275 = tpu.vector_load %arg5[%parallel_loop3A_273, %parallel_loop3A_274] {strides = array<i32>} : memref<72x768xf32, #tpu.memory_space<vmem>>, vector<16xf32>,
      tpu.vector_store %arg5[%parallel_loop3A_273, %parallel_loop3A_274], %parallel_loop3A_270 {strides = array<i32>} : memref<72x768xf32, #tpu.memory_space<vmem>>, vector<16xf32>,
      %parallel_loop3A_276 = arith.index_cast %parallel_loop3A_161 : i32 to index
      %parallel_loop3A_277 = arith.constant 224 : index
      %parallel_loop3A_278 = tpu.vector_load %arg4[%parallel_loop3A_276, %parallel_loop3A_277] {strides = array<i32>} : memref<144x384xf32, #tpu.memory_space<vmem>>, vector<16xf32>,
      %parallel_loop3A_279 = arith.constant 14 : i32
      %parallel_loop3A_280 = arith.addi %parallel_loop3A_163, %parallel_loop3A_279 : i32
      %parallel_loop3A_281 = arith.index_cast %parallel_loop3A_280 : i32 to index
      %parallel_loop3A_282 = arith.index_cast %parallel_loop3A_156 : i32 to index
      %parallel_loop3A_283 = tpu.vector_load %arg5[%parallel_loop3A_281, %parallel_loop3A_282] {strides = array<i32>} : memref<72x768xf32, #tpu.memory_space<vmem>>, vector<16xf32>,
      tpu.vector_store %arg5[%parallel_loop3A_281, %parallel_loop3A_282], %parallel_loop3A_278 {strides = array<i32>} : memref<72x768xf32, #tpu.memory_space<vmem>>, vector<16xf32>,
      %parallel_loop3A_284 = arith.index_cast %parallel_loop3A_161 : i32 to index
      %parallel_loop3A_285 = arith.constant 240 : index
      %parallel_loop3A_286 = tpu.vector_load %arg4[%parallel_loop3A_284, %parallel_loop3A_285] {strides = array<i32>} : memref<144x384xf32, #tpu.memory_space<vmem>>, vector<16xf32>,
      %parallel_loop3A_287 = arith.constant 15 : i32
      %parallel_loop3A_288 = arith.addi %parallel_loop3A_163, %parallel_loop3A_287 : i32
      %parallel_loop3A_289 = arith.index_cast %parallel_loop3A_288 : i32 to index
      %parallel_loop3A_290 = arith.index_cast %parallel_loop3A_156 : i32 to index
      %parallel_loop3A_291 = tpu.vector_load %arg5[%parallel_loop3A_289, %parallel_loop3A_290] {strides = array<i32>} : memref<72x768xf32, #tpu.memory_space<vmem>>, vector<16xf32>,
      tpu.vector_store %arg5[%parallel_loop3A_289, %parallel_loop3A_290], %parallel_loop3A_286 {strides = array<i32>} : memref<72x768xf32, #tpu.memory_space<vmem>>, vector<16xf32>,
      %parallel_loop3A_292 = arith.index_cast %parallel_loop3A_161 : i32 to index
      %parallel_loop3A_293 = arith.constant 256 : index
      %parallel_loop3A_294 = tpu.vector_load %arg4[%parallel_loop3A_292, %parallel_loop3A_293] {strides = array<i32>} : memref<144x384xf32, #tpu.memory_space<vmem>>, vector<16xf32>,
      %parallel_loop3A_295 = arith.constant 16 : i32
      %parallel_loop3A_296 = arith.addi %parallel_loop3A_163, %parallel_loop3A_295 : i32
      %parallel_loop3A_297 = arith.index_cast %parallel_loop3A_296 : i32 to index
      %parallel_loop3A_298 = arith.index_cast %parallel_loop3A_156 : i32 to index
      %parallel_loop3A_299 = tpu.vector_load %arg5[%parallel_loop3A_297, %parallel_loop3A_298] {strides = array<i32>} : memref<72x768xf32, #tpu.memory_space<vmem>>, vector<16xf32>,
      tpu.vector_store %arg5[%parallel_loop3A_297, %parallel_loop3A_298], %parallel_loop3A_294 {strides = array<i32>} : memref<72x768xf32, #tpu.memory_space<vmem>>, vector<16xf32>,
      %parallel_loop3A_300 = arith.index_cast %parallel_loop3A_161 : i32 to index
      %parallel_loop3A_301 = arith.constant 272 : index
      %parallel_loop3A_302 = tpu.vector_load %arg4[%parallel_loop3A_300, %parallel_loop3A_301] {strides = array<i32>} : memref<144x384xf32, #tpu.memory_space<vmem>>, vector<16xf32>,
      %parallel_loop3A_303 = arith.constant 17 : i32
      %parallel_loop3A_304 = arith.addi %parallel_loop3A_163, %parallel_loop3A_303 : i32
      %parallel_loop3A_305 = arith.index_cast %parallel_loop3A_304 : i32 to index
      %parallel_loop3A_306 = arith.index_cast %parallel_loop3A_156 : i32 to index
      %parallel_loop3A_307 = tpu.vector_load %arg5[%parallel_loop3A_305, %parallel_loop3A_306] {strides = array<i32>} : memref<72x768xf32, #tpu.memory_space<vmem>>, vector<16xf32>,
      tpu.vector_store %arg5[%parallel_loop3A_305, %parallel_loop3A_306], %parallel_loop3A_302 {strides = array<i32>} : memref<72x768xf32, #tpu.memory_space<vmem>>, vector<16xf32>,
      %parallel_loop3A_308 = arith.index_cast %parallel_loop3A_161 : i32 to index
      %parallel_loop3A_309 = arith.constant 288 : index
      %parallel_loop3A_310 = tpu.vector_load %arg4[%parallel_loop3A_308, %parallel_loop3A_309] {strides = array<i32>} : memref<144x384xf32, #tpu.memory_space<vmem>>, vector<16xf32>,
      %parallel_loop3A_311 = arith.constant 18 : i32
      %parallel_loop3A_312 = arith.addi %parallel_loop3A_163, %parallel_loop3A_311 : i32
      %parallel_loop3A_313 = arith.index_cast %parallel_loop3A_312 : i32 to index
      %parallel_loop3A_314 = arith.index_cast %parallel_loop3A_156 : i32 to index
      %parallel_loop3A_315 = tpu.vector_load %arg5[%parallel_loop3A_313, %parallel_loop3A_314] {strides = array<i32>} : memref<72x768xf32, #tpu.memory_space<vmem>>, vector<16xf32>,
      tpu.vector_store %arg5[%parallel_loop3A_313, %parallel_loop3A_314], %parallel_loop3A_310 {strides = array<i32>} : memref<72x768xf32, #tpu.memory_space<vmem>>, vector<16xf32>,
      %parallel_loop3A_316 = arith.index_cast %parallel_loop3A_161 : i32 to index
      %parallel_loop3A_317 = arith.constant 304 : index
      %parallel_loop3A_318 = tpu.vector_load %arg4[%parallel_loop3A_316, %parallel_loop3A_317] {strides = array<i32>} : memref<144x384xf32, #tpu.memory_space<vmem>>, vector<16xf32>,
      %parallel_loop3A_319 = arith.constant 19 : i32
      %parallel_loop3A_320 = arith.addi %parallel_loop3A_163, %parallel_loop3A_319 : i32
      %parallel_loop3A_321 = arith.index_cast %parallel_loop3A_320 : i32 to index
      %parallel_loop3A_322 = arith.index_cast %parallel_loop3A_156 : i32 to index
      %parallel_loop3A_323 = tpu.vector_load %arg5[%parallel_loop3A_321, %parallel_loop3A_322] {strides = array<i32>} : memref<72x768xf32, #tpu.memory_space<vmem>>, vector<16xf32>,
      tpu.vector_store %arg5[%parallel_loop3A_321, %parallel_loop3A_322], %parallel_loop3A_318 {strides = array<i32>} : memref<72x768xf32, #tpu.memory_space<vmem>>, vector<16xf32>,
      %parallel_loop3A_324 = arith.index_cast %parallel_loop3A_161 : i32 to index
      %parallel_loop3A_325 = arith.constant 320 : index
      %parallel_loop3A_326 = tpu.vector_load %arg4[%parallel_loop3A_324, %parallel_loop3A_325] {strides = array<i32>} : memref<144x384xf32, #tpu.memory_space<vmem>>, vector<16xf32>,
      %parallel_loop3A_327 = arith.constant 20 : i32
      %parallel_loop3A_328 = arith.addi %parallel_loop3A_163, %parallel_loop3A_327 : i32
      %parallel_loop3A_329 = arith.index_cast %parallel_loop3A_328 : i32 to index
      %parallel_loop3A_330 = arith.index_cast %parallel_loop3A_156 : i32 to index
      %parallel_loop3A_331 = tpu.vector_load %arg5[%parallel_loop3A_329, %parallel_loop3A_330] {strides = array<i32>} : memref<72x768xf32, #tpu.memory_space<vmem>>, vector<16xf32>,
      tpu.vector_store %arg5[%parallel_loop3A_329, %parallel_loop3A_330], %parallel_loop3A_326 {strides = array<i32>} : memref<72x768xf32, #tpu.memory_space<vmem>>, vector<16xf32>,
      %parallel_loop3A_332 = arith.index_cast %parallel_loop3A_161 : i32 to index
      %parallel_loop3A_333 = arith.constant 336 : index
      %parallel_loop3A_334 = tpu.vector_load %arg4[%parallel_loop3A_332, %parallel_loop3A_333] {strides = array<i32>} : memref<144x384xf32, #tpu.memory_space<vmem>>, vector<16xf32>,
      %parallel_loop3A_335 = arith.constant 21 : i32
      %parallel_loop3A_336 = arith.addi %parallel_loop3A_163, %parallel_loop3A_335 : i32
      %parallel_loop3A_337 = arith.index_cast %parallel_loop3A_336 : i32 to index
      %parallel_loop3A_338 = arith.index_cast %parallel_loop3A_156 : i32 to index
      %parallel_loop3A_339 = tpu.vector_load %arg5[%parallel_loop3A_337, %parallel_loop3A_338] {strides = array<i32>} : memref<72x768xf32, #tpu.memory_space<vmem>>, vector<16xf32>,
      tpu.vector_store %arg5[%parallel_loop3A_337, %parallel_loop3A_338], %parallel_loop3A_334 {strides = array<i32>} : memref<72x768xf32, #tpu.memory_space<vmem>>, vector<16xf32>,
      %parallel_loop3A_340 = arith.index_cast %parallel_loop3A_161 : i32 to index
      %parallel_loop3A_341 = arith.constant 352 : index
      %parallel_loop3A_342 = tpu.vector_load %arg4[%parallel_loop3A_340, %parallel_loop3A_341] {strides = array<i32>} : memref<144x384xf32, #tpu.memory_space<vmem>>, vector<16xf32>,
      %parallel_loop3A_343 = arith.constant 22 : i32
      %parallel_loop3A_344 = arith.addi %parallel_loop3A_163, %parallel_loop3A_343 : i32
      %parallel_loop3A_345 = arith.index_cast %parallel_loop3A_344 : i32 to index
      %parallel_loop3A_346 = arith.index_cast %parallel_loop3A_156 : i32 to index
      %parallel_loop3A_347 = tpu.vector_load %arg5[%parallel_loop3A_345, %parallel_loop3A_346] {strides = array<i32>} : memref<72x768xf32, #tpu.memory_space<vmem>>, vector<16xf32>,
      tpu.vector_store %arg5[%parallel_loop3A_345, %parallel_loop3A_346], %parallel_loop3A_342 {strides = array<i32>} : memref<72x768xf32, #tpu.memory_space<vmem>>, vector<16xf32>,
      %parallel_loop3A_348 = arith.index_cast %parallel_loop3A_161 : i32 to index
      %parallel_loop3A_349 = arith.constant 368 : index
      %parallel_loop3A_350 = tpu.vector_load %arg4[%parallel_loop3A_348, %parallel_loop3A_349] {strides = array<i32>} : memref<144x384xf32, #tpu.memory_space<vmem>>, vector<16xf32>,
      %parallel_loop3A_351 = arith.constant 23 : i32
      %parallel_loop3A_352 = arith.addi %parallel_loop3A_163, %parallel_loop3A_351 : i32
      %parallel_loop3A_353 = arith.index_cast %parallel_loop3A_352 : i32 to index
      %parallel_loop3A_354 = arith.index_cast %parallel_loop3A_156 : i32 to index
      %parallel_loop3A_355 = tpu.vector_load %arg5[%parallel_loop3A_353, %parallel_loop3A_354] {strides = array<i32>} : memref<72x768xf32, #tpu.memory_space<vmem>>, vector<16xf32>,
      tpu.vector_store %arg5[%parallel_loop3A_353, %parallel_loop3A_354], %parallel_loop3A_350 {strides = array<i32>} : memref<72x768xf32, #tpu.memory_space<vmem>>, vector<16xf32>,
    } {sc.loop_unroll_factor = 2 : i64, sc.parallel_access}
    %parallel_loop3A_107 = arith.constant 0 : i32
    %parallel_loop3A_108 = arith.constant 48 : i32
    %parallel_loop3A_109 = arith.constant 1 : i32
    scf.for %parallel_loop3A_112 = %parallel_loop3A_107 to %parallel_loop3A_108 step %parallel_loop3A_109  : i32 {
      %parallel_loop3A_113 = arith.constant 3 : i32
      %parallel_loop3A_114 = arith.divsi %parallel_loop3A_112, %parallel_loop3A_113 : i32
      %parallel_loop3A_115 = arith.constant 0 : i32
      %parallel_loop3A_116 = arith.cmpi sgt, %parallel_loop3A_112, %parallel_loop3A_115 : i32
      %parallel_loop3A_117 = arith.extui %parallel_loop3A_116 : i1 to i32
      %parallel_loop3A_118 = arith.constant 0 : i32
      %parallel_loop3A_119 = arith.cmpi slt, %parallel_loop3A_112, %parallel_loop3A_118 : i32
      %parallel_loop3A_120 = arith.extui %parallel_loop3A_119 : i1 to i32
      %parallel_loop3A_121 = arith.subi %parallel_loop3A_117, %parallel_loop3A_120 : i32
      %parallel_loop3A_122 = arith.constant 0 : i32
      %parallel_loop3A_123 = arith.cmpi sgt, %parallel_loop3A_113, %parallel_loop3A_122 : i32
      %parallel_loop3A_124 = arith.extui %parallel_loop3A_123 : i1 to i32
      %parallel_loop3A_125 = arith.constant 0 : i32
      %parallel_loop3A_126 = arith.cmpi slt, %parallel_loop3A_113, %parallel_loop3A_125 : i32
      %parallel_loop3A_127 = arith.extui %parallel_loop3A_126 : i1 to i32
      %parallel_loop3A_128 = arith.subi %parallel_loop3A_124, %parallel_loop3A_127 : i32
      %parallel_loop3A_129 = arith.cmpi ne, %parallel_loop3A_121, %parallel_loop3A_128 : i32
      %parallel_loop3A_130 = arith.remsi %parallel_loop3A_112, %parallel_loop3A_113 : i32
      %parallel_loop3A_131 = arith.constant 0 : i32
      %parallel_loop3A_132 = arith.cmpi ne, %parallel_loop3A_130, %parallel_loop3A_131 : i32
      %parallel_loop3A_133 = arith.andi %parallel_loop3A_129, %parallel_loop3A_132 : i1
      %parallel_loop3A_134 = arith.constant 1 : i32
      %parallel_loop3A_135 = arith.subi %parallel_loop3A_114, %parallel_loop3A_134 : i32
      %parallel_loop3A_136 = arith.select %parallel_loop3A_133, %parallel_loop3A_135, %parallel_loop3A_114 : i32
      %parallel_loop3A_137 = arith.constant 3 : i32
      %parallel_loop3A_138 = arith.constant 0 : i32
      %parallel_loop3A_139 = arith.cmpi eq, %parallel_loop3A_137, %parallel_loop3A_138 : i32
      %parallel_loop3A_140 = arith.constant 1 : i32
      %parallel_loop3A_141 = arith.select %parallel_loop3A_139, %parallel_loop3A_140, %parallel_loop3A_137 : i32
      %parallel_loop3A_142 = arith.remsi %parallel_loop3A_112, %parallel_loop3A_141 : i32
      %parallel_loop3A_143 = arith.constant 0 : i32
      %parallel_loop3A_144 = arith.cmpi ne, %parallel_loop3A_142, %parallel_loop3A_143 : i32
      %parallel_loop3A_145 = arith.constant 0 : i32
      %parallel_loop3A_146 = arith.cmpi slt, %parallel_loop3A_142, %parallel_loop3A_145 : i32
      %parallel_loop3A_147 = arith.constant 0 : i32
      %parallel_loop3A_148 = arith.cmpi slt, %parallel_loop3A_141, %parallel_loop3A_147 : i32
      %parallel_loop3A_149 = arith.xori %parallel_loop3A_146, %parallel_loop3A_148 : i1
      %parallel_loop3A_150 = arith.andi %parallel_loop3A_149, %parallel_loop3A_144 : i1
      %parallel_loop3A_151 = arith.addi %parallel_loop3A_142, %parallel_loop3A_141 : i32
      %parallel_loop3A_152 = arith.select %parallel_loop3A_150, %parallel_loop3A_151, %parallel_loop3A_142 : i32
      %parallel_loop3A_153 = arith.constant 32 : i32
      %parallel_loop3A_154 = arith.addi %parallel_loop3A_153, %parallel_loop3A_136 : i32
      %parallel_loop3A_155 = arith.constant 16 : i32
      %parallel_loop3A_156 = arith.muli %parallel_loop3A_154, %parallel_loop3A_155 : i32
      %parallel_loop3A_157 = arith.constant 16 : i32
      %parallel_loop3A_158 = arith.muli %parallel_loop3A_152, %parallel_loop3A_157 : i32
      %parallel_loop3A_159 = arith.constant 96 : i32
      %parallel_loop3A_160 = arith.addi %parallel_loop3A_159, %parallel_loop3A_158 : i32
      %parallel_loop3A_161 = arith.addi %parallel_loop3A_160, %parallel_loop3A_136 : i32
      %parallel_loop3A_162 = arith.constant 24 : i32
      %parallel_loop3A_163 = arith.muli %parallel_loop3A_152, %parallel_loop3A_162 : i32
      %parallel_loop3A_164 = arith.index_cast %parallel_loop3A_161 : i32 to index
      %parallel_loop3A_165 = arith.constant 0 : index
      %parallel_loop3A_166 = tpu.vector_load %arg4[%parallel_loop3A_164, %parallel_loop3A_165] {strides = array<i32>} : memref<144x384xf32, #tpu.memory_space<vmem>>, vector<16xf32>,
      %parallel_loop3A_167 = arith.constant 0 : i32
      %parallel_loop3A_168 = arith.addi %parallel_loop3A_163, %parallel_loop3A_167 : i32
      %parallel_loop3A_169 = arith.index_cast %parallel_loop3A_168 : i32 to index
      %parallel_loop3A_170 = arith.index_cast %parallel_loop3A_156 : i32 to index
      %parallel_loop3A_171 = tpu.vector_load %arg5[%parallel_loop3A_169, %parallel_loop3A_170] {strides = array<i32>} : memref<72x768xf32, #tpu.memory_space<vmem>>, vector<16xf32>,
      tpu.vector_store %arg5[%parallel_loop3A_169, %parallel_loop3A_170], %parallel_loop3A_166 {strides = array<i32>} : memref<72x768xf32, #tpu.memory_space<vmem>>, vector<16xf32>,
      %parallel_loop3A_172 = arith.index_cast %parallel_loop3A_161 : i32 to index
      %parallel_loop3A_173 = arith.constant 16 : index
      %parallel_loop3A_174 = tpu.vector_load %arg4[%parallel_loop3A_172, %parallel_loop3A_173] {strides = array<i32>} : memref<144x384xf32, #tpu.memory_space<vmem>>, vector<16xf32>,
      %parallel_loop3A_175 = arith.constant 1 : i32
      %parallel_loop3A_176 = arith.addi %parallel_loop3A_163, %parallel_loop3A_175 : i32
      %parallel_loop3A_177 = arith.index_cast %parallel_loop3A_176 : i32 to index
      %parallel_loop3A_178 = arith.index_cast %parallel_loop3A_156 : i32 to index
      %parallel_loop3A_179 = tpu.vector_load %arg5[%parallel_loop3A_177, %parallel_loop3A_178] {strides = array<i32>} : memref<72x768xf32, #tpu.memory_space<vmem>>, vector<16xf32>,
      tpu.vector_store %arg5[%parallel_loop3A_177, %parallel_loop3A_178], %parallel_loop3A_174 {strides = array<i32>} : memref<72x768xf32, #tpu.memory_space<vmem>>, vector<16xf32>,
      %parallel_loop3A_180 = arith.index_cast %parallel_loop3A_161 : i32 to index
      %parallel_loop3A_181 = arith.constant 32 : index
      %parallel_loop3A_182 = tpu.vector_load %arg4[%parallel_loop3A_180, %parallel_loop3A_181] {strides = array<i32>} : memref<144x384xf32, #tpu.memory_space<vmem>>, vector<16xf32>,
      %parallel_loop3A_183 = arith.constant 2 : i32
      %parallel_loop3A_184 = arith.addi %parallel_loop3A_163, %parallel_loop3A_183 : i32
      %parallel_loop3A_185 = arith.index_cast %parallel_loop3A_184 : i32 to index
      %parallel_loop3A_186 = arith.index_cast %parallel_loop3A_156 : i32 to index
      %parallel_loop3A_187 = tpu.vector_load %arg5[%parallel_loop3A_185, %parallel_loop3A_186] {strides = array<i32>} : memref<72x768xf32, #tpu.memory_space<vmem>>, vector<16xf32>,
      tpu.vector_store %arg5[%parallel_loop3A_185, %parallel_loop3A_186], %parallel_loop3A_182 {strides = array<i32>} : memref<72x768xf32, #tpu.memory_space<vmem>>, vector<16xf32>,
      %parallel_loop3A_188 = arith.index_cast %parallel_loop3A_161 : i32 to index
      %parallel_loop3A_189 = arith.constant 48 : index
      %parallel_loop3A_190 = tpu.vector_load %arg4[%parallel_loop3A_188, %parallel_loop3A_189] {strides = array<i32>} : memref<144x384xf32, #tpu.memory_space<vmem>>, vector<16xf32>,
      %parallel_loop3A_191 = arith.constant 3 : i32
      %parallel_loop3A_192 = arith.addi %parallel_loop3A_163, %parallel_loop3A_191 : i32
      %parallel_loop3A_193 = arith.index_cast %parallel_loop3A_192 : i32 to index
      %parallel_loop3A_194 = arith.index_cast %parallel_loop3A_156 : i32 to index
      %parallel_loop3A_195 = tpu.vector_load %arg5[%parallel_loop3A_193, %parallel_loop3A_194] {strides = array<i32>} : memref<72x768xf32, #tpu.memory_space<vmem>>, vector<16xf32>,
      tpu.vector_store %arg5[%parallel_loop3A_193, %parallel_loop3A_194], %parallel_loop3A_190 {strides = array<i32>} : memref<72x768xf32, #tpu.memory_space<vmem>>, vector<16xf32>,
      %parallel_loop3A_196 = arith.index_cast %parallel_loop3A_161 : i32 to index
      %parallel_loop3A_197 = arith.constant 64 : index
      %parallel_loop3A_198 = tpu.vector_load %arg4[%parallel_loop3A_196, %parallel_loop3A_197] {strides = array<i32>} : memref<144x384xf32, #tpu.memory_space<vmem>>, vector<16xf32>,
      %parallel_loop3A_199 = arith.constant 4 : i32
      %parallel_loop3A_200 = arith.addi %parallel_loop3A_163, %parallel_loop3A_199 : i32
      %parallel_loop3A_201 = arith.index_cast %parallel_loop3A_200 : i32 to index
      %parallel_loop3A_202 = arith.index_cast %parallel_loop3A_156 : i32 to index
      %parallel_loop3A_203 = tpu.vector_load %arg5[%parallel_loop3A_201, %parallel_loop3A_202] {strides = array<i32>} : memref<72x768xf32, #tpu.memory_space<vmem>>, vector<16xf32>,
      tpu.vector_store %arg5[%parallel_loop3A_201, %parallel_loop3A_202], %parallel_loop3A_198 {strides = array<i32>} : memref<72x768xf32, #tpu.memory_space<vmem>>, vector<16xf32>,
      %parallel_loop3A_204 = arith.index_cast %parallel_loop3A_161 : i32 to index
      %parallel_loop3A_205 = arith.constant 80 : index
      %parallel_loop3A_206 = tpu.vector_load %arg4[%parallel_loop3A_204, %parallel_loop3A_205] {strides = array<i32>} : memref<144x384xf32, #tpu.memory_space<vmem>>, vector<16xf32>,
      %parallel_loop3A_207 = arith.constant 5 : i32
      %parallel_loop3A_208 = arith.addi %parallel_loop3A_163, %parallel_loop3A_207 : i32
      %parallel_loop3A_209 = arith.index_cast %parallel_loop3A_208 : i32 to index
      %parallel_loop3A_210 = arith.index_cast %parallel_loop3A_156 : i32 to index
      %parallel_loop3A_211 = tpu.vector_load %arg5[%parallel_loop3A_209, %parallel_loop3A_210] {strides = array<i32>} : memref<72x768xf32, #tpu.memory_space<vmem>>, vector<16xf32>,
      tpu.vector_store %arg5[%parallel_loop3A_209, %parallel_loop3A_210], %parallel_loop3A_206 {strides = array<i32>} : memref<72x768xf32, #tpu.memory_space<vmem>>, vector<16xf32>,
      %parallel_loop3A_212 = arith.index_cast %parallel_loop3A_161 : i32 to index
      %parallel_loop3A_213 = arith.constant 96 : index
      %parallel_loop3A_214 = tpu.vector_load %arg4[%parallel_loop3A_212, %parallel_loop3A_213] {strides = array<i32>} : memref<144x384xf32, #tpu.memory_space<vmem>>, vector<16xf32>,
      %parallel_loop3A_215 = arith.constant 6 : i32
      %parallel_loop3A_216 = arith.addi %parallel_loop3A_163, %parallel_loop3A_215 : i32
      %parallel_loop3A_217 = arith.index_cast %parallel_loop3A_216 : i32 to index
      %parallel_loop3A_218 = arith.index_cast %parallel_loop3A_156 : i32 to index
      %parallel_loop3A_219 = tpu.vector_load %arg5[%parallel_loop3A_217, %parallel_loop3A_218] {strides = array<i32>} : memref<72x768xf32, #tpu.memory_space<vmem>>, vector<16xf32>,
      tpu.vector_store %arg5[%parallel_loop3A_217, %parallel_loop3A_218], %parallel_loop3A_214 {strides = array<i32>} : memref<72x768xf32, #tpu.memory_space<vmem>>, vector<16xf32>,
      %parallel_loop3A_220 = arith.index_cast %parallel_loop3A_161 : i32 to index
      %parallel_loop3A_221 = arith.constant 112 : index
      %parallel_loop3A_222 = tpu.vector_load %arg4[%parallel_loop3A_220, %parallel_loop3A_221] {strides = array<i32>} : memref<144x384xf32, #tpu.memory_space<vmem>>, vector<16xf32>,
      %parallel_loop3A_223 = arith.constant 7 : i32
      %parallel_loop3A_224 = arith.addi %parallel_loop3A_163, %parallel_loop3A_223 : i32
      %parallel_loop3A_225 = arith.index_cast %parallel_loop3A_224 : i32 to index
      %parallel_loop3A_226 = arith.index_cast %parallel_loop3A_156 : i32 to index
      %parallel_loop3A_227 = tpu.vector_load %arg5[%parallel_loop3A_225, %parallel_loop3A_226] {strides = array<i32>} : memref<72x768xf32, #tpu.memory_space<vmem>>, vector<16xf32>,
      tpu.vector_store %arg5[%parallel_loop3A_225, %parallel_loop3A_226], %parallel_loop3A_222 {strides = array<i32>} : memref<72x768xf32, #tpu.memory_space<vmem>>, vector<16xf32>,
      %parallel_loop3A_228 = arith.index_cast %parallel_loop3A_161 : i32 to index
      %parallel_loop3A_229 = arith.constant 128 : index
      %parallel_loop3A_230 = tpu.vector_load %arg4[%parallel_loop3A_228, %parallel_loop3A_229] {strides = array<i32>} : memref<144x384xf32, #tpu.memory_space<vmem>>, vector<16xf32>,
      %parallel_loop3A_231 = arith.constant 8 : i32
      %parallel_loop3A_232 = arith.addi %parallel_loop3A_163, %parallel_loop3A_231 : i32
      %parallel_loop3A_233 = arith.index_cast %parallel_loop3A_232 : i32 to index
      %parallel_loop3A_234 = arith.index_cast %parallel_loop3A_156 : i32 to index
      %parallel_loop3A_235 = tpu.vector_load %arg5[%parallel_loop3A_233, %parallel_loop3A_234] {strides = array<i32>} : memref<72x768xf32, #tpu.memory_space<vmem>>, vector<16xf32>,
      tpu.vector_store %arg5[%parallel_loop3A_233, %parallel_loop3A_234], %parallel_loop3A_230 {strides = array<i32>} : memref<72x768xf32, #tpu.memory_space<vmem>>, vector<16xf32>,
      %parallel_loop3A_236 = arith.index_cast %parallel_loop3A_161 : i32 to index
      %parallel_loop3A_237 = arith.constant 144 : index
      %parallel_loop3A_238 = tpu.vector_load %arg4[%parallel_loop3A_236, %parallel_loop3A_237] {strides = array<i32>} : memref<144x384xf32, #tpu.memory_space<vmem>>, vector<16xf32>,
      %parallel_loop3A_239 = arith.constant 9 : i32
      %parallel_loop3A_240 = arith.addi %parallel_loop3A_163, %parallel_loop3A_239 : i32
      %parallel_loop3A_241 = arith.index_cast %parallel_loop3A_240 : i32 to index
      %parallel_loop3A_242 = arith.index_cast %parallel_loop3A_156 : i32 to index
      %parallel_loop3A_243 = tpu.vector_load %arg5[%parallel_loop3A_241, %parallel_loop3A_242] {strides = array<i32>} : memref<72x768xf32, #tpu.memory_space<vmem>>, vector<16xf32>,
      tpu.vector_store %arg5[%parallel_loop3A_241, %parallel_loop3A_242], %parallel_loop3A_238 {strides = array<i32>} : memref<72x768xf32, #tpu.memory_space<vmem>>, vector<16xf32>,
      %parallel_loop3A_244 = arith.index_cast %parallel_loop3A_161 : i32 to index
      %parallel_loop3A_245 = arith.constant 160 : index
      %parallel_loop3A_246 = tpu.vector_load %arg4[%parallel_loop3A_244, %parallel_loop3A_245] {strides = array<i32>} : memref<144x384xf32, #tpu.memory_space<vmem>>, vector<16xf32>,
      %parallel_loop3A_247 = arith.constant 10 : i32
      %parallel_loop3A_248 = arith.addi %parallel_loop3A_163, %parallel_loop3A_247 : i32
      %parallel_loop3A_249 = arith.index_cast %parallel_loop3A_248 : i32 to index
      %parallel_loop3A_250 = arith.index_cast %parallel_loop3A_156 : i32 to index
      %parallel_loop3A_251 = tpu.vector_load %arg5[%parallel_loop3A_249, %parallel_loop3A_250] {strides = array<i32>} : memref<72x768xf32, #tpu.memory_space<vmem>>, vector<16xf32>,
      tpu.vector_store %arg5[%parallel_loop3A_249, %parallel_loop3A_250], %parallel_loop3A_246 {strides = array<i32>} : memref<72x768xf32, #tpu.memory_space<vmem>>, vector<16xf32>,
      %parallel_loop3A_252 = arith.index_cast %parallel_loop3A_161 : i32 to index
      %parallel_loop3A_253 = arith.constant 176 : index
      %parallel_loop3A_254 = tpu.vector_load %arg4[%parallel_loop3A_252, %parallel_loop3A_253] {strides = array<i32>} : memref<144x384xf32, #tpu.memory_space<vmem>>, vector<16xf32>,
      %parallel_loop3A_255 = arith.constant 11 : i32
      %parallel_loop3A_256 = arith.addi %parallel_loop3A_163, %parallel_loop3A_255 : i32
      %parallel_loop3A_257 = arith.index_cast %parallel_loop3A_256 : i32 to index
      %parallel_loop3A_258 = arith.index_cast %parallel_loop3A_156 : i32 to index
      %parallel_loop3A_259 = tpu.vector_load %arg5[%parallel_loop3A_257, %parallel_loop3A_258] {strides = array<i32>} : memref<72x768xf32, #tpu.memory_space<vmem>>, vector<16xf32>,
      tpu.vector_store %arg5[%parallel_loop3A_257, %parallel_loop3A_258], %parallel_loop3A_254 {strides = array<i32>} : memref<72x768xf32, #tpu.memory_space<vmem>>, vector<16xf32>,
      %parallel_loop3A_260 = arith.index_cast %parallel_loop3A_161 : i32 to index
      %parallel_loop3A_261 = arith.constant 192 : index
      %parallel_loop3A_262 = tpu.vector_load %arg4[%parallel_loop3A_260, %parallel_loop3A_261] {strides = array<i32>} : memref<144x384xf32, #tpu.memory_space<vmem>>, vector<16xf32>,
      %parallel_loop3A_263 = arith.constant 12 : i32
      %parallel_loop3A_264 = arith.addi %parallel_loop3A_163, %parallel_loop3A_263 : i32
      %parallel_loop3A_265 = arith.index_cast %parallel_loop3A_264 : i32 to index
      %parallel_loop3A_266 = arith.index_cast %parallel_loop3A_156 : i32 to index
      %parallel_loop3A_267 = tpu.vector_load %arg5[%parallel_loop3A_265, %parallel_loop3A_266] {strides = array<i32>} : memref<72x768xf32, #tpu.memory_space<vmem>>, vector<16xf32>,
      tpu.vector_store %arg5[%parallel_loop3A_265, %parallel_loop3A_266], %parallel_loop3A_262 {strides = array<i32>} : memref<72x768xf32, #tpu.memory_space<vmem>>, vector<16xf32>,
      %parallel_loop3A_268 = arith.index_cast %parallel_loop3A_161 : i32 to index
      %parallel_loop3A_269 = arith.constant 208 : index
      %parallel_loop3A_270 = tpu.vector_load %arg4[%parallel_loop3A_268, %parallel_loop3A_269] {strides = array<i32>} : memref<144x384xf32, #tpu.memory_space<vmem>>, vector<16xf32>,
      %parallel_loop3A_271 = arith.constant 13 : i32
      %parallel_loop3A_272 = arith.addi %parallel_loop3A_163, %parallel_loop3A_271 : i32
      %parallel_loop3A_273 = arith.index_cast %parallel_loop3A_272 : i32 to index
      %parallel_loop3A_274 = arith.index_cast %parallel_loop3A_156 : i32 to index
      %parallel_loop3A_275 = tpu.vector_load %arg5[%parallel_loop3A_273, %parallel_loop3A_274] {strides = array<i32>} : memref<72x768xf32, #tpu.memory_space<vmem>>, vector<16xf32>,
      tpu.vector_store %arg5[%parallel_loop3A_273, %parallel_loop3A_274], %parallel_loop3A_270 {strides = array<i32>} : memref<72x768xf32, #tpu.memory_space<vmem>>, vector<16xf32>,
      %parallel_loop3A_276 = arith.index_cast %parallel_loop3A_161 : i32 to index
      %parallel_loop3A_277 = arith.constant 224 : index
      %parallel_loop3A_278 = tpu.vector_load %arg4[%parallel_loop3A_276, %parallel_loop3A_277] {strides = array<i32>} : memref<144x384xf32, #tpu.memory_space<vmem>>, vector<16xf32>,
      %parallel_loop3A_279 = arith.constant 14 : i32
      %parallel_loop3A_280 = arith.addi %parallel_loop3A_163, %parallel_loop3A_279 : i32
      %parallel_loop3A_281 = arith.index_cast %parallel_loop3A_280 : i32 to index
      %parallel_loop3A_282 = arith.index_cast %parallel_loop3A_156 : i32 to index
      %parallel_loop3A_283 = tpu.vector_load %arg5[%parallel_loop3A_281, %parallel_loop3A_282] {strides = array<i32>} : memref<72x768xf32, #tpu.memory_space<vmem>>, vector<16xf32>,
      tpu.vector_store %arg5[%parallel_loop3A_281, %parallel_loop3A_282], %parallel_loop3A_278 {strides = array<i32>} : memref<72x768xf32, #tpu.memory_space<vmem>>, vector<16xf32>,
      %parallel_loop3A_284 = arith.index_cast %parallel_loop3A_161 : i32 to index
      %parallel_loop3A_285 = arith.constant 240 : index
      %parallel_loop3A_286 = tpu.vector_load %arg4[%parallel_loop3A_284, %parallel_loop3A_285] {strides = array<i32>} : memref<144x384xf32, #tpu.memory_space<vmem>>, vector<16xf32>,
      %parallel_loop3A_287 = arith.constant 15 : i32
      %parallel_loop3A_288 = arith.addi %parallel_loop3A_163, %parallel_loop3A_287 : i32
      %parallel_loop3A_289 = arith.index_cast %parallel_loop3A_288 : i32 to index
      %parallel_loop3A_290 = arith.index_cast %parallel_loop3A_156 : i32 to index
      %parallel_loop3A_291 = tpu.vector_load %arg5[%parallel_loop3A_289, %parallel_loop3A_290] {strides = array<i32>} : memref<72x768xf32, #tpu.memory_space<vmem>>, vector<16xf32>,
      tpu.vector_store %arg5[%parallel_loop3A_289, %parallel_loop3A_290], %parallel_loop3A_286 {strides = array<i32>} : memref<72x768xf32, #tpu.memory_space<vmem>>, vector<16xf32>,
      %parallel_loop3A_292 = arith.index_cast %parallel_loop3A_161 : i32 to index
      %parallel_loop3A_293 = arith.constant 256 : index
      %parallel_loop3A_294 = tpu.vector_load %arg4[%parallel_loop3A_292, %parallel_loop3A_293] {strides = array<i32>} : memref<144x384xf32, #tpu.memory_space<vmem>>, vector<16xf32>,
      %parallel_loop3A_295 = arith.constant 16 : i32
      %parallel_loop3A_296 = arith.addi %parallel_loop3A_163, %parallel_loop3A_295 : i32
      %parallel_loop3A_297 = arith.index_cast %parallel_loop3A_296 : i32 to index
      %parallel_loop3A_298 = arith.index_cast %parallel_loop3A_156 : i32 to index
      %parallel_loop3A_299 = tpu.vector_load %arg5[%parallel_loop3A_297, %parallel_loop3A_298] {strides = array<i32>} : memref<72x768xf32, #tpu.memory_space<vmem>>, vector<16xf32>,
      tpu.vector_store %arg5[%parallel_loop3A_297, %parallel_loop3A_298], %parallel_loop3A_294 {strides = array<i32>} : memref<72x768xf32, #tpu.memory_space<vmem>>, vector<16xf32>,
      %parallel_loop3A_300 = arith.index_cast %parallel_loop3A_161 : i32 to index
      %parallel_loop3A_301 = arith.constant 272 : index
      %parallel_loop3A_302 = tpu.vector_load %arg4[%parallel_loop3A_300, %parallel_loop3A_301] {strides = array<i32>} : memref<144x384xf32, #tpu.memory_space<vmem>>, vector<16xf32>,
      %parallel_loop3A_303 = arith.constant 17 : i32
      %parallel_loop3A_304 = arith.addi %parallel_loop3A_163, %parallel_loop3A_303 : i32
      %parallel_loop3A_305 = arith.index_cast %parallel_loop3A_304 : i32 to index
      %parallel_loop3A_306 = arith.index_cast %parallel_loop3A_156 : i32 to index
      %parallel_loop3A_307 = tpu.vector_load %arg5[%parallel_loop3A_305, %parallel_loop3A_306] {strides = array<i32>} : memref<72x768xf32, #tpu.memory_space<vmem>>, vector<16xf32>,
      tpu.vector_store %arg5[%parallel_loop3A_305, %parallel_loop3A_306], %parallel_loop3A_302 {strides = array<i32>} : memref<72x768xf32, #tpu.memory_space<vmem>>, vector<16xf32>,
      %parallel_loop3A_308 = arith.index_cast %parallel_loop3A_161 : i32 to index
      %parallel_loop3A_309 = arith.constant 288 : index
      %parallel_loop3A_310 = tpu.vector_load %arg4[%parallel_loop3A_308, %parallel_loop3A_309] {strides = array<i32>} : memref<144x384xf32, #tpu.memory_space<vmem>>, vector<16xf32>,
      %parallel_loop3A_311 = arith.constant 18 : i32
      %parallel_loop3A_312 = arith.addi %parallel_loop3A_163, %parallel_loop3A_311 : i32
      %parallel_loop3A_313 = arith.index_cast %parallel_loop3A_312 : i32 to index
      %parallel_loop3A_314 = arith.index_cast %parallel_loop3A_156 : i32 to index
      %parallel_loop3A_315 = tpu.vector_load %arg5[%parallel_loop3A_313, %parallel_loop3A_314] {strides = array<i32>} : memref<72x768xf32, #tpu.memory_space<vmem>>, vector<16xf32>,
      tpu.vector_store %arg5[%parallel_loop3A_313, %parallel_loop3A_314], %parallel_loop3A_310 {strides = array<i32>} : memref<72x768xf32, #tpu.memory_space<vmem>>, vector<16xf32>,
      %parallel_loop3A_316 = arith.index_cast %parallel_loop3A_161 : i32 to index
      %parallel_loop3A_317 = arith.constant 304 : index
      %parallel_loop3A_318 = tpu.vector_load %arg4[%parallel_loop3A_316, %parallel_loop3A_317] {strides = array<i32>} : memref<144x384xf32, #tpu.memory_space<vmem>>, vector<16xf32>,
      %parallel_loop3A_319 = arith.constant 19 : i32
      %parallel_loop3A_320 = arith.addi %parallel_loop3A_163, %parallel_loop3A_319 : i32
      %parallel_loop3A_321 = arith.index_cast %parallel_loop3A_320 : i32 to index
      %parallel_loop3A_322 = arith.index_cast %parallel_loop3A_156 : i32 to index
      %parallel_loop3A_323 = tpu.vector_load %arg5[%parallel_loop3A_321, %parallel_loop3A_322] {strides = array<i32>} : memref<72x768xf32, #tpu.memory_space<vmem>>, vector<16xf32>,
      tpu.vector_store %arg5[%parallel_loop3A_321, %parallel_loop3A_322], %parallel_loop3A_318 {strides = array<i32>} : memref<72x768xf32, #tpu.memory_space<vmem>>, vector<16xf32>,
      %parallel_loop3A_324 = arith.index_cast %parallel_loop3A_161 : i32 to index
      %parallel_loop3A_325 = arith.constant 320 : index
      %parallel_loop3A_326 = tpu.vector_load %arg4[%parallel_loop3A_324, %parallel_loop3A_325] {strides = array<i32>} : memref<144x384xf32, #tpu.memory_space<vmem>>, vector<16xf32>,
      %parallel_loop3A_327 = arith.constant 20 : i32
      %parallel_loop3A_328 = arith.addi %parallel_loop3A_163, %parallel_loop3A_327 : i32
      %parallel_loop3A_329 = arith.index_cast %parallel_loop3A_328 : i32 to index
      %parallel_loop3A_330 = arith.index_cast %parallel_loop3A_156 : i32 to index
      %parallel_loop3A_331 = tpu.vector_load %arg5[%parallel_loop3A_329, %parallel_loop3A_330] {strides = array<i32>} : memref<72x768xf32, #tpu.memory_space<vmem>>, vector<16xf32>,
      tpu.vector_store %arg5[%parallel_loop3A_329, %parallel_loop3A_330], %parallel_loop3A_326 {strides = array<i32>} : memref<72x768xf32, #tpu.memory_space<vmem>>, vector<16xf32>,
      %parallel_loop3A_332 = arith.index_cast %parallel_loop3A_161 : i32 to index
      %parallel_loop3A_333 = arith.constant 336 : index
      %parallel_loop3A_334 = tpu.vector_load %arg4[%parallel_loop3A_332, %parallel_loop3A_333] {strides = array<i32>} : memref<144x384xf32, #tpu.memory_space<vmem>>, vector<16xf32>,
      %parallel_loop3A_335 = arith.constant 21 : i32
      %parallel_loop3A_336 = arith.addi %parallel_loop3A_163, %parallel_loop3A_335 : i32
      %parallel_loop3A_337 = arith.index_cast %parallel_loop3A_336 : i32 to index
      %parallel_loop3A_338 = arith.index_cast %parallel_loop3A_156 : i32 to index
      %parallel_loop3A_339 = tpu.vector_load %arg5[%parallel_loop3A_337, %parallel_loop3A_338] {strides = array<i32>} : memref<72x768xf32, #tpu.memory_space<vmem>>, vector<16xf32>,
      tpu.vector_store %arg5[%parallel_loop3A_337, %parallel_loop3A_338], %parallel_loop3A_334 {strides = array<i32>} : memref<72x768xf32, #tpu.memory_space<vmem>>, vector<16xf32>,
      %parallel_loop3A_340 = arith.index_cast %parallel_loop3A_161 : i32 to index
      %parallel_loop3A_341 = arith.constant 352 : index
      %parallel_loop3A_342 = tpu.vector_load %arg4[%parallel_loop3A_340, %parallel_loop3A_341] {strides = array<i32>} : memref<144x384xf32, #tpu.memory_space<vmem>>, vector<16xf32>,
      %parallel_loop3A_343 = arith.constant 22 : i32
      %parallel_loop3A_344 = arith.addi %parallel_loop3A_163, %parallel_loop3A_343 : i32
      %parallel_loop3A_345 = arith.index_cast %parallel_loop3A_344 : i32 to index
      %parallel_loop3A_346 = arith.index_cast %parallel_loop3A_156 : i32 to index
      %parallel_loop3A_347 = tpu.vector_load %arg5[%parallel_loop3A_345, %parallel_loop3A_346] {strides = array<i32>} : memref<72x768xf32, #tpu.memory_space<vmem>>, vector<16xf32>,
      tpu.vector_store %arg5[%parallel_loop3A_345, %parallel_loop3A_346], %parallel_loop3A_342 {strides = array<i32>} : memref<72x768xf32, #tpu.memory_space<vmem>>, vector<16xf32>,
      %parallel_loop3A_348 = arith.index_cast %parallel_loop3A_161 : i32 to index
      %parallel_loop3A_349 = arith.constant 368 : index
      %parallel_loop3A_350 = tpu.vector_load %arg4[%parallel_loop3A_348, %parallel_loop3A_349] {strides = array<i32>} : memref<144x384xf32, #tpu.memory_space<vmem>>, vector<16xf32>,
      %parallel_loop3A_351 = arith.constant 23 : i32
      %parallel_loop3A_352 = arith.addi %parallel_loop3A_163, %parallel_loop3A_351 : i32
      %parallel_loop3A_353 = arith.index_cast %parallel_loop3A_352 : i32 to index
      %parallel_loop3A_354 = arith.index_cast %parallel_loop3A_156 : i32 to index
      %parallel_loop3A_355 = tpu.vector_load %arg5[%parallel_loop3A_353, %parallel_loop3A_354] {strides = array<i32>} : memref<72x768xf32, #tpu.memory_space<vmem>>, vector<16xf32>,
      tpu.vector_store %arg5[%parallel_loop3A_353, %parallel_loop3A_354], %parallel_loop3A_350 {strides = array<i32>} : memref<72x768xf32, #tpu.memory_space<vmem>>, vector<16xf32>,
    } {sc.loop_unroll_factor = 2 : i64, sc.parallel_access}
    %mul3A_110 = arith.constant 24 : i32
    %mul3A_111 = arith.muli %add3A_73, %mul3A_110 : i32
    "tpu.region"() ({
      %run_scoped3A = tpu.sem_alloc : memref<!tpu.dma_semaphore, #tpu.memory_space<semaphore_mem>>
      %dma_start3A = arith.constant 0 : i32
      %dma_start3A_112 = tpu.memref_slice %arg3[%select_n3A, %mul3A_111, %dma_start3A] : memref<8x576x768xf32, #tpu.memory_space<hbm>> -> memref<1x72x768xf32, #tpu.memory_space<hbm>>
      %dma_start3A_113 = tpu.memref_squeeze %dma_start3A_112 : memref<1x72x768xf32, #tpu.memory_space<hbm>> -> memref<72x768xf32, #tpu.memory_space<hbm>>
      %dma_start3A_114 = arith.constant 0 : i32
      %dma_start3A_115 = tpu.memref_slice %arg3[%select_n3A, %mul3A_111, %dma_start3A_114] : memref<8x576x768xf32, #tpu.memory_space<hbm>> -> memref<1x72x768xf32, #tpu.memory_space<hbm>>
      %dma_start3A_116 = tpu.memref_squeeze %dma_start3A_115 : memref<1x72x768xf32, #tpu.memory_space<hbm>> -> memref<72x768xf32, #tpu.memory_space<hbm>>
      tpu.enqueue_dma source(%arg5 : memref<72x768xf32, #tpu.memory_space<vmem>>) target(%dma_start3A_116 : memref<72x768xf32, #tpu.memory_space<hbm>>) target_semaphore(%run_scoped3A : memref<!tpu.dma_semaphore, #tpu.memory_space<semaphore_mem>>)
      %dma_wait3A = arith.constant 0 : i32
      %dma_wait3A_117 = tpu.memref_slice %arg3[%select_n3A, %mul3A_111, %dma_wait3A] : memref<8x576x768xf32, #tpu.memory_space<hbm>> -> memref<1x72x768xf32, #tpu.memory_space<hbm>>
      %dma_wait3A_118 = tpu.memref_squeeze %dma_wait3A_117 : memref<1x72x768xf32, #tpu.memory_space<hbm>> -> memref<72x768xf32, #tpu.memory_space<hbm>>
      %dma_wait3A_119 = arith.constant 0 : i32
      %dma_wait3A_120 = tpu.memref_slice %arg3[%select_n3A, %mul3A_111, %dma_wait3A_119] : memref<8x576x768xf32, #tpu.memory_space<hbm>> -> memref<1x72x768xf32, #tpu.memory_space<hbm>>
      %dma_wait3A_121 = tpu.memref_squeeze %dma_wait3A_120 : memref<1x72x768xf32, #tpu.memory_space<hbm>> -> memref<72x768xf32, #tpu.memory_space<hbm>>
      tpu.wait_dma2 semaphore(%run_scoped3A : memref<!tpu.dma_semaphore, #tpu.memory_space<semaphore_mem>>) src(%arg5 : memref<72x768xf32, #tpu.memory_space<vmem>>) dst(%dma_wait3A_121 : memref<72x768xf32, #tpu.memory_space<hbm>>)
      tpu.yield
    }) : () -> ()
    return
  }
}

#map = affine_map<(d0, d1) -> (0, 0, 0)>
module attributes {stable_mosaic.version = 14 : i64} {
  func.func @_sc_adj(%arg0: i32, %arg1: i32, %arg2: memref<8x576x16xi32, #tpu.memory_space<hbm>>, %arg3: memref<8x576x576xf32, #tpu.memory_space<hbm>>, %arg4: memref<144x16xi32, #tpu.memory_space<vmem>>, %arg5: memref<144x576xf32, #tpu.memory_space<vmem>>) attributes {dimension_semantics = [#tpu.dimension_semantics<core_parallel>, #tpu.dimension_semantics<subcore_parallel>], iteration_bounds = array<i64: 2, 16>, scalar_prefetch = 0 : i64, scratch_operands = 2 : i64, tpu.core_type = #tpu.core_type<sc_vector_subcore>, window_params = [{transform_indices = #map}, {transform_indices = #map}]} {
    %mul3A = arith.constant 2 : i32
    %mul3A_0 = arith.muli %arg1, %mul3A : i32
    %add3A = arith.addi %mul3A_0, %arg0 : i32
    %jit3A = arith.constant 4 : i32
    %div3A = arith.divsi %add3A, %jit3A : i32
    %sign3A = arith.constant 0 : i32
    %sign3A_1 = arith.cmpi sgt, %add3A, %sign3A : i32
    %sign3A_2 = arith.extui %sign3A_1 : i1 to i32
    %sign3A_3 = arith.constant 0 : i32
    %sign3A_4 = arith.cmpi slt, %add3A, %sign3A_3 : i32
    %sign3A_5 = arith.extui %sign3A_4 : i1 to i32
    %sign3A_6 = arith.subi %sign3A_2, %sign3A_5 : i32
    %sign3A_7 = arith.constant 0 : i32
    %sign3A_8 = arith.cmpi sgt, %jit3A, %sign3A_7 : i32
    %sign3A_9 = arith.extui %sign3A_8 : i1 to i32
    %sign3A_10 = arith.constant 0 : i32
    %sign3A_11 = arith.cmpi slt, %jit3A, %sign3A_10 : i32
    %sign3A_12 = arith.extui %sign3A_11 : i1 to i32
    %sign3A_13 = arith.subi %sign3A_9, %sign3A_12 : i32
    %ne3A = arith.cmpi ne, %sign3A_6, %sign3A_13 : i32
    %rem3A = arith.remsi %add3A, %jit3A : i32
    %ne3A_14 = arith.constant 0 : i32
    %ne3A_15 = arith.cmpi ne, %rem3A, %ne3A_14 : i32
    %and3A = arith.andi %ne3A, %ne3A_15 : i1
    %sub3A = arith.constant 1 : i32
    %sub3A_16 = arith.subi %div3A, %sub3A : i32
    %select_n3A = arith.select %and3A, %sub3A_16, %div3A : i32
    %jit3A_17 = arith.constant 4 : i32
    %eq3A = arith.constant 0 : i32
    %eq3A_18 = arith.cmpi eq, %jit3A_17, %eq3A : i32
    %jit3A_19 = arith.constant 1 : i32
    %select_n3A_20 = arith.select %eq3A_18, %jit3A_19, %jit3A_17 : i32
    %rem3A_21 = arith.remsi %add3A, %select_n3A_20 : i32
    %ne3A_22 = arith.constant 0 : i32
    %ne3A_23 = arith.cmpi ne, %rem3A_21, %ne3A_22 : i32
    %lt3A = arith.constant 0 : i32
    %lt3A_24 = arith.cmpi slt, %rem3A_21, %lt3A : i32
    %lt3A_25 = arith.constant 0 : i32
    %lt3A_26 = arith.cmpi slt, %select_n3A_20, %lt3A_25 : i32
    %ne3A_27 = arith.xori %lt3A_24, %lt3A_26 : i1
    %and3A_28 = arith.andi %ne3A_27, %ne3A_23 : i1
    %add3A_29 = arith.addi %rem3A_21, %select_n3A_20 : i32
    %select_n3A_30 = arith.select %and3A_28, %add3A_29, %rem3A_21 : i32
    %mul3A_31 = arith.constant 144 : i32
    %mul3A_32 = arith.muli %select_n3A_30, %mul3A_31 : i32
    "tpu.region"() ({
      %run_scoped3A = tpu.sem_alloc : memref<!tpu.dma_semaphore, #tpu.memory_space<semaphore_mem>>
      %dma_start3A = arith.constant 0 : i32
      %dma_start3A_52 = tpu.memref_slice %arg2[%select_n3A, %mul3A_32, %dma_start3A] : memref<8x576x16xi32, #tpu.memory_space<hbm>> -> memref<1x144x16xi32, #tpu.memory_space<hbm>>
      %dma_start3A_53 = tpu.memref_squeeze %dma_start3A_52 : memref<1x144x16xi32, #tpu.memory_space<hbm>> -> memref<144x16xi32, #tpu.memory_space<hbm>>
      %dma_start3A_54 = arith.constant 0 : i32
      %dma_start3A_55 = tpu.memref_slice %arg2[%select_n3A, %mul3A_32, %dma_start3A_54] : memref<8x576x16xi32, #tpu.memory_space<hbm>> -> memref<1x144x16xi32, #tpu.memory_space<hbm>>
      %dma_start3A_56 = tpu.memref_squeeze %dma_start3A_55 : memref<1x144x16xi32, #tpu.memory_space<hbm>> -> memref<144x16xi32, #tpu.memory_space<hbm>>
      tpu.enqueue_dma source(%dma_start3A_56 : memref<144x16xi32, #tpu.memory_space<hbm>>) target(%arg4 : memref<144x16xi32, #tpu.memory_space<vmem>>) target_semaphore(%run_scoped3A : memref<!tpu.dma_semaphore, #tpu.memory_space<semaphore_mem>>)
      %dma_wait3A = arith.constant 0 : i32
      %dma_wait3A_57 = tpu.memref_slice %arg2[%select_n3A, %mul3A_32, %dma_wait3A] : memref<8x576x16xi32, #tpu.memory_space<hbm>> -> memref<1x144x16xi32, #tpu.memory_space<hbm>>
      %dma_wait3A_58 = tpu.memref_squeeze %dma_wait3A_57 : memref<1x144x16xi32, #tpu.memory_space<hbm>> -> memref<144x16xi32, #tpu.memory_space<hbm>>
      %dma_wait3A_59 = arith.constant 0 : i32
      %dma_wait3A_60 = tpu.memref_slice %arg2[%select_n3A, %mul3A_32, %dma_wait3A_59] : memref<8x576x16xi32, #tpu.memory_space<hbm>> -> memref<1x144x16xi32, #tpu.memory_space<hbm>>
      %dma_wait3A_61 = tpu.memref_squeeze %dma_wait3A_60 : memref<1x144x16xi32, #tpu.memory_space<hbm>> -> memref<144x16xi32, #tpu.memory_space<hbm>>
      tpu.wait_dma2 semaphore(%run_scoped3A : memref<!tpu.dma_semaphore, #tpu.memory_space<semaphore_mem>>) src(%dma_wait3A_61 : memref<144x16xi32, #tpu.memory_space<hbm>>) dst(%arg4 : memref<144x16xi32, #tpu.memory_space<vmem>>)
      tpu.yield
    }) : () -> ()
    %iota3A = tpu.iota {dimensions = array<i32: 0>} : vector<16xi32>
    %broadcast_in_dim3A = arith.constant 0.000000e+00 : f32
    %broadcast_in_dim3A_33 = vector.broadcast %broadcast_in_dim3A : f32 to vector<16xf32>
    %broadcast_in_dim3A_34 = arith.constant 1.000000e+00 : f32
    %broadcast_in_dim3A_35 = vector.broadcast %broadcast_in_dim3A_34 : f32 to vector<16xf32>
    %lt3A_36 = arith.constant 7 : i32
    %lt3A_37 = vector.broadcast %lt3A_36 : i32 to vector<16xi32>
    %lt3A_38 = arith.cmpi slt, %iota3A, %lt3A_37 : vector<16xi32>
    %scan3A = arith.constant 0 : i32
    %scan3A_39 = arith.constant 0 : i32
    %scan3A_40 = arith.constant 144 : i32
    %scan3A_41 = arith.addi %scan3A_39, %scan3A_40 : i32
    %scan3A_42 = arith.constant 1 : i32
    %scan3A_43 = scf.for %scan3A_52 = %scan3A_39 to %scan3A_41 step %scan3A_42 iter_args(%scan3A_53 = %scan3A) -> (i32)  : i32 {
      %swap3A = arith.index_cast %scan3A_52 : i32 to index
      %swap3A_54 = arith.constant 0 : index
      %swap3A_55 = tpu.vector_load %arg5[%swap3A, %swap3A_54] {strides = array<i32>} : memref<144x576xf32, #tpu.memory_space<vmem>>, vector<16xf32>,
      tpu.vector_store %arg5[%swap3A, %swap3A_54], %broadcast_in_dim3A_33 {strides = array<i32>} : memref<144x576xf32, #tpu.memory_space<vmem>>, vector<16xf32>,
      %swap3A_56 = arith.index_cast %scan3A_52 : i32 to index
      %swap3A_57 = arith.constant 16 : index
      %swap3A_58 = tpu.vector_load %arg5[%swap3A_56, %swap3A_57] {strides = array<i32>} : memref<144x576xf32, #tpu.memory_space<vmem>>, vector<16xf32>,
      tpu.vector_store %arg5[%swap3A_56, %swap3A_57], %broadcast_in_dim3A_33 {strides = array<i32>} : memref<144x576xf32, #tpu.memory_space<vmem>>, vector<16xf32>,
      %swap3A_59 = arith.index_cast %scan3A_52 : i32 to index
      %swap3A_60 = arith.constant 32 : index
      %swap3A_61 = tpu.vector_load %arg5[%swap3A_59, %swap3A_60] {strides = array<i32>} : memref<144x576xf32, #tpu.memory_space<vmem>>, vector<16xf32>,
      tpu.vector_store %arg5[%swap3A_59, %swap3A_60], %broadcast_in_dim3A_33 {strides = array<i32>} : memref<144x576xf32, #tpu.memory_space<vmem>>, vector<16xf32>,
      %swap3A_62 = arith.index_cast %scan3A_52 : i32 to index
      %swap3A_63 = arith.constant 48 : index
      %swap3A_64 = tpu.vector_load %arg5[%swap3A_62, %swap3A_63] {strides = array<i32>} : memref<144x576xf32, #tpu.memory_space<vmem>>, vector<16xf32>,
      tpu.vector_store %arg5[%swap3A_62, %swap3A_63], %broadcast_in_dim3A_33 {strides = array<i32>} : memref<144x576xf32, #tpu.memory_space<vmem>>, vector<16xf32>,
      %swap3A_65 = arith.index_cast %scan3A_52 : i32 to index
      %swap3A_66 = arith.constant 64 : index
      %swap3A_67 = tpu.vector_load %arg5[%swap3A_65, %swap3A_66] {strides = array<i32>} : memref<144x576xf32, #tpu.memory_space<vmem>>, vector<16xf32>,
      tpu.vector_store %arg5[%swap3A_65, %swap3A_66], %broadcast_in_dim3A_33 {strides = array<i32>} : memref<144x576xf32, #tpu.memory_space<vmem>>, vector<16xf32>,
      %swap3A_68 = arith.index_cast %scan3A_52 : i32 to index
      %swap3A_69 = arith.constant 80 : index
      %swap3A_70 = tpu.vector_load %arg5[%swap3A_68, %swap3A_69] {strides = array<i32>} : memref<144x576xf32, #tpu.memory_space<vmem>>, vector<16xf32>,
      tpu.vector_store %arg5[%swap3A_68, %swap3A_69], %broadcast_in_dim3A_33 {strides = array<i32>} : memref<144x576xf32, #tpu.memory_space<vmem>>, vector<16xf32>,
      %swap3A_71 = arith.index_cast %scan3A_52 : i32 to index
      %swap3A_72 = arith.constant 96 : index
      %swap3A_73 = tpu.vector_load %arg5[%swap3A_71, %swap3A_72] {strides = array<i32>} : memref<144x576xf32, #tpu.memory_space<vmem>>, vector<16xf32>,
      tpu.vector_store %arg5[%swap3A_71, %swap3A_72], %broadcast_in_dim3A_33 {strides = array<i32>} : memref<144x576xf32, #tpu.memory_space<vmem>>, vector<16xf32>,
      %swap3A_74 = arith.index_cast %scan3A_52 : i32 to index
      %swap3A_75 = arith.constant 112 : index
      %swap3A_76 = tpu.vector_load %arg5[%swap3A_74, %swap3A_75] {strides = array<i32>} : memref<144x576xf32, #tpu.memory_space<vmem>>, vector<16xf32>,
      tpu.vector_store %arg5[%swap3A_74, %swap3A_75], %broadcast_in_dim3A_33 {strides = array<i32>} : memref<144x576xf32, #tpu.memory_space<vmem>>, vector<16xf32>,
      %swap3A_77 = arith.index_cast %scan3A_52 : i32 to index
      %swap3A_78 = arith.constant 128 : index
      %swap3A_79 = tpu.vector_load %arg5[%swap3A_77, %swap3A_78] {strides = array<i32>} : memref<144x576xf32, #tpu.memory_space<vmem>>, vector<16xf32>,
      tpu.vector_store %arg5[%swap3A_77, %swap3A_78], %broadcast_in_dim3A_33 {strides = array<i32>} : memref<144x576xf32, #tpu.memory_space<vmem>>, vector<16xf32>,
      %swap3A_80 = arith.index_cast %scan3A_52 : i32 to index
      %swap3A_81 = arith.constant 144 : index
      %swap3A_82 = tpu.vector_load %arg5[%swap3A_80, %swap3A_81] {strides = array<i32>} : memref<144x576xf32, #tpu.memory_space<vmem>>, vector<16xf32>,
      tpu.vector_store %arg5[%swap3A_80, %swap3A_81], %broadcast_in_dim3A_33 {strides = array<i32>} : memref<144x576xf32, #tpu.memory_space<vmem>>, vector<16xf32>,
      %swap3A_83 = arith.index_cast %scan3A_52 : i32 to index
      %swap3A_84 = arith.constant 160 : index
      %swap3A_85 = tpu.vector_load %arg5[%swap3A_83, %swap3A_84] {strides = array<i32>} : memref<144x576xf32, #tpu.memory_space<vmem>>, vector<16xf32>,
      tpu.vector_store %arg5[%swap3A_83, %swap3A_84], %broadcast_in_dim3A_33 {strides = array<i32>} : memref<144x576xf32, #tpu.memory_space<vmem>>, vector<16xf32>,
      %swap3A_86 = arith.index_cast %scan3A_52 : i32 to index
      %swap3A_87 = arith.constant 176 : index
      %swap3A_88 = tpu.vector_load %arg5[%swap3A_86, %swap3A_87] {strides = array<i32>} : memref<144x576xf32, #tpu.memory_space<vmem>>, vector<16xf32>,
      tpu.vector_store %arg5[%swap3A_86, %swap3A_87], %broadcast_in_dim3A_33 {strides = array<i32>} : memref<144x576xf32, #tpu.memory_space<vmem>>, vector<16xf32>,
      %swap3A_89 = arith.index_cast %scan3A_52 : i32 to index
      %swap3A_90 = arith.constant 192 : index
      %swap3A_91 = tpu.vector_load %arg5[%swap3A_89, %swap3A_90] {strides = array<i32>} : memref<144x576xf32, #tpu.memory_space<vmem>>, vector<16xf32>,
      tpu.vector_store %arg5[%swap3A_89, %swap3A_90], %broadcast_in_dim3A_33 {strides = array<i32>} : memref<144x576xf32, #tpu.memory_space<vmem>>, vector<16xf32>,
      %swap3A_92 = arith.index_cast %scan3A_52 : i32 to index
      %swap3A_93 = arith.constant 208 : index
      %swap3A_94 = tpu.vector_load %arg5[%swap3A_92, %swap3A_93] {strides = array<i32>} : memref<144x576xf32, #tpu.memory_space<vmem>>, vector<16xf32>,
      tpu.vector_store %arg5[%swap3A_92, %swap3A_93], %broadcast_in_dim3A_33 {strides = array<i32>} : memref<144x576xf32, #tpu.memory_space<vmem>>, vector<16xf32>,
      %swap3A_95 = arith.index_cast %scan3A_52 : i32 to index
      %swap3A_96 = arith.constant 224 : index
      %swap3A_97 = tpu.vector_load %arg5[%swap3A_95, %swap3A_96] {strides = array<i32>} : memref<144x576xf32, #tpu.memory_space<vmem>>, vector<16xf32>,
      tpu.vector_store %arg5[%swap3A_95, %swap3A_96], %broadcast_in_dim3A_33 {strides = array<i32>} : memref<144x576xf32, #tpu.memory_space<vmem>>, vector<16xf32>,
      %swap3A_98 = arith.index_cast %scan3A_52 : i32 to index
      %swap3A_99 = arith.constant 240 : index
      %swap3A_100 = tpu.vector_load %arg5[%swap3A_98, %swap3A_99] {strides = array<i32>} : memref<144x576xf32, #tpu.memory_space<vmem>>, vector<16xf32>,
      tpu.vector_store %arg5[%swap3A_98, %swap3A_99], %broadcast_in_dim3A_33 {strides = array<i32>} : memref<144x576xf32, #tpu.memory_space<vmem>>, vector<16xf32>,
      %swap3A_101 = arith.index_cast %scan3A_52 : i32 to index
      %swap3A_102 = arith.constant 256 : index
      %swap3A_103 = tpu.vector_load %arg5[%swap3A_101, %swap3A_102] {strides = array<i32>} : memref<144x576xf32, #tpu.memory_space<vmem>>, vector<16xf32>,
      tpu.vector_store %arg5[%swap3A_101, %swap3A_102], %broadcast_in_dim3A_33 {strides = array<i32>} : memref<144x576xf32, #tpu.memory_space<vmem>>, vector<16xf32>,
      %swap3A_104 = arith.index_cast %scan3A_52 : i32 to index
      %swap3A_105 = arith.constant 272 : index
      %swap3A_106 = tpu.vector_load %arg5[%swap3A_104, %swap3A_105] {strides = array<i32>} : memref<144x576xf32, #tpu.memory_space<vmem>>, vector<16xf32>,
      tpu.vector_store %arg5[%swap3A_104, %swap3A_105], %broadcast_in_dim3A_33 {strides = array<i32>} : memref<144x576xf32, #tpu.memory_space<vmem>>, vector<16xf32>,
      %swap3A_107 = arith.index_cast %scan3A_52 : i32 to index
      %swap3A_108 = arith.constant 288 : index
      %swap3A_109 = tpu.vector_load %arg5[%swap3A_107, %swap3A_108] {strides = array<i32>} : memref<144x576xf32, #tpu.memory_space<vmem>>, vector<16xf32>,
      tpu.vector_store %arg5[%swap3A_107, %swap3A_108], %broadcast_in_dim3A_33 {strides = array<i32>} : memref<144x576xf32, #tpu.memory_space<vmem>>, vector<16xf32>,
      %swap3A_110 = arith.index_cast %scan3A_52 : i32 to index
      %swap3A_111 = arith.constant 304 : index
      %swap3A_112 = tpu.vector_load %arg5[%swap3A_110, %swap3A_111] {strides = array<i32>} : memref<144x576xf32, #tpu.memory_space<vmem>>, vector<16xf32>,
      tpu.vector_store %arg5[%swap3A_110, %swap3A_111], %broadcast_in_dim3A_33 {strides = array<i32>} : memref<144x576xf32, #tpu.memory_space<vmem>>, vector<16xf32>,
      %swap3A_113 = arith.index_cast %scan3A_52 : i32 to index
      %swap3A_114 = arith.constant 320 : index
      %swap3A_115 = tpu.vector_load %arg5[%swap3A_113, %swap3A_114] {strides = array<i32>} : memref<144x576xf32, #tpu.memory_space<vmem>>, vector<16xf32>,
      tpu.vector_store %arg5[%swap3A_113, %swap3A_114], %broadcast_in_dim3A_33 {strides = array<i32>} : memref<144x576xf32, #tpu.memory_space<vmem>>, vector<16xf32>,
      %swap3A_116 = arith.index_cast %scan3A_52 : i32 to index
      %swap3A_117 = arith.constant 336 : index
      %swap3A_118 = tpu.vector_load %arg5[%swap3A_116, %swap3A_117] {strides = array<i32>} : memref<144x576xf32, #tpu.memory_space<vmem>>, vector<16xf32>,
      tpu.vector_store %arg5[%swap3A_116, %swap3A_117], %broadcast_in_dim3A_33 {strides = array<i32>} : memref<144x576xf32, #tpu.memory_space<vmem>>, vector<16xf32>,
      %swap3A_119 = arith.index_cast %scan3A_52 : i32 to index
      %swap3A_120 = arith.constant 352 : index
      %swap3A_121 = tpu.vector_load %arg5[%swap3A_119, %swap3A_120] {strides = array<i32>} : memref<144x576xf32, #tpu.memory_space<vmem>>, vector<16xf32>,
      tpu.vector_store %arg5[%swap3A_119, %swap3A_120], %broadcast_in_dim3A_33 {strides = array<i32>} : memref<144x576xf32, #tpu.memory_space<vmem>>, vector<16xf32>,
      %swap3A_122 = arith.index_cast %scan3A_52 : i32 to index
      %swap3A_123 = arith.constant 368 : index
      %swap3A_124 = tpu.vector_load %arg5[%swap3A_122, %swap3A_123] {strides = array<i32>} : memref<144x576xf32, #tpu.memory_space<vmem>>, vector<16xf32>,
      tpu.vector_store %arg5[%swap3A_122, %swap3A_123], %broadcast_in_dim3A_33 {strides = array<i32>} : memref<144x576xf32, #tpu.memory_space<vmem>>, vector<16xf32>,
      %swap3A_125 = arith.index_cast %scan3A_52 : i32 to index
      %swap3A_126 = arith.constant 384 : index
      %swap3A_127 = tpu.vector_load %arg5[%swap3A_125, %swap3A_126] {strides = array<i32>} : memref<144x576xf32, #tpu.memory_space<vmem>>, vector<16xf32>,
      tpu.vector_store %arg5[%swap3A_125, %swap3A_126], %broadcast_in_dim3A_33 {strides = array<i32>} : memref<144x576xf32, #tpu.memory_space<vmem>>, vector<16xf32>,
      %swap3A_128 = arith.index_cast %scan3A_52 : i32 to index
      %swap3A_129 = arith.constant 400 : index
      %swap3A_130 = tpu.vector_load %arg5[%swap3A_128, %swap3A_129] {strides = array<i32>} : memref<144x576xf32, #tpu.memory_space<vmem>>, vector<16xf32>,
      tpu.vector_store %arg5[%swap3A_128, %swap3A_129], %broadcast_in_dim3A_33 {strides = array<i32>} : memref<144x576xf32, #tpu.memory_space<vmem>>, vector<16xf32>,
      %swap3A_131 = arith.index_cast %scan3A_52 : i32 to index
      %swap3A_132 = arith.constant 416 : index
      %swap3A_133 = tpu.vector_load %arg5[%swap3A_131, %swap3A_132] {strides = array<i32>} : memref<144x576xf32, #tpu.memory_space<vmem>>, vector<16xf32>,
      tpu.vector_store %arg5[%swap3A_131, %swap3A_132], %broadcast_in_dim3A_33 {strides = array<i32>} : memref<144x576xf32, #tpu.memory_space<vmem>>, vector<16xf32>,
      %swap3A_134 = arith.index_cast %scan3A_52 : i32 to index
      %swap3A_135 = arith.constant 432 : index
      %swap3A_136 = tpu.vector_load %arg5[%swap3A_134, %swap3A_135] {strides = array<i32>} : memref<144x576xf32, #tpu.memory_space<vmem>>, vector<16xf32>,
      tpu.vector_store %arg5[%swap3A_134, %swap3A_135], %broadcast_in_dim3A_33 {strides = array<i32>} : memref<144x576xf32, #tpu.memory_space<vmem>>, vector<16xf32>,
      %swap3A_137 = arith.index_cast %scan3A_52 : i32 to index
      %swap3A_138 = arith.constant 448 : index
      %swap3A_139 = tpu.vector_load %arg5[%swap3A_137, %swap3A_138] {strides = array<i32>} : memref<144x576xf32, #tpu.memory_space<vmem>>, vector<16xf32>,
      tpu.vector_store %arg5[%swap3A_137, %swap3A_138], %broadcast_in_dim3A_33 {strides = array<i32>} : memref<144x576xf32, #tpu.memory_space<vmem>>, vector<16xf32>,
      %swap3A_140 = arith.index_cast %scan3A_52 : i32 to index
      %swap3A_141 = arith.constant 464 : index
      %swap3A_142 = tpu.vector_load %arg5[%swap3A_140, %swap3A_141] {strides = array<i32>} : memref<144x576xf32, #tpu.memory_space<vmem>>, vector<16xf32>,
      tpu.vector_store %arg5[%swap3A_140, %swap3A_141], %broadcast_in_dim3A_33 {strides = array<i32>} : memref<144x576xf32, #tpu.memory_space<vmem>>, vector<16xf32>,
      %swap3A_143 = arith.index_cast %scan3A_52 : i32 to index
      %swap3A_144 = arith.constant 480 : index
      %swap3A_145 = tpu.vector_load %arg5[%swap3A_143, %swap3A_144] {strides = array<i32>} : memref<144x576xf32, #tpu.memory_space<vmem>>, vector<16xf32>,
      tpu.vector_store %arg5[%swap3A_143, %swap3A_144], %broadcast_in_dim3A_33 {strides = array<i32>} : memref<144x576xf32, #tpu.memory_space<vmem>>, vector<16xf32>,
      %swap3A_146 = arith.index_cast %scan3A_52 : i32 to index
      %swap3A_147 = arith.constant 496 : index
      %swap3A_148 = tpu.vector_load %arg5[%swap3A_146, %swap3A_147] {strides = array<i32>} : memref<144x576xf32, #tpu.memory_space<vmem>>, vector<16xf32>,
      tpu.vector_store %arg5[%swap3A_146, %swap3A_147], %broadcast_in_dim3A_33 {strides = array<i32>} : memref<144x576xf32, #tpu.memory_space<vmem>>, vector<16xf32>,
      %swap3A_149 = arith.index_cast %scan3A_52 : i32 to index
      %swap3A_150 = arith.constant 512 : index
      %swap3A_151 = tpu.vector_load %arg5[%swap3A_149, %swap3A_150] {strides = array<i32>} : memref<144x576xf32, #tpu.memory_space<vmem>>, vector<16xf32>,
      tpu.vector_store %arg5[%swap3A_149, %swap3A_150], %broadcast_in_dim3A_33 {strides = array<i32>} : memref<144x576xf32, #tpu.memory_space<vmem>>, vector<16xf32>,
      %swap3A_152 = arith.index_cast %scan3A_52 : i32 to index
      %swap3A_153 = arith.constant 528 : index
      %swap3A_154 = tpu.vector_load %arg5[%swap3A_152, %swap3A_153] {strides = array<i32>} : memref<144x576xf32, #tpu.memory_space<vmem>>, vector<16xf32>,
      tpu.vector_store %arg5[%swap3A_152, %swap3A_153], %broadcast_in_dim3A_33 {strides = array<i32>} : memref<144x576xf32, #tpu.memory_space<vmem>>, vector<16xf32>,
      %swap3A_155 = arith.index_cast %scan3A_52 : i32 to index
      %swap3A_156 = arith.constant 544 : index
      %swap3A_157 = tpu.vector_load %arg5[%swap3A_155, %swap3A_156] {strides = array<i32>} : memref<144x576xf32, #tpu.memory_space<vmem>>, vector<16xf32>,
      tpu.vector_store %arg5[%swap3A_155, %swap3A_156], %broadcast_in_dim3A_33 {strides = array<i32>} : memref<144x576xf32, #tpu.memory_space<vmem>>, vector<16xf32>,
      %swap3A_158 = arith.index_cast %scan3A_52 : i32 to index
      %swap3A_159 = arith.constant 560 : index
      %swap3A_160 = tpu.vector_load %arg5[%swap3A_158, %swap3A_159] {strides = array<i32>} : memref<144x576xf32, #tpu.memory_space<vmem>>, vector<16xf32>,
      tpu.vector_store %arg5[%swap3A_158, %swap3A_159], %broadcast_in_dim3A_33 {strides = array<i32>} : memref<144x576xf32, #tpu.memory_space<vmem>>, vector<16xf32>,
      %scan3A_161 = arith.constant 0 : i32
      scf.yield %scan3A_161 : i32
    }
    %scan3A_44 = arith.constant 144 : i32
    %scan3A_45 = arith.constant 0 : i32
    %scan3A_46 = arith.constant 0 : i32
    %scan3A_47 = arith.constant 144 : i32
    %scan3A_48 = arith.addi %scan3A_46, %scan3A_47 : i32
    %scan3A_49 = arith.constant 1 : i32
    %scan3A_50 = scf.for %scan3A_52 = %scan3A_46 to %scan3A_48 step %scan3A_49 iter_args(%scan3A_53 = %scan3A_45) -> (i32)  : i32 {
      %get3A = arith.index_cast %scan3A_52 : i32 to index
      %get3A_54 = arith.constant 0 : index
      %get3A_55 = tpu.vector_load %arg4[%get3A, %get3A_54] {strides = array<i32>} : memref<144x16xi32, #tpu.memory_space<vmem>>, vector<16xi32>,
      %broadcast_in_dim3A_56 = arith.constant 0 : i32
      %broadcast_in_dim3A_57 = vector.broadcast %broadcast_in_dim3A_56 : i32 to vector<16xi32>
      %add3A_58 = vector.broadcast %scan3A_52 : i32 to vector<16xi32>
      %add3A_59 = arith.addi %broadcast_in_dim3A_57, %add3A_58 : vector<16xi32>
      tpu.vector_store_idx %arg5[%add3A_59, %get3A_55], %broadcast_in_dim3A_35 masked %lt3A_38 : memref<144x576xf32, #tpu.memory_space<vmem>>[vector<16xi32>, vector<16xi32>], vector<16xf32>, vector<16xi1>
      %scan3A_60 = arith.constant 0 : i32
      scf.yield %scan3A_60 : i32
    }
    %scan3A_51 = arith.constant 144 : i32
    "tpu.region"() ({
      %run_scoped3A = tpu.sem_alloc : memref<!tpu.dma_semaphore, #tpu.memory_space<semaphore_mem>>
      %dma_start3A = arith.constant 0 : i32
      %dma_start3A_52 = tpu.memref_slice %arg3[%select_n3A, %mul3A_32, %dma_start3A] : memref<8x576x576xf32, #tpu.memory_space<hbm>> -> memref<1x144x576xf32, #tpu.memory_space<hbm>>
      %dma_start3A_53 = tpu.memref_squeeze %dma_start3A_52 : memref<1x144x576xf32, #tpu.memory_space<hbm>> -> memref<144x576xf32, #tpu.memory_space<hbm>>
      %dma_start3A_54 = arith.constant 0 : i32
      %dma_start3A_55 = tpu.memref_slice %arg3[%select_n3A, %mul3A_32, %dma_start3A_54] : memref<8x576x576xf32, #tpu.memory_space<hbm>> -> memref<1x144x576xf32, #tpu.memory_space<hbm>>
      %dma_start3A_56 = tpu.memref_squeeze %dma_start3A_55 : memref<1x144x576xf32, #tpu.memory_space<hbm>> -> memref<144x576xf32, #tpu.memory_space<hbm>>
      tpu.enqueue_dma source(%arg5 : memref<144x576xf32, #tpu.memory_space<vmem>>) target(%dma_start3A_56 : memref<144x576xf32, #tpu.memory_space<hbm>>) target_semaphore(%run_scoped3A : memref<!tpu.dma_semaphore, #tpu.memory_space<semaphore_mem>>)
      %dma_wait3A = arith.constant 0 : i32
      %dma_wait3A_57 = tpu.memref_slice %arg3[%select_n3A, %mul3A_32, %dma_wait3A] : memref<8x576x576xf32, #tpu.memory_space<hbm>> -> memref<1x144x576xf32, #tpu.memory_space<hbm>>
      %dma_wait3A_58 = tpu.memref_squeeze %dma_wait3A_57 : memref<1x144x576xf32, #tpu.memory_space<hbm>> -> memref<144x576xf32, #tpu.memory_space<hbm>>
      %dma_wait3A_59 = arith.constant 0 : i32
      %dma_wait3A_60 = tpu.memref_slice %arg3[%select_n3A, %mul3A_32, %dma_wait3A_59] : memref<8x576x576xf32, #tpu.memory_space<hbm>> -> memref<1x144x576xf32, #tpu.memory_space<hbm>>
      %dma_wait3A_61 = tpu.memref_squeeze %dma_wait3A_60 : memref<1x144x576xf32, #tpu.memory_space<hbm>> -> memref<144x576xf32, #tpu.memory_space<hbm>>
      tpu.wait_dma2 semaphore(%run_scoped3A : memref<!tpu.dma_semaphore, #tpu.memory_space<semaphore_mem>>) src(%arg5 : memref<144x576xf32, #tpu.memory_space<vmem>>) dst(%dma_wait3A_61 : memref<144x576xf32, #tpu.memory_space<hbm>>)
      tpu.yield
    }) : () -> ()
    return
  }
}

module attributes {stable_mosaic.version = 14 : i64} {
  func.func @_tc_body(%arg0: i32, %arg1: memref<1x576x768xf32, #tpu.memory_space<vmem>>, %arg2: memref<768x192xf32, #tpu.memory_space<vmem>>, %arg3: memref<1x192xf32, #tpu.memory_space<vmem>>, %arg4: memref<1x576x192xf32, #tpu.memory_space<vmem>>, %arg5: memref<1x576x16xi32, #tpu.memory_space<vmem>>) attributes {dimension_semantics = [#tpu.dimension_semantics<arbitrary>], iteration_bounds = array<i64: 8>, scalar_prefetch = 0 : i64, scratch_operands = 0 : i64, tpu.core_type = #tpu.core_type<tc>, window_params = [{transform_indices = @transform_0, window_bounds = array<i64: 1, 576, 768>}, {pipeline_mode = #tpu.pipeline_mode<synchronous>, transform_indices = @transform_1, window_bounds = array<i64: 768, 192>}, {pipeline_mode = #tpu.pipeline_mode<synchronous>, transform_indices = @transform_2, window_bounds = array<i64: 1, 192>}, {transform_indices = @transform_3, window_bounds = array<i64: 1, 576, 192>}, {transform_indices = @transform_4, window_bounds = array<i64: 1, 576, 16>}]} {
    %get3A = arith.constant 0 : index
    %get3A_0 = arith.constant 0 : index
    %get3A_1 = arith.constant 0 : index
    %get3A_2 = vector.load %arg1[%get3A, %get3A_0, %get3A_1] : memref<1x576x768xf32, #tpu.memory_space<vmem>>, vector<1x576x768xf32>
    %get3A_3 = vector.shape_cast %get3A_2 : vector<1x576x768xf32> to vector<576x768xf32>
    %get3A_4 = arith.constant 0 : index
    %get3A_5 = arith.constant 0 : index
    %get3A_6 = vector.load %arg2[%get3A_4, %get3A_5] : memref<768x192xf32, #tpu.memory_space<vmem>>, vector<768x192xf32>
    %get3A_7 = arith.constant 0 : index
    %get3A_8 = arith.constant 0 : index
    %get3A_9 = vector.load %arg3[%get3A_7, %get3A_8] : memref<1x192xf32, #tpu.memory_space<vmem>>, vector<1x192xf32>
    %dot_general3A = arith.constant dense<0.000000e+00> : vector<576x192xf32>
    %dot_general3A_10 = tpu.matmul %get3A_3, %get3A_6, %dot_general3A {dimension_numbers = #tpu.dot_dimension_numbers<[1], [0], [0], [1], [0, 0, 1, 1], [], []>, transpose_lhs_hint = false} : vector<576x768xf32>, vector<768x192xf32>, vector<576x192xf32> -> vector<576x192xf32>
    %add3A = vector.broadcast %get3A_9 : vector<1x192xf32> to vector<576x192xf32>
    %add3A_11 = arith.addf %dot_general3A_10, %add3A : vector<576x192xf32>
    %swap3A = arith.constant 0 : index
    %swap3A_12 = arith.constant 0 : index
    %swap3A_13 = arith.constant 0 : index
    %swap3A_14 = vector.load %arg4[%swap3A, %swap3A_12, %swap3A_13] : memref<1x576x192xf32, #tpu.memory_space<vmem>>, vector<1x576x192xf32>
    %swap3A_15 = vector.shape_cast %swap3A_14 : vector<1x576x192xf32> to vector<576x192xf32>
    %swap3A_16 = vector.shape_cast %add3A_11 : vector<576x192xf32> to vector<1x576x192xf32>
    tpu.vector_store %arg4[%swap3A, %swap3A_12, %swap3A_13], %swap3A_16 {strides = array<i32>} : memref<1x576x192xf32, #tpu.memory_space<vmem>>, vector<1x576x192xf32>,
    %dot_general3A_17 = arith.constant dense<0.000000e+00> : vector<576x576xf32>
    %dot_general3A_18 = tpu.matmul %add3A_11, %add3A_11, %dot_general3A_17 {dimension_numbers = #tpu.dot_dimension_numbers<[1], [1], [0], [0], [0, 0, 1, 0], [], []>, transpose_lhs_hint = false} : vector<576x192xf32>, vector<576x192xf32>, vector<576x576xf32> -> vector<576x576xf32>
    %mul3A = arith.mulf %add3A_11, %add3A_11 : vector<576x192xf32>
    %reduce_sum3A = arith.constant dense<0.000000e+00> : vector<576xf32>
    %reduce_sum3A_19 = vector.multi_reduction <add>, %mul3A, %reduce_sum3A [1] : vector<576x192xf32> to vector<576xf32>
    %broadcast_in_dim3A = vector.shape_cast %reduce_sum3A_19 : vector<576xf32> to vector<576x1xf32>
    %broadcast_in_dim3A_20 = vector.shape_cast %reduce_sum3A_19 : vector<576xf32> to vector<1x576xf32>
    %add3A_21 = vector.broadcast %broadcast_in_dim3A : vector<576x1xf32> to vector<576x576xf32>
    %add3A_22 = vector.broadcast %broadcast_in_dim3A_20 : vector<1x576xf32> to vector<576x576xf32>
    %add3A_23 = arith.addf %add3A_21, %add3A_22 : vector<576x576xf32>
    %mul3A_24 = arith.constant 2.000000e+00 : f32
    %mul3A_25 = vector.broadcast %mul3A_24 : f32 to vector<576x576xf32>
    %mul3A_26 = arith.mulf %mul3A_25, %dot_general3A_18 : vector<576x576xf32>
    %sub3A = arith.subf %add3A_23, %mul3A_26 : vector<576x576xf32>
    %max3A = arith.constant 0.000000e+00 : f32
    %max3A_27 = vector.broadcast %max3A : f32 to vector<576x576xf32>
    %max3A_28 = arith.maximumf %sub3A, %max3A_27 : vector<576x576xf32>
    %iota3A = tpu.iota {dimensions = array<i32: 1>} : vector<576x576xi32>
    %iota3A_29 = tpu.iota {dimensions = array<i32: 1>} : vector<576x16xi32>
    %broadcast_in_dim3A_30 = arith.constant 0 : i32
    %broadcast_in_dim3A_31 = vector.broadcast %broadcast_in_dim3A_30 : i32 to vector<576x16xi32>
    %reduce_min3A = arith.constant dense<0x7F800000> : vector<576xf32>
    %reduce_min3A_32 = vector.multi_reduction <minimumf>, %max3A_28, %reduce_min3A [1] : vector<576x576xf32> to vector<576xf32>
    %broadcast_in_dim3A_33 = vector.shape_cast %reduce_min3A_32 : vector<576xf32> to vector<576x1xf32>
    %eq3A = vector.broadcast %broadcast_in_dim3A_33 : vector<576x1xf32> to vector<576x576xf32>
    %eq3A_34 = arith.cmpf oeq, %max3A_28, %eq3A : vector<576x576xf32>
    %jit3A = arith.constant 1073741824 : i32
    %broadcast_in_dim3A_35 = vector.broadcast %jit3A : i32 to vector<576x576xi32>
    %select_n3A = arith.select %eq3A_34, %iota3A, %broadcast_in_dim3A_35 : vector<576x576xi1>, vector<576x576xi32>
    %reduce_min3A_36 = arith.constant dense<2147483647> : vector<576xi32>
    %reduce_min3A_37 = vector.multi_reduction <minsi>, %select_n3A, %reduce_min3A_36 [1] : vector<576x576xi32> to vector<576xi32>
    %broadcast_in_dim3A_38 = vector.shape_cast %reduce_min3A_37 : vector<576xi32> to vector<576x1xi32>
    %eq3A_39 = vector.broadcast %broadcast_in_dim3A_38 : vector<576x1xi32> to vector<576x576xi32>
    %eq3A_40 = arith.cmpi eq, %select_n3A, %eq3A_39 : vector<576x576xi32>
    %eq3A_41 = arith.constant 0 : i32
    %eq3A_42 = vector.broadcast %eq3A_41 : i32 to vector<576x16xi32>
    %eq3A_43 = arith.cmpi eq, %iota3A_29, %eq3A_42 : vector<576x16xi32>
    %broadcast_in_dim3A_44 = vector.shape_cast %broadcast_in_dim3A_38 : vector<576x1xi32> to vector<576x1xi32>
    %broadcast_in_dim3A_45 = vector.broadcast %broadcast_in_dim3A_44 : vector<576x1xi32> to vector<576x16xi32>
    %select_n3A_46 = arith.select %eq3A_43, %broadcast_in_dim3A_45, %broadcast_in_dim3A_31 : vector<576x16xi1>, vector<576x16xi32>
    %jit3A_47 = arith.constant 3.000000e+38 : f32
    %broadcast_in_dim3A_48 = vector.broadcast %jit3A_47 : f32 to vector<576x576xf32>
    %select_n3A_49 = arith.select %eq3A_40, %broadcast_in_dim3A_48, %max3A_28 : vector<576x576xi1>, vector<576x576xf32>
    %reduce_min3A_50 = arith.constant dense<0x7F800000> : vector<576xf32>
    %reduce_min3A_51 = vector.multi_reduction <minimumf>, %select_n3A_49, %reduce_min3A_50 [1] : vector<576x576xf32> to vector<576xf32>
    %broadcast_in_dim3A_52 = vector.shape_cast %reduce_min3A_51 : vector<576xf32> to vector<576x1xf32>
    %eq3A_53 = vector.broadcast %broadcast_in_dim3A_52 : vector<576x1xf32> to vector<576x576xf32>
    %eq3A_54 = arith.cmpf oeq, %select_n3A_49, %eq3A_53 : vector<576x576xf32>
    %jit3A_55 = arith.constant 1073741824 : i32
    %broadcast_in_dim3A_56 = vector.broadcast %jit3A_55 : i32 to vector<576x576xi32>
    %select_n3A_57 = arith.select %eq3A_54, %iota3A, %broadcast_in_dim3A_56 : vector<576x576xi1>, vector<576x576xi32>
    %reduce_min3A_58 = arith.constant dense<2147483647> : vector<576xi32>
    %reduce_min3A_59 = vector.multi_reduction <minsi>, %select_n3A_57, %reduce_min3A_58 [1] : vector<576x576xi32> to vector<576xi32>
    %broadcast_in_dim3A_60 = vector.shape_cast %reduce_min3A_59 : vector<576xi32> to vector<576x1xi32>
    %eq3A_61 = vector.broadcast %broadcast_in_dim3A_60 : vector<576x1xi32> to vector<576x576xi32>
    %eq3A_62 = arith.cmpi eq, %select_n3A_57, %eq3A_61 : vector<576x576xi32>
    %eq3A_63 = arith.constant 1 : i32
    %eq3A_64 = vector.broadcast %eq3A_63 : i32 to vector<576x16xi32>
    %eq3A_65 = arith.cmpi eq, %iota3A_29, %eq3A_64 : vector<576x16xi32>
    %broadcast_in_dim3A_66 = vector.shape_cast %broadcast_in_dim3A_60 : vector<576x1xi32> to vector<576x1xi32>
    %broadcast_in_dim3A_67 = vector.broadcast %broadcast_in_dim3A_66 : vector<576x1xi32> to vector<576x16xi32>
    %select_n3A_68 = arith.select %eq3A_65, %broadcast_in_dim3A_67, %select_n3A_46 : vector<576x16xi1>, vector<576x16xi32>
    %jit3A_69 = arith.constant 3.000000e+38 : f32
    %broadcast_in_dim3A_70 = vector.broadcast %jit3A_69 : f32 to vector<576x576xf32>
    %select_n3A_71 = arith.select %eq3A_62, %broadcast_in_dim3A_70, %select_n3A_49 : vector<576x576xi1>, vector<576x576xf32>
    %reduce_min3A_72 = arith.constant dense<0x7F800000> : vector<576xf32>
    %reduce_min3A_73 = vector.multi_reduction <minimumf>, %select_n3A_71, %reduce_min3A_72 [1] : vector<576x576xf32> to vector<576xf32>
    %broadcast_in_dim3A_74 = vector.shape_cast %reduce_min3A_73 : vector<576xf32> to vector<576x1xf32>
    %eq3A_75 = vector.broadcast %broadcast_in_dim3A_74 : vector<576x1xf32> to vector<576x576xf32>
    %eq3A_76 = arith.cmpf oeq, %select_n3A_71, %eq3A_75 : vector<576x576xf32>
    %jit3A_77 = arith.constant 1073741824 : i32
    %broadcast_in_dim3A_78 = vector.broadcast %jit3A_77 : i32 to vector<576x576xi32>
    %select_n3A_79 = arith.select %eq3A_76, %iota3A, %broadcast_in_dim3A_78 : vector<576x576xi1>, vector<576x576xi32>
    %reduce_min3A_80 = arith.constant dense<2147483647> : vector<576xi32>
    %reduce_min3A_81 = vector.multi_reduction <minsi>, %select_n3A_79, %reduce_min3A_80 [1] : vector<576x576xi32> to vector<576xi32>
    %broadcast_in_dim3A_82 = vector.shape_cast %reduce_min3A_81 : vector<576xi32> to vector<576x1xi32>
    %eq3A_83 = vector.broadcast %broadcast_in_dim3A_82 : vector<576x1xi32> to vector<576x576xi32>
    %eq3A_84 = arith.cmpi eq, %select_n3A_79, %eq3A_83 : vector<576x576xi32>
    %eq3A_85 = arith.constant 2 : i32
    %eq3A_86 = vector.broadcast %eq3A_85 : i32 to vector<576x16xi32>
    %eq3A_87 = arith.cmpi eq, %iota3A_29, %eq3A_86 : vector<576x16xi32>
    %broadcast_in_dim3A_88 = vector.shape_cast %broadcast_in_dim3A_82 : vector<576x1xi32> to vector<576x1xi32>
    %broadcast_in_dim3A_89 = vector.broadcast %broadcast_in_dim3A_88 : vector<576x1xi32> to vector<576x16xi32>
    %select_n3A_90 = arith.select %eq3A_87, %broadcast_in_dim3A_89, %select_n3A_68 : vector<576x16xi1>, vector<576x16xi32>
    %jit3A_91 = arith.constant 3.000000e+38 : f32
    %broadcast_in_dim3A_92 = vector.broadcast %jit3A_91 : f32 to vector<576x576xf32>
    %select_n3A_93 = arith.select %eq3A_84, %broadcast_in_dim3A_92, %select_n3A_71 : vector<576x576xi1>, vector<576x576xf32>
    %reduce_min3A_94 = arith.constant dense<0x7F800000> : vector<576xf32>
    %reduce_min3A_95 = vector.multi_reduction <minimumf>, %select_n3A_93, %reduce_min3A_94 [1] : vector<576x576xf32> to vector<576xf32>
    %broadcast_in_dim3A_96 = vector.shape_cast %reduce_min3A_95 : vector<576xf32> to vector<576x1xf32>
    %eq3A_97 = vector.broadcast %broadcast_in_dim3A_96 : vector<576x1xf32> to vector<576x576xf32>
    %eq3A_98 = arith.cmpf oeq, %select_n3A_93, %eq3A_97 : vector<576x576xf32>
    %jit3A_99 = arith.constant 1073741824 : i32
    %broadcast_in_dim3A_100 = vector.broadcast %jit3A_99 : i32 to vector<576x576xi32>
    %select_n3A_101 = arith.select %eq3A_98, %iota3A, %broadcast_in_dim3A_100 : vector<576x576xi1>, vector<576x576xi32>
    %reduce_min3A_102 = arith.constant dense<2147483647> : vector<576xi32>
    %reduce_min3A_103 = vector.multi_reduction <minsi>, %select_n3A_101, %reduce_min3A_102 [1] : vector<576x576xi32> to vector<576xi32>
    %broadcast_in_dim3A_104 = vector.shape_cast %reduce_min3A_103 : vector<576xi32> to vector<576x1xi32>
    %eq3A_105 = vector.broadcast %broadcast_in_dim3A_104 : vector<576x1xi32> to vector<576x576xi32>
    %eq3A_106 = arith.cmpi eq, %select_n3A_101, %eq3A_105 : vector<576x576xi32>
    %eq3A_107 = arith.constant 3 : i32
    %eq3A_108 = vector.broadcast %eq3A_107 : i32 to vector<576x16xi32>
    %eq3A_109 = arith.cmpi eq, %iota3A_29, %eq3A_108 : vector<576x16xi32>
    %broadcast_in_dim3A_110 = vector.shape_cast %broadcast_in_dim3A_104 : vector<576x1xi32> to vector<576x1xi32>
    %broadcast_in_dim3A_111 = vector.broadcast %broadcast_in_dim3A_110 : vector<576x1xi32> to vector<576x16xi32>
    %select_n3A_112 = arith.select %eq3A_109, %broadcast_in_dim3A_111, %select_n3A_90 : vector<576x16xi1>, vector<576x16xi32>
    %jit3A_113 = arith.constant 3.000000e+38 : f32
    %broadcast_in_dim3A_114 = vector.broadcast %jit3A_113 : f32 to vector<576x576xf32>
    %select_n3A_115 = arith.select %eq3A_106, %broadcast_in_dim3A_114, %select_n3A_93 : vector<576x576xi1>, vector<576x576xf32>
    %reduce_min3A_116 = arith.constant dense<0x7F800000> : vector<576xf32>
    %reduce_min3A_117 = vector.multi_reduction <minimumf>, %select_n3A_115, %reduce_min3A_116 [1] : vector<576x576xf32> to vector<576xf32>
    %broadcast_in_dim3A_118 = vector.shape_cast %reduce_min3A_117 : vector<576xf32> to vector<576x1xf32>
    %eq3A_119 = vector.broadcast %broadcast_in_dim3A_118 : vector<576x1xf32> to vector<576x576xf32>
    %eq3A_120 = arith.cmpf oeq, %select_n3A_115, %eq3A_119 : vector<576x576xf32>
    %jit3A_121 = arith.constant 1073741824 : i32
    %broadcast_in_dim3A_122 = vector.broadcast %jit3A_121 : i32 to vector<576x576xi32>
    %select_n3A_123 = arith.select %eq3A_120, %iota3A, %broadcast_in_dim3A_122 : vector<576x576xi1>, vector<576x576xi32>
    %reduce_min3A_124 = arith.constant dense<2147483647> : vector<576xi32>
    %reduce_min3A_125 = vector.multi_reduction <minsi>, %select_n3A_123, %reduce_min3A_124 [1] : vector<576x576xi32> to vector<576xi32>
    %broadcast_in_dim3A_126 = vector.shape_cast %reduce_min3A_125 : vector<576xi32> to vector<576x1xi32>
    %eq3A_127 = vector.broadcast %broadcast_in_dim3A_126 : vector<576x1xi32> to vector<576x576xi32>
    %eq3A_128 = arith.cmpi eq, %select_n3A_123, %eq3A_127 : vector<576x576xi32>
    %eq3A_129 = arith.constant 4 : i32
    %eq3A_130 = vector.broadcast %eq3A_129 : i32 to vector<576x16xi32>
    %eq3A_131 = arith.cmpi eq, %iota3A_29, %eq3A_130 : vector<576x16xi32>
    %broadcast_in_dim3A_132 = vector.shape_cast %broadcast_in_dim3A_126 : vector<576x1xi32> to vector<576x1xi32>
    %broadcast_in_dim3A_133 = vector.broadcast %broadcast_in_dim3A_132 : vector<576x1xi32> to vector<576x16xi32>
    %select_n3A_134 = arith.select %eq3A_131, %broadcast_in_dim3A_133, %select_n3A_112 : vector<576x16xi1>, vector<576x16xi32>
    %jit3A_135 = arith.constant 3.000000e+38 : f32
    %broadcast_in_dim3A_136 = vector.broadcast %jit3A_135 : f32 to vector<576x576xf32>
    %select_n3A_137 = arith.select %eq3A_128, %broadcast_in_dim3A_136, %select_n3A_115 : vector<576x576xi1>, vector<576x576xf32>
    %reduce_min3A_138 = arith.constant dense<0x7F800000> : vector<576xf32>
    %reduce_min3A_139 = vector.multi_reduction <minimumf>, %select_n3A_137, %reduce_min3A_138 [1] : vector<576x576xf32> to vector<576xf32>
    %broadcast_in_dim3A_140 = vector.shape_cast %reduce_min3A_139 : vector<576xf32> to vector<576x1xf32>
    %eq3A_141 = vector.broadcast %broadcast_in_dim3A_140 : vector<576x1xf32> to vector<576x576xf32>
    %eq3A_142 = arith.cmpf oeq, %select_n3A_137, %eq3A_141 : vector<576x576xf32>
    %jit3A_143 = arith.constant 1073741824 : i32
    %broadcast_in_dim3A_144 = vector.broadcast %jit3A_143 : i32 to vector<576x576xi32>
    %select_n3A_145 = arith.select %eq3A_142, %iota3A, %broadcast_in_dim3A_144 : vector<576x576xi1>, vector<576x576xi32>
    %reduce_min3A_146 = arith.constant dense<2147483647> : vector<576xi32>
    %reduce_min3A_147 = vector.multi_reduction <minsi>, %select_n3A_145, %reduce_min3A_146 [1] : vector<576x576xi32> to vector<576xi32>
    %broadcast_in_dim3A_148 = vector.shape_cast %reduce_min3A_147 : vector<576xi32> to vector<576x1xi32>
    %eq3A_149 = vector.broadcast %broadcast_in_dim3A_148 : vector<576x1xi32> to vector<576x576xi32>
    %eq3A_150 = arith.cmpi eq, %select_n3A_145, %eq3A_149 : vector<576x576xi32>
    %eq3A_151 = arith.constant 5 : i32
    %eq3A_152 = vector.broadcast %eq3A_151 : i32 to vector<576x16xi32>
    %eq3A_153 = arith.cmpi eq, %iota3A_29, %eq3A_152 : vector<576x16xi32>
    %broadcast_in_dim3A_154 = vector.shape_cast %broadcast_in_dim3A_148 : vector<576x1xi32> to vector<576x1xi32>
    %broadcast_in_dim3A_155 = vector.broadcast %broadcast_in_dim3A_154 : vector<576x1xi32> to vector<576x16xi32>
    %select_n3A_156 = arith.select %eq3A_153, %broadcast_in_dim3A_155, %select_n3A_134 : vector<576x16xi1>, vector<576x16xi32>
    %jit3A_157 = arith.constant 3.000000e+38 : f32
    %broadcast_in_dim3A_158 = vector.broadcast %jit3A_157 : f32 to vector<576x576xf32>
    %select_n3A_159 = arith.select %eq3A_150, %broadcast_in_dim3A_158, %select_n3A_137 : vector<576x576xi1>, vector<576x576xf32>
    %reduce_min3A_160 = arith.constant dense<0x7F800000> : vector<576xf32>
    %reduce_min3A_161 = vector.multi_reduction <minimumf>, %select_n3A_159, %reduce_min3A_160 [1] : vector<576x576xf32> to vector<576xf32>
    %broadcast_in_dim3A_162 = vector.shape_cast %reduce_min3A_161 : vector<576xf32> to vector<576x1xf32>
    %eq3A_163 = vector.broadcast %broadcast_in_dim3A_162 : vector<576x1xf32> to vector<576x576xf32>
    %eq3A_164 = arith.cmpf oeq, %select_n3A_159, %eq3A_163 : vector<576x576xf32>
    %jit3A_165 = arith.constant 1073741824 : i32
    %broadcast_in_dim3A_166 = vector.broadcast %jit3A_165 : i32 to vector<576x576xi32>
    %select_n3A_167 = arith.select %eq3A_164, %iota3A, %broadcast_in_dim3A_166 : vector<576x576xi1>, vector<576x576xi32>
    %reduce_min3A_168 = arith.constant dense<2147483647> : vector<576xi32>
    %reduce_min3A_169 = vector.multi_reduction <minsi>, %select_n3A_167, %reduce_min3A_168 [1] : vector<576x576xi32> to vector<576xi32>
    %broadcast_in_dim3A_170 = vector.shape_cast %reduce_min3A_169 : vector<576xi32> to vector<576x1xi32>
    %eq3A_171 = arith.constant 6 : i32
    %eq3A_172 = vector.broadcast %eq3A_171 : i32 to vector<576x16xi32>
    %eq3A_173 = arith.cmpi eq, %iota3A_29, %eq3A_172 : vector<576x16xi32>
    %broadcast_in_dim3A_174 = vector.shape_cast %broadcast_in_dim3A_170 : vector<576x1xi32> to vector<576x1xi32>
    %broadcast_in_dim3A_175 = vector.broadcast %broadcast_in_dim3A_174 : vector<576x1xi32> to vector<576x16xi32>
    %select_n3A_176 = arith.select %eq3A_173, %broadcast_in_dim3A_175, %select_n3A_156 : vector<576x16xi1>, vector<576x16xi32>
    %swap3A_177 = arith.constant 0 : index
    %swap3A_178 = arith.constant 0 : index
    %swap3A_179 = arith.constant 0 : index
    %swap3A_180 = vector.load %arg5[%swap3A_177, %swap3A_178, %swap3A_179] : memref<1x576x16xi32, #tpu.memory_space<vmem>>, vector<1x576x16xi32>
    %swap3A_181 = vector.shape_cast %swap3A_180 : vector<1x576x16xi32> to vector<576x16xi32>
    %swap3A_182 = vector.shape_cast %select_n3A_176 : vector<576x16xi32> to vector<1x576x16xi32>
    tpu.vector_store %arg5[%swap3A_177, %swap3A_178, %swap3A_179], %swap3A_182 {strides = array<i32>} : memref<1x576x16xi32, #tpu.memory_space<vmem>>, vector<1x576x16xi32>,
    return
  }
  func.func @transform_0(%arg0: i32) -> (i32, i32, i32) {
    %c0_i32 = arith.constant 0 : i32
    %c0_i32_0 = arith.constant 0 : i32
    %c0_i32_1 = arith.constant 0 : i32
    return %arg0, %c0_i32, %c0_i32_0 : i32, i32, i32
  }
  func.func @transform_1(%arg0: i32) -> (i32, i32) {
    %c0_i32 = arith.constant 0 : i32
    %c0_i32_0 = arith.constant 0 : i32
    %c0_i32_1 = arith.constant 0 : i32
    return %c0_i32, %c0_i32_0 : i32, i32
  }
  func.func @transform_2(%arg0: i32) -> (i32, i32) {
    %c0_i32 = arith.constant 0 : i32
    %c0_i32_0 = arith.constant 0 : i32
    %c0_i32_1 = arith.constant 0 : i32
    return %c0_i32, %c0_i32_0 : i32, i32
  }
  func.func @transform_3(%arg0: i32) -> (i32, i32, i32) {
    %c0_i32 = arith.constant 0 : i32
    %c0_i32_0 = arith.constant 0 : i32
    %c0_i32_1 = arith.constant 0 : i32
    return %arg0, %c0_i32, %c0_i32_0 : i32, i32, i32
  }
  func.func @transform_4(%arg0: i32) -> (i32, i32, i32) {
    %c0_i32 = arith.constant 0 : i32
    %c0_i32_0 = arith.constant 0 : i32
    %c0_i32_1 = arith.constant 0 : i32
    return %arg0, %c0_i32, %c0_i32_0 : i32, i32, i32
  }
}

</mosaic_0001>

<sc_bundles>
// kernel: kernel.5.cloned.1.call-start
scs
__scs_entry_jumppad:
0x0: {  	(pc) =	sbr.rel $0x88, $3  }
0x1: {  	(tag) =	ssettag $0x0;
	lr =	simm.s32 $0x1  }
0x2: {  	[smem:$0x3F9E] =	sst lr;
	_ =	strace $0xD0000000  }
0x3: {  	_ = 	snop  }
0x4: {  	_ = 	snop  }
0x5: {  	_ = 	snop  }
0x6: {  	_ = 	snop  }
0x7: {  	_ = 	snop  }
__scs_overlays_trampoline_lowered:
0x8: {  	[smem:$0x3FAD] =	sst s0  }
0x9: {  	[smem:$0x3FAE] =	sst s1  }
0xa: {  	[smem:$0x3FAF] =	sst s2  }
0xb: {  	[smem:$0x3FB0] =	sst s3  }
0xc: {  	[smem:$0x3FB1] =	sst s4  }
0xd: {  	[smem:$0x3FB2] =	sst s5  }
0xe: {  	[smem:$0x3FB3] =	sst s6  }
0xf: {  	[smem:$0x3FB4] =	sst s7  }
0x10: {  	[smem:$0x3FB5] =	sst s8  }
0x11: {  	[smem:$0x3FB6] =	sst s9;
	s0 =	simm.s32 @!p0 $0x0  }
0x12: {  	s1 =	sld [smem:$0x3F9C];
	s0 =	simm.s32 @p0 $0x1  }
0x13: {  	[smem:$0x3FB7] =	sst s0;
	s0 =	simm.s32 @!p1 $0x0  }
0x14: {  	s2 =	sld [smem:$0x3F9B];
	s0 =	simm.s32 @p1 $0x1  }
0x15: {  	[smem:$0x3FB8] =	sst s0;
	s0 =	simm.s32 @!p2 $0x0  }
0x16: {  	s3 =	sld [smem:$0x3FDB];
	s0 =	simm.s32 @p2 $0x1  }
0x17: {  	s4 =	simm.s32 $0x1BF5;
	[smem:$0x3FBA] =	sst s0  }
0x18: {  	s0 =	sld [smem:$0x3F9D];
	_ =	swait.ge [sflag:s4], $0x0  }
0x19: {  	s7 =	sld [smem:$0x3F9E]  }
0x1a: {  	s8 =	sadd.s32 $0xFFFFE003, lr  }
0x1b: {  	s9 =	sadd.s32 $0xFFFFFEF7, lr;
	s5 =	simm.s32 $0xFFFFFFFF;
	p2 =	slt.u32 s8, $0xFFFFF086  }
0x1c: {  	p1 =	slt.u32 s9, $0xF7A;
	s5 =	simm.s32 @!p2 $0x0  }
0x1d: {  	s5 =	simm.s32 @p1 $0x1;
	p0 =	seq.s32 s7, s2  }
0x1e: {  	s7 =	smul.u32 @!p0 $0xF7A, s2;
	p2 =	seq.s32 @!p0 s5, $0x0  }
0x1f: {  	s9 =	smul.u32 $0xF7A, s1;
	s8 =	simm.s32 @!p0 $0x1BF5;
	p2 =	por !p2, p0  }
0x20: {  	[sflag:s8] =	ssyncset.s32 @!p0 $0xFFFFF086;
	s6 =	sadd.s32 @!p0 s3, s7;
	s7 =	simm.s32 @!p0 $0x108  }
0x21: {  	s3 =	sadd.s32 s3, s9;
	s6 =	sadd.s32 @!p0 $0x88, s6;
	s7 =	simm.s32 @p2 $0x1082  }
0x22: {  	[simem:s7], [sflag:s8] =	dma.local @!p0 [hbm:s6], $0xF7A  }
0x23: {  	s9 =	sor.u32 $0xD0000000, s2;
	s6 =	simm.s32 $0x108;
	_ =	swait.ge @!p0 [sflag:s8], $0x0  }
0x24: {  	s3 =	sadd.s32 $0x88, s3;
	s6 =	simm.s32 @!p1 $0x1082;
	[sflag:s4] =	ssyncset.s32 $0xFFFFF086  }
0x25: {  	[simem:s6], [sflag:s4] =	dma.local [hbm:s3], $0xF7A  }
0x26: {  	[smem:$0x3F9E] =	sst s1;
	(tag) =	ssettag s2;
	_ =	strace s9  }
0x27: {  	s1 =	sld [smem:$0x3FAE]  }
0x28: {  	s2 =	sld [smem:$0x3FAF]  }
0x29: {  	s4 =	sld [smem:$0x3FB1]  }
0x2a: {  	p0 =	seq.s32 s5, $0x0;
	s5 =	sld [smem:$0x3FB2]  }
0x2b: {  	s6 =	sld [smem:$0x3FB3]  }
0x2c: {  	s7 =	sld [smem:$0x3FB4]  }
0x2d: {  	s3 =	simm.s32 $0x108;
	s8 =	sld [smem:$0x3FB5]  }
0x2e: {  	s3 =	simm.s32 @!p0 $0x1082;
	s9 =	sld [smem:$0x3FB6]  }
0x2f: {  	lr =	sadd.s32 s0, s3;
	s0 =	sld [smem:$0x3FAD]  }
0x30: {  	s3 =	sld [smem:$0x3FB0]  }
0x31: {  	[smem:$0x3FB9] =	sst s10  }
0x32: {  	s10 =	sld [smem:$0x3FB7];
	_ =	sdelay $0x3  }
0x33: {  	p0 =	seq.s32 s10, $0x1;
	s10 =	sld [smem:$0x3FB9];
	_ =	sdelay $0x3  }
0x34: {  	[smem:$0x3FB9] =	sst s10  }
0x35: {  	s10 =	sld [smem:$0x3FB8];
	_ =	sdelay $0x3  }
0x36: {  	p1 =	seq.s32 s10, $0x1;
	s10 =	sld [smem:$0x3FB9];
	_ =	sdelay $0x3  }
0x37: {  	[smem:$0x3FB9] =	sst s10  }
0x38: {  	s10 =	sld [smem:$0x3FBA]  }
0x39: {  	_ = 	snop;
	(pc) =	sbr.ind lr, $3  }
0x3a: {  	_ = 	snop  }
0x3b: {  	_ = 	snop  }
0x3c: {  	p2 =	seq.s32 s10, $0x1;
	s10 =	sld [smem:$0x3FB9]  }
0x3d: {  	_ =	shalt  }
0x3e: {  	_ =	shalt  }
0x3f: {  	_ =	shalt  }
0x40: {  	_ =	shalt  }
0x41: {  	_ =	shalt  }
0x42: {  	_ =	shalt  }
0x43: {  	_ =	shalt  }
0x44: {  	_ =	shalt  }
0x45: {  	_ =	shalt  }
0x46: {  	_ =	shalt  }
0x47: {  	_ =	shalt  }
0x48: {  	_ =	shalt  }
0x49: {  	_ =	shalt  }
0x4a: {  	_ =	shalt  }
0x4b: {  	_ =	shalt  }
0x4c: {  	_ =	shalt  }
0x4d: {  	_ =	shalt  }
0x4e: {  	_ =	shalt  }
0x4f: {  	_ =	shalt  }
0x50: {  	_ =	shalt  }
0x51: {  	_ =	shalt  }
0x52: {  	_ =	shalt  }
0x53: {  	_ =	shalt  }
0x54: {  	_ =	shalt  }
0x55: {  	_ =	shalt  }
0x56: {  	_ =	shalt  }
0x57: {  	_ =	shalt  }
0x58: {  	_ =	shalt  }
0x59: {  	_ =	shalt  }
0x5a: {  	_ =	shalt  }
0x5b: {  	_ =	shalt  }
0x5c: {  	_ =	shalt  }
0x5d: {  	_ =	shalt  }
0x5e: {  	_ =	shalt  }
0x5f: {  	_ =	shalt  }
0x60: {  	_ =	shalt  }
0x61: {  	_ =	shalt  }
0x62: {  	_ =	shalt  }
0x63: {  	_ =	shalt  }
0x64: {  	_ =	shalt  }
0x65: {  	_ =	shalt  }
0x66: {  	_ =	shalt  }
0x67: {  	_ =	shalt  }
0x68: {  	_ =	shalt  }
0x69: {  	_ =	shalt  }
0x6a: {  	_ =	shalt  }
0x6b: {  	_ =	shalt  }
0x6c: {  	_ =	shalt  }
0x6d: {  	_ =	shalt  }
0x6e: {  	_ =	shalt  }
0x6f: {  	_ =	shalt  }
0x70: {  	_ =	shalt  }
0x71: {  	_ =	shalt  }
0x72: {  	_ =	shalt  }
0x73: {  	_ =	shalt  }
0x74: {  	_ =	shalt  }
0x75: {  	_ =	shalt  }
0x76: {  	_ =	shalt  }
0x77: {  	_ =	shalt  }
0x78: {  	_ =	shalt  }
0x79: {  	_ =	shalt  }
0x7a: {  	_ =	shalt  }
0x7b: {  	_ =	shalt  }
0x7c: {  	_ =	shalt  }
0x7d: {  	_ =	shalt  }
0x7e: {  	_ =	shalt  }
0x7f: {  	_ =	shalt  }
0x80: {  	_ =	shalt  }
0x81: {  	_ =	shalt  }
0x82: {  	_ =	shalt  }
0x83: {  	_ =	shalt  }
0x84: {  	_ =	shalt  }
0x85: {  	_ =	shalt  }
0x86: {  	_ =	shalt  }
0x87: {  	_ =	shalt  }
.Lfunc_end0:
.L_simem_size_0:
called_computation_lowered:
.L_overlay_start_0:
0x88: {  	s2 =	sld [smem:$0x3FD9]  }
0x89: {  	s3 =	sld [smem:$0x3FFE];
	_ =	sdelay $0x1  }
0x8a: {  	s1 =	srdreg.scid  }
0x8b: {  	s0 =	sand.u32 $0x1, s1  }
0x8c: {  	s17 =	sshll.u32 s0, $0xA;
	s2 =	sadd.s32 s3, s2  }
0x8d: {  	s2 =	sadd.s32 s2, s17  }
0x8e: {  	[smem:$0x3FC5] =	sst s2  }
0x8f: {  	_ = 	snop  }
0x90: {  	s2 =	sld [smem:$0x3FC9];
	(tm) =	ssettm $0x1  }
0x91: {  	s18 =	sld [smem:$0x3FFB];
	_ =	sdelay $0x3  }
0x92: {  	_ =	strace s18  }
0x93: {  	s3 =	sld [smem:$0x3FFC];
	_ =	sdelay $0x3  }
0x94: {  	_ =	strace s3  }
0x95: {  	s3 =	sld [smem:$0x3FFD];
	_ =	sdelay $0x3  }
0x96: {  	_ =	strace s3  }
0x97: {  	_ =	strace $0x8FFFFFFF  }
0x98: {  	s19 =	sld [smem:$0x3FDB];
	_ =	sdelay $0x1  }
0x99: {  	s4 =	simm.s32 $_scs_section_size  }
0x9a: {  	s5 =	simm.s32 $_size__tile_overlayer_lowered;
	s6 =	simm.s32 $_tile_overlayer_lowered  }
0x9b: {  	s22 =	simm.s32 $0x1BFF;
	s21 =	sshll.u32 s6, $0x1;
	s3 =	sadd.s32 s4, s19  }
0x9c: {  	s7 =	simm.s32 $0x0;
	s20 =	sshll.u32 s5, $0x1;
	s5 =	sadd.s32 s21, s3  }
0x9d: {  	[timem:s7], [sflag:s22] =	dma.local [hbm:s5], s20  }
0x9e: {  	_ =	swait.ge [sflag:s22], s20  }
0x9f: {  	s4 =	ssub.s32 $0x0, s20;
	[sflag:s22] =	ssyncset.done $0x0  }
0xa0: {  	[sflag:s22] =	ssyncadd.s32 s4;
	_ =	sdelay $0x1  }
0xa1: {  	s23 =	simm.s32 $0x1B8B  }
0xa2: {  	_ =	swait.ge [sflag:s23], $0x1  }
0xa3: {  	[sflag:s23] =	ssyncset.done $0x0  }
0xa4: {  	s25 =	simm.s32 $0x1B8E;
	s24 =	sld [smem:$0x3FFE];
	[sflag:s23] =	ssyncadd.s32 $0xFFFFFFFF  }
0xa5: {  	s26 =	simm.s32 $execute0_lowered;
	[smem:$0x3FD2] =	sst s25  }
0xa6: {  	s5 =	sshll.u32 s26, $0x1;
	_ =	strace $0x80000046;
	[dreg:$0x1] =	wrdreg $0xFFFFFFFF  }
0xa7: {  	s28 =	simm.s32 $_size_execute0_lowered;
	s3 =	sadd.s32 s3, s5;
	[dreg:$0x0] =	wrdreg $0x0  }
0xa8: {  	s5 =	sshll.u32 s28, $0x1;
	[dreg:$0x2] =	wrdreg s3  }
0xa9: {  	[dreg:$0x3] =	wrdreg s5  }
0xaa: {  	[dreg:$0x4] =	wrdreg $0xC0  }
0xab: {  	_ =	task [dreg:s7], $0x5FFFF  }
0xac: {  	[dreg:$0x1] =	wrdreg $0xFFFFFFFF  }
0xad: {  	[dreg:$0x0] =	wrdreg $0x60  }
0xae: {  	[dreg:$0x2] =	wrdreg s2  }
0xaf: {  	[dreg:$0x3] =	wrdreg s24  }
0xb0: {  	[dreg:$0x4] =	wrdreg $0x9  }
0xb1: {  	_ =	task.clear_ibuf [dreg:s7], $0x5FFFF;
	_ =	strace $0x90000046  }
0xb2: {  	s29 =	simm.s32 $0x9;
	_ =	strace $0x80000048  }
0xb3: {  	_ =	swait.ge [sflag:s29], $0x1  }
0xb4: {  	[sflag:s29] =	ssyncadd.s32 $0xFFFFFFFF  }
0xb5: {  	_ =	strace $0x90000048  }
0xb6: {  	_ =	sfence  }
0xb7: {  	s30 =	sld [smem:$0x0];
	_ =	sdelay $0x2  }
0xb8: {  	s31 =	sshll.u32 s1, $0xD;
	s1 =	sshrl.u32 s1, $0x2  }
0xb9: {  	s3 =	sand.u32 $0x4000, s31;
	s1 =	sadd.s32 s1, s30  }
0xba: {  	s0 =	sor.u32 s3, s0;
	s1 =	sshll.u32 s1, $0x11  }
0xbb: {  	s0 =	sor.u32 s1, s0  }
0xbc: {  	s0 =	sadd.s32 $0x8F2B, s0  }
0xbd: {  	[sflag:s0] =	ssyncadd.remote.s32 $0x1  }
0xbe: {  	_ =	sfence.sel $0xFFFF  }
0xbf: {  	[dreg:$0x0] =	wrdreg $0xFFFFFFFF;
	(pc) =	sbr.abs _section_cstart, $3  }
0xc0: {  	[dreg:$0x1] =	wrdreg $0xFFFFFFFF  }
0xc1: {  	_ =	task.clear_ibuf [dreg:s7], $0x2FFFF;
	_ =	strace $0x9FFFFFFF  }
0xc2: {  	(tm) =	ssettm $0x7FFFFFFF  }
0xc3: {  	_ =	shalt  }
tec
execute0_lowered:
.L_overlay_start_1:
0x0: {  	(tag) =	ssettag $0x1  }
0x1: {  	s0 =	rddreg [dreg:$0x0]  }
0x2: {  	s1 =	rddreg [dreg:$0x1]  }
0x3: {  	s4 =	stileid.u32;
	s2 =	srdreg.scid  }
0x4: {  	s13 =	simm.s32 $0x0;
	s3 =	sshll.u32 s4, $0x1;
	s4 =	sshrl.u32 s4, $0x1  }
0x5: {  	s2 =	sand.u32 $0x1, s2;
	s3 =	sand.u32 $0x2, s3;
	s5 =	smul.u32 $0x480, s4  }
0x6: {  	[smem:$0x7FF] =	sst s13;
	s4 =	smul.u32 $0x6C000, s4;
	s3 =	sor.u32 s2, s3  }
0x7: {  	s1 =	sadd.s32 $0x1200, s1;
	s2 =	ssub.s32 $0x2, s2;
	s6 =	smul.u32 $0x60, s3  }
0x8: {  	_ =	strace $0x80000047;
	s7 =	sshrl.u32 s2, $0x1;
	s8 =	smul.u32 $0x6, s3  }
0x9: {  	s10 =	sadd.s32 $0x180, s5;
	s12 =	sadd.s32 $0x300, s5;
	s3 =	smul.u32 $0x1B000, s3  }
0xa: {  	s2 =	ssub.s32 s2, s7;
	s9 =	sadd.s32 s5, s6;
	s11 =	sadd.s32 s10, s6  }
0xb: {  	s6 =	sadd.s32 s12, s6;
	s8 =	sadd.s32 $0x3, s8;
	s3 =	sadd.s32 s4, s3  }
0xc: {  	s9 =	sshrl.u32 s9, $0x3;
	s23 =	sshll.u32 s8, $0x4;
	s8 =	smul.u32 $0x4800, s8  }
0xd: {  	s31 =	smax.u32 s2, $0x1;
	s11 =	sshrl.u32 s11, $0x3;
	s9 =	smul.u32 $0x180, s9  }
0xe: {  	s6 =	sshrl.u32 s6, $0x3;
	s3 =	sshrl.u32 s3, $0x3;
	s11 =	smul.u32 $0x180, s11  }
0xf: {  	[dreg:$0x1f] =	wrdreg s31;
	s6 =	smul.u32 $0x180, s6;
	s5 =	sadd.s32 s5, s23  }
0x10: {  	s25 =	sadd.s32 s10, s23;
	s7 =	sadd.s32 s12, s23;
	s3 =	sadd.s32 s1, s3  }
0x11: {  	s5 =	sshrl.u32 s5, $0x3;
	s7 =	sshrl.u32 s7, $0x3;
	s4 =	sadd.s32 s4, s8  }
0x12: {  	[dreg:$0x1a] =	wrdreg s3;
	s9 =	sadd.s32 s0, s9;
	s24 =	sadd.s32 s0, s11  }
0x13: {  	s6 =	sadd.s32 s0, s6;
	s5 =	smul.u32 $0x180, s5;
	[dreg:$0x17] =	wrdreg s9  }
0x14: {  	s28 =	sshrl.u32 s4, $0x3;
	[dreg:$0x19] =	wrdreg s6;
	s6 =	sshrl.u32 s25, $0x3  }
0x15: {  	[dreg:$0x18] =	wrdreg s24;
	s30 =	sadd.s32 s1, s28;
	s6 =	smul.u32 $0x180, s6  }
0x16: {  	s7 =	smul.u32 $0x180, s7;
	s26 =	sadd.s32 s0, s5;
	[dreg:$0x1e] =	wrdreg s30  }
0x17: {  	[dreg:$0x1b] =	wrdreg s26;
	s29 =	sadd.s32 s0, s6  }
0x18: {  	s0 =	sadd.s32 s0, s7;
	[dreg:$0x1c] =	wrdreg s29  }
0x19: {  	s4 =	simm.s32 $0x1;
	s1 =	simm.s32 $0x0;
	[dreg:$0x1d] =	wrdreg s0  }
.LBB2_1:
0x1a: {  	[smem:$0x7CD] =	sst s1  }
0x1b: {  	s0 =	rddreg [dreg:$0x17];
	s26 =	simm.s32 $0x0  }
0x1c: {  	[tilespmem:s13], [sflag:$0x1] =	stream.linear.gather [hbm4b:s0+s13], $0x4800, $0x38;
	[tilespmem:$0x1B000] =	vst v63  }
0x1d: {  	s31 =	sor.u32 $0x1, s26;
	_ =	swait.ge [sflag:s4], $0x4800  }
0x1e: {  	s25 =	simm.s32 $0x4800;
	s2 =	sand.u32 $0xFF, s31;
	[sflag:s4] =	ssyncset.done $0x0  }
0x1f: {  	s24 =	rddreg [dreg:$0x18];
	s2 =	smul.u32 $0xAB, s2;
	[sflag:s4] =	ssyncadd.s32 $0xFFFFB800  }
0x20: {  	[tilespmem:s25], [sflag:$0x1] =	stream.linear.gather [hbm4b:s24+s13], $0x4800, $0x38;
	[tilespmem:$0x1B000] =	vst v63  }
0x21: {  	s5 =	smul.u32 $0xAB, s26;
	s7 =	sshrl.u32 s2, $0x9  }
0x22: {  	_ =	swait.ge [sflag:s4], $0x4800;
	s8 =	smul.u32 $0x3, s7  }
0x23: {  	s6 =	simm.s32 $0x9000;
	s9 =	sshrl.u32 s5, $0x9;
	[sflag:s4] =	ssyncset.done $0x0  }
0x24: {  	s3 =	rddreg [dreg:$0x19];
	[sflag:s4] =	ssyncadd.s32 $0xFFFFB800;
	s0 =	ssub.s32 s31, s8  }
0x25: {  	[tilespmem:s6], [sflag:$0x1] =	stream.linear.gather [hbm4b:s3+s13], $0x4800, $0x38;
	[tilespmem:$0x1B000] =	vst v63  }
0x26: {  	s2 =	sshrl.u32 s2, $0x5;
	s8 =	sand.u32 $0x7F, s9;
	s0 =	sand.u32 $0xFF, s0  }
0x27: {  	s10 =	smul.u32 $0x3, s8;
	s11 =	sshll.u32 s0, $0x4;
	_ =	swait.ge [sflag:s4], $0x4800  }
0x28: {  	[smem:$0x7CE] =	sst s11;
	s3 =	sadd.s32 s7, s11;
	[sflag:s4] =	ssyncset.done $0x0  }
0x29: {  	s1 =	ssub.s32 $0x0, s10;
	[smem:$0x7CF] =	sst s7;
	s7 =	sshll.u32 s7, $0x7  }
0x2a: {  	[smem:$0x7D2] =	sst s8;
	s3 =	sshrl.u32 s3, $0x3;
	[sflag:s4] =	ssyncadd.s32 $0xFFFFB800  }
0x2b: {  	s12 =	sand.u32 $0xFF, s1;
	s13 =	sand.u32 $0x380, s7;
	s3 =	smul.u32 $0x3000, s3  }
0x2c: {  	s1 =	smul.u32 $0x18, s0;
	s9 =	sshll.u32 s12, $0x4;
	[smem:$0x7D1] =	sst s13  }
0x2d: {  	s6 =	smul.u32 $0x18, s12;
	[smem:$0x7D0] =	sst s9;
	s14 =	sshrl.u32 s3, $0x2  }
0x2e: {  	s15 =	sadd.s32 s8, s9;
	s16 =	sshrl.u32 s1, $0x3;
	s4 =	sor.u32 s13, s14  }
0x2f: {  	s19 =	sand.u32 $0x70, s2;
	s3 =	sshrl.u32 s15, $0x3;
	s0 =	smul.u32 $0x6000, s16;
	v0 =	vld [tilespmem:s4+$0x0]  }
0x30: {  	s20 =	sand.u32 $0xC00, s7;
	s8 =	sshll.u32 s8, $0x7;
	s3 =	smul.u32 $0x3000, s3  }
0x31: {  	s17 =	sand.u32 $0x380, s8;
	s22 =	sshrl.u32 s6, $0x3;
	s18 =	sshrl.u32 s0, $0x2  }
0x32: {  	[smem:$0x7D4] =	sst s17;
	s3 =	sshrl.u32 s3, $0x2;
	s21 =	sadd.s32 s20, s18  }
0x33: {  	[smem:$0x7D3] =	sst s18;
	s3 =	sor.u32 s17, s3;
	s23 =	sor.u32 s19, s21  }
0x34: {  	s2 =	smul.u32 $0x6000, s22;
	v1 =	vld [tilespmem:s3+$0x0];
	[tilespmem:s23+$0xD800] =	vst v0  }
0x35: {  	v0 =	vld [tilespmem:s4+$0x10]  }
0x36: {  	s5 =	sshrl.u32 s5, $0x5;
	s7 =	sshrl.u32 s2, $0x2;
	s21 =	sand.u32 $0xC00, s8  }
0x37: {  	s18 =	sand.u32 $0x70, s5;
	s24 =	sadd.s32 s21, s7  }
0x38: {  	s5 =	sor.u32 s18, s24;
	[smem:$0x7D5] =	sst s7  }
0x39: {  	[tilespmem:s5+$0xD800] =	vst v1  }
0x3a: {  	v1 =	vld [tilespmem:s3+$0x10];
	[tilespmem:s23+$0xD880] =	vst v0  }
0x3b: {  	v0 =	vld [tilespmem:s4+$0x20];
	_ =	sdelay $0x3  }
0x3c: {  	[tilespmem:s5+$0xD880] =	vst v1  }
0x3d: {  	v1 =	vld [tilespmem:s3+$0x20];
	[tilespmem:s23+$0xD900] =	vst v0  }
0x3e: {  	v0 =	vld [tilespmem:s4+$0x30];
	_ =	sdelay $0x3  }
0x3f: {  	[tilespmem:s5+$0xD900] =	vst v1  }
0x40: {  	v1 =	vld [tilespmem:s3+$0x30];
	[tilespmem:s23+$0xD980] =	vst v0  }
0x41: {  	v0 =	vld [tilespmem:s4+$0x40];
	_ =	sdelay $0x3  }
0x42: {  	[tilespmem:s5+$0xD980] =	vst v1  }
0x43: {  	v1 =	vld [tilespmem:s3+$0x40];
	[tilespmem:s23+$0xDA00] =	vst v0  }
0x44: {  	v0 =	vld [tilespmem:s4+$0x50];
	_ =	sdelay $0x2  }
0x45: {  	s25 =	simm.s32 $0x2  }
0x46: {  	s26 =	sor.u32 $0x1, s25;
	[tilespmem:s5+$0xDA00] =	vst v1  }
0x47: {  	s10 =	sand.u32 $0xFF, s26;
	v1 =	vld [tilespmem:s3+$0x50];
	[tilespmem:s23+$0xDA80] =	vst v0  }
0x48: {  	s10 =	smul.u32 $0xAB, s10;
	v0 =	vld [tilespmem:s4+$0x60];
	_ =	sdelay $0x1  }
0x49: {  	s31 =	sshrl.u32 s10, $0x9  }
0x4a: {  	s11 =	smul.u32 $0x3, s31  }
0x4b: {  	[tilespmem:s5+$0xDA80] =	vst v1  }
0x4c: {  	s12 =	smul.u32 $0xAB, s25;
	s15 =	ssub.s32 s26, s11;
	v1 =	vld [tilespmem:s3+$0x60];
	[tilespmem:s23+$0xDB00] =	vst v0  }
0x4d: {  	s1 =	sadd.s32 $0x8, s1;
	s7 =	sand.u32 $0xFF, s15;
	v0 =	vld [tilespmem:s4+$0x70]  }
0x4e: {  	s10 =	sshrl.u32 s10, $0x5;
	s16 =	sshrl.u32 s12, $0x9;
	s17 =	sshll.u32 s7, $0x4  }
0x4f: {  	s14 =	sand.u32 $0x7F, s16;
	s9 =	smul.u32 $0x18, s7;
	s11 =	sadd.s32 s31, s17  }
0x50: {  	s8 =	smul.u32 $0x3, s14;
	s11 =	sshrl.u32 s11, $0x3;
	[smem:$0x7D6] =	sst s17  }
0x51: {  	s22 =	sshll.u32 s31, $0x7;
	s25 =	sshrl.u32 s9, $0x3;
	s11 =	smul.u32 $0x3000, s11;
	[tilespmem:s5+$0xDB00] =	vst v1  }
0x52: {  	s1 =	sshrl.u32 s1, $0x3;
	s24 =	sand.u32 $0x380, s22;
	s16 =	smul.u32 $0x6000, s25;
	[tilespmem:s23+$0xDB80] =	vst v0;
	v0 =	vld [tilespmem:s3+$0x70]  }
0x53: {  	s11 =	sshrl.u32 s11, $0x2;
	s23 =	smul.u32 $0x6000, s1;
	[smem:$0x7D7] =	sst s31  }
0x54: {  	s6 =	sadd.s32 $0x8, s6;
	s1 =	sor.u32 s24, s11;
	v1 =	vld [tilespmem:s4+$0x400];
	[smem:$0x7D8] =	sst s24  }
0x55: {  	s8 =	ssub.s32 $0x2, s8;
	s26 =	sshrl.u32 s23, $0x2;
	v2 =	vld [tilespmem:s1+$0x0];
	[smem:$0x7F1] =	sst s16  }
0x56: {  	s6 =	sshrl.u32 s6, $0x3;
	s8 =	sand.u32 $0xFF, s8;
	[smem:$0x7D9] =	sst s26  }
0x57: {  	s6 =	smul.u32 $0x6000, s6;
	s31 =	sshll.u32 s8, $0x4;
	s11 =	sadd.s32 s20, s26;
	[tilespmem:s5+$0xDB80] =	vst v0  }
0x58: {  	s22 =	sand.u32 $0xC00, s22;
	s7 =	sor.u32 s19, s11;
	[smem:$0x7DA] =	sst s31  }
0x59: {  	s8 =	smul.u32 $0x18, s8;
	s15 =	sadd.s32 s14, s31;
	s16 =	sshrl.u32 s16, $0x2;
	[tilespmem:s7+$0xD800] =	vst v1  }
0x5a: {  	s26 =	sand.u32 $0x70, s10;
	s17 =	sadd.s32 s22, s16;
	v0 =	vld [tilespmem:s3+$0x400];
	[smem:$0x7DB] =	sst s16  }
0x5b: {  	s5 =	sshrl.u32 s15, $0x3;
	s11 =	sor.u32 s26, s17;
	[smem:$0x7F2] =	sst s22  }
0x5c: {  	s6 =	sshrl.u32 s6, $0x2;
	s5 =	smul.u32 $0x3000, s5;
	[tilespmem:s11+$0xD800] =	vst v2  }
0x5d: {  	s23 =	sshll.u32 s14, $0x7;
	s24 =	sshrl.u32 s8, $0x3;
	v1 =	vld [tilespmem:s4+$0x410];
	[smem:$0x7DC] =	sst s14  }
0x5e: {  	s5 =	sshrl.u32 s5, $0x2;
	v2 =	vld [tilespmem:s1+$0x10];
	[smem:$0x7DD] =	sst s6;
	s6 =	sadd.s32 s21, s6  }
0x5f: {  	s14 =	sand.u32 $0x380, s23;
	s10 =	sor.u32 s18, s6;
	s6 =	smul.u32 $0x6000, s24  }
0x60: {  	[smem:$0x7DE] =	sst s14;
	s5 =	sor.u32 s14, s5  }
0x61: {  	v3 =	vld [tilespmem:s5+$0x0];
	[smem:$0x7F3] =	sst s6  }
0x62: {  	[tilespmem:s10+$0xD800] =	vst v0  }
0x63: {  	[tilespmem:s7+$0xD880] =	vst v1  }
0x64: {  	s12 =	sshrl.u32 s12, $0x5;
	s25 =	sand.u32 $0xC00, s23;
	s6 =	sshrl.u32 s6, $0x2;
	v0 =	vld [tilespmem:s3+$0x410];
	[tilespmem:s11+$0xD880] =	vst v2  }
0x65: {  	s31 =	sand.u32 $0x70, s12;
	s15 =	sadd.s32 s25, s6;
	v1 =	vld [tilespmem:s4+$0x420];
	[smem:$0x7DF] =	sst s6  }
0x66: {  	s14 =	sor.u32 s31, s15;
	[smem:$0x7F5] =	sst s25  }
0x67: {  	v2 =	vld [tilespmem:s1+$0x20];
	[tilespmem:s14+$0xD800] =	vst v3  }
0x68: {  	v3 =	vld [tilespmem:s5+$0x10]  }
0x69: {  	[tilespmem:s10+$0xD880] =	vst v0  }
0x6a: {  	[tilespmem:s7+$0xD900] =	vst v1;
	v0 =	vld [tilespmem:s3+$0x420]  }
0x6b: {  	v1 =	vld [tilespmem:s4+$0x430]  }
0x6c: {  	[tilespmem:s11+$0xD900] =	vst v2  }
0x6d: {  	v2 =	vld [tilespmem:s1+$0x30];
	[tilespmem:s14+$0xD880] =	vst v3  }
0x6e: {  	v3 =	vld [tilespmem:s5+$0x20]  }
0x6f: {  	[tilespmem:s10+$0xD900] =	vst v0  }
0x70: {  	[tilespmem:s7+$0xD980] =	vst v1;
	v0 =	vld [tilespmem:s3+$0x430]  }
0x71: {  	v1 =	vld [tilespmem:s4+$0x440]  }
0x72: {  	[tilespmem:s11+$0xD980] =	vst v2  }
0x73: {  	v2 =	vld [tilespmem:s1+$0x40];
	[tilespmem:s14+$0xD900] =	vst v3  }
0x74: {  	v3 =	vld [tilespmem:s5+$0x30]  }
0x75: {  	[tilespmem:s10+$0xD980] =	vst v0  }
0x76: {  	[tilespmem:s7+$0xDA00] =	vst v1;
	v0 =	vld [tilespmem:s3+$0x440]  }
0x77: {  	v1 =	vld [tilespmem:s4+$0x450]  }
0x78: {  	s15 =	simm.s32 $0x4;
	[tilespmem:s11+$0xDA00] =	vst v2  }
0x79: {  	s16 =	sor.u32 $0x1, s15;
	v2 =	vld [tilespmem:s1+$0x50];
	[tilespmem:s14+$0xD980] =	vst v3  }
0x7a: {  	s24 =	sand.u32 $0xFF, s16;
	v3 =	vld [tilespmem:s5+$0x40]  }
0x7b: {  	s13 =	smul.u32 $0xAB, s24;
	[tilespmem:s10+$0xDA00] =	vst v0  }
0x7c: {  	[tilespmem:s7+$0xDA80] =	vst v1;
	v0 =	vld [tilespmem:s3+$0x450]  }
0x7d: {  	s15 =	smul.u32 $0xAB, s15;
	s23 =	sshrl.u32 s13, $0x9;
	v1 =	vld [tilespmem:s4+$0x460]  }
0x7e: {  	s6 =	smov.u32 s25;
	s25 =	smul.u32 $0x3, s23;
	[tilespmem:s11+$0xDA80] =	vst v2  }
0x7f: {  	s17 =	sshrl.u32 s15, $0x9;
	v2 =	vld [tilespmem:s1+$0x60];
	[tilespmem:s14+$0xDA00] =	vst v3  }
0x80: {  	s28 =	sand.u32 $0x7F, s17;
	s12 =	ssub.s32 s16, s25;
	v3 =	vld [tilespmem:s5+$0x50]  }
0x81: {  	s17 =	smul.u32 $0x3, s28;
	s12 =	sand.u32 $0xFF, s12;
	[tilespmem:s10+$0xDA80] =	vst v0  }
0x82: {  	s24 =	sshll.u32 s12, $0x4;
	[tilespmem:s7+$0xDB00] =	vst v1;
	v0 =	vld [tilespmem:s3+$0x460]  }
0x83: {  	s16 =	ssub.s32 $0x4, s17;
	s17 =	sadd.s32 s23, s24;
	v1 =	vld [tilespmem:s4+$0x470];
	[smem:$0x7E0] =	sst s24  }
0x84: {  	s16 =	sand.u32 $0xFF, s16;
	s29 =	smul.u32 $0x18, s12;
	s17 =	sshrl.u32 s17, $0x3;
	[tilespmem:s11+$0xDB00] =	vst v2  }
0x85: {  	s2 =	sadd.s32 $0xC000, s2;
	s17 =	smul.u32 $0x3000, s17;
	s24 =	sshll.u32 s16, $0x4;
	[tilespmem:s14+$0xDA80] =	vst v3  }
0x86: {  	s12 =	sshll.u32 s23, $0x7;
	s25 =	sadd.s32 s28, s24;
	v2 =	vld [tilespmem:s1+$0x70];
	[smem:$0x7E1] =	sst s24  }
0x87: {  	s17 =	sshrl.u32 s17, $0x2;
	s24 =	sshrl.u32 s2, $0x2;
	s2 =	sshrl.u32 s25, $0x3;
	[tilespmem:s10+$0xDB00] =	vst v0  }
0x88: {  	s25 =	sshrl.u32 s29, $0x3;
	v3 =	vld [tilespmem:s5+$0x60];
	[smem:$0x7E2] =	sst s23;
	s23 =	sand.u32 $0x380, s12  }
0x89: {  	[tilespmem:s7+$0xDB80] =	vst v1;
	s7 =	sor.u32 s23, s17;
	s17 =	smul.u32 $0x6000, s25  }
0x8a: {  	v0 =	vld [tilespmem:s3+$0x470];
	[smem:$0x7E3] =	sst s23  }
0x8b: {  	[dreg:$0x5] =	wrdreg s17  }
0x8c: {  	v1 =	vld [tilespmem:s4+$0x800];
	[tilespmem:s11+$0xDB80] =	vst v2  }
0x8d: {  	s0 =	sadd.s32 $0xC000, s0;
	v2 =	vld [tilespmem:s7+$0x0];
	[tilespmem:s14+$0xDB00] =	vst v3  }
0x8e: {  	s0 =	sshrl.u32 s0, $0x2;
	s9 =	sadd.s32 $0x8, s9;
	v4 =	vld [tilespmem:s1+$0x400];
	[smem:$0x7E4] =	sst s20  }
0x8f: {  	s9 =	sshrl.u32 s9, $0x3;
	[smem:$0x7E5] =	sst s0  }
0x90: {  	s9 =	smul.u32 $0x6000, s9;
	s13 =	sshrl.u32 s13, $0x5;
	[tilespmem:s10+$0xDB80] =	vst v0  }
0x91: {  	s17 =	sshrl.u32 s17, $0x2;
	s0 =	sadd.s32 s20, s0;
	v0 =	vld [tilespmem:s5+$0x70];
	[smem:$0x7E6] =	sst s19  }
0x92: {  	s23 =	sand.u32 $0xC00, s12;
	s12 =	sor.u32 s19, s0;
	[smem:$0x7E7] =	sst s17  }
0x93: {  	s9 =	sshrl.u32 s9, $0x2;
	s25 =	sand.u32 $0x70, s13;
	s20 =	sadd.s32 s23, s17;
	[tilespmem:s12+$0xD800] =	vst v1  }
0x94: {  	s10 =	sor.u32 s25, s20;
	v1 =	vld [tilespmem:s3+$0x800];
	[smem:$0x7E8] =	sst s9  }
0x95: {  	s2 =	smul.u32 $0x3000, s2;
	s9 =	sadd.s32 s22, s9;
	[tilespmem:s10+$0xD800] =	vst v2  }
0x96: {  	s22 =	sshll.u32 s28, $0x7;
	s13 =	sor.u32 s26, s9;
	v2 =	vld [tilespmem:s4+$0x810];
	[smem:$0x7E9] =	sst s28  }
0x97: {  	s0 =	smul.u32 $0x18, s16;
	s16 =	sand.u32 $0x380, s22;
	[tilespmem:s13+$0xD800] =	vst v4  }
0x98: {  	v3 =	vld [tilespmem:s7+$0x10];
	[smem:$0x7EA] =	sst s16  }
0x99: {  	s2 =	sshrl.u32 s2, $0x2;
	v4 =	vld [tilespmem:s1+$0x410];
	[smem:$0x7EB] =	sst s21  }
0x9a: {  	s11 =	sor.u32 s16, s2;
	s16 =	sshrl.u32 s0, $0x3;
	[smem:$0x7EC] =	sst s24  }
0x9b: {  	s19 =	smul.u32 $0x6000, s16;
	[tilespmem:s14+$0xDB80] =	vst v0  }
0x9c: {  	s17 =	sadd.s32 s21, s24;
	[smem:$0x7ED] =	sst s18  }
0x9d: {  	s30 =	sor.u32 s18, s17;
	v0 =	vld [tilespmem:s11+$0x0];
	[smem:$0x7F8] =	sst s19  }
0x9e: {  	s8 =	sadd.s32 $0x8, s8;
	[tilespmem:s30+$0xD800] =	vst v1  }
0x9f: {  	s18 =	sshrl.u32 s8, $0x3;
	v5 =	vld [tilespmem:s5+$0x400];
	[tilespmem:s12+$0xD880] =	vst v2  }
0xa0: {  	s14 =	sshrl.u32 s19, $0x2;
	s2 =	smul.u32 $0x6000, s18;
	[tilespmem:s10+$0xD880] =	vst v3;
	v1 =	vld [tilespmem:s3+$0x810]  }
0xa1: {  	s20 =	sshrl.u32 s15, $0x5;
	s22 =	sand.u32 $0xC00, s22;
	v2 =	vld [tilespmem:s4+$0x820];
	[smem:$0x7EE] =	sst s14  }
0xa2: {  	s19 =	sand.u32 $0x70, s20;
	s15 =	sadd.s32 s22, s14;
	s21 =	sshrl.u32 s2, $0x2;
	[tilespmem:s13+$0xD880] =	vst v4  }
0xa3: {  	s24 =	sor.u32 s19, s15;
	v3 =	vld [tilespmem:s7+$0x20];
	s16 =	sadd.s32 s6, s21;
	[smem:$0x7EF] =	sst s21  }
0xa4: {  	s20 =	sor.u32 s31, s16;
	[tilespmem:s24+$0xD800] =	vst v0;
	v0 =	vld [tilespmem:s1+$0x420]  }
0xa5: {  	v4 =	vld [tilespmem:s11+$0x10];
	[tilespmem:s20+$0xD800] =	vst v5  }
0xa6: {  	v5 =	vld [tilespmem:s5+$0x410];
	[tilespmem:s30+$0xD880] =	vst v1  }
0xa7: {  	[tilespmem:s12+$0xD900] =	vst v2;
	v1 =	vld [tilespmem:s3+$0x820]  }
0xa8: {  	[tilespmem:s10+$0xD900] =	vst v3;
	v2 =	vld [tilespmem:s4+$0x830]  }
0xa9: {  	v3 =	vld [tilespmem:s7+$0x30];
	[tilespmem:s13+$0xD900] =	vst v0  }
0xaa: {  	[tilespmem:s24+$0xD880] =	vst v4;
	v0 =	vld [tilespmem:s1+$0x430]  }
0xab: {  	v4 =	vld [tilespmem:s11+$0x20];
	[tilespmem:s20+$0xD880] =	vst v5  }
0xac: {  	v5 =	vld [tilespmem:s5+$0x420];
	[tilespmem:s30+$0xD900] =	vst v1  }
0xad: {  	[tilespmem:s12+$0xD980] =	vst v2;
	v1 =	vld [tilespmem:s3+$0x830]  }
0xae: {  	[tilespmem:s10+$0xD980] =	vst v3;
	v2 =	vld [tilespmem:s4+$0x840]  }
0xaf: {  	v3 =	vld [tilespmem:s7+$0x40];
	[tilespmem:s13+$0xD980] =	vst v0  }
0xb0: {  	[tilespmem:s24+$0xD900] =	vst v4;
	v0 =	vld [tilespmem:s1+$0x440]  }
0xb1: {  	v4 =	vld [tilespmem:s11+$0x30];
	[tilespmem:s20+$0xD900] =	vst v5  }
0xb2: {  	v5 =	vld [tilespmem:s5+$0x430];
	[tilespmem:s30+$0xD980] =	vst v1  }
0xb3: {  	[tilespmem:s12+$0xDA00] =	vst v2;
	v1 =	vld [tilespmem:s3+$0x840]  }
0xb4: {  	[tilespmem:s10+$0xDA00] =	vst v3;
	v2 =	vld [tilespmem:s4+$0x850]  }
0xb5: {  	v3 =	vld [tilespmem:s7+$0x50];
	[tilespmem:s13+$0xDA00] =	vst v0  }
0xb6: {  	s28 =	simm.s32 $0x6;
	[tilespmem:s24+$0xD980] =	vst v4;
	v0 =	vld [tilespmem:s1+$0x450]  }
0xb7: {  	s8 =	sor.u32 $0x1, s28;
	v4 =	vld [tilespmem:s11+$0x40];
	[tilespmem:s20+$0xD980] =	vst v5  }
0xb8: {  	s17 =	sand.u32 $0xFF, s8;
	v5 =	vld [tilespmem:s5+$0x440];
	[tilespmem:s30+$0xDA00] =	vst v1  }
0xb9: {  	s15 =	smul.u32 $0xAB, s17;
	[tilespmem:s12+$0xDA80] =	vst v2;
	v1 =	vld [tilespmem:s3+$0x850]  }
0xba: {  	s2 =	smul.u32 $0xAB, s28;
	[tilespmem:s10+$0xDA80] =	vst v3;
	v2 =	vld [tilespmem:s4+$0x860]  }
0xbb: {  	s14 =	sshrl.u32 s15, $0x9;
	v3 =	vld [tilespmem:s7+$0x60];
	[tilespmem:s13+$0xDA80] =	vst v0  }
0xbc: {  	s18 =	sshrl.u32 s2, $0x9;
	s21 =	smul.u32 $0x3, s14;
	[tilespmem:s24+$0xDA00] =	vst v4;
	v0 =	vld [tilespmem:s1+$0x460]  }
0xbd: {  	s16 =	sand.u32 $0x7F, s18;
	v4 =	vld [tilespmem:s11+$0x50];
	[tilespmem:s20+$0xDA00] =	vst v5  }
0xbe: {  	s6 =	smul.u32 $0x3, s16;
	s8 =	ssub.s32 s8, s21;
	v5 =	vld [tilespmem:s5+$0x450];
	[tilespmem:s30+$0xDA80] =	vst v1  }
0xbf: {  	s8 =	sand.u32 $0xFF, s8;
	[tilespmem:s12+$0xDB00] =	vst v2;
	v1 =	vld [tilespmem:s3+$0x860]  }
0xc0: {  	s18 =	ssub.s32 $0x6, s6;
	s21 =	sshll.u32 s8, $0x4;
	v2 =	vld [tilespmem:s4+$0x870];
	[tilespmem:s10+$0xDB00] =	vst v3  }
0xc1: {  	s17 =	sand.u32 $0xFF, s18;
	s9 =	sadd.s32 s14, s21;
	v3 =	vld [tilespmem:s7+$0x70];
	[tilespmem:s13+$0xDB00] =	vst v0  }
0xc2: {  	s6 =	sshll.u32 s17, $0x4;
	s9 =	sshrl.u32 s9, $0x3;
	[tilespmem:s24+$0xDA80] =	vst v4;
	v4 =	vld [tilespmem:s1+$0x470]  }
0xc3: {  	s18 =	sadd.s32 s16, s6;
	s6 =	smul.u32 $0x3000, s9;
	v6 =	vld [tilespmem:s11+$0x60];
	[tilespmem:s20+$0xDA80] =	vst v5  }
0xc4: {  	s9 =	smul.u32 $0x18, s8;
	s21 =	sshrl.u32 s18, $0x3;
	v5 =	vld [tilespmem:s5+$0x460];
	[dreg:$0x7] =	wrdreg s30  }
0xc5: {  	s18 =	sshrl.u32 s6, $0x2;
	s4 =	smul.u32 $0x3000, s21;
	s21 =	sshll.u32 s14, $0x7;
	[tilespmem:s30+$0xDB00] =	vst v1  }
0xc6: {  	s6 =	sshrl.u32 s9, $0x3;
	s14 =	sand.u32 $0x380, s21;
	v0 =	vld [tilespmem:s3+$0x870];
	[smem:$0x7F0] =	sst s29  }
0xc7: {  	s8 =	smul.u32 $0x6000, s6;
	s14 =	sor.u32 s14, s18;
	[tilespmem:s10+$0xDB80] =	vst v3  }
0xc8: {  	s16 =	sshll.u32 s16, $0x7;
	s6 =	sadd.s32 $0x8, s29;
	v1 =	vld [tilespmem:s14+$0x0];
	[tilespmem:s13+$0xDB80] =	vst v4  }
0xc9: {  	s4 =	sshrl.u32 s4, $0x2;
	s18 =	sand.u32 $0x380, s16;
	v3 =	vld [tilespmem:s7+$0x400];
	[dreg:$0xb] =	wrdreg s8  }
0xca: {  	s6 =	sshrl.u32 s6, $0x3;
	s21 =	sand.u32 $0xC00, s21;
	s30 =	sor.u32 s18, s4;
	[tilespmem:s24+$0xDB00] =	vst v6  }
0xcb: {  	s10 =	sshrl.u32 s15, $0x5;
	s13 =	smul.u32 $0x6000, s6;
	s15 =	sshrl.u32 s8, $0x2;
	[tilespmem:s20+$0xDB00] =	vst v5  }
0xcc: {  	s4 =	sand.u32 $0x70, s10;
	s6 =	sadd.s32 s21, s15;
	s18 =	sld [smem:$0x7F1]  }
0xcd: {  	s10 =	sor.u32 s4, s6;
	[tilespmem:s12+$0xDB80] =	vst v2  }
0xce: {  	s3 =	smul.u32 $0x18, s17;
	s13 =	sshrl.u32 s13, $0x2;
	s15 =	smov.u32 s4;
	v5 =	vld [tilespmem:s11+$0x70];
	[tilespmem:s10+$0xD800] =	vst v1  }
0xcf: {  	v4 =	vld [tilespmem:s1+$0x800];
	s6 =	sadd.s32 s23, s13;
	s4 =	sadd.s32 $0xC000, s18;
	s18 =	sld [smem:$0x7F2]  }
0xd0: {  	v2 =	vld [tilespmem:s5+$0x470];
	s13 =	sshrl.u32 s3, $0x3;
	s12 =	sor.u32 s25, s6  }
0xd1: {  	s0 =	sadd.s32 $0x8, s0;
	v6 =	vld [tilespmem:s30+$0x0];
	[tilespmem:s12+$0xD800] =	vst v3;
	s8 =	sshrl.u32 s4, $0x2;
	s4 =	smul.u32 $0x6000, s13  }
0xd2: {  	s6 =	sshrl.u32 s2, $0x5;
	v1 =	vld [tilespmem:s14+$0x10];
	[dreg:$0x3] =	wrdreg s26;
	s17 =	sadd.s32 s18, s8  }
0xd3: {  	s2 =	sand.u32 $0xC00, s16;
	v3 =	vld [tilespmem:s7+$0x410];
	[tilespmem:s24+$0xDB80] =	vst v5;
	s8 =	sshrl.u32 s4, $0x2;
	s26 =	sor.u32 s26, s17  }
0xd4: {  	s0 =	sshrl.u32 s0, $0x3;
	s17 =	sand.u32 $0x70, s6;
	s16 =	sadd.s32 s2, s8;
	[tilespmem:s26+$0xD800] =	vst v4  }
0xd5: {  	s13 =	smul.u32 $0x6000, s0;
	[tilespmem:s20+$0xDB80] =	vst v2;
	s0 =	sor.u32 s17, s16;
	v4 =	vld [tilespmem:s1+$0x810]  }
0xd6: {  	v2 =	vld [tilespmem:s11+$0x400];
	[tilespmem:s0+$0xD800] =	vst v6  }
0xd7: {  	v5 =	vld [tilespmem:s5+$0x800];
	s16 =	sld [smem:$0x7F3];
	[tilespmem:s10+$0xD880] =	vst v1  }
0xd8: {  	s20 =	sshrl.u32 s13, $0x2;
	v6 =	vld [tilespmem:s30+$0x10];
	[tilespmem:s12+$0xD880] =	vst v3  }
0xd9: {  	v1 =	vld [tilespmem:s14+$0x20];
	[smem:$0x7F4] =	sst s20  }
0xda: {  	s6 =	sadd.s32 $0xC000, s16;
	[tilespmem:s26+$0xD880] =	vst v4  }
0xdb: {  	s24 =	sshrl.u32 s6, $0x2;
	s18 =	sld [smem:$0x7F5]  }
0xdc: {  	s13 =	sadd.s32 s22, s20;
	v3 =	vld [tilespmem:s7+$0x420];
	[smem:$0x7F6] =	sst s24  }
0xdd: {  	s29 =	sor.u32 s19, s13;
	[smem:$0x7F7] =	sst s31  }
0xde: {  	[tilespmem:s29+$0xD800] =	vst v2;
	v2 =	vld [tilespmem:s1+$0x820]  }
0xdf: {  	[tilespmem:s0+$0xD880] =	vst v6;
	v4 =	vld [tilespmem:s11+$0x410];
	s6 =	sadd.s32 s18, s24  }
0xe0: {  	[tilespmem:s10+$0xD900] =	vst v1;
	v6 =	vld [tilespmem:s30+$0x20];
	s6 =	sor.u32 s31, s6  }
0xe1: {  	v1 =	vld [tilespmem:s14+$0x30];
	[tilespmem:s6+$0xD800] =	vst v5  }
0xe2: {  	[tilespmem:s12+$0xD900] =	vst v3;
	v5 =	vld [tilespmem:s5+$0x810]  }
0xe3: {  	v3 =	vld [tilespmem:s7+$0x430];
	[tilespmem:s26+$0xD900] =	vst v2  }
0xe4: {  	[tilespmem:s29+$0xD880] =	vst v4;
	v2 =	vld [tilespmem:s1+$0x830]  }
0xe5: {  	[tilespmem:s0+$0xD900] =	vst v6;
	v4 =	vld [tilespmem:s11+$0x420]  }
0xe6: {  	[tilespmem:s10+$0xD980] =	vst v1;
	v6 =	vld [tilespmem:s30+$0x30]  }
0xe7: {  	v7 =	vld [tilespmem:s14+$0x40];
	[tilespmem:s6+$0xD880] =	vst v5  }
0xe8: {  	[tilespmem:s12+$0xD980] =	vst v3;
	v5 =	vld [tilespmem:s5+$0x820]  }
0xe9: {  	[tilespmem:s26+$0xD980] =	vst v2  }
0xea: {  	v8 =	vld [tilespmem:s7+$0x440];
	[tilespmem:s29+$0xD900] =	vst v4  }
0xeb: {  	v1 =	vld [tilespmem:s1+$0x840];
	s20 =	sld [smem:$0x7F8];
	[tilespmem:s0+$0xD980] =	vst v6  }
0xec: {  	s3 =	sadd.s32 $0x8, s3;
	v3 =	vld [tilespmem:s11+$0x430];
	[tilespmem:s10+$0xDA00] =	vst v7  }
0xed: {  	s3 =	sshrl.u32 s3, $0x3;
	v4 =	vld [tilespmem:s30+$0x40];
	[tilespmem:s6+$0xD900] =	vst v5  }
0xee: {  	s3 =	smul.u32 $0x6000, s3;
	s24 =	sadd.s32 $0xC000, s20;
	v2 =	vld [tilespmem:s5+$0x830];
	[smem:$0x7F9] =	sst s22  }
0xef: {  	s8 =	sshrl.u32 s24, $0x2;
	[smem:$0x7FB] =	sst s19  }
0xf0: {  	s3 =	sshrl.u32 s3, $0x2;
	s4 =	sadd.s32 $0xC000, s4;
	[smem:$0x7FA] =	sst s8  }
0xf1: {  	s3 =	sadd.s32 s2, s3;
	s4 =	sshrl.u32 s4, $0x2;
	s31 =	sadd.s32 s22, s8;
	[tilespmem:s12+$0xDA00] =	vst v8  }
0xf2: {  	s2 =	sadd.s32 s2, s4;
	s13 =	sor.u32 s19, s31;
	s19 =	rddreg [dreg:$0x5]  }
0xf3: {  	s16 =	sor.u32 s17, s3;
	s20 =	smov.u32 s25;
	v5 =	vld [tilespmem:s14+$0x50];
	[smem:$0x7FC] =	sst s23  }
0xf4: {  	s24 =	smov.u32 s23;
	s8 =	sor.u32 s17, s2;
	[smem:$0x7FD] =	sst s25  }
.LBB2_2:
0xf5: {  	_ = 	snop  }
0xf6: {  	v6 =	vld [tilespmem:s7+$0x450];
	[tilespmem:s26+$0xDA00] =	vst v1  }
0xf7: {  	s28 =	sadd.s32 $0x2, s28;
	[tilespmem:s29+$0xD980] =	vst v3;
	v1 =	vld [tilespmem:s1+$0x850]  }
0xf8: {  	s2 =	smul.u32 $0xAB, s28;
	v3 =	vld [tilespmem:s11+$0x440];
	[tilespmem:s6+$0xD980] =	vst v2  }
0xf9: {  	[dreg:$0x15] =	wrdreg s8;
	s8 =	sor.u32 $0x1, s28;
	[tilespmem:s0+$0xDA00] =	vst v4  }
0xfa: {  	s17 =	sand.u32 $0xFF, s8;
	s25 =	sshrl.u32 s2, $0x9;
	v2 =	vld [tilespmem:s5+$0x840]  }
0xfb: {  	s31 =	smov.u32 s21;
	s18 =	smul.u32 $0xAB, s17;
	s21 =	sand.u32 $0x7F, s25;
	[tilespmem:s10+$0xDA80] =	vst v5;
	v4 =	vld [tilespmem:s30+$0x50]  }
0xfc: {  	s22 =	smul.u32 $0x3, s21;
	v5 =	vld [tilespmem:s14+$0x60];
	[tilespmem:s12+$0xDA80] =	vst v6  }
0xfd: {  	v6 =	vld [tilespmem:s7+$0x460];
	[tilespmem:s26+$0xDA80] =	vst v1  }
0xfe: {  	s23 =	sshrl.u32 s18, $0x9;
	s22 =	ssub.s32 s28, s22;
	[tilespmem:s29+$0xDA00] =	vst v3;
	v1 =	vld [tilespmem:s1+$0x860]  }
0xff: {  	s3 =	sshll.u32 s21, $0x7;
	s4 =	smul.u32 $0x3, s23;
	s22 =	sand.u32 $0xFF, s22;
	v3 =	vld [tilespmem:s11+$0x450];
	[tilespmem:s6+$0xDA00] =	vst v2  }
0x100: {  	s25 =	sand.u32 $0x380, s3;
	s17 =	sand.u32 $0xC00, s3;
	s3 =	sshll.u32 s22, $0x4;
	[tilespmem:s0+$0xDA80] =	vst v4  }
0x101: {  	[dreg:$0x11] =	wrdreg s16;
	s8 =	ssub.s32 s8, s4;
	s16 =	sadd.s32 s21, s3;
	v2 =	vld [tilespmem:s5+$0x850]  }
0x102: {  	s22 =	smul.u32 $0x18, s22;
	s8 =	sand.u32 $0xFF, s8;
	[tilespmem:s10+$0xDB00] =	vst v5;
	v4 =	vld [tilespmem:s30+$0x60];
	s3 =	sshrl.u32 s16, $0x3  }
0x103: {  	s4 =	sshll.u32 s8, $0x4;
	v5 =	vld [tilespmem:s14+$0x70];
	[tilespmem:s12+$0xDB00] =	vst v6;
	s3 =	smul.u32 $0x3000, s3  }
0x104: {  	s9 =	sadd.s32 $0x8, s9;
	s16 =	sshrl.u32 s22, $0x3;
	s21 =	sadd.s32 s23, s4;
	v6 =	vld [tilespmem:s7+$0x470];
	[tilespmem:s26+$0xDB00] =	vst v1  }
0x105: {  	s22 =	sadd.s32 $0x8, s22;
	s21 =	sshrl.u32 s21, $0x3;
	s3 =	sshrl.u32 s3, $0x2;
	[tilespmem:s29+$0xDA80] =	vst v3;
	v1 =	vld [tilespmem:s1+$0x870]  }
0x106: {  	s4 =	sshrl.u32 s22, $0x3;
	s21 =	smul.u32 $0x3000, s21;
	s25 =	sor.u32 s25, s3;
	v3 =	vld [tilespmem:s11+$0x460];
	[tilespmem:s6+$0xDA80] =	vst v2  }
0x107: {  	s1 =	smov.u32 s7;
	s7 =	smul.u32 $0x18, s8;
	s8 =	sshll.u32 s23, $0x7;
	[tilespmem:s0+$0xDB00] =	vst v4  }
0x108: {  	s21 =	sshrl.u32 s21, $0x2;
	[tilespmem:s10+$0xDB80] =	vst v5;
	s10 =	sshrl.u32 s9, $0x3;
	s22 =	sand.u32 $0x380, s8;
	v2 =	vld [tilespmem:s5+$0x860]  }
0x109: {  	v4 =	vld [tilespmem:s25+$0x0];
	s3 =	smul.u32 $0x6000, s10;
	s22 =	sor.u32 s22, s21;
	s23 =	sshrl.u32 s7, $0x3  }
0x10a: {  	s19 =	sadd.s32 $0xC000, s19;
	v5 =	vld [tilespmem:s22+$0x0];
	s23 =	smul.u32 $0x6000, s23;
	[tilespmem:s12+$0xDB80] =	vst v6  }
0x10b: {  	s9 =	smov.u32 s7;
	s7 =	smov.u32 s14;
	s12 =	sshrl.u32 s18, $0x5;
	v6 =	vld [tilespmem:s14+$0x400];
	[tilespmem:s26+$0xDB80] =	vst v1  }
0x10c: {  	s18 =	sand.u32 $0xC00, s8;
	s3 =	sshrl.u32 s3, $0x2;
	s14 =	sshrl.u32 s23, $0x2;
	[tilespmem:s29+$0xDB00] =	vst v3;
	v1 =	vld [tilespmem:s1+$0x800]  }
0x10d: {  	s21 =	sand.u32 $0x70, s12;
	s8 =	sadd.s32 s18, s14;
	v3 =	vld [tilespmem:s30+$0x70];
	[tilespmem:s6+$0xDB00] =	vst v2;
	s14 =	rddreg [dreg:$0x7]  }
0x10e: {  	s3 =	sadd.s32 s31, s3;
	s26 =	sshrl.u32 s19, $0x2;
	s10 =	sor.u32 s21, s8;
	v2 =	vld [tilespmem:s11+$0x470];
	[tilespmem:s14+$0xDB80] =	vst v0  }
0x10f: {  	s19 =	smul.u32 $0x6000, s16;
	s12 =	sor.u32 s15, s3;
	s26 =	sadd.s32 s24, s26;
	[tilespmem:s10+$0xD800] =	vst v5;
	v0 =	vld [tilespmem:s5+$0x870]  }
0x110: {  	s2 =	sshrl.u32 s2, $0x5;
	s26 =	sor.u32 s20, s26;
	v5 =	vld [tilespmem:s22+$0x10];
	[tilespmem:s12+$0xD800] =	vst v6  }
0x111: {  	s2 =	sand.u32 $0x70, s2;
	s8 =	sshrl.u32 s19, $0x2;
	v6 =	vld [tilespmem:s7+$0x410];
	[tilespmem:s26+$0xD800] =	vst v1  }
0x112: {  	s5 =	smov.u32 s11;
	s11 =	smov.u32 s30;
	s3 =	sadd.s32 s17, s8;
	[tilespmem:s0+$0xDB80] =	vst v3;
	v1 =	vld [tilespmem:s1+$0x810]  }
0x113: {  	s0 =	sor.u32 s2, s3;
	v3 =	vld [tilespmem:s11+$0x400];
	[tilespmem:s29+$0xDB80] =	vst v2  }
0x114: {  	[tilespmem:s0+$0xD800] =	vst v4  }
0x115: {  	s14 =	sadd.s32 $0xC000, s19;
	s30 =	smov.u32 s25;
	v2 =	vld [tilespmem:s5+$0x800]  }
0x116: {  	s8 =	sshrl.u32 s14, $0x2;
	s14 =	smov.u32 s22;
	v4 =	vld [tilespmem:s30+$0x10];
	[tilespmem:s10+$0xD880] =	vst v5  }
0x117: {  	s22 =	smov.u32 s23;
	s23 =	rddreg [dreg:$0x11];
	v5 =	vld [tilespmem:s14+$0x20];
	[tilespmem:s12+$0xD880] =	vst v6  }
0x118: {  	s29 =	smov.u32 s23;
	v6 =	vld [tilespmem:s7+$0x420];
	[tilespmem:s26+$0xD880] =	vst v1  }
0x119: {  	s25 =	smov.u32 s6;
	s6 =	smov.u32 s13;
	[tilespmem:s29+$0xD800] =	vst v3;
	v1 =	vld [tilespmem:s1+$0x820]  }
0x11a: {  	v3 =	vld [tilespmem:s11+$0x410];
	[tilespmem:s6+$0xD800] =	vst v2  }
0x11b: {  	[tilespmem:s0+$0xD880] =	vst v4  }
0x11c: {  	v2 =	vld [tilespmem:s5+$0x810]  }
0x11d: {  	v4 =	vld [tilespmem:s30+$0x20];
	[tilespmem:s10+$0xD900] =	vst v5  }
0x11e: {  	v5 =	vld [tilespmem:s14+$0x30];
	[tilespmem:s12+$0xD900] =	vst v6  }
0x11f: {  	v6 =	vld [tilespmem:s7+$0x430];
	[tilespmem:s26+$0xD900] =	vst v1  }
0x120: {  	[tilespmem:s29+$0xD880] =	vst v3;
	v1 =	vld [tilespmem:s1+$0x830]  }
0x121: {  	v3 =	vld [tilespmem:s11+$0x420];
	[tilespmem:s6+$0xD880] =	vst v2  }
0x122: {  	[tilespmem:s0+$0xD900] =	vst v4  }
0x123: {  	v2 =	vld [tilespmem:s5+$0x820]  }
0x124: {  	v4 =	vld [tilespmem:s30+$0x30];
	[tilespmem:s10+$0xD980] =	vst v5  }
0x125: {  	s4 =	smul.u32 $0x6000, s4;
	v5 =	vld [tilespmem:s14+$0x40];
	[tilespmem:s12+$0xD980] =	vst v6  }
0x126: {  	p0 =	slt.u32 s28, $0x2E;
	v6 =	vld [tilespmem:s7+$0x440];
	[tilespmem:s26+$0xD980] =	vst v1  }
0x127: {  	s4 =	sshrl.u32 s4, $0x2;
	s24 =	smov.u32 s31;
	s31 =	rddreg [dreg:$0x15];
	[tilespmem:s29+$0xD900] =	vst v3  }
.Ltmp0:
0x128: {  	s16 =	sadd.s32 s17, s4;
	s20 =	rddreg [dreg:$0xb];
	v3 =	vld [tilespmem:s11+$0x430];
	[tilespmem:s6+$0xD900] =	vst v2;
	(pc) =	sbr.rel @p0 .LBB2_2-.Ltmp0, $4  }
0x129: {  	s13 =	smov.u32 s31;
	s19 =	sadd.s32 s17, s8;
	[dreg:$0x7] =	wrdreg s25;
	v1 =	vld [tilespmem:s1+$0x840];
	[tilespmem:s0+$0xD980] =	vst v4  }
0x12a: {  	[dreg:$0xb] =	wrdreg s22;
	s3 =	sor.u32 s2, s16;
	s2 =	sor.u32 s2, s19;
	v2 =	vld [tilespmem:s5+$0x830]  }
0x12b: {  	s19 =	smov.u32 s20;
	s20 =	smov.u32 s15;
	s15 =	smov.u32 s21;
	v4 =	vld [tilespmem:s30+$0x40];
	[tilespmem:s10+$0xDA00] =	vst v5  }
0x12c: {  	s21 =	smov.u32 s18;
	s16 =	smov.u32 s3;
	s8 =	smov.u32 s2;
	v5 =	vld [tilespmem:s14+$0x50];
	[tilespmem:s12+$0xDA00] =	vst v6  }
0x12d: {  	_ =	sdelay $0x2  }
0x12e: {  	[tilespmem:s0+$0xDA00] =	vst v4  }
0x12f: {  	v4 =	vld [tilespmem:s30+$0x50];
	_ =	sdelay $0x3  }
0x130: {  	[tilespmem:s10+$0xDA80] =	vst v5  }
0x131: {  	v5 =	vld [tilespmem:s14+$0x60];
	[tilespmem:s0+$0xDA80] =	vst v4  }
0x132: {  	v4 =	vld [tilespmem:s30+$0x60];
	_ =	sdelay $0x3  }
0x133: {  	[tilespmem:s10+$0xDB00] =	vst v5  }
0x134: {  	v5 =	vld [tilespmem:s14+$0x70];
	[tilespmem:s0+$0xDB00] =	vst v4  }
0x135: {  	v4 =	vld [tilespmem:s30+$0x70];
	_ =	sdelay $0x2  }
0x136: {  	s2 =	sadd.s32 $0x8, s9  }
0x137: {  	s2 =	sshrl.u32 s2, $0x3;
	[tilespmem:s10+$0xDB80] =	vst v5  }
0x138: {  	s2 =	smul.u32 $0x6000, s2;
	v5 =	vld [tilespmem:s14+$0x400];
	[tilespmem:s0+$0xDB80] =	vst v4  }
0x139: {  	v4 =	vld [tilespmem:s30+$0x400]  }
0x13a: {  	s22 =	sshrl.u32 s2, $0x2  }
0x13b: {  	s0 =	sadd.s32 s21, s22  }
0x13c: {  	s0 =	sor.u32 s15, s0  }
0x13d: {  	[tilespmem:s0+$0xD800] =	vst v5  }
0x13e: {  	v5 =	vld [tilespmem:s14+$0x410];
	[tilespmem:s16+$0xD800] =	vst v4  }
0x13f: {  	v4 =	vld [tilespmem:s30+$0x410];
	_ =	sdelay $0x3  }
0x140: {  	[tilespmem:s0+$0xD880] =	vst v5  }
0x141: {  	v5 =	vld [tilespmem:s14+$0x420];
	[tilespmem:s16+$0xD880] =	vst v4  }
0x142: {  	v4 =	vld [tilespmem:s30+$0x420];
	_ =	sdelay $0x3  }
0x143: {  	[tilespmem:s0+$0xD900] =	vst v5  }
0x144: {  	v5 =	vld [tilespmem:s14+$0x430];
	[tilespmem:s16+$0xD900] =	vst v4  }
0x145: {  	v4 =	vld [tilespmem:s30+$0x430];
	_ =	sdelay $0x2  }
0x146: {  	[tilespmem:s29+$0xD980] =	vst v3  }
0x147: {  	[tilespmem:s0+$0xD980] =	vst v5;
	v5 =	vld [tilespmem:s11+$0x440]  }
0x148: {  	v3 =	vld [tilespmem:s14+$0x440];
	[tilespmem:s16+$0xD980] =	vst v4  }
0x149: {  	v4 =	vld [tilespmem:s30+$0x440];
	_ =	sdelay $0x2  }
0x14a: {  	v6 =	vld [tilespmem:s7+$0x450];
	[tilespmem:s29+$0xDA00] =	vst v5  }
0x14b: {  	[tilespmem:s0+$0xDA00] =	vst v3;
	v5 =	vld [tilespmem:s11+$0x450]  }
0x14c: {  	v3 =	vld [tilespmem:s14+$0x450];
	[tilespmem:s16+$0xDA00] =	vst v4  }
0x14d: {  	v4 =	vld [tilespmem:s30+$0x450];
	_ =	sdelay $0x1  }
0x14e: {  	[tilespmem:s12+$0xDA80] =	vst v6  }
0x14f: {  	v6 =	vld [tilespmem:s7+$0x460];
	[tilespmem:s29+$0xDA80] =	vst v5  }
0x150: {  	[tilespmem:s0+$0xDA80] =	vst v3;
	v5 =	vld [tilespmem:s11+$0x460]  }
0x151: {  	v3 =	vld [tilespmem:s14+$0x460];
	[tilespmem:s16+$0xDA80] =	vst v4  }
0x152: {  	v4 =	vld [tilespmem:s30+$0x460];
	_ =	sdelay $0x1  }
0x153: {  	[tilespmem:s12+$0xDB00] =	vst v6  }
0x154: {  	v6 =	vld [tilespmem:s7+$0x470];
	[tilespmem:s29+$0xDB00] =	vst v5  }
0x155: {  	[tilespmem:s0+$0xDB00] =	vst v3;
	v5 =	vld [tilespmem:s11+$0x470]  }
0x156: {  	v3 =	vld [tilespmem:s14+$0x470];
	[tilespmem:s16+$0xDB00] =	vst v4  }
0x157: {  	v4 =	vld [tilespmem:s30+$0x470];
	_ =	sdelay $0x1  }
0x158: {  	[tilespmem:s12+$0xDB80] =	vst v6  }
0x159: {  	v6 =	vld [tilespmem:s7+$0x800];
	[tilespmem:s29+$0xDB80] =	vst v5  }
0x15a: {  	s23 =	sadd.s32 $0xC000, s19;
	[tilespmem:s0+$0xDB80] =	vst v3  }
0x15b: {  	s0 =	sshrl.u32 s23, $0x2;
	[tilespmem:s16+$0xDB80] =	vst v4;
	v4 =	vld [tilespmem:s11+$0x800]  }
0x15c: {  	v3 =	vld [tilespmem:s14+$0x800];
	s0 =	sadd.s32 s24, s0;
	s25 =	rddreg [dreg:$0xb]  }
0x15d: {  	s0 =	sor.u32 s20, s0;
	s2 =	sadd.s32 $0xC000, s25  }
0x15e: {  	v5 =	vld [tilespmem:s30+$0x800];
	[tilespmem:s0+$0xD800] =	vst v6;
	s2 =	sshrl.u32 s2, $0x2  }
0x15f: {  	v6 =	vld [tilespmem:s7+$0x810];
	s2 =	sadd.s32 s21, s2  }
0x160: {  	s2 =	sor.u32 s15, s2;
	[tilespmem:s13+$0xD800] =	vst v4  }
0x161: {  	[tilespmem:s2+$0xD800] =	vst v3;
	v4 =	vld [tilespmem:s11+$0x810]  }
0x162: {  	v3 =	vld [tilespmem:s14+$0x810]  }
0x163: {  	[tilespmem:s8+$0xD800] =	vst v5  }
0x164: {  	v5 =	vld [tilespmem:s30+$0x810];
	[tilespmem:s0+$0xD880] =	vst v6  }
0x165: {  	v6 =	vld [tilespmem:s7+$0x820]  }
0x166: {  	[tilespmem:s13+$0xD880] =	vst v4  }
0x167: {  	[tilespmem:s2+$0xD880] =	vst v3;
	v4 =	vld [tilespmem:s11+$0x820]  }
0x168: {  	v3 =	vld [tilespmem:s14+$0x820]  }
0x169: {  	[tilespmem:s8+$0xD880] =	vst v5  }
0x16a: {  	v5 =	vld [tilespmem:s30+$0x820];
	[tilespmem:s0+$0xD900] =	vst v6  }
0x16b: {  	v6 =	vld [tilespmem:s7+$0x830]  }
0x16c: {  	[tilespmem:s13+$0xD900] =	vst v4  }
0x16d: {  	[tilespmem:s2+$0xD900] =	vst v3;
	v4 =	vld [tilespmem:s11+$0x830]  }
0x16e: {  	[tilespmem:s26+$0xDA00] =	vst v1;
	v3 =	vld [tilespmem:s14+$0x830]  }
0x16f: {  	[tilespmem:s8+$0xD900] =	vst v5;
	v5 =	vld [tilespmem:s1+$0x850]  }
0x170: {  	v1 =	vld [tilespmem:s30+$0x830];
	[tilespmem:s0+$0xD980] =	vst v6  }
0x171: {  	[tilespmem:s6+$0xD980] =	vst v2;
	v2 =	vld [tilespmem:s7+$0x840]  }
0x172: {  	v6 =	vld [tilespmem:s5+$0x840];
	[tilespmem:s13+$0xD980] =	vst v4  }
0x173: {  	[tilespmem:s2+$0xD980] =	vst v3;
	v4 =	vld [tilespmem:s11+$0x840]  }
0x174: {  	[tilespmem:s26+$0xDA80] =	vst v5;
	v3 =	vld [tilespmem:s14+$0x840]  }
0x175: {  	[tilespmem:s8+$0xD980] =	vst v1;
	v5 =	vld [tilespmem:s1+$0x860]  }
0x176: {  	v1 =	vld [tilespmem:s30+$0x840];
	[tilespmem:s0+$0xDA00] =	vst v2  }
0x177: {  	[tilespmem:s6+$0xDA00] =	vst v6;
	v2 =	vld [tilespmem:s7+$0x850]  }
0x178: {  	v6 =	vld [tilespmem:s5+$0x850];
	[tilespmem:s13+$0xDA00] =	vst v4  }
0x179: {  	[tilespmem:s2+$0xDA00] =	vst v3;
	v4 =	vld [tilespmem:s11+$0x850]  }
0x17a: {  	[tilespmem:s26+$0xDB00] =	vst v5;
	v3 =	vld [tilespmem:s14+$0x850]  }
0x17b: {  	[tilespmem:s8+$0xDA00] =	vst v1;
	v5 =	vld [tilespmem:s1+$0x870]  }
0x17c: {  	v1 =	vld [tilespmem:s30+$0x850];
	[tilespmem:s0+$0xDA80] =	vst v2  }
0x17d: {  	[tilespmem:s6+$0xDA80] =	vst v6;
	v2 =	vld [tilespmem:s7+$0x860]  }
0x17e: {  	v6 =	vld [tilespmem:s5+$0x860];
	[tilespmem:s13+$0xDA80] =	vst v4  }
0x17f: {  	[tilespmem:s2+$0xDA80] =	vst v3;
	v4 =	vld [tilespmem:s11+$0x860]  }
0x180: {  	[tilespmem:s26+$0xDB80] =	vst v5;
	v3 =	vld [tilespmem:s14+$0x860]  }
0x181: {  	[tilespmem:s8+$0xDA80] =	vst v1  }
0x182: {  	v1 =	vld [tilespmem:s30+$0x860];
	[tilespmem:s0+$0xDB00] =	vst v2  }
0x183: {  	[tilespmem:s6+$0xDB00] =	vst v6;
	v2 =	vld [tilespmem:s7+$0x870]  }
0x184: {  	[tilespmem:s13+$0xDB00] =	vst v4  }
0x185: {  	v5 =	vld [tilespmem:s5+$0x870];
	[tilespmem:s2+$0xDB00] =	vst v3  }
0x186: {  	s28 =	sld [smem:$0x7CF]  }
0x187: {  	v4 =	vld [tilespmem:s11+$0x870];
	s3 =	sld [smem:$0x7CE];
	[tilespmem:s8+$0xDB00] =	vst v1  }
0x188: {  	v3 =	vld [tilespmem:s14+$0x870];
	s4 =	rddreg [dreg:$0x7];
	[tilespmem:s0+$0xDB80] =	vst v2  }
0x189: {  	[tilespmem:s4+$0xDB80] =	vst v0;
	v0 =	vld [tilespmem:s30+$0x870]  }
0x18a: {  	[tilespmem:s6+$0xDB80] =	vst v5  }
0x18b: {  	s7 =	sld [smem:$0x7D2]  }
0x18c: {  	s1 =	sadd.s32 s3, s28;
	s3 =	sld [smem:$0x7D0];
	[tilespmem:s13+$0xDB80] =	vst v4  }
0x18d: {  	s1 =	sshrl.u32 s1, $0x3;
	[tilespmem:s2+$0xDB80] =	vst v3  }
0x18e: {  	s5 =	smul.u32 $0x3000, s1;
	[tilespmem:s8+$0xDB80] =	vst v0  }
0x18f: {  	s2 =	sld [smem:$0x7D1]  }
0x190: {  	s1 =	sadd.s32 s3, s7;
	s0 =	sadd.s32 $0x12000, s5  }
0x191: {  	s1 =	sshrl.u32 s1, $0x3;
	s0 =	sshrl.u32 s0, $0x2;
	s10 =	sld [smem:$0x7D4]  }
0x192: {  	s1 =	smul.u32 $0x3000, s1;
	s11 =	sld [smem:$0x7E4];
	s7 =	sor.u32 s2, s0  }
0x193: {  	s12 =	sld [smem:$0x7D3];
	v0 =	vld [tilespmem:s7+$0x0]  }
0x194: {  	s15 =	sld [smem:$0x7E6];
	s9 =	sadd.s32 $0x12000, s1  }
0x195: {  	s0 =	sshrl.u32 s9, $0x2;
	s6 =	sadd.s32 $0x800, s11  }
0x196: {  	s5 =	sor.u32 s10, s0;
	s0 =	sadd.s32 s6, s12  }
0x197: {  	s0 =	sor.u32 s15, s0  }
0x198: {  	s13 =	sld [smem:$0x7EB];
	[tilespmem:s0+$0xD800] =	vst v0  }
0x199: {  	v1 =	vld [tilespmem:s5+$0x0];
	s14 =	sld [smem:$0x7D5]  }
0x19a: {  	s18 =	sld [smem:$0x7ED]  }
0x19b: {  	s9 =	sadd.s32 $0x800, s13  }
0x19c: {  	s1 =	sadd.s32 s9, s14  }
0x19d: {  	v0 =	vld [tilespmem:s7+$0x10];
	s16 =	sor.u32 s18, s1  }
0x19e: {  	[tilespmem:s16+$0xD800] =	vst v1  }
0x19f: {  	v1 =	vld [tilespmem:s5+$0x10];
	_ =	sdelay $0x2  }
0x1a0: {  	[tilespmem:s0+$0xD880] =	vst v0  }
0x1a1: {  	v0 =	vld [tilespmem:s7+$0x20]  }
0x1a2: {  	[tilespmem:s16+$0xD880] =	vst v1  }
0x1a3: {  	v1 =	vld [tilespmem:s5+$0x20];
	_ =	sdelay $0x2  }
0x1a4: {  	[tilespmem:s0+$0xD900] =	vst v0  }
0x1a5: {  	v0 =	vld [tilespmem:s7+$0x30]  }
0x1a6: {  	[tilespmem:s16+$0xD900] =	vst v1  }
0x1a7: {  	v1 =	vld [tilespmem:s5+$0x30];
	_ =	sdelay $0x2  }
0x1a8: {  	[tilespmem:s0+$0xD980] =	vst v0  }
0x1a9: {  	v0 =	vld [tilespmem:s7+$0x40]  }
0x1aa: {  	[tilespmem:s16+$0xD980] =	vst v1  }
0x1ab: {  	v1 =	vld [tilespmem:s5+$0x40];
	_ =	sdelay $0x2  }
0x1ac: {  	[tilespmem:s0+$0xDA00] =	vst v0  }
0x1ad: {  	v0 =	vld [tilespmem:s7+$0x50]  }
0x1ae: {  	[tilespmem:s16+$0xDA00] =	vst v1  }
0x1af: {  	v1 =	vld [tilespmem:s5+$0x50];
	_ =	sdelay $0x2  }
0x1b0: {  	[tilespmem:s0+$0xDA80] =	vst v0  }
0x1b1: {  	v0 =	vld [tilespmem:s7+$0x60]  }
0x1b2: {  	[tilespmem:s16+$0xDA80] =	vst v1  }
0x1b3: {  	v1 =	vld [tilespmem:s5+$0x60]  }
0x1b4: {  	s17 =	sld [smem:$0x7D7]  }
0x1b5: {  	s19 =	sld [smem:$0x7D6]  }
0x1b6: {  	[tilespmem:s0+$0xDB00] =	vst v0  }
0x1b7: {  	v0 =	vld [tilespmem:s7+$0x70];
	s20 =	sld [smem:$0x7DC]  }
0x1b8: {  	s4 =	sld [smem:$0x7DA];
	s1 =	sadd.s32 s19, s17;
	[tilespmem:s16+$0xDB00] =	vst v1  }
0x1b9: {  	s1 =	sshrl.u32 s1, $0x3;
	v1 =	vld [tilespmem:s5+$0x70]  }
0x1ba: {  	s1 =	smul.u32 $0x3000, s1  }
0x1bb: {  	s22 =	sld [smem:$0x7D8]  }
0x1bc: {  	s3 =	sadd.s32 s4, s20;
	[tilespmem:s0+$0xDB80] =	vst v0;
	s1 =	sadd.s32 $0x12000, s1  }
0x1bd: {  	s3 =	sshrl.u32 s3, $0x3;
	s24 =	sld [smem:$0x7DE];
	s1 =	sshrl.u32 s1, $0x2  }
0x1be: {  	s21 =	smul.u32 $0x3000, s3;
	s25 =	sld [smem:$0x7F2];
	s3 =	sor.u32 s22, s1;
	[tilespmem:s16+$0xDB80] =	vst v1  }
0x1bf: {  	v0 =	vld [tilespmem:s3+$0x0];
	s26 =	sld [smem:$0x7DB]  }
0x1c0: {  	v2 =	vld [tilespmem:s7+$0x400];
	s23 =	sadd.s32 $0x12000, s21;
	s2 =	sld [smem:$0x7D9]  }
0x1c1: {  	s0 =	sshrl.u32 s23, $0x2;
	s8 =	sadd.s32 $0x800, s25  }
0x1c2: {  	s1 =	sor.u32 s24, s0;
	s22 =	rddreg [dreg:$0x3];
	s0 =	sadd.s32 s8, s26  }
0x1c3: {  	s2 =	sadd.s32 s6, s2;
	s0 =	sor.u32 s22, s0  }
0x1c4: {  	s28 =	sld [smem:$0x7F5];
	s10 =	sor.u32 s15, s2;
	[tilespmem:s0+$0xD800] =	vst v0  }
0x1c5: {  	s12 =	sld [smem:$0x7DF];
	[tilespmem:s10+$0xD800] =	vst v2  }
0x1c6: {  	v1 =	vld [tilespmem:s1+$0x0];
	s14 =	sld [smem:$0x7DD]  }
0x1c7: {  	v3 =	vld [tilespmem:s5+$0x400];
	s20 =	sld [smem:$0x7F7]  }
0x1c8: {  	s13 =	sadd.s32 $0x800, s28  }
0x1c9: {  	v0 =	vld [tilespmem:s3+$0x10];
	s2 =	sadd.s32 s13, s12  }
0x1ca: {  	v2 =	vld [tilespmem:s7+$0x410];
	s4 =	sadd.s32 s9, s14;
	s16 =	sor.u32 s20, s2  }
0x1cb: {  	s17 =	sor.u32 s18, s4;
	[tilespmem:s16+$0xD800] =	vst v1  }
0x1cc: {  	v1 =	vld [tilespmem:s1+$0x10];
	[tilespmem:s17+$0xD800] =	vst v3  }
0x1cd: {  	v3 =	vld [tilespmem:s5+$0x410]  }
0x1ce: {  	[tilespmem:s0+$0xD880] =	vst v0  }
0x1cf: {  	v0 =	vld [tilespmem:s3+$0x20];
	[tilespmem:s10+$0xD880] =	vst v2  }
0x1d0: {  	v2 =	vld [tilespmem:s7+$0x420]  }
0x1d1: {  	[tilespmem:s16+$0xD880] =	vst v1  }
0x1d2: {  	v1 =	vld [tilespmem:s1+$0x20];
	[tilespmem:s17+$0xD880] =	vst v3  }
0x1d3: {  	v3 =	vld [tilespmem:s5+$0x420]  }
0x1d4: {  	[tilespmem:s0+$0xD900] =	vst v0  }
0x1d5: {  	v0 =	vld [tilespmem:s3+$0x30];
	[tilespmem:s10+$0xD900] =	vst v2  }
0x1d6: {  	v2 =	vld [tilespmem:s7+$0x430]  }
0x1d7: {  	[tilespmem:s16+$0xD900] =	vst v1  }
0x1d8: {  	v1 =	vld [tilespmem:s1+$0x30];
	[tilespmem:s17+$0xD900] =	vst v3  }
0x1d9: {  	v3 =	vld [tilespmem:s5+$0x430]  }
0x1da: {  	[tilespmem:s0+$0xD980] =	vst v0  }
0x1db: {  	v0 =	vld [tilespmem:s3+$0x40];
	[tilespmem:s10+$0xD980] =	vst v2  }
0x1dc: {  	v2 =	vld [tilespmem:s7+$0x440]  }
0x1dd: {  	[tilespmem:s16+$0xD980] =	vst v1  }
0x1de: {  	v1 =	vld [tilespmem:s1+$0x40];
	[tilespmem:s17+$0xD980] =	vst v3  }
0x1df: {  	v3 =	vld [tilespmem:s5+$0x440]  }
0x1e0: {  	[tilespmem:s0+$0xDA00] =	vst v0  }
0x1e1: {  	v0 =	vld [tilespmem:s3+$0x50];
	[tilespmem:s10+$0xDA00] =	vst v2  }
0x1e2: {  	v2 =	vld [tilespmem:s7+$0x450]  }
0x1e3: {  	[tilespmem:s16+$0xDA00] =	vst v1  }
0x1e4: {  	v1 =	vld [tilespmem:s1+$0x50];
	[tilespmem:s17+$0xDA00] =	vst v3  }
0x1e5: {  	v3 =	vld [tilespmem:s5+$0x450]  }
0x1e6: {  	[tilespmem:s0+$0xDA80] =	vst v0  }
0x1e7: {  	v0 =	vld [tilespmem:s3+$0x60];
	[tilespmem:s10+$0xDA80] =	vst v2  }
0x1e8: {  	v2 =	vld [tilespmem:s7+$0x460]  }
0x1e9: {  	[tilespmem:s16+$0xDA80] =	vst v1  }
0x1ea: {  	v1 =	vld [tilespmem:s1+$0x60];
	[tilespmem:s17+$0xDA80] =	vst v3  }
0x1eb: {  	s19 =	sld [smem:$0x7E2];
	v3 =	vld [tilespmem:s5+$0x460]  }
0x1ec: {  	s12 =	sld [smem:$0x7E0];
	[tilespmem:s0+$0xDB00] =	vst v0  }
0x1ed: {  	[tilespmem:s10+$0xDB00] =	vst v2;
	v0 =	vld [tilespmem:s3+$0x70]  }
0x1ee: {  	s21 =	sld [smem:$0x7E9];
	v2 =	vld [tilespmem:s7+$0x470]  }
0x1ef: {  	s23 =	sld [smem:$0x7E1];
	[tilespmem:s16+$0xDB00] =	vst v1  }
0x1f0: {  	v1 =	vld [tilespmem:s1+$0x70];
	[tilespmem:s17+$0xDB00] =	vst v3  }
0x1f1: {  	s4 =	sadd.s32 s12, s19;
	v3 =	vld [tilespmem:s5+$0x470]  }
0x1f2: {  	s4 =	sshrl.u32 s4, $0x3;
	s24 =	sld [smem:$0x7E3];
	[tilespmem:s0+$0xDB80] =	vst v0  }
0x1f3: {  	s4 =	smul.u32 $0x3000, s4;
	[tilespmem:s10+$0xDB80] =	vst v2  }
0x1f4: {  	s12 =	sadd.s32 s23, s21;
	s11 =	sld [smem:$0x7EA]  }
0x1f5: {  	s12 =	sshrl.u32 s12, $0x3;
	s4 =	sadd.s32 $0x12000, s4;
	s26 =	sld [smem:$0x7FC];
	[tilespmem:s16+$0xDB80] =	vst v1  }
0x1f6: {  	s12 =	smul.u32 $0x3000, s12;
	s4 =	sshrl.u32 s4, $0x2;
	s10 =	sld [smem:$0x7E7];
	[tilespmem:s17+$0xDB80] =	vst v3  }
0x1f7: {  	s4 =	sor.u32 s24, s4;
	s29 =	sld [smem:$0x7FD]  }
0x1f8: {  	s25 =	sadd.s32 $0x12000, s12;
	v0 =	vld [tilespmem:s4+$0x0];
	s2 =	sld [smem:$0x7E8]  }
0x1f9: {  	v2 =	vld [tilespmem:s3+$0x400];
	s0 =	sshrl.u32 s25, $0x2;
	s28 =	sld [smem:$0x7E5]  }
0x1fa: {  	s0 =	sor.u32 s11, s0;
	s11 =	sadd.s32 $0x800, s26;
	s12 =	sld [smem:$0x7F9]  }
0x1fb: {  	s10 =	sadd.s32 s11, s10  }
0x1fc: {  	s14 =	sor.u32 s29, s10;
	s2 =	sadd.s32 s8, s2  }
0x1fd: {  	v4 =	vld [tilespmem:s7+$0x800];
	s6 =	sadd.s32 s6, s28;
	s17 =	sadd.s32 $0x800, s12;
	[tilespmem:s14+$0xD800] =	vst v0;
	s12 =	sor.u32 s22, s2  }
0x1fe: {  	s6 =	sor.u32 s15, s6;
	s15 =	sld [smem:$0x7EE];
	[tilespmem:s12+$0xD800] =	vst v2  }
0x1ff: {  	v1 =	vld [tilespmem:s0+$0x0];
	s16 =	sld [smem:$0x7EF]  }
0x200: {  	v3 =	vld [tilespmem:s1+$0x400];
	s19 =	sld [smem:$0x7FB]  }
0x201: {  	v5 =	vld [tilespmem:s4+$0x10]  }
0x202: {  	v2 =	vld [tilespmem:s3+$0x410];
	[tilespmem:s6+$0xD800] =	vst v4;
	s2 =	sadd.s32 s17, s15  }
0x203: {  	v0 =	vld [tilespmem:s5+$0x800];
	s23 =	sld [smem:$0x7EC];
	s10 =	sadd.s32 s13, s16;
	s16 =	sor.u32 s19, s2  }
0x204: {  	s15 =	sor.u32 s20, s10;
	[tilespmem:s16+$0xD800] =	vst v1;
	v1 =	vld [tilespmem:s7+$0x810]  }
0x205: {  	v4 =	vld [tilespmem:s0+$0x10];
	[tilespmem:s15+$0xD800] =	vst v3  }
0x206: {  	s2 =	sadd.s32 s9, s23;
	[tilespmem:s14+$0xD880] =	vst v5;
	v3 =	vld [tilespmem:s1+$0x410]  }
0x207: {  	s10 =	sor.u32 s18, s2;
	v5 =	vld [tilespmem:s4+$0x20];
	[tilespmem:s12+$0xD880] =	vst v2  }
0x208: {  	[tilespmem:s10+$0xD800] =	vst v0;
	v2 =	vld [tilespmem:s3+$0x420]  }
0x209: {  	v0 =	vld [tilespmem:s5+$0x810];
	[tilespmem:s6+$0xD880] =	vst v1  }
0x20a: {  	[tilespmem:s16+$0xD880] =	vst v4;
	v1 =	vld [tilespmem:s7+$0x820]  }
0x20b: {  	v4 =	vld [tilespmem:s0+$0x20];
	[tilespmem:s15+$0xD880] =	vst v3  }
0x20c: {  	[tilespmem:s14+$0xD900] =	vst v5;
	v3 =	vld [tilespmem:s1+$0x420]  }
0x20d: {  	v5 =	vld [tilespmem:s4+$0x30];
	[tilespmem:s12+$0xD900] =	vst v2  }
0x20e: {  	[tilespmem:s10+$0xD880] =	vst v0;
	v2 =	vld [tilespmem:s3+$0x430]  }
0x20f: {  	v0 =	vld [tilespmem:s5+$0x820];
	[tilespmem:s6+$0xD900] =	vst v1  }
0x210: {  	[tilespmem:s16+$0xD900] =	vst v4;
	v1 =	vld [tilespmem:s7+$0x830]  }
0x211: {  	v4 =	vld [tilespmem:s0+$0x30];
	[tilespmem:s15+$0xD900] =	vst v3  }
0x212: {  	[tilespmem:s14+$0xD980] =	vst v5;
	v3 =	vld [tilespmem:s1+$0x430]  }
0x213: {  	[tilespmem:s12+$0xD980] =	vst v2  }
0x214: {  	[tilespmem:s10+$0xD900] =	vst v0  }
0x215: {  	v5 =	vld [tilespmem:s5+$0x830];
	[tilespmem:s6+$0xD980] =	vst v1  }
0x216: {  	v6 =	vld [tilespmem:s4+$0x40];
	[tilespmem:s16+$0xD980] =	vst v4  }
0x217: {  	[tilespmem:s15+$0xD980] =	vst v3  }
0x218: {  	s24 =	sld [smem:$0x7F6]  }
0x219: {  	s25 =	sld [smem:$0x7F4]  }
0x21a: {  	s28 =	sld [smem:$0x7FA];
	[tilespmem:s10+$0xD980] =	vst v5  }
0x21b: {  	[tilespmem:s14+$0xDA00] =	vst v6  }
0x21c: {  	v4 =	vld [tilespmem:s0+$0x40];
	s30 =	sld [smem:$0x7F1]  }
0x21d: {  	v2 =	vld [tilespmem:s3+$0x440];
	s21 =	rddreg [dreg:$0x5]  }
0x21e: {  	v3 =	vld [tilespmem:s1+$0x440];
	s9 =	sld [smem:$0x7F0];
	s2 =	sadd.s32 s13, s24  }
0x21f: {  	v0 =	vld [tilespmem:s7+$0x840];
	s26 =	sadd.s32 s17, s25;
	s17 =	sadd.s32 s17, s28;
	s31 =	sor.u32 s20, s2  }
0x220: {  	v1 =	vld [tilespmem:s5+$0x840];
	s13 =	sor.u32 s19, s26;
	s18 =	sor.u32 s19, s17;
	s2 =	simm.s32 $0x4  }
.LBB2_4:
0x221: {  	s2 =	sadd.s32 $0x2, s2;
	v5 =	vld [tilespmem:s4+$0x50];
	[tilespmem:s16+$0xDA00] =	vst v4  }
0x222: {  	[dreg:$0x5] =	wrdreg s21;
	s17 =	smul.u32 $0xAB, s2;
	s21 =	sor.u32 $0x1, s2;
	[tilespmem:s12+$0xDA00] =	vst v2;
	v4 =	vld [tilespmem:s0+$0x50]  }
0x223: {  	s26 =	sand.u32 $0xFF, s21;
	[tilespmem:s15+$0xDA00] =	vst v3;
	v2 =	vld [tilespmem:s3+$0x450]  }
0x224: {  	[dreg:$0x3] =	wrdreg s22;
	s19 =	sshrl.u32 s17, $0x9;
	s20 =	smul.u32 $0xAB, s26;
	[tilespmem:s6+$0xDA00] =	vst v0;
	v3 =	vld [tilespmem:s1+$0x450]  }
0x225: {  	[dreg:$0xf] =	wrdreg s18;
	s22 =	sand.u32 $0x7F, s19;
	[tilespmem:s10+$0xDA00] =	vst v1;
	v0 =	vld [tilespmem:s7+$0x850]  }
0x226: {  	s17 =	sshrl.u32 s17, $0x5;
	s28 =	smul.u32 $0x3, s22;
	s24 =	sshrl.u32 s20, $0x9;
	[tilespmem:s14+$0xDA80] =	vst v5;
	v1 =	vld [tilespmem:s5+$0x850]  }
0x227: {  	s19 =	sand.u32 $0x70, s17;
	s23 =	sshll.u32 s22, $0x7;
	s25 =	smul.u32 $0x3, s24;
	v5 =	vld [tilespmem:s4+$0x60];
	[tilespmem:s16+$0xDA80] =	vst v4  }
0x228: {  	s18 =	sand.u32 $0x380, s23;
	s23 =	sand.u32 $0xC00, s23;
	s26 =	ssub.s32 s2, s28;
	[tilespmem:s12+$0xDA80] =	vst v2;
	v4 =	vld [tilespmem:s0+$0x60]  }
0x229: {  	s17 =	sadd.s32 $0x800, s23;
	s26 =	sand.u32 $0xFF, s26;
	s21 =	ssub.s32 s21, s25;
	[tilespmem:s15+$0xDA80] =	vst v3;
	v2 =	vld [tilespmem:s3+$0x460]  }
0x22a: {  	s28 =	sshll.u32 s26, $0x4;
	s23 =	smul.u32 $0x18, s26;
	s21 =	sand.u32 $0xFF, s21;
	[tilespmem:s6+$0xDA80] =	vst v0;
	v3 =	vld [tilespmem:s1+$0x460]  }
0x22b: {  	s22 =	sadd.s32 s28, s22;
	s26 =	sshll.u32 s21, $0x4;
	[tilespmem:s10+$0xDA80] =	vst v1;
	v0 =	vld [tilespmem:s7+$0x860]  }
0x22c: {  	s22 =	sshrl.u32 s22, $0x3;
	s28 =	sshrl.u32 s23, $0x3;
	s25 =	sadd.s32 s26, s24;
	[tilespmem:s14+$0xDB00] =	vst v5;
	v1 =	vld [tilespmem:s5+$0x860]  }
0x22d: {  	s23 =	sadd.s32 $0x8, s23;
	s22 =	smul.u32 $0x3000, s22;
	s25 =	sshrl.u32 s25, $0x3;
	v5 =	vld [tilespmem:s4+$0x70];
	[tilespmem:s16+$0xDB00] =	vst v4  }
0x22e: {  	s26 =	sshrl.u32 s23, $0x3;
	s23 =	smul.u32 $0x3000, s25;
	[tilespmem:s12+$0xDB00] =	vst v2;
	v4 =	vld [tilespmem:s0+$0x70]  }
0x22f: {  	s25 =	smul.u32 $0x6000, s28;
	s28 =	sadd.s32 $0x8, s9;
	s22 =	sadd.s32 $0x12000, s22;
	[tilespmem:s15+$0xDB00] =	vst v3;
	v2 =	vld [tilespmem:s3+$0x470]  }
0x230: {  	s9 =	sshrl.u32 s28, $0x3;
	s28 =	sadd.s32 $0xC000, s30;
	s23 =	sadd.s32 $0x12000, s23;
	[tilespmem:s6+$0xDB00] =	vst v0;
	v3 =	vld [tilespmem:s1+$0x470]  }
0x231: {  	s22 =	sshrl.u32 s22, $0x2;
	v0 =	vld [tilespmem:s7+$0x870];
	s7 =	smul.u32 $0x18, s21;
	s21 =	sshll.u32 s24, $0x7  }
0x232: {  	s23 =	sshrl.u32 s23, $0x2;
	[tilespmem:s10+$0xDB00] =	vst v1;
	s22 =	sor.u32 s18, s22;
	s24 =	sand.u32 $0x380, s21  }
0x233: {  	[tilespmem:s14+$0xDB80] =	vst v5;
	v1 =	vld [tilespmem:s5+$0x870];
	s5 =	smul.u32 $0x6000, s9;
	s24 =	sor.u32 s24, s23;
	s23 =	sshrl.u32 s7, $0x3  }
0x234: {  	s14 =	sshrl.u32 s20, $0x5;
	s20 =	sand.u32 $0xC00, s21;
	v5 =	vld [tilespmem:s24+$0x0];
	s18 =	smul.u32 $0x6000, s23;
	[tilespmem:s16+$0xDB80] =	vst v4  }
0x235: {  	s9 =	sshrl.u32 s28, $0x2;
	s20 =	sadd.s32 $0x800, s20;
	[tilespmem:s12+$0xDB80] =	vst v2;
	v4 =	vld [tilespmem:s22+$0x0]  }
0x236: {  	s5 =	sshrl.u32 s5, $0x2;
	s23 =	sand.u32 $0x70, s14;
	[tilespmem:s15+$0xDB80] =	vst v3;
	v2 =	vld [tilespmem:s4+$0x400];
	s21 =	sshrl.u32 s18, $0x2  }
0x237: {  	s16 =	sadd.s32 s8, s9;
	s15 =	sshrl.u32 s25, $0x2;
	[tilespmem:s6+$0xDB80] =	vst v0;
	v3 =	vld [tilespmem:s0+$0x400];
	s6 =	sadd.s32 s20, s21  }
0x238: {  	s9 =	rddreg [dreg:$0x3];
	[tilespmem:s10+$0xDB80] =	vst v1;
	v0 =	vld [tilespmem:s3+$0x800];
	s21 =	sadd.s32 s17, s15;
	s14 =	sor.u32 s23, s6  }
0x239: {  	s5 =	sadd.s32 s11, s5;
	v1 =	vld [tilespmem:s1+$0x800];
	s6 =	sor.u32 s9, s16;
	s16 =	sor.u32 s19, s21;
	[tilespmem:s14+$0xD800] =	vst v5  }
0x23a: {  	s12 =	sor.u32 s29, s5;
	v5 =	vld [tilespmem:s24+$0x10];
	[tilespmem:s16+$0xD800] =	vst v4  }
0x23b: {  	s28 =	smul.u32 $0x6000, s26;
	[tilespmem:s12+$0xD800] =	vst v2;
	v4 =	vld [tilespmem:s22+$0x10]  }
0x23c: {  	s15 =	sadd.s32 $0xC000, s25;
	[tilespmem:s13+$0xD800] =	vst v3;
	v2 =	vld [tilespmem:s4+$0x410]  }
0x23d: {  	s9 =	smov.u32 s7;
	s21 =	sshrl.u32 s28, $0x2;
	s5 =	sshrl.u32 s15, $0x2;
	[tilespmem:s6+$0xD800] =	vst v0;
	v3 =	vld [tilespmem:s0+$0x410]  }
0x23e: {  	s7 =	smov.u32 s3;
	s8 =	sadd.s32 s17, s21;
	s5 =	sadd.s32 s17, s5;
	[tilespmem:s31+$0xD800] =	vst v1;
	v0 =	vld [tilespmem:s3+$0x810]  }
0x23f: {  	s17 =	sor.u32 s19, s5;
	s3 =	smov.u32 s4;
	s4 =	smov.u32 s24;
	v1 =	vld [tilespmem:s1+$0x810];
	[tilespmem:s14+$0xD880] =	vst v5  }
0x240: {  	s5 =	smov.u32 s1;
	s1 =	smov.u32 s0;
	s0 =	smov.u32 s22;
	v5 =	vld [tilespmem:s4+$0x20];
	[tilespmem:s16+$0xD880] =	vst v4  }
0x241: {  	s15 =	smov.u32 s13;
	[tilespmem:s12+$0xD880] =	vst v2;
	v4 =	vld [tilespmem:s0+$0x20]  }
0x242: {  	[tilespmem:s15+$0xD880] =	vst v3;
	v2 =	vld [tilespmem:s3+$0x420]  }
0x243: {  	s10 =	smov.u32 s31;
	[tilespmem:s6+$0xD880] =	vst v0;
	v3 =	vld [tilespmem:s1+$0x420]  }
0x244: {  	[tilespmem:s10+$0xD880] =	vst v1;
	v0 =	vld [tilespmem:s7+$0x820]  }
0x245: {  	v1 =	vld [tilespmem:s5+$0x820];
	[tilespmem:s14+$0xD900] =	vst v5  }
0x246: {  	v5 =	vld [tilespmem:s4+$0x30];
	[tilespmem:s16+$0xD900] =	vst v4  }
0x247: {  	[tilespmem:s12+$0xD900] =	vst v2;
	v4 =	vld [tilespmem:s0+$0x30]  }
0x248: {  	[tilespmem:s15+$0xD900] =	vst v3;
	v2 =	vld [tilespmem:s3+$0x430]  }
0x249: {  	[tilespmem:s6+$0xD900] =	vst v0;
	v3 =	vld [tilespmem:s1+$0x430]  }
0x24a: {  	[tilespmem:s10+$0xD900] =	vst v1;
	v0 =	vld [tilespmem:s7+$0x830]  }
0x24b: {  	v1 =	vld [tilespmem:s5+$0x830];
	[tilespmem:s14+$0xD980] =	vst v5  }
0x24c: {  	p0 =	slt.u32 s2, $0x2E;
	v5 =	vld [tilespmem:s4+$0x40];
	[tilespmem:s16+$0xD980] =	vst v4  }
.Ltmp1:
0x24d: {  	s26 =	rddreg [dreg:$0x5];
	[tilespmem:s12+$0xD980] =	vst v2;
	v4 =	vld [tilespmem:s0+$0x40];
	(pc) =	sbr.rel @p0 .LBB2_4-.Ltmp1, $4  }
0x24e: {  	s30 =	smov.u32 s26;
	s28 =	rddreg [dreg:$0xf];
	[tilespmem:s15+$0xD980] =	vst v3;
	v2 =	vld [tilespmem:s3+$0x440]  }
0x24f: {  	s21 =	smov.u32 s18;
	s25 =	sor.u32 s19, s8;
	s8 =	smov.u32 s11;
	[tilespmem:s6+$0xD980] =	vst v0;
	v3 =	vld [tilespmem:s1+$0x440]  }
0x250: {  	s11 =	smov.u32 s20;
	s13 =	smov.u32 s25;
	s18 =	smov.u32 s17;
	[tilespmem:s10+$0xD980] =	vst v1;
	v0 =	vld [tilespmem:s7+$0x840]  }
0x251: {  	s31 =	smov.u32 s28;
	s22 =	smov.u32 s29;
	s29 =	smov.u32 s23;
	v1 =	vld [tilespmem:s5+$0x840];
	[tilespmem:s14+$0xDA00] =	vst v5  }
0x252: {  	v5 =	vld [tilespmem:s4+$0x50];
	[tilespmem:s16+$0xDA00] =	vst v4  }
0x253: {  	v4 =	vld [tilespmem:s0+$0x50];
	_ =	sdelay $0x3  }
0x254: {  	[tilespmem:s14+$0xDA80] =	vst v5  }
0x255: {  	v5 =	vld [tilespmem:s4+$0x60];
	[tilespmem:s16+$0xDA80] =	vst v4  }
0x256: {  	v4 =	vld [tilespmem:s0+$0x60];
	_ =	sdelay $0x3  }
0x257: {  	[tilespmem:s14+$0xDB00] =	vst v5  }
0x258: {  	v5 =	vld [tilespmem:s4+$0x70];
	[tilespmem:s16+$0xDB00] =	vst v4  }
0x259: {  	v4 =	vld [tilespmem:s0+$0x70];
	_ =	sdelay $0x2  }
0x25a: {  	s17 =	sadd.s32 $0x8, s9  }
0x25b: {  	s9 =	sshrl.u32 s17, $0x3;
	[tilespmem:s14+$0xDB80] =	vst v5  }
0x25c: {  	s14 =	smul.u32 $0x6000, s9;
	v5 =	vld [tilespmem:s4+$0x400];
	[tilespmem:s16+$0xDB80] =	vst v4  }
0x25d: {  	v4 =	vld [tilespmem:s0+$0x400]  }
0x25e: {  	s14 =	sshrl.u32 s14, $0x2  }
0x25f: {  	s14 =	sadd.s32 s11, s14  }
0x260: {  	s14 =	sor.u32 s29, s14  }
0x261: {  	[tilespmem:s14+$0xD800] =	vst v5  }
0x262: {  	v5 =	vld [tilespmem:s4+$0x410];
	[tilespmem:s13+$0xD800] =	vst v4  }
0x263: {  	v4 =	vld [tilespmem:s0+$0x410];
	_ =	sdelay $0x3  }
0x264: {  	[tilespmem:s14+$0xD880] =	vst v5  }
0x265: {  	v5 =	vld [tilespmem:s4+$0x420];
	[tilespmem:s13+$0xD880] =	vst v4  }
0x266: {  	v4 =	vld [tilespmem:s0+$0x420];
	_ =	sdelay $0x3  }
0x267: {  	[tilespmem:s14+$0xD900] =	vst v5  }
0x268: {  	v5 =	vld [tilespmem:s4+$0x430];
	[tilespmem:s13+$0xD900] =	vst v4  }
0x269: {  	v4 =	vld [tilespmem:s0+$0x430];
	_ =	sdelay $0x3  }
0x26a: {  	[tilespmem:s14+$0xD980] =	vst v5  }
0x26b: {  	v5 =	vld [tilespmem:s4+$0x440];
	[tilespmem:s13+$0xD980] =	vst v4  }
0x26c: {  	v4 =	vld [tilespmem:s0+$0x440]  }
0x26d: {  	[tilespmem:s12+$0xDA00] =	vst v2  }
0x26e: {  	v2 =	vld [tilespmem:s3+$0x450];
	[tilespmem:s15+$0xDA00] =	vst v3  }
0x26f: {  	v3 =	vld [tilespmem:s1+$0x450]  }
0x270: {  	[tilespmem:s14+$0xDA00] =	vst v5  }
0x271: {  	v5 =	vld [tilespmem:s4+$0x450];
	[tilespmem:s13+$0xDA00] =	vst v4  }
0x272: {  	v4 =	vld [tilespmem:s0+$0x450]  }
0x273: {  	[tilespmem:s12+$0xDA80] =	vst v2  }
0x274: {  	v2 =	vld [tilespmem:s3+$0x460];
	[tilespmem:s15+$0xDA80] =	vst v3  }
0x275: {  	v3 =	vld [tilespmem:s1+$0x460]  }
0x276: {  	[tilespmem:s14+$0xDA80] =	vst v5  }
0x277: {  	v5 =	vld [tilespmem:s4+$0x460];
	[tilespmem:s13+$0xDA80] =	vst v4  }
0x278: {  	v4 =	vld [tilespmem:s0+$0x460]  }
0x279: {  	[tilespmem:s12+$0xDB00] =	vst v2  }
0x27a: {  	v2 =	vld [tilespmem:s3+$0x470];
	[tilespmem:s15+$0xDB00] =	vst v3  }
0x27b: {  	v3 =	vld [tilespmem:s1+$0x470]  }
0x27c: {  	[tilespmem:s14+$0xDB00] =	vst v5  }
0x27d: {  	v5 =	vld [tilespmem:s4+$0x470];
	[tilespmem:s13+$0xDB00] =	vst v4  }
0x27e: {  	v4 =	vld [tilespmem:s0+$0x470]  }
0x27f: {  	[tilespmem:s12+$0xDB80] =	vst v2  }
0x280: {  	v2 =	vld [tilespmem:s3+$0x800];
	[tilespmem:s15+$0xDB80] =	vst v3  }
0x281: {  	s15 =	sadd.s32 $0xC000, s30;
	v3 =	vld [tilespmem:s1+$0x800]  }
0x282: {  	s12 =	sshrl.u32 s15, $0x2;
	[tilespmem:s14+$0xDB80] =	vst v5  }
0x283: {  	s8 =	sadd.s32 s8, s12;
	v5 =	vld [tilespmem:s4+$0x800];
	[tilespmem:s13+$0xDB80] =	vst v4  }
0x284: {  	s16 =	sadd.s32 $0xC000, s21;
	s12 =	sor.u32 s22, s8;
	v4 =	vld [tilespmem:s0+$0x800]  }
0x285: {  	s17 =	sshrl.u32 s16, $0x2;
	[tilespmem:s12+$0xD800] =	vst v2  }
0x286: {  	s8 =	sadd.s32 s11, s17;
	v2 =	vld [tilespmem:s3+$0x810];
	[tilespmem:s31+$0xD800] =	vst v3  }
0x287: {  	s8 =	sor.u32 s29, s8;
	v3 =	vld [tilespmem:s1+$0x810]  }
0x288: {  	[tilespmem:s8+$0xD800] =	vst v5  }
0x289: {  	v5 =	vld [tilespmem:s4+$0x810];
	[tilespmem:s18+$0xD800] =	vst v4  }
0x28a: {  	v4 =	vld [tilespmem:s0+$0x810]  }
0x28b: {  	[tilespmem:s12+$0xD880] =	vst v2  }
0x28c: {  	v2 =	vld [tilespmem:s3+$0x820];
	[tilespmem:s31+$0xD880] =	vst v3  }
0x28d: {  	v3 =	vld [tilespmem:s1+$0x820]  }
0x28e: {  	[tilespmem:s8+$0xD880] =	vst v5  }
0x28f: {  	v5 =	vld [tilespmem:s4+$0x820];
	[tilespmem:s18+$0xD880] =	vst v4  }
0x290: {  	v4 =	vld [tilespmem:s0+$0x820]  }
0x291: {  	[tilespmem:s12+$0xD900] =	vst v2  }
0x292: {  	v2 =	vld [tilespmem:s3+$0x830];
	[tilespmem:s31+$0xD900] =	vst v3  }
0x293: {  	v3 =	vld [tilespmem:s1+$0x830]  }
0x294: {  	[tilespmem:s8+$0xD900] =	vst v5  }
0x295: {  	v5 =	vld [tilespmem:s4+$0x830];
	[tilespmem:s18+$0xD900] =	vst v4  }
0x296: {  	v4 =	vld [tilespmem:s0+$0x830]  }
0x297: {  	[tilespmem:s12+$0xD980] =	vst v2  }
0x298: {  	v2 =	vld [tilespmem:s3+$0x840];
	[tilespmem:s31+$0xD980] =	vst v3  }
0x299: {  	[tilespmem:s6+$0xDA00] =	vst v0;
	v3 =	vld [tilespmem:s1+$0x840]  }
0x29a: {  	[tilespmem:s8+$0xD980] =	vst v5  }
0x29b: {  	v5 =	vld [tilespmem:s4+$0x840];
	[tilespmem:s18+$0xD980] =	vst v4  }
0x29c: {  	[tilespmem:s10+$0xDA00] =	vst v1;
	v0 =	vld [tilespmem:s0+$0x840]  }
0x29d: {  	v1 =	vld [tilespmem:s5+$0x850];
	[tilespmem:s12+$0xDA00] =	vst v2  }
0x29e: {  	v2 =	vld [tilespmem:s3+$0x850];
	[tilespmem:s31+$0xDA00] =	vst v3  }
0x29f: {  	s19 =	simm.s32 $0x0;
	v3 =	vld [tilespmem:s1+$0x850]  }
0x2a0: {  	s20 =	sor.u32 $0x1, s19;
	v4 =	vld [tilespmem:s7+$0x850];
	[tilespmem:s8+$0xDA00] =	vst v5  }
0x2a1: {  	s21 =	sand.u32 $0xFF, s20;
	v5 =	vld [tilespmem:s4+$0x850];
	[tilespmem:s18+$0xDA00] =	vst v0  }
0x2a2: {  	[tilespmem:s10+$0xDA80] =	vst v1;
	s11 =	smul.u32 $0xAB, s21;
	v0 =	vld [tilespmem:s0+$0x850]  }
0x2a3: {  	v1 =	vld [tilespmem:s5+$0x860];
	[tilespmem:s12+$0xDA80] =	vst v2  }
0x2a4: {  	s23 =	sshrl.u32 s11, $0x9;
	v2 =	vld [tilespmem:s3+$0x860];
	[tilespmem:s31+$0xDA80] =	vst v3  }
0x2a5: {  	s24 =	smul.u32 $0x3, s23;
	v3 =	vld [tilespmem:s1+$0x860];
	[tilespmem:s6+$0xDA80] =	vst v4  }
0x2a6: {  	s14 =	smul.u32 $0xAB, s19;
	v4 =	vld [tilespmem:s7+$0x860];
	[tilespmem:s8+$0xDA80] =	vst v5  }
0x2a7: {  	v5 =	vld [tilespmem:s4+$0x860];
	[tilespmem:s18+$0xDA80] =	vst v0  }
0x2a8: {  	[tilespmem:s10+$0xDB00] =	vst v1;
	s26 =	ssub.s32 s20, s24;
	s22 =	sshrl.u32 s14, $0x9;
	v0 =	vld [tilespmem:s0+$0x860]  }
0x2a9: {  	v1 =	vld [tilespmem:s5+$0x870];
	s5 =	sand.u32 $0xFF, s26;
	[tilespmem:s12+$0xDB00] =	vst v2;
	s15 =	sand.u32 $0x7F, s22  }
0x2aa: {  	s2 =	sshll.u32 s5, $0x4;
	v2 =	vld [tilespmem:s3+$0x870];
	[tilespmem:s31+$0xDB00] =	vst v3;
	s25 =	smul.u32 $0x3, s15  }
0x2ab: {  	s3 =	sadd.s32 s2, s23;
	v3 =	vld [tilespmem:s1+$0x870];
	[tilespmem:s6+$0xDB00] =	vst v4  }
0x2ac: {  	s3 =	sshrl.u32 s3, $0x3;
	s28 =	ssub.s32 $0x0, s25;
	v4 =	vld [tilespmem:s7+$0x870];
	[tilespmem:s8+$0xDB00] =	vst v5  }
0x2ad: {  	s3 =	smul.u32 $0x3000, s3;
	s29 =	sand.u32 $0xFF, s28;
	v5 =	vld [tilespmem:s4+$0x870];
	[tilespmem:s18+$0xDB00] =	vst v0  }
0x2ae: {  	[tilespmem:s10+$0xDB80] =	vst v1;
	s7 =	sshll.u32 s29, $0x4;
	v0 =	vld [tilespmem:s0+$0x870]  }
0x2af: {  	s3 =	sadd.s32 $0x24000, s3;
	[tilespmem:s12+$0xDB80] =	vst v2;
	s9 =	sadd.s32 s7, s15  }
0x2b0: {  	s3 =	sshrl.u32 s3, $0x2;
	[tilespmem:s31+$0xDB80] =	vst v3;
	s4 =	smul.u32 $0x18, s5;
	s0 =	sshrl.u32 s9, $0x3  }
0x2b1: {  	s10 =	sshll.u32 s15, $0x7;
	s15 =	sshll.u32 s23, $0x7;
	[tilespmem:s6+$0xDB80] =	vst v4;
	s0 =	smul.u32 $0x3000, s0  }
0x2b2: {  	s20 =	sand.u32 $0x380, s10;
	s16 =	smul.u32 $0x18, s29;
	s17 =	sand.u32 $0x380, s15;
	[tilespmem:s8+$0xDB80] =	vst v5  }
0x2b3: {  	s19 =	sshrl.u32 s4, $0x3;
	s2 =	sadd.s32 $0x24000, s0;
	s0 =	sor.u32 s17, s3;
	[tilespmem:s18+$0xDB80] =	vst v0  }
0x2b4: {  	s21 =	sshrl.u32 s16, $0x3;
	s22 =	sand.u32 $0xC00, s15;
	s12 =	smul.u32 $0x6000, s19;
	v0 =	vld [tilespmem:s0+$0x0]  }
0x2b5: {  	s23 =	sshrl.u32 s11, $0x5;
	s13 =	sor.u32 $0x1000, s22;
	s8 =	smul.u32 $0x6000, s21  }
0x2b6: {  	s9 =	sand.u32 $0x70, s23;
	s2 =	sshrl.u32 s2, $0x2;
	s24 =	sshrl.u32 s12, $0x2  }
0x2b7: {  	s1 =	sor.u32 s20, s2;
	s2 =	sadd.s32 s13, s24;
	[smem:$0x7CB] =	sst s8  }
0x2b8: {  	s2 =	sor.u32 s9, s2;
	v1 =	vld [tilespmem:s1+$0x0]  }
0x2b9: {  	s25 =	sand.u32 $0xC00, s10;
	[tilespmem:s2+$0xD800] =	vst v0  }
0x2ba: {  	s26 =	sshrl.u32 s14, $0x5;
	s15 =	sor.u32 $0x1000, s25;
	s28 =	sshrl.u32 s8, $0x2;
	v0 =	vld [tilespmem:s0+$0x10]  }
0x2bb: {  	s26 =	sand.u32 $0x70, s26;
	s3 =	sadd.s32 s15, s28  }
0x2bc: {  	s5 =	sor.u32 s26, s3;
	[smem:$0x7CC] =	sst s26  }
0x2bd: {  	[tilespmem:s5+$0xD800] =	vst v1  }
0x2be: {  	v1 =	vld [tilespmem:s1+$0x10]  }
0x2bf: {  	[tilespmem:s2+$0xD880] =	vst v0  }
0x2c0: {  	v0 =	vld [tilespmem:s0+$0x20];
	_ =	sdelay $0x2  }
0x2c1: {  	[tilespmem:s5+$0xD880] =	vst v1  }
0x2c2: {  	v1 =	vld [tilespmem:s1+$0x20]  }
0x2c3: {  	[tilespmem:s2+$0xD900] =	vst v0  }
0x2c4: {  	v0 =	vld [tilespmem:s0+$0x30];
	_ =	sdelay $0x2  }
0x2c5: {  	[tilespmem:s5+$0xD900] =	vst v1  }
0x2c6: {  	v1 =	vld [tilespmem:s1+$0x30]  }
0x2c7: {  	[tilespmem:s2+$0xD980] =	vst v0  }
0x2c8: {  	v0 =	vld [tilespmem:s0+$0x40];
	_ =	sdelay $0x2  }
0x2c9: {  	[tilespmem:s5+$0xD980] =	vst v1  }
0x2ca: {  	v1 =	vld [tilespmem:s1+$0x40]  }
0x2cb: {  	s29 =	simm.s32 $0x2;
	[tilespmem:s2+$0xDA00] =	vst v0  }
0x2cc: {  	s3 =	sor.u32 $0x1, s29;
	v0 =	vld [tilespmem:s0+$0x50]  }
0x2cd: {  	s10 =	sand.u32 $0xFF, s3  }
0x2ce: {  	s18 =	smul.u32 $0xAB, s10  }
0x2cf: {  	s31 =	smul.u32 $0xAB, s29;
	[tilespmem:s5+$0xDA00] =	vst v1  }
0x2d0: {  	s19 =	sshrl.u32 s18, $0x9;
	v1 =	vld [tilespmem:s1+$0x50]  }
0x2d1: {  	s11 =	sshrl.u32 s31, $0x9;
	s21 =	smul.u32 $0x3, s19;
	[tilespmem:s2+$0xDA80] =	vst v0  }
0x2d2: {  	s7 =	sadd.s32 $0x8, s16;
	s14 =	sand.u32 $0x7F, s11;
	v0 =	vld [tilespmem:s0+$0x60]  }
0x2d3: {  	s4 =	sadd.s32 $0x8, s4;
	s10 =	smul.u32 $0x3, s14;
	s3 =	ssub.s32 s3, s21  }
0x2d4: {  	s7 =	sshrl.u32 s7, $0x3;
	s4 =	sshrl.u32 s4, $0x3;
	s3 =	sand.u32 $0xFF, s3  }
0x2d5: {  	s4 =	smul.u32 $0x6000, s4;
	s10 =	ssub.s32 $0x2, s10;
	s24 =	sshll.u32 s3, $0x4;
	[tilespmem:s5+$0xDA80] =	vst v1  }
0x2d6: {  	s20 =	smul.u32 $0x6000, s7;
	s10 =	sand.u32 $0xFF, s10;
	s25 =	sadd.s32 s24, s19;
	v1 =	vld [tilespmem:s1+$0x60]  }
0x2d7: {  	s22 =	sshll.u32 s10, $0x4;
	s17 =	smul.u32 $0x18, s10;
	s10 =	sshrl.u32 s25, $0x3;
	[tilespmem:s2+$0xDB00] =	vst v0  }
0x2d8: {  	s6 =	sshrl.u32 s31, $0x5;
	s23 =	sadd.s32 s22, s14;
	s28 =	smul.u32 $0x3000, s10;
	v0 =	vld [tilespmem:s0+$0x70]  }
0x2d9: {  	s4 =	sshrl.u32 s4, $0x2;
	s21 =	sshll.u32 s14, $0x7;
	s7 =	sshrl.u32 s23, $0x3  }
0x2da: {  	s23 =	sshll.u32 s19, $0x7;
	s16 =	smul.u32 $0x18, s3;
	s8 =	sadd.s32 $0x24000, s28  }
0x2db: {  	s7 =	smul.u32 $0x3000, s7;
	s11 =	sand.u32 $0x380, s23;
	s3 =	sshrl.u32 s8, $0x2;
	[tilespmem:s5+$0xDB00] =	vst v1  }
0x2dc: {  	s29 =	sand.u32 $0x380, s21;
	s14 =	sshrl.u32 s16, $0x3;
	s3 =	sor.u32 s11, s3;
	v1 =	vld [tilespmem:s1+$0x70]  }
0x2dd: {  	s31 =	sshrl.u32 s17, $0x3;
	s7 =	sadd.s32 $0x24000, s7;
	s22 =	smul.u32 $0x6000, s14;
	[tilespmem:s2+$0xDB80] =	vst v0;
	v0 =	vld [tilespmem:s3+$0x0]  }
0x2de: {  	s24 =	sand.u32 $0xC00, s23;
	s25 =	sshrl.u32 s18, $0x5;
	s7 =	sshrl.u32 s7, $0x2;
	v2 =	vld [tilespmem:s0+$0x400]  }
0x2df: {  	s14 =	sand.u32 $0x70, s25;
	s28 =	sshrl.u32 s22, $0x2;
	s8 =	sor.u32 $0x1000, s24  }
0x2e0: {  	s2 =	sor.u32 s29, s7;
	s29 =	sadd.s32 s8, s28;
	[dreg:$0xa] =	wrdreg s22  }
0x2e1: {  	s4 =	sadd.s32 s13, s4;
	s19 =	smul.u32 $0x6000, s31;
	s22 =	sor.u32 s14, s29;
	[tilespmem:s5+$0xDB80] =	vst v1;
	v1 =	vld [tilespmem:s2+$0x0]  }
0x2e2: {  	s31 =	sand.u32 $0xC00, s21;
	s25 =	sor.u32 s9, s4;
	v3 =	vld [tilespmem:s1+$0x400];
	[tilespmem:s22+$0xD800] =	vst v0  }
0x2e3: {  	s24 =	sor.u32 $0x1000, s31;
	s7 =	sshrl.u32 s19, $0x2;
	v0 =	vld [tilespmem:s3+$0x10];
	[tilespmem:s25+$0xD800] =	vst v2  }
0x2e4: {  	s23 =	sand.u32 $0x70, s6;
	s10 =	sshrl.u32 s20, $0x2;
	s5 =	sadd.s32 s24, s7;
	v2 =	vld [tilespmem:s0+$0x410]  }
0x2e5: {  	s4 =	sadd.s32 s15, s10;
	s21 =	sor.u32 s23, s5  }
0x2e6: {  	s20 =	sor.u32 s26, s4;
	[tilespmem:s21+$0xD800] =	vst v1  }
0x2e7: {  	v1 =	vld [tilespmem:s2+$0x10];
	[tilespmem:s20+$0xD800] =	vst v3  }
0x2e8: {  	v3 =	vld [tilespmem:s1+$0x410];
	[tilespmem:s22+$0xD880] =	vst v0  }
0x2e9: {  	v0 =	vld [tilespmem:s3+$0x20];
	[tilespmem:s25+$0xD880] =	vst v2  }
0x2ea: {  	v2 =	vld [tilespmem:s0+$0x420];
	_ =	sdelay $0x1  }
0x2eb: {  	[tilespmem:s21+$0xD880] =	vst v1  }
0x2ec: {  	v1 =	vld [tilespmem:s2+$0x20];
	[tilespmem:s20+$0xD880] =	vst v3  }
0x2ed: {  	v3 =	vld [tilespmem:s1+$0x420];
	[tilespmem:s22+$0xD900] =	vst v0  }
0x2ee: {  	v0 =	vld [tilespmem:s3+$0x30];
	[tilespmem:s25+$0xD900] =	vst v2  }
0x2ef: {  	v2 =	vld [tilespmem:s0+$0x430];
	_ =	sdelay $0x1  }
0x2f0: {  	[tilespmem:s21+$0xD900] =	vst v1  }
0x2f1: {  	v1 =	vld [tilespmem:s2+$0x30];
	[tilespmem:s20+$0xD900] =	vst v3  }
0x2f2: {  	s10 =	simm.s32 $0x4;
	v3 =	vld [tilespmem:s1+$0x430];
	[tilespmem:s22+$0xD980] =	vst v0  }
0x2f3: {  	s11 =	sor.u32 $0x1, s10;
	v0 =	vld [tilespmem:s3+$0x40];
	[tilespmem:s25+$0xD980] =	vst v2  }
0x2f4: {  	s18 =	sand.u32 $0xFF, s11;
	v2 =	vld [tilespmem:s0+$0x440]  }
0x2f5: {  	s30 =	smul.u32 $0xAB, s18  }
0x2f6: {  	s29 =	smul.u32 $0xAB, s10;
	[tilespmem:s21+$0xD980] =	vst v1  }
0x2f7: {  	v1 =	vld [tilespmem:s2+$0x40];
	[tilespmem:s20+$0xD980] =	vst v3  }
0x2f8: {  	s18 =	sshrl.u32 s30, $0x9;
	s26 =	sshrl.u32 s29, $0x9;
	v3 =	vld [tilespmem:s1+$0x440];
	[tilespmem:s22+$0xDA00] =	vst v0  }
0x2f9: {  	s31 =	smul.u32 $0x3, s18;
	s5 =	sand.u32 $0x7F, s26;
	v0 =	vld [tilespmem:s3+$0x50];
	[tilespmem:s25+$0xDA00] =	vst v2  }
0x2fa: {  	s28 =	smul.u32 $0x3, s5;
	v2 =	vld [tilespmem:s0+$0x450]  }
0x2fb: {  	s4 =	ssub.s32 s11, s31  }
0x2fc: {  	s6 =	ssub.s32 $0x4, s28;
	s28 =	sand.u32 $0xFF, s4;
	[tilespmem:s21+$0xDA00] =	vst v1  }
0x2fd: {  	s6 =	sand.u32 $0xFF, s6;
	s11 =	sshll.u32 s28, $0x4;
	v1 =	vld [tilespmem:s2+$0x50];
	[tilespmem:s20+$0xDA00] =	vst v3  }
0x2fe: {  	s7 =	sshll.u32 s6, $0x4;
	s26 =	sadd.s32 s11, s18;
	v3 =	vld [tilespmem:s1+$0x450];
	[tilespmem:s22+$0xDA80] =	vst v0  }
0x2ff: {  	s4 =	sadd.s32 s7, s5;
	s26 =	sshrl.u32 s26, $0x3;
	v0 =	vld [tilespmem:s3+$0x60];
	[tilespmem:s25+$0xDA80] =	vst v2  }
0x300: {  	s4 =	sshrl.u32 s4, $0x3;
	s26 =	smul.u32 $0x3000, s26;
	v2 =	vld [tilespmem:s0+$0x460]  }
0x301: {  	s4 =	smul.u32 $0x3000, s4  }
0x302: {  	s12 =	sadd.s32 $0xC000, s12;
	s17 =	sadd.s32 $0x8, s17;
	s31 =	sshll.u32 s5, $0x7;
	[tilespmem:s21+$0xDA80] =	vst v1  }
0x303: {  	s11 =	sshll.u32 s18, $0x7;
	s26 =	sadd.s32 $0x24000, s26;
	s4 =	sadd.s32 $0x24000, s4;
	v1 =	vld [tilespmem:s2+$0x60];
	[tilespmem:s20+$0xDA80] =	vst v3  }
0x304: {  	s18 =	sand.u32 $0x380, s31;
	s5 =	sshrl.u32 s26, $0x2;
	s4 =	sshrl.u32 s4, $0x2;
	v3 =	vld [tilespmem:s1+$0x460];
	[tilespmem:s22+$0xDB00] =	vst v0  }
0x305: {  	s26 =	smul.u32 $0x18, s6;
	s4 =	sor.u32 s18, s4;
	s18 =	sshrl.u32 s12, $0x2;
	v0 =	vld [tilespmem:s3+$0x70];
	[tilespmem:s25+$0xDB00] =	vst v2  }
0x306: {  	s7 =	sand.u32 $0x380, s11;
	s6 =	sadd.s32 s13, s18;
	s18 =	smul.u32 $0x18, s28;
	v2 =	vld [tilespmem:s0+$0x470]  }
0x307: {  	s5 =	sor.u32 s7, s5;
	s7 =	sshrl.u32 s17, $0x3;
	s13 =	sshrl.u32 s26, $0x3  }
0x308: {  	s28 =	smul.u32 $0x6000, s13;
	s13 =	sadd.s32 $0x8, s16;
	s17 =	sshrl.u32 s18, $0x3;
	[tilespmem:s21+$0xDB00] =	vst v1  }
0x309: {  	s9 =	sor.u32 s9, s6;
	s13 =	sshrl.u32 s13, $0x3;
	s6 =	smul.u32 $0x6000, s17;
	v1 =	vld [tilespmem:s2+$0x70];
	[tilespmem:s20+$0xDB00] =	vst v3  }
0x30a: {  	s17 =	smul.u32 $0x6000, s13;
	v3 =	vld [tilespmem:s1+$0x470];
	[tilespmem:s22+$0xDB80] =	vst v0  }
0x30b: {  	s11 =	sand.u32 $0xC00, s11;
	s22 =	sld [smem:$0x7CB];
	[tilespmem:s25+$0xDB80] =	vst v2;
	v2 =	vld [tilespmem:s3+$0x400]  }
0x30c: {  	s31 =	sand.u32 $0xC00, s31;
	s11 =	sor.u32 $0x1000, s11;
	s17 =	sshrl.u32 s17, $0x2;
	v0 =	vld [tilespmem:s5+$0x0]  }
0x30d: {  	s17 =	sadd.s32 s8, s17;
	v4 =	vld [tilespmem:s0+$0x800];
	[dreg:$0xd] =	wrdreg s6;
	s6 =	sshrl.u32 s6, $0x2  }
0x30e: {  	[tilespmem:s21+$0xDB80] =	vst v1;
	v1 =	vld [tilespmem:s4+$0x0];
	s16 =	sadd.s32 $0xC000, s22;
	s22 =	sshrl.u32 s29, $0x5;
	s29 =	sshrl.u32 s30, $0x5  }
0x30f: {  	s17 =	sor.u32 s14, s17;
	[tilespmem:s20+$0xDB80] =	vst v3;
	s13 =	sand.u32 $0x70, s29;
	s29 =	sadd.s32 s11, s6  }
0x310: {  	s25 =	sor.u32 $0x1000, s31;
	s6 =	sshrl.u32 s28, $0x2;
	s20 =	sor.u32 s13, s29;
	[tilespmem:s17+$0xD800] =	vst v2  }
0x311: {  	s7 =	smul.u32 $0x6000, s7;
	v3 =	vld [tilespmem:s2+$0x400];
	s29 =	sand.u32 $0x70, s22;
	s21 =	sadd.s32 s25, s6;
	[tilespmem:s20+$0xD800] =	vst v0  }
0x312: {  	s22 =	sor.u32 s29, s21;
	[tilespmem:s9+$0xD800] =	vst v4  }
0x313: {  	s12 =	smov.u32 s8;
	s8 =	sshrl.u32 s7, $0x2;
	v0 =	vld [tilespmem:s1+$0x800];
	[tilespmem:s22+$0xD800] =	vst v1  }
0x314: {  	s30 =	smov.u32 s14;
	s6 =	sadd.s32 s24, s8;
	v5 =	vld [tilespmem:s5+$0x10];
	s14 =	sld [smem:$0x7CC]  }
0x315: {  	s16 =	sshrl.u32 s16, $0x2;
	s21 =	sor.u32 s23, s6;
	v4 =	vld [tilespmem:s4+$0x10]  }
0x316: {  	s15 =	sadd.s32 s15, s16;
	v2 =	vld [tilespmem:s3+$0x410];
	[tilespmem:s21+$0xD800] =	vst v3  }
0x317: {  	v3 =	vld [tilespmem:s2+$0x410];
	s16 =	sor.u32 s14, s15  }
0x318: {  	v1 =	vld [tilespmem:s0+$0x810];
	[tilespmem:s16+$0xD800] =	vst v0  }
0x319: {  	[tilespmem:s20+$0xD880] =	vst v5;
	v0 =	vld [tilespmem:s1+$0x810]  }
0x31a: {  	v5 =	vld [tilespmem:s5+$0x20];
	[tilespmem:s22+$0xD880] =	vst v4  }
0x31b: {  	[tilespmem:s17+$0xD880] =	vst v2;
	v4 =	vld [tilespmem:s4+$0x20]  }
0x31c: {  	v2 =	vld [tilespmem:s3+$0x420];
	[tilespmem:s21+$0xD880] =	vst v3  }
0x31d: {  	[tilespmem:s9+$0xD880] =	vst v1;
	v3 =	vld [tilespmem:s2+$0x420]  }
0x31e: {  	v1 =	vld [tilespmem:s0+$0x820];
	[tilespmem:s16+$0xD880] =	vst v0  }
0x31f: {  	[tilespmem:s20+$0xD900] =	vst v5;
	v0 =	vld [tilespmem:s1+$0x820]  }
0x320: {  	v5 =	vld [tilespmem:s5+$0x30];
	[tilespmem:s22+$0xD900] =	vst v4  }
0x321: {  	[tilespmem:s17+$0xD900] =	vst v2;
	v4 =	vld [tilespmem:s4+$0x30]  }
0x322: {  	v2 =	vld [tilespmem:s3+$0x430];
	[tilespmem:s21+$0xD900] =	vst v3  }
0x323: {  	[tilespmem:s9+$0xD900] =	vst v1;
	v3 =	vld [tilespmem:s2+$0x430]  }
0x324: {  	v1 =	vld [tilespmem:s0+$0x830];
	[tilespmem:s16+$0xD900] =	vst v0  }
0x325: {  	s15 =	sadd.s32 $0x8, s26;
	[tilespmem:s20+$0xD980] =	vst v5;
	v5 =	vld [tilespmem:s1+$0x830]  }
0x326: {  	s6 =	sshrl.u32 s15, $0x3;
	v6 =	vld [tilespmem:s5+$0x40];
	[tilespmem:s22+$0xD980] =	vst v4  }
0x327: {  	s6 =	smul.u32 $0x6000, s6;
	[tilespmem:s17+$0xD980] =	vst v2;
	v4 =	vld [tilespmem:s4+$0x40]  }
0x328: {  	s31 =	sadd.s32 $0xC000, s28;
	s26 =	sadd.s32 $0xC000, s19;
	v2 =	vld [tilespmem:s3+$0x440];
	[tilespmem:s21+$0xD980] =	vst v3  }
0x329: {  	s14 =	sshrl.u32 s26, $0x2;
	s15 =	sshrl.u32 s31, $0x2;
	s6 =	sshrl.u32 s6, $0x2;
	[tilespmem:s9+$0xD980] =	vst v1;
	v3 =	vld [tilespmem:s2+$0x440]  }
0x32a: {  	s14 =	sadd.s32 s24, s14;
	s15 =	sadd.s32 s25, s15;
	s6 =	sadd.s32 s25, s6;
	v0 =	vld [tilespmem:s0+$0x840];
	[tilespmem:s16+$0xD980] =	vst v5  }
0x32b: {  	s14 =	sor.u32 s23, s14;
	s15 =	sor.u32 s29, s15;
	s19 =	sor.u32 s29, s6;
	[tilespmem:s20+$0xDA00] =	vst v6;
	v1 =	vld [tilespmem:s1+$0x840]  }
.LBB2_6:
0x32c: {  	s10 =	sadd.s32 $0x2, s10;
	v5 =	vld [tilespmem:s5+$0x50];
	[tilespmem:s22+$0xDA00] =	vst v4  }
0x32d: {  	s6 =	smul.u32 $0xAB, s10;
	s28 =	sor.u32 $0x1, s10;
	[tilespmem:s17+$0xDA00] =	vst v2;
	v4 =	vld [tilespmem:s4+$0x50]  }
0x32e: {  	s23 =	sand.u32 $0xFF, s28;
	[tilespmem:s21+$0xDA00] =	vst v3;
	v2 =	vld [tilespmem:s3+$0x450]  }
0x32f: {  	s24 =	sshrl.u32 s6, $0x9;
	s25 =	smul.u32 $0xAB, s23;
	[tilespmem:s9+$0xDA00] =	vst v0;
	v3 =	vld [tilespmem:s2+$0x450]  }
0x330: {  	s29 =	sand.u32 $0x7F, s24;
	[tilespmem:s16+$0xDA00] =	vst v1;
	v0 =	vld [tilespmem:s0+$0x850]  }
0x331: {  	[dreg:$0x13] =	wrdreg s15;
	s8 =	smul.u32 $0x3, s29;
	s31 =	sshrl.u32 s25, $0x9;
	[tilespmem:s20+$0xDA80] =	vst v5;
	v1 =	vld [tilespmem:s1+$0x850]  }
0x332: {  	s15 =	smov.u32 s30;
	s6 =	sshrl.u32 s6, $0x5;
	s30 =	smul.u32 $0x3, s31;
	v5 =	vld [tilespmem:s5+$0x60];
	[tilespmem:s22+$0xDA80] =	vst v4  }
0x333: {  	s23 =	sand.u32 $0x70, s6;
	s6 =	ssub.s32 s10, s8;
	[tilespmem:s17+$0xDA80] =	vst v2;
	v4 =	vld [tilespmem:s4+$0x60]  }
0x334: {  	s18 =	sadd.s32 $0x8, s18;
	s6 =	sand.u32 $0xFF, s6;
	s28 =	ssub.s32 s28, s30;
	[tilespmem:s21+$0xDA80] =	vst v3;
	v2 =	vld [tilespmem:s3+$0x460]  }
0x335: {  	s30 =	sshll.u32 s6, $0x4;
	s6 =	smul.u32 $0x18, s6;
	s28 =	sand.u32 $0xFF, s28;
	[tilespmem:s9+$0xDA80] =	vst v0;
	v3 =	vld [tilespmem:s2+$0x460]  }
0x336: {  	s24 =	sshll.u32 s29, $0x7;
	s29 =	sadd.s32 s30, s29;
	s30 =	sshll.u32 s28, $0x4;
	[tilespmem:s16+$0xDA80] =	vst v1;
	v0 =	vld [tilespmem:s0+$0x860]  }
0x337: {  	s29 =	sshrl.u32 s29, $0x3;
	s7 =	sshrl.u32 s6, $0x3;
	s30 =	sadd.s32 s30, s31;
	[tilespmem:s20+$0xDB00] =	vst v5;
	v1 =	vld [tilespmem:s1+$0x860]  }
0x338: {  	s6 =	sadd.s32 $0x8, s6;
	s29 =	smul.u32 $0x3000, s29;
	s8 =	sshrl.u32 s30, $0x3;
	v5 =	vld [tilespmem:s5+$0x70];
	[tilespmem:s22+$0xDB00] =	vst v4  }
0x339: {  	s26 =	sand.u32 $0x380, s24;
	s30 =	sshrl.u32 s6, $0x3;
	s6 =	smul.u32 $0x3000, s8;
	[tilespmem:s17+$0xDB00] =	vst v2;
	v4 =	vld [tilespmem:s4+$0x70]  }
0x33a: {  	s24 =	sand.u32 $0xC00, s24;
	s8 =	sadd.s32 $0x24000, s29;
	s29 =	smul.u32 $0x6000, s7;
	[tilespmem:s21+$0xDB00] =	vst v3;
	v2 =	vld [tilespmem:s3+$0x470]  }
0x33b: {  	s7 =	sshll.u32 s31, $0x7;
	s6 =	sadd.s32 $0x24000, s6;
	s8 =	sshrl.u32 s8, $0x2;
	[tilespmem:s9+$0xDB00] =	vst v0;
	v3 =	vld [tilespmem:s2+$0x470]  }
0x33c: {  	s31 =	sand.u32 $0x380, s7;
	v0 =	vld [tilespmem:s0+$0x870];
	s0 =	smov.u32 s3;
	s3 =	smul.u32 $0x18, s28  }
0x33d: {  	s6 =	sshrl.u32 s6, $0x2;
	[tilespmem:s16+$0xDB00] =	vst v1;
	s28 =	sor.u32 s26, s8;
	s8 =	sshrl.u32 s18, $0x3  }
0x33e: {  	s31 =	sor.u32 s31, s6;
	[tilespmem:s20+$0xDB80] =	vst v5;
	v1 =	vld [tilespmem:s1+$0x870];
	s1 =	smul.u32 $0x6000, s8;
	s6 =	sshrl.u32 s3, $0x3  }
0x33f: {  	s24 =	sor.u32 $0x1000, s24;
	s20 =	rddreg [dreg:$0xa];
	v5 =	vld [tilespmem:s31+$0x0];
	s26 =	smul.u32 $0x6000, s6;
	[tilespmem:s22+$0xDB80] =	vst v4  }
0x340: {  	s7 =	sand.u32 $0xC00, s7;
	s8 =	sadd.s32 $0xC000, s20;
	s1 =	sshrl.u32 s1, $0x2;
	[tilespmem:s17+$0xDB80] =	vst v2;
	v4 =	vld [tilespmem:s28+$0x0]  }
0x341: {  	s17 =	sshrl.u32 s25, $0x5;
	s25 =	sor.u32 $0x1000, s7;
	[tilespmem:s21+$0xDB80] =	vst v3;
	v2 =	vld [tilespmem:s5+$0x400];
	s18 =	sshrl.u32 s26, $0x2  }
0x342: {  	s22 =	sshrl.u32 s29, $0x2;
	[tilespmem:s9+$0xDB80] =	vst v0;
	s6 =	sand.u32 $0x70, s17;
	v3 =	vld [tilespmem:s4+$0x400];
	s7 =	sadd.s32 s25, s18  }
0x343: {  	s21 =	sshrl.u32 s8, $0x2;
	s8 =	sadd.s32 s24, s22;
	[tilespmem:s16+$0xDB80] =	vst v1;
	v0 =	vld [tilespmem:s0+$0x800];
	s20 =	sor.u32 s6, s7  }
0x344: {  	s1 =	sadd.s32 s11, s1;
	s22 =	sor.u32 s23, s8;
	v1 =	vld [tilespmem:s2+$0x800];
	[tilespmem:s20+$0xD800] =	vst v5  }
0x345: {  	s17 =	sor.u32 s13, s1;
	s7 =	sadd.s32 s12, s21;
	s12 =	smul.u32 $0x6000, s30;
	v5 =	vld [tilespmem:s31+$0x10];
	[tilespmem:s22+$0xD800] =	vst v4  }
0x346: {  	s16 =	sadd.s32 $0xC000, s29;
	[tilespmem:s17+$0xD800] =	vst v2;
	v4 =	vld [tilespmem:s28+$0x10]  }
0x347: {  	s1 =	sshrl.u32 s16, $0x2;
	s9 =	sor.u32 s15, s7;
	s21 =	sshrl.u32 s12, $0x2;
	[tilespmem:s19+$0xD800] =	vst v3;
	v2 =	vld [tilespmem:s5+$0x410]  }
0x348: {  	s1 =	sadd.s32 s24, s1;
	s7 =	sadd.s32 s24, s21;
	[tilespmem:s9+$0xD800] =	vst v0;
	v3 =	vld [tilespmem:s4+$0x410]  }
0x349: {  	s7 =	sor.u32 s23, s7;
	s23 =	sor.u32 s23, s1;
	[tilespmem:s14+$0xD800] =	vst v1;
	s1 =	smov.u32 s2;
	v0 =	vld [tilespmem:s0+$0x810]  }
0x34a: {  	s18 =	smov.u32 s3;
	s3 =	smov.u32 s5;
	s5 =	smov.u32 s31;
	v1 =	vld [tilespmem:s1+$0x810];
	[tilespmem:s20+$0xD880] =	vst v5  }
0x34b: {  	s2 =	smov.u32 s4;
	s4 =	smov.u32 s28;
	v5 =	vld [tilespmem:s5+$0x20];
	[tilespmem:s22+$0xD880] =	vst v4  }
0x34c: {  	s21 =	smov.u32 s19;
	[tilespmem:s17+$0xD880] =	vst v2;
	v4 =	vld [tilespmem:s4+$0x20]  }
0x34d: {  	[tilespmem:s21+$0xD880] =	vst v3;
	v2 =	vld [tilespmem:s3+$0x420]  }
0x34e: {  	s16 =	smov.u32 s14;
	[tilespmem:s9+$0xD880] =	vst v0;
	v3 =	vld [tilespmem:s2+$0x420]  }
0x34f: {  	[tilespmem:s16+$0xD880] =	vst v1;
	v0 =	vld [tilespmem:s0+$0x820]  }
0x350: {  	v1 =	vld [tilespmem:s1+$0x820];
	[tilespmem:s20+$0xD900] =	vst v5  }
0x351: {  	v5 =	vld [tilespmem:s5+$0x30];
	[tilespmem:s22+$0xD900] =	vst v4  }
0x352: {  	[tilespmem:s17+$0xD900] =	vst v2;
	v4 =	vld [tilespmem:s4+$0x30]  }
0x353: {  	[tilespmem:s21+$0xD900] =	vst v3;
	v2 =	vld [tilespmem:s3+$0x430]  }
0x354: {  	[tilespmem:s9+$0xD900] =	vst v0;
	v3 =	vld [tilespmem:s2+$0x430]  }
0x355: {  	[tilespmem:s16+$0xD900] =	vst v1;
	v0 =	vld [tilespmem:s0+$0x830]  }
0x356: {  	v1 =	vld [tilespmem:s1+$0x830];
	[tilespmem:s20+$0xD980] =	vst v5  }
0x357: {  	p0 =	slt.u32 s10, $0x2E;
	v5 =	vld [tilespmem:s5+$0x40];
	[tilespmem:s22+$0xD980] =	vst v4  }
.Ltmp2:
0x358: {  	s29 =	smov.u32 s26;
	s24 =	rddreg [dreg:$0xd];
	[tilespmem:s17+$0xD980] =	vst v2;
	v4 =	vld [tilespmem:s4+$0x40];
	(pc) =	sbr.rel @p0 .LBB2_6-.Ltmp2, $4  }
0x359: {  	s30 =	smov.u32 s13;
	[dreg:$0xd] =	wrdreg s29;
	[tilespmem:s21+$0xD980] =	vst v3;
	v2 =	vld [tilespmem:s3+$0x440]  }
0x35a: {  	s13 =	smov.u32 s6;
	s28 =	smov.u32 s24;
	s31 =	rddreg [dreg:$0x13];
	[tilespmem:s9+$0xD980] =	vst v0;
	v3 =	vld [tilespmem:s2+$0x440]  }
0x35b: {  	s12 =	smov.u32 s11;
	s11 =	smov.u32 s25;
	[dreg:$0xa] =	wrdreg s28;
	[tilespmem:s16+$0xD980] =	vst v1;
	v0 =	vld [tilespmem:s0+$0x840]  }
0x35c: {  	s19 =	smov.u32 s7;
	s14 =	smov.u32 s31;
	s15 =	smov.u32 s23;
	v1 =	vld [tilespmem:s1+$0x840];
	[tilespmem:s20+$0xDA00] =	vst v5  }
0x35d: {  	v5 =	vld [tilespmem:s5+$0x50];
	[tilespmem:s22+$0xDA00] =	vst v4  }
0x35e: {  	v4 =	vld [tilespmem:s4+$0x50];
	_ =	sdelay $0x3  }
0x35f: {  	[tilespmem:s20+$0xDA80] =	vst v5  }
0x360: {  	v5 =	vld [tilespmem:s5+$0x60];
	[tilespmem:s22+$0xDA80] =	vst v4  }
0x361: {  	v4 =	vld [tilespmem:s4+$0x60];
	_ =	sdelay $0x3  }
0x362: {  	[tilespmem:s20+$0xDB00] =	vst v5  }
0x363: {  	v5 =	vld [tilespmem:s5+$0x70];
	[tilespmem:s22+$0xDB00] =	vst v4  }
0x364: {  	v4 =	vld [tilespmem:s4+$0x70];
	_ =	sdelay $0x2  }
0x365: {  	s6 =	sadd.s32 $0x8, s18  }
0x366: {  	s6 =	sshrl.u32 s6, $0x3;
	[tilespmem:s20+$0xDB80] =	vst v5  }
0x367: {  	s6 =	smul.u32 $0x6000, s6;
	v5 =	vld [tilespmem:s5+$0x400];
	[tilespmem:s22+$0xDB80] =	vst v4  }
0x368: {  	v4 =	vld [tilespmem:s4+$0x400]  }
0x369: {  	s6 =	sshrl.u32 s6, $0x2  }
0x36a: {  	s6 =	sadd.s32 s11, s6  }
0x36b: {  	s6 =	sor.u32 s13, s6  }
0x36c: {  	[tilespmem:s6+$0xD800] =	vst v5  }
0x36d: {  	v5 =	vld [tilespmem:s5+$0x410];
	[tilespmem:s19+$0xD800] =	vst v4  }
0x36e: {  	v4 =	vld [tilespmem:s4+$0x410];
	_ =	sdelay $0x3  }
0x36f: {  	[tilespmem:s6+$0xD880] =	vst v5  }
0x370: {  	v5 =	vld [tilespmem:s5+$0x420];
	[tilespmem:s19+$0xD880] =	vst v4  }
0x371: {  	v4 =	vld [tilespmem:s4+$0x420];
	_ =	sdelay $0x3  }
0x372: {  	[tilespmem:s6+$0xD900] =	vst v5  }
0x373: {  	v5 =	vld [tilespmem:s5+$0x430];
	[tilespmem:s19+$0xD900] =	vst v4  }
0x374: {  	v4 =	vld [tilespmem:s4+$0x430];
	_ =	sdelay $0x3  }
0x375: {  	[tilespmem:s6+$0xD980] =	vst v5  }
0x376: {  	v5 =	vld [tilespmem:s5+$0x440];
	[tilespmem:s19+$0xD980] =	vst v4  }
0x377: {  	v4 =	vld [tilespmem:s4+$0x440]  }
0x378: {  	[tilespmem:s17+$0xDA00] =	vst v2  }
0x379: {  	v2 =	vld [tilespmem:s3+$0x450];
	[tilespmem:s21+$0xDA00] =	vst v3  }
0x37a: {  	v3 =	vld [tilespmem:s2+$0x450]  }
0x37b: {  	[tilespmem:s6+$0xDA00] =	vst v5  }
0x37c: {  	v5 =	vld [tilespmem:s5+$0x450];
	[tilespmem:s19+$0xDA00] =	vst v4  }
0x37d: {  	v4 =	vld [tilespmem:s4+$0x450]  }
0x37e: {  	[tilespmem:s17+$0xDA80] =	vst v2  }
0x37f: {  	v2 =	vld [tilespmem:s3+$0x460];
	[tilespmem:s21+$0xDA80] =	vst v3  }
0x380: {  	v3 =	vld [tilespmem:s2+$0x460]  }
0x381: {  	[tilespmem:s6+$0xDA80] =	vst v5  }
0x382: {  	v5 =	vld [tilespmem:s5+$0x460];
	[tilespmem:s19+$0xDA80] =	vst v4  }
0x383: {  	v4 =	vld [tilespmem:s4+$0x460]  }
0x384: {  	[tilespmem:s17+$0xDB00] =	vst v2  }
0x385: {  	v2 =	vld [tilespmem:s3+$0x470];
	[tilespmem:s21+$0xDB00] =	vst v3  }
0x386: {  	v3 =	vld [tilespmem:s2+$0x470]  }
0x387: {  	[tilespmem:s6+$0xDB00] =	vst v5  }
0x388: {  	v5 =	vld [tilespmem:s5+$0x470];
	[tilespmem:s19+$0xDB00] =	vst v4  }
0x389: {  	v4 =	vld [tilespmem:s4+$0x470]  }
0x38a: {  	[tilespmem:s17+$0xDB80] =	vst v2  }
0x38b: {  	[tilespmem:s21+$0xDB80] =	vst v3  }
0x38c: {  	s7 =	rddreg [dreg:$0xa]  }
0x38d: {  	v2 =	vld [tilespmem:s3+$0x800];
	s7 =	sadd.s32 $0xC000, s7;
	[tilespmem:s6+$0xDB80] =	vst v5  }
0x38e: {  	v3 =	vld [tilespmem:s2+$0x800];
	s10 =	sshrl.u32 s7, $0x2;
	[tilespmem:s19+$0xDB80] =	vst v4  }
0x38f: {  	s6 =	sadd.s32 s12, s10;
	v5 =	vld [tilespmem:s5+$0x800];
	s12 =	rddreg [dreg:$0xd]  }
0x390: {  	v4 =	vld [tilespmem:s4+$0x800];
	s7 =	sadd.s32 $0xC000, s12  }
0x391: {  	s6 =	sor.u32 s30, s6;
	s7 =	sshrl.u32 s7, $0x2  }
0x392: {  	[tilespmem:s6+$0xD800] =	vst v2;
	s7 =	sadd.s32 s11, s7  }
0x393: {  	[tilespmem:s14+$0xD800] =	vst v3;
	v2 =	vld [tilespmem:s3+$0x810];
	s7 =	sor.u32 s13, s7  }
0x394: {  	v3 =	vld [tilespmem:s2+$0x810];
	[tilespmem:s7+$0xD800] =	vst v5  }
0x395: {  	[tilespmem:s15+$0xD800] =	vst v4;
	v5 =	vld [tilespmem:s5+$0x810]  }
0x396: {  	v4 =	vld [tilespmem:s4+$0x810];
	_ =	sdelay $0x1  }
0x397: {  	[tilespmem:s6+$0xD880] =	vst v2  }
0x398: {  	[tilespmem:s14+$0xD880] =	vst v3;
	v2 =	vld [tilespmem:s3+$0x820]  }
0x399: {  	v3 =	vld [tilespmem:s2+$0x820];
	[tilespmem:s7+$0xD880] =	vst v5  }
0x39a: {  	[tilespmem:s15+$0xD880] =	vst v4;
	v5 =	vld [tilespmem:s5+$0x820]  }
0x39b: {  	v4 =	vld [tilespmem:s4+$0x820];
	_ =	sdelay $0x1  }
0x39c: {  	[tilespmem:s6+$0xD900] =	vst v2  }
0x39d: {  	[tilespmem:s14+$0xD900] =	vst v3;
	v2 =	vld [tilespmem:s3+$0x830]  }
0x39e: {  	v3 =	vld [tilespmem:s2+$0x830];
	[tilespmem:s7+$0xD900] =	vst v5  }
0x39f: {  	[tilespmem:s15+$0xD900] =	vst v4;
	v5 =	vld [tilespmem:s5+$0x830]  }
0x3a0: {  	v4 =	vld [tilespmem:s4+$0x830]  }
0x3a1: {  	[tilespmem:s9+$0xDA00] =	vst v0  }
0x3a2: {  	[tilespmem:s6+$0xD980] =	vst v2  }
0x3a3: {  	[tilespmem:s14+$0xD980] =	vst v3;
	v2 =	vld [tilespmem:s3+$0x840]  }
0x3a4: {  	v3 =	vld [tilespmem:s2+$0x840];
	[tilespmem:s7+$0xD980] =	vst v5  }
0x3a5: {  	[tilespmem:s15+$0xD980] =	vst v4;
	v5 =	vld [tilespmem:s5+$0x840]  }
0x3a6: {  	[tilespmem:s16+$0xDA00] =	vst v1;
	v0 =	vld [tilespmem:s4+$0x840]  }
0x3a7: {  	v1 =	vld [tilespmem:s1+$0x850]  }
0x3a8: {  	v4 =	vld [tilespmem:s0+$0x850];
	[tilespmem:s6+$0xDA00] =	vst v2  }
0x3a9: {  	[tilespmem:s14+$0xDA00] =	vst v3;
	v2 =	vld [tilespmem:s3+$0x850]  }
0x3aa: {  	v3 =	vld [tilespmem:s2+$0x850];
	[tilespmem:s7+$0xDA00] =	vst v5  }
0x3ab: {  	[tilespmem:s15+$0xDA00] =	vst v0;
	v5 =	vld [tilespmem:s5+$0x850]  }
0x3ac: {  	[tilespmem:s16+$0xDA80] =	vst v1;
	v0 =	vld [tilespmem:s4+$0x850]  }
0x3ad: {  	v1 =	vld [tilespmem:s1+$0x860];
	[tilespmem:s9+$0xDA80] =	vst v4  }
0x3ae: {  	v4 =	vld [tilespmem:s0+$0x860];
	[tilespmem:s6+$0xDA80] =	vst v2  }
0x3af: {  	[tilespmem:s14+$0xDA80] =	vst v3;
	v2 =	vld [tilespmem:s3+$0x860]  }
0x3b0: {  	v3 =	vld [tilespmem:s2+$0x860];
	[tilespmem:s7+$0xDA80] =	vst v5  }
0x3b1: {  	[tilespmem:s15+$0xDA80] =	vst v0;
	v5 =	vld [tilespmem:s5+$0x860]  }
0x3b2: {  	[tilespmem:s16+$0xDB00] =	vst v1;
	v0 =	vld [tilespmem:s4+$0x860]  }
0x3b3: {  	v1 =	vld [tilespmem:s1+$0x870];
	[tilespmem:s9+$0xDB00] =	vst v4  }
0x3b4: {  	v4 =	vld [tilespmem:s0+$0x870];
	[tilespmem:s6+$0xDB00] =	vst v2  }
0x3b5: {  	[tilespmem:s14+$0xDB00] =	vst v3;
	v2 =	vld [tilespmem:s3+$0x870]  }
0x3b6: {  	v3 =	vld [tilespmem:s2+$0x870];
	[tilespmem:s7+$0xDB00] =	vst v5  }
0x3b7: {  	[tilespmem:s15+$0xDB00] =	vst v0;
	v5 =	vld [tilespmem:s5+$0x870]  }
0x3b8: {  	[tilespmem:s16+$0xDB80] =	vst v1;
	v0 =	vld [tilespmem:s4+$0x870]  }
0x3b9: {  	s24 =	simm.s32 $0x0;
	[tilespmem:s9+$0xDB80] =	vst v4  }
0x3ba: {  	s25 =	sor.u32 $0x1, s24;
	[tilespmem:s6+$0xDB80] =	vst v2  }
0x3bb: {  	s26 =	sand.u32 $0xFF, s25;
	[tilespmem:s14+$0xDB80] =	vst v3  }
0x3bc: {  	s2 =	smul.u32 $0xAB, s26;
	[tilespmem:s7+$0xDB80] =	vst v5  }
0x3bd: {  	s20 =	simm.s32 $0x1;
	s17 =	simm.s32 $0x0;
	[tilespmem:s15+$0xDB80] =	vst v0  }
0x3be: {  	s19 =	simm.s32 $0xD800;
	s31 =	sshrl.u32 s2, $0x9;
	s18 =	rddreg [dreg:$0x1a]  }
0x3bf: {  	[hbm4b:s18+s17] =	stream.linear.scatter [tilespmem:s19], [sflag:$0x1], $0xD800, $0x38;
	[tilespmem:$0x1B000] =	vst v63  }
0x3c0: {  	s23 =	simm.s32 $0x4800;
	s11 =	smul.u32 $0x3, s31;
	_ =	swait.ge [sflag:s20], $0xD800  }
0x3c1: {  	s13 =	simm.s32 $0x9000;
	s5 =	smul.u32 $0xAB, s24;
	[sflag:s20] =	ssyncset.done $0x0  }
0x3c2: {  	s0 =	ssub.s32 s25, s11;
	s21 =	rddreg [dreg:$0x1b];
	[sflag:s20] =	ssyncadd.s32 $0xFFFF2800  }
0x3c3: {  	[tilespmem:s17], [sflag:$0x1] =	stream.linear.gather [hbm4b:s21+s17], $0x4800, $0x38;
	[tilespmem:$0x1B000] =	vst v63  }
0x3c4: {  	s0 =	sand.u32 $0xFF, s0;
	s14 =	sshrl.u32 s5, $0x9;
	_ =	swait.ge [sflag:s20], $0x4800  }
0x3c5: {  	s16 =	sshll.u32 s0, $0x4;
	s8 =	sand.u32 $0x7F, s14;
	[sflag:s20] =	ssyncset.done $0x0  }
0x3c6: {  	s3 =	sadd.s32 s31, s16;
	s22 =	rddreg [dreg:$0x1c];
	[sflag:s20] =	ssyncadd.s32 $0xFFFFB800  }
0x3c7: {  	[tilespmem:s23], [sflag:$0x1] =	stream.linear.gather [hbm4b:s22+s17], $0x4800, $0x38;
	[tilespmem:$0x1B000] =	vst v63  }
0x3c8: {  	s3 =	sshrl.u32 s3, $0x3;
	s15 =	smul.u32 $0x3, s8;
	_ =	swait.ge [sflag:s20], $0x4800  }
0x3c9: {  	s2 =	sshrl.u32 s2, $0x5;
	s3 =	smul.u32 $0x3000, s3;
	[sflag:s20] =	ssyncset.done $0x0  }
0x3ca: {  	s18 =	sshll.u32 s31, $0x7;
	s12 =	rddreg [dreg:$0x1d];
	[sflag:s20] =	ssyncadd.s32 $0xFFFFB800  }
0x3cb: {  	[tilespmem:s13], [sflag:$0x1] =	stream.linear.gather [hbm4b:s12+s17], $0x4800, $0x38;
	[tilespmem:$0x1B000] =	vst v63  }
0x3cc: {  	s1 =	ssub.s32 $0x0, s15;
	s19 =	sand.u32 $0x380, s18;
	_ =	swait.ge [sflag:s20], $0x4800  }
0x3cd: {  	s17 =	sand.u32 $0xFF, s1;
	s1 =	smul.u32 $0x18, s0;
	[smem:$0x79B] =	sst s16  }
0x3ce: {  	s10 =	sshll.u32 s17, $0x4;
	s6 =	smul.u32 $0x18, s17;
	[smem:$0x79C] =	sst s31  }
0x3cf: {  	[sflag:s20] =	ssyncset.done $0x0;
	[smem:$0x79D] =	sst s10;
	s21 =	sadd.s32 s8, s10  }
0x3d0: {  	[smem:$0x79E] =	sst s19;
	[sflag:s20] =	ssyncadd.s32 $0xFFFFB800;
	s20 =	sshrl.u32 s3, $0x2  }
0x3d1: {  	s22 =	sshrl.u32 s1, $0x3;
	[smem:$0x79F] =	sst s8;
	s4 =	sor.u32 s19, s20  }
0x3d2: {  	s8 =	sshll.u32 s8, $0x7;
	s3 =	sshrl.u32 s21, $0x3;
	s0 =	smul.u32 $0x6000, s22;
	v0 =	vld [tilespmem:s4+$0x0]  }
0x3d3: {  	s23 =	sand.u32 $0x380, s8;
	s21 =	sand.u32 $0xC00, s18;
	s3 =	smul.u32 $0x3000, s3  }
0x3d4: {  	s26 =	sshrl.u32 s6, $0x3;
	s20 =	sand.u32 $0x70, s2;
	s24 =	sshrl.u32 s0, $0x2  }
0x3d5: {  	[smem:$0x7A1] =	sst s23;
	s3 =	sshrl.u32 s3, $0x2;
	s25 =	sadd.s32 s21, s24  }
0x3d6: {  	[smem:$0x7A0] =	sst s24;
	s3 =	sor.u32 s23, s3;
	s31 =	sor.u32 s20, s25  }
0x3d7: {  	s2 =	smul.u32 $0x6000, s26;
	v1 =	vld [tilespmem:s3+$0x0];
	[tilespmem:s31+$0xD800] =	vst v0  }
0x3d8: {  	v0 =	vld [tilespmem:s4+$0x10]  }
0x3d9: {  	s5 =	sshrl.u32 s5, $0x5;
	s24 =	sand.u32 $0xC00, s8;
	s7 =	sshrl.u32 s2, $0x2  }
0x3da: {  	s19 =	sand.u32 $0x70, s5;
	s13 =	sadd.s32 s24, s7  }
0x3db: {  	s5 =	sor.u32 s19, s13;
	[smem:$0x7A2] =	sst s7  }
0x3dc: {  	[tilespmem:s5+$0xD800] =	vst v1  }
0x3dd: {  	v1 =	vld [tilespmem:s3+$0x10];
	[tilespmem:s31+$0xD880] =	vst v0  }
0x3de: {  	v0 =	vld [tilespmem:s4+$0x20];
	_ =	sdelay $0x3  }
0x3df: {  	[tilespmem:s5+$0xD880] =	vst v1  }
0x3e0: {  	v1 =	vld [tilespmem:s3+$0x20];
	[tilespmem:s31+$0xD900] =	vst v0  }
0x3e1: {  	v0 =	vld [tilespmem:s4+$0x30];
	_ =	sdelay $0x3  }
0x3e2: {  	[tilespmem:s5+$0xD900] =	vst v1  }
0x3e3: {  	v1 =	vld [tilespmem:s3+$0x30];
	[tilespmem:s31+$0xD980] =	vst v0  }
0x3e4: {  	v0 =	vld [tilespmem:s4+$0x40];
	_ =	sdelay $0x3  }
0x3e5: {  	[tilespmem:s5+$0xD980] =	vst v1  }
0x3e6: {  	v1 =	vld [tilespmem:s3+$0x40];
	[tilespmem:s31+$0xDA00] =	vst v0  }
0x3e7: {  	v0 =	vld [tilespmem:s4+$0x50];
	_ =	sdelay $0x2  }
0x3e8: {  	s14 =	simm.s32 $0x2  }
0x3e9: {  	s15 =	sor.u32 $0x1, s14;
	[tilespmem:s5+$0xDA00] =	vst v1  }
0x3ea: {  	s16 =	sand.u32 $0xFF, s15;
	v1 =	vld [tilespmem:s3+$0x50];
	[tilespmem:s31+$0xDA80] =	vst v0  }
0x3eb: {  	s10 =	smul.u32 $0xAB, s16;
	v0 =	vld [tilespmem:s4+$0x60];
	_ =	sdelay $0x1  }
0x3ec: {  	s17 =	sshrl.u32 s10, $0x9  }
0x3ed: {  	s18 =	smul.u32 $0x3, s17  }
0x3ee: {  	s12 =	smul.u32 $0xAB, s14;
	[tilespmem:s5+$0xDA80] =	vst v1  }
0x3ef: {  	s22 =	ssub.s32 s15, s18;
	v1 =	vld [tilespmem:s3+$0x60];
	[tilespmem:s31+$0xDB00] =	vst v0  }
0x3f0: {  	s23 =	sshrl.u32 s12, $0x9;
	s7 =	sand.u32 $0xFF, s22;
	v0 =	vld [tilespmem:s4+$0x70]  }
0x3f1: {  	s1 =	sadd.s32 $0x8, s1;
	s14 =	sand.u32 $0x7F, s23;
	s25 =	sshll.u32 s7, $0x4  }
0x3f2: {  	s6 =	sadd.s32 $0x8, s6;
	s8 =	smul.u32 $0x3, s14;
	s11 =	sadd.s32 s17, s25  }
0x3f3: {  	s9 =	smul.u32 $0x18, s7;
	s11 =	sshrl.u32 s11, $0x3;
	[smem:$0x7A3] =	sst s25  }
0x3f4: {  	s1 =	sshrl.u32 s1, $0x3;
	s26 =	sshll.u32 s17, $0x7;
	s11 =	smul.u32 $0x3000, s11;
	[tilespmem:s5+$0xDB00] =	vst v1  }
0x3f5: {  	s15 =	sand.u32 $0x380, s26;
	s16 =	sshrl.u32 s9, $0x3;
	[tilespmem:s31+$0xDB80] =	vst v0;
	v0 =	vld [tilespmem:s3+$0x70];
	s31 =	smul.u32 $0x6000, s1  }
0x3f6: {  	s11 =	sshrl.u32 s11, $0x2;
	[smem:$0x7A4] =	sst s17;
	s17 =	smul.u32 $0x6000, s16  }
0x3f7: {  	s6 =	sshrl.u32 s6, $0x3;
	s1 =	sor.u32 s15, s11;
	v1 =	vld [tilespmem:s4+$0x400];
	[smem:$0x7A5] =	sst s15  }
0x3f8: {  	s8 =	ssub.s32 $0x2, s8;
	s18 =	sshrl.u32 s31, $0x2;
	v2 =	vld [tilespmem:s1+$0x0];
	[smem:$0x7BE] =	sst s17  }
0x3f9: {  	s6 =	smul.u32 $0x6000, s6;
	s8 =	sand.u32 $0xFF, s8;
	[smem:$0x7A6] =	sst s18  }
0x3fa: {  	s22 =	sand.u32 $0xC00, s26;
	s23 =	sshll.u32 s8, $0x4;
	s25 =	sadd.s32 s21, s18;
	[tilespmem:s5+$0xDB80] =	vst v0  }
0x3fb: {  	s31 =	sshrl.u32 s17, $0x2;
	s7 =	sor.u32 s20, s25;
	[smem:$0x7A7] =	sst s23  }
0x3fc: {  	s10 =	sshrl.u32 s10, $0x5;
	s26 =	sadd.s32 s14, s23;
	s13 =	sadd.s32 s22, s31;
	[tilespmem:s7+$0xD800] =	vst v1  }
0x3fd: {  	s5 =	sshrl.u32 s26, $0x3;
	s26 =	sand.u32 $0x70, s10;
	v0 =	vld [tilespmem:s3+$0x400];
	[smem:$0x7A8] =	sst s31  }
0x3fe: {  	s8 =	smul.u32 $0x18, s8;
	s11 =	sor.u32 s26, s13;
	[smem:$0x7BF] =	sst s22  }
0x3ff: {  	s6 =	sshrl.u32 s6, $0x2;
	s5 =	smul.u32 $0x3000, s5;
	[tilespmem:s11+$0xD800] =	vst v2  }
0x400: {  	s16 =	sshrl.u32 s8, $0x3;
	s15 =	sshll.u32 s14, $0x7;
	v1 =	vld [tilespmem:s4+$0x410];
	[smem:$0x7A9] =	sst s14  }
0x401: {  	s5 =	sshrl.u32 s5, $0x2;
	v2 =	vld [tilespmem:s1+$0x10];
	[smem:$0x7AA] =	sst s6;
	s6 =	sadd.s32 s24, s6  }
0x402: {  	s14 =	sand.u32 $0x380, s15;
	s10 =	sor.u32 s19, s6;
	s6 =	smul.u32 $0x6000, s16  }
0x403: {  	[smem:$0x7AB] =	sst s14;
	s5 =	sor.u32 s14, s5  }
0x404: {  	v3 =	vld [tilespmem:s5+$0x0];
	[smem:$0x7C0] =	sst s6  }
0x405: {  	[tilespmem:s10+$0xD800] =	vst v0  }
0x406: {  	[tilespmem:s7+$0xD880] =	vst v1  }
0x407: {  	s12 =	sshrl.u32 s12, $0x5;
	s17 =	sand.u32 $0xC00, s15;
	s18 =	sshrl.u32 s6, $0x2;
	v0 =	vld [tilespmem:s3+$0x410];
	[tilespmem:s11+$0xD880] =	vst v2  }
0x408: {  	s31 =	sand.u32 $0x70, s12;
	s23 =	sadd.s32 s17, s18;
	v1 =	vld [tilespmem:s4+$0x420];
	[smem:$0x7AC] =	sst s18  }
0x409: {  	s12 =	sor.u32 s31, s23;
	[smem:$0x7C2] =	sst s17  }
0x40a: {  	v2 =	vld [tilespmem:s1+$0x20];
	[tilespmem:s12+$0xD800] =	vst v3  }
0x40b: {  	v3 =	vld [tilespmem:s5+$0x10]  }
0x40c: {  	[tilespmem:s10+$0xD880] =	vst v0  }
0x40d: {  	[tilespmem:s7+$0xD900] =	vst v1;
	v0 =	vld [tilespmem:s3+$0x420]  }
0x40e: {  	v1 =	vld [tilespmem:s4+$0x430]  }
0x40f: {  	[tilespmem:s11+$0xD900] =	vst v2  }
0x410: {  	v2 =	vld [tilespmem:s1+$0x30];
	[tilespmem:s12+$0xD880] =	vst v3  }
0x411: {  	v3 =	vld [tilespmem:s5+$0x20]  }
0x412: {  	[tilespmem:s10+$0xD900] =	vst v0  }
0x413: {  	[tilespmem:s7+$0xD980] =	vst v1;
	v0 =	vld [tilespmem:s3+$0x430]  }
0x414: {  	v1 =	vld [tilespmem:s4+$0x440]  }
0x415: {  	[tilespmem:s11+$0xD980] =	vst v2  }
0x416: {  	v2 =	vld [tilespmem:s1+$0x40];
	[tilespmem:s12+$0xD900] =	vst v3  }
0x417: {  	v3 =	vld [tilespmem:s5+$0x30]  }
0x418: {  	[tilespmem:s10+$0xD980] =	vst v0  }
0x419: {  	[tilespmem:s7+$0xDA00] =	vst v1;
	v0 =	vld [tilespmem:s3+$0x440]  }
0x41a: {  	v1 =	vld [tilespmem:s4+$0x450]  }
0x41b: {  	s25 =	simm.s32 $0x4;
	[tilespmem:s11+$0xDA00] =	vst v2  }
0x41c: {  	s13 =	sor.u32 $0x1, s25;
	v2 =	vld [tilespmem:s1+$0x50];
	[tilespmem:s12+$0xD980] =	vst v3  }
0x41d: {  	s6 =	smov.u32 s17;
	s17 =	sand.u32 $0xFF, s13;
	v3 =	vld [tilespmem:s5+$0x40]  }
0x41e: {  	s15 =	smul.u32 $0xAB, s17;
	[tilespmem:s10+$0xDA00] =	vst v0  }
0x41f: {  	[tilespmem:s7+$0xDA80] =	vst v1;
	v0 =	vld [tilespmem:s3+$0x450]  }
0x420: {  	s14 =	smul.u32 $0xAB, s25;
	s23 =	sshrl.u32 s15, $0x9;
	v1 =	vld [tilespmem:s4+$0x460]  }
0x421: {  	s18 =	smul.u32 $0x3, s23;
	[tilespmem:s11+$0xDA80] =	vst v2  }
0x422: {  	s25 =	sshrl.u32 s14, $0x9;
	v2 =	vld [tilespmem:s1+$0x60];
	[tilespmem:s12+$0xDA00] =	vst v3  }
0x423: {  	s28 =	sand.u32 $0x7F, s25;
	s13 =	ssub.s32 s13, s18;
	v3 =	vld [tilespmem:s5+$0x50]  }
0x424: {  	s18 =	smul.u32 $0x3, s28;
	s13 =	sand.u32 $0xFF, s13;
	[tilespmem:s10+$0xDA80] =	vst v0  }
0x425: {  	s25 =	sshll.u32 s13, $0x4;
	[tilespmem:s7+$0xDB00] =	vst v1;
	v0 =	vld [tilespmem:s3+$0x460]  }
0x426: {  	s16 =	ssub.s32 $0x4, s18;
	s17 =	sadd.s32 s23, s25;
	v1 =	vld [tilespmem:s4+$0x470];
	[smem:$0x7AD] =	sst s25  }
0x427: {  	s29 =	smul.u32 $0x18, s13;
	s18 =	sand.u32 $0xFF, s16;
	s17 =	sshrl.u32 s17, $0x3;
	[tilespmem:s11+$0xDB00] =	vst v2  }
0x428: {  	s2 =	sadd.s32 $0xC000, s2;
	s16 =	smul.u32 $0x3000, s17;
	s25 =	sshll.u32 s18, $0x4;
	[tilespmem:s12+$0xDA80] =	vst v3  }
0x429: {  	s13 =	sshll.u32 s23, $0x7;
	v2 =	vld [tilespmem:s1+$0x70];
	[smem:$0x7AE] =	sst s25;
	s25 =	sadd.s32 s28, s25  }
0x42a: {  	s17 =	sshrl.u32 s2, $0x2;
	s16 =	sshrl.u32 s16, $0x2;
	s2 =	sshrl.u32 s25, $0x3;
	[tilespmem:s10+$0xDB00] =	vst v0  }
0x42b: {  	v3 =	vld [tilespmem:s5+$0x60];
	s25 =	sshrl.u32 s29, $0x3;
	[smem:$0x7AF] =	sst s23;
	s23 =	sand.u32 $0x380, s13  }
0x42c: {  	[tilespmem:s7+$0xDB80] =	vst v1;
	s7 =	sor.u32 s23, s16;
	s16 =	smul.u32 $0x6000, s25  }
0x42d: {  	v0 =	vld [tilespmem:s3+$0x470];
	[smem:$0x7B0] =	sst s23  }
0x42e: {  	[dreg:$0x6] =	wrdreg s16  }
0x42f: {  	v1 =	vld [tilespmem:s4+$0x800];
	[tilespmem:s11+$0xDB80] =	vst v2  }
0x430: {  	s0 =	sadd.s32 $0xC000, s0;
	v2 =	vld [tilespmem:s7+$0x0];
	[tilespmem:s12+$0xDB00] =	vst v3  }
0x431: {  	s0 =	sshrl.u32 s0, $0x2;
	s9 =	sadd.s32 $0x8, s9;
	v4 =	vld [tilespmem:s1+$0x400];
	[smem:$0x7B1] =	sst s21  }
0x432: {  	s9 =	sshrl.u32 s9, $0x3;
	[smem:$0x7B2] =	sst s0  }
0x433: {  	s9 =	smul.u32 $0x6000, s9;
	s25 =	sshrl.u32 s15, $0x5;
	[tilespmem:s10+$0xDB80] =	vst v0  }
0x434: {  	s15 =	sshrl.u32 s16, $0x2;
	s0 =	sadd.s32 s21, s0;
	v0 =	vld [tilespmem:s5+$0x70];
	[smem:$0x7B3] =	sst s20  }
0x435: {  	s23 =	sand.u32 $0xC00, s13;
	s16 =	sor.u32 s20, s0;
	[smem:$0x7B4] =	sst s15  }
0x436: {  	s9 =	sshrl.u32 s9, $0x2;
	s25 =	sand.u32 $0x70, s25;
	s20 =	sadd.s32 s23, s15;
	[tilespmem:s16+$0xD800] =	vst v1  }
0x437: {  	s10 =	sor.u32 s25, s20;
	v1 =	vld [tilespmem:s3+$0x800];
	[smem:$0x7B5] =	sst s9  }
0x438: {  	s9 =	sadd.s32 s22, s9;
	[tilespmem:s10+$0xD800] =	vst v2  }
0x439: {  	s21 =	sshll.u32 s28, $0x7;
	s13 =	sor.u32 s26, s9;
	v2 =	vld [tilespmem:s4+$0x810];
	[smem:$0x7B6] =	sst s28  }
0x43a: {  	s22 =	sand.u32 $0x380, s21;
	[tilespmem:s13+$0xD800] =	vst v4  }
0x43b: {  	s2 =	smul.u32 $0x3000, s2;
	v3 =	vld [tilespmem:s7+$0x10];
	[smem:$0x7B7] =	sst s22  }
0x43c: {  	s0 =	smul.u32 $0x18, s18;
	v4 =	vld [tilespmem:s1+$0x410];
	[smem:$0x7B8] =	sst s24  }
0x43d: {  	[smem:$0x7B9] =	sst s17  }
0x43e: {  	s2 =	sshrl.u32 s2, $0x2;
	s15 =	sadd.s32 s24, s17;
	s17 =	sshrl.u32 s0, $0x3;
	[tilespmem:s12+$0xDB80] =	vst v0  }
0x43f: {  	s30 =	sor.u32 s19, s15;
	[smem:$0x7BA] =	sst s19;
	s19 =	smul.u32 $0x6000, s17  }
0x440: {  	s11 =	sor.u32 s22, s2  }
0x441: {  	v0 =	vld [tilespmem:s11+$0x0];
	[smem:$0x7C5] =	sst s19  }
0x442: {  	s8 =	sadd.s32 $0x8, s8;
	[tilespmem:s30+$0xD800] =	vst v1  }
0x443: {  	s18 =	sshrl.u32 s8, $0x3;
	v5 =	vld [tilespmem:s5+$0x400];
	[tilespmem:s16+$0xD880] =	vst v2  }
0x444: {  	s2 =	smul.u32 $0x6000, s18;
	s12 =	sshrl.u32 s19, $0x2;
	[tilespmem:s10+$0xD880] =	vst v3;
	v1 =	vld [tilespmem:s3+$0x810]  }
0x445: {  	s20 =	sshrl.u32 s14, $0x5;
	s22 =	sand.u32 $0xC00, s21;
	v2 =	vld [tilespmem:s4+$0x820];
	[smem:$0x7BB] =	sst s12  }
0x446: {  	s21 =	sshrl.u32 s2, $0x2;
	s19 =	sand.u32 $0x70, s20;
	s14 =	sadd.s32 s22, s12;
	[tilespmem:s13+$0xD880] =	vst v4  }
0x447: {  	s15 =	sadd.s32 s6, s21;
	s24 =	sor.u32 s19, s14;
	v3 =	vld [tilespmem:s7+$0x20];
	[smem:$0x7BC] =	sst s21  }
0x448: {  	s20 =	sor.u32 s31, s15;
	[tilespmem:s24+$0xD800] =	vst v0;
	v0 =	vld [tilespmem:s1+$0x420]  }
0x449: {  	v4 =	vld [tilespmem:s11+$0x10];
	[tilespmem:s20+$0xD800] =	vst v5  }
0x44a: {  	v5 =	vld [tilespmem:s5+$0x410];
	[tilespmem:s30+$0xD880] =	vst v1  }
0x44b: {  	[tilespmem:s16+$0xD900] =	vst v2;
	v1 =	vld [tilespmem:s3+$0x820]  }
0x44c: {  	[tilespmem:s10+$0xD900] =	vst v3;
	v2 =	vld [tilespmem:s4+$0x830]  }
0x44d: {  	v3 =	vld [tilespmem:s7+$0x30];
	[tilespmem:s13+$0xD900] =	vst v0  }
0x44e: {  	[tilespmem:s24+$0xD880] =	vst v4;
	v0 =	vld [tilespmem:s1+$0x430]  }
0x44f: {  	v4 =	vld [tilespmem:s11+$0x20];
	[tilespmem:s20+$0xD880] =	vst v5  }
0x450: {  	v5 =	vld [tilespmem:s5+$0x420];
	[tilespmem:s30+$0xD900] =	vst v1  }
0x451: {  	[tilespmem:s16+$0xD980] =	vst v2;
	v1 =	vld [tilespmem:s3+$0x830]  }
0x452: {  	[tilespmem:s10+$0xD980] =	vst v3;
	v2 =	vld [tilespmem:s4+$0x840]  }
0x453: {  	v3 =	vld [tilespmem:s7+$0x40];
	[tilespmem:s13+$0xD980] =	vst v0  }
0x454: {  	[tilespmem:s24+$0xD900] =	vst v4;
	v0 =	vld [tilespmem:s1+$0x440]  }
0x455: {  	v4 =	vld [tilespmem:s11+$0x30];
	[tilespmem:s20+$0xD900] =	vst v5  }
0x456: {  	v5 =	vld [tilespmem:s5+$0x430];
	[tilespmem:s30+$0xD980] =	vst v1  }
0x457: {  	[tilespmem:s16+$0xDA00] =	vst v2;
	v1 =	vld [tilespmem:s3+$0x840]  }
0x458: {  	[tilespmem:s10+$0xDA00] =	vst v3;
	v2 =	vld [tilespmem:s4+$0x850]  }
0x459: {  	v3 =	vld [tilespmem:s7+$0x50];
	[tilespmem:s13+$0xDA00] =	vst v0  }
0x45a: {  	s28 =	simm.s32 $0x6;
	[tilespmem:s24+$0xD980] =	vst v4;
	v0 =	vld [tilespmem:s1+$0x450]  }
0x45b: {  	s8 =	sor.u32 $0x1, s28;
	v4 =	vld [tilespmem:s11+$0x40];
	[tilespmem:s20+$0xD980] =	vst v5  }
0x45c: {  	s17 =	sand.u32 $0xFF, s8;
	v5 =	vld [tilespmem:s5+$0x440];
	[tilespmem:s30+$0xDA00] =	vst v1  }
0x45d: {  	s12 =	smul.u32 $0xAB, s17;
	[tilespmem:s16+$0xDA80] =	vst v2;
	v1 =	vld [tilespmem:s3+$0x850]  }
0x45e: {  	s2 =	smul.u32 $0xAB, s28;
	[tilespmem:s10+$0xDA80] =	vst v3;
	v2 =	vld [tilespmem:s4+$0x860]  }
0x45f: {  	s14 =	sshrl.u32 s12, $0x9;
	v3 =	vld [tilespmem:s7+$0x60];
	[tilespmem:s13+$0xDA80] =	vst v0  }
0x460: {  	s18 =	sshrl.u32 s2, $0x9;
	s21 =	smul.u32 $0x3, s14;
	[tilespmem:s24+$0xDA00] =	vst v4;
	v0 =	vld [tilespmem:s1+$0x460]  }
0x461: {  	s15 =	sand.u32 $0x7F, s18;
	v4 =	vld [tilespmem:s11+$0x50];
	[tilespmem:s20+$0xDA00] =	vst v5  }
0x462: {  	s6 =	smul.u32 $0x3, s15;
	s8 =	ssub.s32 s8, s21;
	v5 =	vld [tilespmem:s5+$0x450];
	[tilespmem:s30+$0xDA80] =	vst v1  }
0x463: {  	s8 =	sand.u32 $0xFF, s8;
	[tilespmem:s16+$0xDB00] =	vst v2;
	v1 =	vld [tilespmem:s3+$0x860]  }
0x464: {  	s18 =	ssub.s32 $0x6, s6;
	s21 =	sshll.u32 s8, $0x4;
	v2 =	vld [tilespmem:s4+$0x870];
	[tilespmem:s10+$0xDB00] =	vst v3  }
0x465: {  	s17 =	sand.u32 $0xFF, s18;
	s9 =	sadd.s32 s14, s21;
	v3 =	vld [tilespmem:s7+$0x70];
	[tilespmem:s13+$0xDB00] =	vst v0  }
0x466: {  	s6 =	sshll.u32 s17, $0x4;
	s9 =	sshrl.u32 s9, $0x3;
	[tilespmem:s24+$0xDA80] =	vst v4;
	v4 =	vld [tilespmem:s1+$0x470]  }
0x467: {  	s18 =	sadd.s32 s15, s6;
	s6 =	smul.u32 $0x3000, s9;
	v6 =	vld [tilespmem:s11+$0x60];
	[tilespmem:s20+$0xDA80] =	vst v5  }
0x468: {  	s21 =	sshrl.u32 s18, $0x3;
	s9 =	smul.u32 $0x18, s8;
	v5 =	vld [tilespmem:s5+$0x460];
	[dreg:$0x8] =	wrdreg s30  }
0x469: {  	s18 =	sshrl.u32 s6, $0x2;
	s4 =	smul.u32 $0x3000, s21;
	s21 =	sshll.u32 s14, $0x7;
	[tilespmem:s30+$0xDB00] =	vst v1  }
0x46a: {  	s6 =	sshrl.u32 s9, $0x3;
	s14 =	sand.u32 $0x380, s21;
	v0 =	vld [tilespmem:s3+$0x870];
	[smem:$0x7BD] =	sst s29  }
0x46b: {  	s12 =	sshrl.u32 s12, $0x5;
	s8 =	smul.u32 $0x6000, s6;
	s14 =	sor.u32 s14, s18;
	[tilespmem:s10+$0xDB80] =	vst v3  }
0x46c: {  	s6 =	sadd.s32 $0x8, s29;
	s21 =	sand.u32 $0xC00, s21;
	s18 =	sshll.u32 s15, $0x7;
	v1 =	vld [tilespmem:s14+$0x0];
	[tilespmem:s13+$0xDB80] =	vst v4  }
0x46d: {  	s4 =	sshrl.u32 s4, $0x2;
	s15 =	sand.u32 $0x380, s18;
	v3 =	vld [tilespmem:s7+$0x400];
	[dreg:$0xc] =	wrdreg s8  }
0x46e: {  	s30 =	sor.u32 s15, s4;
	s15 =	sshrl.u32 s8, $0x2;
	s10 =	sshrl.u32 s6, $0x3;
	[tilespmem:s24+$0xDB00] =	vst v6  }
0x46f: {  	s6 =	sand.u32 $0x70, s12;
	s12 =	sadd.s32 s21, s15;
	s13 =	smul.u32 $0x6000, s10;
	[tilespmem:s20+$0xDB00] =	vst v5  }
0x470: {  	s3 =	smul.u32 $0x18, s17;
	s10 =	sor.u32 s6, s12;
	s17 =	sld [smem:$0x7BE];
	[tilespmem:s16+$0xDB80] =	vst v2  }
0x471: {  	v5 =	vld [tilespmem:s11+$0x70];
	s13 =	sshrl.u32 s13, $0x2;
	[tilespmem:s10+$0xD800] =	vst v1  }
0x472: {  	s0 =	sadd.s32 $0x8, s0;
	v4 =	vld [tilespmem:s1+$0x800];
	s12 =	sadd.s32 s23, s13;
	s13 =	sld [smem:$0x7BF]  }
0x473: {  	s8 =	sshrl.u32 s3, $0x3;
	v2 =	vld [tilespmem:s5+$0x470];
	s16 =	sor.u32 s25, s12;
	s4 =	sadd.s32 $0xC000, s17  }
0x474: {  	s15 =	smov.u32 s6;
	v6 =	vld [tilespmem:s30+$0x0];
	[tilespmem:s16+$0xD800] =	vst v3;
	s6 =	sshrl.u32 s4, $0x2;
	s4 =	smul.u32 $0x6000, s8  }
0x475: {  	v1 =	vld [tilespmem:s14+$0x10];
	[dreg:$0x4] =	wrdreg s26;
	s8 =	sshrl.u32 s2, $0x5;
	s6 =	sadd.s32 s13, s6  }
0x476: {  	s2 =	sand.u32 $0xC00, s18;
	v3 =	vld [tilespmem:s7+$0x410];
	[tilespmem:s24+$0xDB80] =	vst v5;
	s13 =	sshrl.u32 s4, $0x2;
	s26 =	sor.u32 s26, s6  }
0x477: {  	s0 =	sshrl.u32 s0, $0x3;
	s17 =	sand.u32 $0x70, s8;
	s6 =	sadd.s32 s2, s13;
	[tilespmem:s26+$0xD800] =	vst v4  }
0x478: {  	[tilespmem:s20+$0xDB80] =	vst v2;
	s8 =	smul.u32 $0x6000, s0;
	s0 =	sor.u32 s17, s6;
	v4 =	vld [tilespmem:s1+$0x810]  }
0x479: {  	v2 =	vld [tilespmem:s11+$0x400];
	[tilespmem:s0+$0xD800] =	vst v6  }
0x47a: {  	v5 =	vld [tilespmem:s5+$0x800];
	s13 =	sld [smem:$0x7C0];
	[tilespmem:s10+$0xD880] =	vst v1  }
0x47b: {  	s20 =	sshrl.u32 s8, $0x2;
	v6 =	vld [tilespmem:s30+$0x10];
	[tilespmem:s16+$0xD880] =	vst v3  }
0x47c: {  	v1 =	vld [tilespmem:s14+$0x20];
	[smem:$0x7C1] =	sst s20  }
0x47d: {  	s6 =	sadd.s32 $0xC000, s13;
	[tilespmem:s26+$0xD880] =	vst v4  }
0x47e: {  	s24 =	sshrl.u32 s6, $0x2;
	s18 =	sld [smem:$0x7C2]  }
0x47f: {  	v3 =	vld [tilespmem:s7+$0x420];
	s13 =	sadd.s32 s22, s20;
	[smem:$0x7C3] =	sst s24  }
0x480: {  	s29 =	sor.u32 s19, s13;
	[smem:$0x7C4] =	sst s31  }
0x481: {  	[tilespmem:s29+$0xD800] =	vst v2;
	v2 =	vld [tilespmem:s1+$0x820]  }
0x482: {  	[tilespmem:s0+$0xD880] =	vst v6;
	v4 =	vld [tilespmem:s11+$0x410];
	s6 =	sadd.s32 s18, s24  }
0x483: {  	[tilespmem:s10+$0xD900] =	vst v1;
	v6 =	vld [tilespmem:s30+$0x20];
	s6 =	sor.u32 s31, s6  }
0x484: {  	v1 =	vld [tilespmem:s14+$0x30];
	[tilespmem:s6+$0xD800] =	vst v5  }
0x485: {  	[tilespmem:s16+$0xD900] =	vst v3;
	v5 =	vld [tilespmem:s5+$0x810]  }
0x486: {  	v3 =	vld [tilespmem:s7+$0x430];
	[tilespmem:s26+$0xD900] =	vst v2  }
0x487: {  	[tilespmem:s29+$0xD880] =	vst v4;
	v2 =	vld [tilespmem:s1+$0x830]  }
0x488: {  	[tilespmem:s0+$0xD900] =	vst v6;
	v4 =	vld [tilespmem:s11+$0x420]  }
0x489: {  	[tilespmem:s10+$0xD980] =	vst v1;
	v6 =	vld [tilespmem:s30+$0x30]  }
0x48a: {  	v7 =	vld [tilespmem:s14+$0x40];
	[tilespmem:s6+$0xD880] =	vst v5  }
0x48b: {  	[tilespmem:s16+$0xD980] =	vst v3;
	v5 =	vld [tilespmem:s5+$0x820]  }
0x48c: {  	[tilespmem:s26+$0xD980] =	vst v2  }
0x48d: {  	v8 =	vld [tilespmem:s7+$0x440];
	[tilespmem:s29+$0xD900] =	vst v4  }
0x48e: {  	s3 =	sadd.s32 $0x8, s3;
	v1 =	vld [tilespmem:s1+$0x840];
	s20 =	sld [smem:$0x7C5];
	[tilespmem:s0+$0xD980] =	vst v6  }
0x48f: {  	s3 =	sshrl.u32 s3, $0x3;
	v3 =	vld [tilespmem:s11+$0x430];
	[tilespmem:s10+$0xDA00] =	vst v7  }
0x490: {  	s3 =	smul.u32 $0x6000, s3;
	v4 =	vld [tilespmem:s30+$0x40];
	[tilespmem:s6+$0xD900] =	vst v5  }
0x491: {  	s24 =	sadd.s32 $0xC000, s20;
	v2 =	vld [tilespmem:s5+$0x830];
	[smem:$0x7C6] =	sst s22  }
0x492: {  	s3 =	sshrl.u32 s3, $0x2;
	s8 =	sshrl.u32 s24, $0x2;
	[smem:$0x7C8] =	sst s19  }
0x493: {  	s3 =	sadd.s32 s2, s3;
	[smem:$0x7C7] =	sst s8  }
0x494: {  	s4 =	sadd.s32 $0xC000, s4;
	s12 =	sor.u32 s17, s3;
	s31 =	sadd.s32 s22, s8;
	[tilespmem:s16+$0xDA00] =	vst v8  }
0x495: {  	s4 =	sshrl.u32 s4, $0x2;
	s13 =	sor.u32 s19, s31;
	s19 =	rddreg [dreg:$0x6]  }
0x496: {  	s2 =	sadd.s32 s2, s4;
	s20 =	smov.u32 s25;
	v5 =	vld [tilespmem:s14+$0x50];
	[smem:$0x7C9] =	sst s23  }
0x497: {  	s24 =	smov.u32 s23;
	s8 =	sor.u32 s17, s2;
	[smem:$0x7CA] =	sst s25  }
.LBB2_8:
0x498: {  	_ = 	snop  }
0x499: {  	v6 =	vld [tilespmem:s7+$0x450];
	[tilespmem:s26+$0xDA00] =	vst v1  }
0x49a: {  	s28 =	sadd.s32 $0x2, s28;
	[tilespmem:s29+$0xD980] =	vst v3;
	v1 =	vld [tilespmem:s1+$0x850]  }
0x49b: {  	s2 =	smul.u32 $0xAB, s28;
	v3 =	vld [tilespmem:s11+$0x440];
	[tilespmem:s6+$0xD980] =	vst v2  }
0x49c: {  	[dreg:$0x16] =	wrdreg s8;
	s8 =	sor.u32 $0x1, s28;
	[tilespmem:s0+$0xDA00] =	vst v4  }
0x49d: {  	s17 =	sand.u32 $0xFF, s8;
	s25 =	sshrl.u32 s2, $0x9;
	v2 =	vld [tilespmem:s5+$0x840]  }
0x49e: {  	s31 =	smov.u32 s21;
	s18 =	smul.u32 $0xAB, s17;
	s21 =	sand.u32 $0x7F, s25;
	[tilespmem:s10+$0xDA80] =	vst v5;
	v4 =	vld [tilespmem:s30+$0x50]  }
0x49f: {  	s22 =	smul.u32 $0x3, s21;
	v5 =	vld [tilespmem:s14+$0x60];
	[tilespmem:s16+$0xDA80] =	vst v6  }
0x4a0: {  	v6 =	vld [tilespmem:s7+$0x460];
	[tilespmem:s26+$0xDA80] =	vst v1  }
0x4a1: {  	s23 =	sshrl.u32 s18, $0x9;
	s22 =	ssub.s32 s28, s22;
	[tilespmem:s29+$0xDA00] =	vst v3;
	v1 =	vld [tilespmem:s1+$0x860]  }
0x4a2: {  	s3 =	sshll.u32 s21, $0x7;
	s4 =	smul.u32 $0x3, s23;
	s22 =	sand.u32 $0xFF, s22;
	v3 =	vld [tilespmem:s11+$0x450];
	[tilespmem:s6+$0xDA00] =	vst v2  }
0x4a3: {  	s25 =	sand.u32 $0x380, s3;
	s17 =	sand.u32 $0xC00, s3;
	s3 =	sshll.u32 s22, $0x4;
	[tilespmem:s0+$0xDA80] =	vst v4  }
0x4a4: {  	[dreg:$0x12] =	wrdreg s12;
	s8 =	ssub.s32 s8, s4;
	s12 =	sadd.s32 s21, s3;
	v2 =	vld [tilespmem:s5+$0x850]  }
0x4a5: {  	s22 =	smul.u32 $0x18, s22;
	s8 =	sand.u32 $0xFF, s8;
	[tilespmem:s10+$0xDB00] =	vst v5;
	v4 =	vld [tilespmem:s30+$0x60];
	s3 =	sshrl.u32 s12, $0x3  }
0x4a6: {  	s4 =	sshll.u32 s8, $0x4;
	v5 =	vld [tilespmem:s14+$0x70];
	[tilespmem:s16+$0xDB00] =	vst v6;
	s3 =	smul.u32 $0x3000, s3  }
0x4a7: {  	s9 =	sadd.s32 $0x8, s9;
	s12 =	sshrl.u32 s22, $0x3;
	s21 =	sadd.s32 s23, s4;
	v6 =	vld [tilespmem:s7+$0x470];
	[tilespmem:s26+$0xDB00] =	vst v1  }
0x4a8: {  	s22 =	sadd.s32 $0x8, s22;
	s21 =	sshrl.u32 s21, $0x3;
	s3 =	sshrl.u32 s3, $0x2;
	[tilespmem:s29+$0xDA80] =	vst v3;
	v1 =	vld [tilespmem:s1+$0x870]  }
0x4a9: {  	s4 =	sshrl.u32 s22, $0x3;
	s21 =	smul.u32 $0x3000, s21;
	s25 =	sor.u32 s25, s3;
	v3 =	vld [tilespmem:s11+$0x460];
	[tilespmem:s6+$0xDA80] =	vst v2  }
0x4aa: {  	s1 =	smov.u32 s7;
	s7 =	smul.u32 $0x18, s8;
	s8 =	sshll.u32 s23, $0x7;
	[tilespmem:s0+$0xDB00] =	vst v4  }
0x4ab: {  	s21 =	sshrl.u32 s21, $0x2;
	[tilespmem:s10+$0xDB80] =	vst v5;
	s10 =	sshrl.u32 s9, $0x3;
	s22 =	sand.u32 $0x380, s8;
	v2 =	vld [tilespmem:s5+$0x860]  }
0x4ac: {  	v4 =	vld [tilespmem:s25+$0x0];
	s3 =	smul.u32 $0x6000, s10;
	s22 =	sor.u32 s22, s21;
	s23 =	sshrl.u32 s7, $0x3  }
0x4ad: {  	v5 =	vld [tilespmem:s22+$0x0];
	s23 =	smul.u32 $0x6000, s23;
	[tilespmem:s16+$0xDB80] =	vst v6  }
0x4ae: {  	s19 =	sadd.s32 $0xC000, s19;
	s21 =	sshrl.u32 s18, $0x5;
	s18 =	sand.u32 $0xC00, s8;
	v6 =	vld [tilespmem:s14+$0x400];
	[tilespmem:s26+$0xDB80] =	vst v1  }
0x4af: {  	s21 =	sand.u32 $0x70, s21;
	s3 =	sshrl.u32 s3, $0x2;
	s16 =	sshrl.u32 s23, $0x2;
	[tilespmem:s29+$0xDB00] =	vst v3;
	v1 =	vld [tilespmem:s1+$0x800]  }
0x4b0: {  	s26 =	sshrl.u32 s19, $0x2;
	s19 =	rddreg [dreg:$0x8];
	s8 =	sadd.s32 s18, s16;
	v3 =	vld [tilespmem:s30+$0x70];
	[tilespmem:s6+$0xDB00] =	vst v2  }
0x4b1: {  	s2 =	sshrl.u32 s2, $0x5;
	s3 =	sadd.s32 s31, s3;
	s10 =	sor.u32 s21, s8;
	v2 =	vld [tilespmem:s11+$0x470];
	[tilespmem:s19+$0xDB80] =	vst v0  }
0x4b2: {  	s12 =	smul.u32 $0x6000, s12;
	s16 =	sor.u32 s15, s3;
	s26 =	sadd.s32 s24, s26;
	[tilespmem:s10+$0xD800] =	vst v5;
	v0 =	vld [tilespmem:s5+$0x870]  }
0x4b3: {  	s9 =	smov.u32 s7;
	s7 =	smov.u32 s14;
	s26 =	sor.u32 s20, s26;
	v5 =	vld [tilespmem:s22+$0x10];
	[tilespmem:s16+$0xD800] =	vst v6  }
0x4b4: {  	s2 =	sand.u32 $0x70, s2;
	s4 =	smul.u32 $0x6000, s4;
	s8 =	sshrl.u32 s12, $0x2;
	v6 =	vld [tilespmem:s7+$0x410];
	[tilespmem:s26+$0xD800] =	vst v1  }
0x4b5: {  	s5 =	smov.u32 s11;
	s11 =	smov.u32 s30;
	s3 =	sadd.s32 s17, s8;
	[tilespmem:s0+$0xDB80] =	vst v3;
	v1 =	vld [tilespmem:s1+$0x810]  }
0x4b6: {  	s0 =	sor.u32 s2, s3;
	v3 =	vld [tilespmem:s11+$0x400];
	[tilespmem:s29+$0xDB80] =	vst v2  }
0x4b7: {  	s4 =	sshrl.u32 s4, $0x2;
	[tilespmem:s0+$0xD800] =	vst v4  }
0x4b8: {  	s14 =	sadd.s32 s17, s4;
	s30 =	smov.u32 s25;
	v2 =	vld [tilespmem:s5+$0x800]  }
0x4b9: {  	s3 =	sor.u32 s2, s14;
	s14 =	smov.u32 s22;
	v4 =	vld [tilespmem:s30+$0x10];
	[tilespmem:s10+$0xD880] =	vst v5  }
0x4ba: {  	s22 =	smov.u32 s23;
	s23 =	rddreg [dreg:$0x12];
	v5 =	vld [tilespmem:s14+$0x20];
	[tilespmem:s16+$0xD880] =	vst v6  }
0x4bb: {  	s29 =	smov.u32 s23;
	v6 =	vld [tilespmem:s7+$0x420];
	[tilespmem:s26+$0xD880] =	vst v1  }
0x4bc: {  	s25 =	smov.u32 s6;
	s6 =	smov.u32 s13;
	[tilespmem:s29+$0xD800] =	vst v3;
	v1 =	vld [tilespmem:s1+$0x820]  }
0x4bd: {  	v3 =	vld [tilespmem:s11+$0x410];
	[tilespmem:s6+$0xD800] =	vst v2  }
0x4be: {  	[tilespmem:s0+$0xD880] =	vst v4  }
0x4bf: {  	v2 =	vld [tilespmem:s5+$0x810]  }
0x4c0: {  	v4 =	vld [tilespmem:s30+$0x20];
	[tilespmem:s10+$0xD900] =	vst v5  }
0x4c1: {  	v5 =	vld [tilespmem:s14+$0x30];
	[tilespmem:s16+$0xD900] =	vst v6  }
0x4c2: {  	v6 =	vld [tilespmem:s7+$0x430];
	[tilespmem:s26+$0xD900] =	vst v1  }
0x4c3: {  	[tilespmem:s29+$0xD880] =	vst v3;
	v1 =	vld [tilespmem:s1+$0x830]  }
0x4c4: {  	v3 =	vld [tilespmem:s11+$0x420];
	[tilespmem:s6+$0xD880] =	vst v2  }
0x4c5: {  	[tilespmem:s0+$0xD900] =	vst v4  }
0x4c6: {  	v2 =	vld [tilespmem:s5+$0x820]  }
0x4c7: {  	v4 =	vld [tilespmem:s30+$0x30];
	[tilespmem:s10+$0xD980] =	vst v5  }
0x4c8: {  	v5 =	vld [tilespmem:s14+$0x40];
	[tilespmem:s16+$0xD980] =	vst v6  }
0x4c9: {  	v6 =	vld [tilespmem:s7+$0x440];
	[tilespmem:s26+$0xD980] =	vst v1  }
0x4ca: {  	p0 =	slt.u32 s28, $0x2E;
	s24 =	smov.u32 s31;
	s12 =	sadd.s32 $0xC000, s12;
	[tilespmem:s29+$0xD900] =	vst v3  }
.Ltmp3:
0x4cb: {  	s31 =	rddreg [dreg:$0x16];
	s8 =	sshrl.u32 s12, $0x2;
	v3 =	vld [tilespmem:s11+$0x430];
	[tilespmem:s6+$0xD900] =	vst v2;
	(pc) =	sbr.rel @p0 .LBB2_8-.Ltmp3, $4  }
0x4cc: {  	s20 =	rddreg [dreg:$0xc];
	s13 =	smov.u32 s31;
	s19 =	sadd.s32 s17, s8;
	v1 =	vld [tilespmem:s1+$0x840];
	[tilespmem:s0+$0xD980] =	vst v4  }
0x4cd: {  	[dreg:$0x8] =	wrdreg s25;
	s2 =	sor.u32 s2, s19;
	s19 =	smov.u32 s20;
	v2 =	vld [tilespmem:s5+$0x830]  }
0x4ce: {  	s20 =	smov.u32 s15;
	s15 =	smov.u32 s21;
	s21 =	smov.u32 s18;
	v4 =	vld [tilespmem:s30+$0x40];
	[tilespmem:s10+$0xDA00] =	vst v5  }
0x4cf: {  	[dreg:$0xc] =	wrdreg s22;
	s12 =	smov.u32 s3;
	s8 =	smov.u32 s2;
	v5 =	vld [tilespmem:s14+$0x50];
	[tilespmem:s16+$0xDA00] =	vst v6  }
0x4d0: {  	_ =	sdelay $0x2  }
0x4d1: {  	[tilespmem:s0+$0xDA00] =	vst v4  }
0x4d2: {  	v4 =	vld [tilespmem:s30+$0x50];
	_ =	sdelay $0x3  }
0x4d3: {  	[tilespmem:s10+$0xDA80] =	vst v5  }
0x4d4: {  	v5 =	vld [tilespmem:s14+$0x60];
	[tilespmem:s0+$0xDA80] =	vst v4  }
0x4d5: {  	v4 =	vld [tilespmem:s30+$0x60];
	_ =	sdelay $0x3  }
0x4d6: {  	[tilespmem:s10+$0xDB00] =	vst v5  }
0x4d7: {  	v5 =	vld [tilespmem:s14+$0x70];
	[tilespmem:s0+$0xDB00] =	vst v4  }
0x4d8: {  	v4 =	vld [tilespmem:s30+$0x70];
	_ =	sdelay $0x2  }
0x4d9: {  	s2 =	sadd.s32 $0x8, s9  }
0x4da: {  	s2 =	sshrl.u32 s2, $0x3;
	[tilespmem:s10+$0xDB80] =	vst v5  }
0x4db: {  	s2 =	smul.u32 $0x6000, s2;
	v5 =	vld [tilespmem:s14+$0x400];
	[tilespmem:s0+$0xDB80] =	vst v4  }
0x4dc: {  	v4 =	vld [tilespmem:s30+$0x400]  }
0x4dd: {  	s22 =	sshrl.u32 s2, $0x2  }
0x4de: {  	s0 =	sadd.s32 s21, s22  }
0x4df: {  	s0 =	sor.u32 s15, s0  }
0x4e0: {  	[tilespmem:s0+$0xD800] =	vst v5  }
0x4e1: {  	v5 =	vld [tilespmem:s14+$0x410];
	[tilespmem:s12+$0xD800] =	vst v4  }
0x4e2: {  	v4 =	vld [tilespmem:s30+$0x410];
	_ =	sdelay $0x3  }
0x4e3: {  	[tilespmem:s0+$0xD880] =	vst v5  }
0x4e4: {  	v5 =	vld [tilespmem:s14+$0x420];
	[tilespmem:s12+$0xD880] =	vst v4  }
0x4e5: {  	v4 =	vld [tilespmem:s30+$0x420];
	_ =	sdelay $0x3  }
0x4e6: {  	[tilespmem:s0+$0xD900] =	vst v5  }
0x4e7: {  	v5 =	vld [tilespmem:s14+$0x430];
	[tilespmem:s12+$0xD900] =	vst v4  }
0x4e8: {  	v4 =	vld [tilespmem:s30+$0x430];
	_ =	sdelay $0x2  }
0x4e9: {  	[tilespmem:s29+$0xD980] =	vst v3  }
0x4ea: {  	[tilespmem:s0+$0xD980] =	vst v5;
	v5 =	vld [tilespmem:s11+$0x440]  }
0x4eb: {  	v3 =	vld [tilespmem:s14+$0x440];
	[tilespmem:s12+$0xD980] =	vst v4  }
0x4ec: {  	v4 =	vld [tilespmem:s30+$0x440];
	_ =	sdelay $0x2  }
0x4ed: {  	v6 =	vld [tilespmem:s7+$0x450];
	[tilespmem:s29+$0xDA00] =	vst v5  }
0x4ee: {  	[tilespmem:s0+$0xDA00] =	vst v3;
	v5 =	vld [tilespmem:s11+$0x450]  }
0x4ef: {  	v3 =	vld [tilespmem:s14+$0x450];
	[tilespmem:s12+$0xDA00] =	vst v4  }
0x4f0: {  	v4 =	vld [tilespmem:s30+$0x450];
	_ =	sdelay $0x1  }
0x4f1: {  	[tilespmem:s16+$0xDA80] =	vst v6  }
0x4f2: {  	v6 =	vld [tilespmem:s7+$0x460];
	[tilespmem:s29+$0xDA80] =	vst v5  }
0x4f3: {  	[tilespmem:s0+$0xDA80] =	vst v3;
	v5 =	vld [tilespmem:s11+$0x460]  }
0x4f4: {  	v3 =	vld [tilespmem:s14+$0x460];
	[tilespmem:s12+$0xDA80] =	vst v4  }
0x4f5: {  	v4 =	vld [tilespmem:s30+$0x460];
	_ =	sdelay $0x1  }
0x4f6: {  	[tilespmem:s16+$0xDB00] =	vst v6  }
0x4f7: {  	v6 =	vld [tilespmem:s7+$0x470];
	[tilespmem:s29+$0xDB00] =	vst v5  }
0x4f8: {  	[tilespmem:s0+$0xDB00] =	vst v3;
	v5 =	vld [tilespmem:s11+$0x470]  }
0x4f9: {  	v3 =	vld [tilespmem:s14+$0x470];
	[tilespmem:s12+$0xDB00] =	vst v4  }
0x4fa: {  	v4 =	vld [tilespmem:s30+$0x470];
	_ =	sdelay $0x1  }
0x4fb: {  	[tilespmem:s16+$0xDB80] =	vst v6  }
0x4fc: {  	v6 =	vld [tilespmem:s7+$0x800];
	[tilespmem:s29+$0xDB80] =	vst v5  }
0x4fd: {  	s23 =	sadd.s32 $0xC000, s19;
	[tilespmem:s0+$0xDB80] =	vst v3  }
0x4fe: {  	s0 =	sshrl.u32 s23, $0x2;
	[tilespmem:s12+$0xDB80] =	vst v4;
	v4 =	vld [tilespmem:s11+$0x800]  }
0x4ff: {  	v3 =	vld [tilespmem:s14+$0x800];
	s0 =	sadd.s32 s24, s0;
	s25 =	rddreg [dreg:$0xc]  }
0x500: {  	s0 =	sor.u32 s20, s0;
	s2 =	sadd.s32 $0xC000, s25  }
0x501: {  	v5 =	vld [tilespmem:s30+$0x800];
	[tilespmem:s0+$0xD800] =	vst v6;
	s2 =	sshrl.u32 s2, $0x2  }
0x502: {  	v6 =	vld [tilespmem:s7+$0x810];
	s2 =	sadd.s32 s21, s2  }
0x503: {  	s2 =	sor.u32 s15, s2;
	[tilespmem:s13+$0xD800] =	vst v4  }
0x504: {  	[tilespmem:s2+$0xD800] =	vst v3;
	v4 =	vld [tilespmem:s11+$0x810]  }
0x505: {  	v3 =	vld [tilespmem:s14+$0x810]  }
0x506: {  	[tilespmem:s8+$0xD800] =	vst v5  }
0x507: {  	v5 =	vld [tilespmem:s30+$0x810];
	[tilespmem:s0+$0xD880] =	vst v6  }
0x508: {  	v6 =	vld [tilespmem:s7+$0x820]  }
0x509: {  	[tilespmem:s13+$0xD880] =	vst v4  }
0x50a: {  	[tilespmem:s2+$0xD880] =	vst v3;
	v4 =	vld [tilespmem:s11+$0x820]  }
0x50b: {  	v3 =	vld [tilespmem:s14+$0x820]  }
0x50c: {  	[tilespmem:s8+$0xD880] =	vst v5  }
0x50d: {  	v5 =	vld [tilespmem:s30+$0x820];
	[tilespmem:s0+$0xD900] =	vst v6  }
0x50e: {  	v6 =	vld [tilespmem:s7+$0x830]  }
0x50f: {  	[tilespmem:s13+$0xD900] =	vst v4  }
0x510: {  	[tilespmem:s2+$0xD900] =	vst v3;
	v4 =	vld [tilespmem:s11+$0x830]  }
0x511: {  	[tilespmem:s26+$0xDA00] =	vst v1;
	v3 =	vld [tilespmem:s14+$0x830]  }
0x512: {  	[tilespmem:s8+$0xD900] =	vst v5;
	v5 =	vld [tilespmem:s1+$0x850]  }
0x513: {  	v1 =	vld [tilespmem:s30+$0x830];
	[tilespmem:s0+$0xD980] =	vst v6  }
0x514: {  	[tilespmem:s6+$0xD980] =	vst v2;
	v2 =	vld [tilespmem:s7+$0x840]  }
0x515: {  	v6 =	vld [tilespmem:s5+$0x840];
	[tilespmem:s13+$0xD980] =	vst v4  }
0x516: {  	[tilespmem:s2+$0xD980] =	vst v3;
	v4 =	vld [tilespmem:s11+$0x840]  }
0x517: {  	[tilespmem:s26+$0xDA80] =	vst v5;
	v3 =	vld [tilespmem:s14+$0x840]  }
0x518: {  	[tilespmem:s8+$0xD980] =	vst v1;
	v5 =	vld [tilespmem:s1+$0x860]  }
0x519: {  	v1 =	vld [tilespmem:s30+$0x840];
	[tilespmem:s0+$0xDA00] =	vst v2  }
0x51a: {  	[tilespmem:s6+$0xDA00] =	vst v6;
	v2 =	vld [tilespmem:s7+$0x850]  }
0x51b: {  	v6 =	vld [tilespmem:s5+$0x850];
	[tilespmem:s13+$0xDA00] =	vst v4  }
0x51c: {  	[tilespmem:s2+$0xDA00] =	vst v3;
	v4 =	vld [tilespmem:s11+$0x850]  }
0x51d: {  	[tilespmem:s26+$0xDB00] =	vst v5;
	v3 =	vld [tilespmem:s14+$0x850]  }
0x51e: {  	[tilespmem:s8+$0xDA00] =	vst v1;
	v5 =	vld [tilespmem:s1+$0x870]  }
0x51f: {  	v1 =	vld [tilespmem:s30+$0x850];
	[tilespmem:s0+$0xDA80] =	vst v2  }
0x520: {  	[tilespmem:s6+$0xDA80] =	vst v6;
	v2 =	vld [tilespmem:s7+$0x860]  }
0x521: {  	v6 =	vld [tilespmem:s5+$0x860];
	[tilespmem:s13+$0xDA80] =	vst v4  }
0x522: {  	[tilespmem:s2+$0xDA80] =	vst v3;
	v4 =	vld [tilespmem:s11+$0x860]  }
0x523: {  	[tilespmem:s26+$0xDB80] =	vst v5;
	v3 =	vld [tilespmem:s14+$0x860]  }
0x524: {  	[tilespmem:s8+$0xDA80] =	vst v1  }
0x525: {  	v1 =	vld [tilespmem:s30+$0x860];
	[tilespmem:s0+$0xDB00] =	vst v2  }
0x526: {  	[tilespmem:s6+$0xDB00] =	vst v6;
	v2 =	vld [tilespmem:s7+$0x870]  }
0x527: {  	[tilespmem:s13+$0xDB00] =	vst v4  }
0x528: {  	v5 =	vld [tilespmem:s5+$0x870];
	[tilespmem:s2+$0xDB00] =	vst v3  }
0x529: {  	s28 =	sld [smem:$0x79C]  }
0x52a: {  	v4 =	vld [tilespmem:s11+$0x870];
	s3 =	sld [smem:$0x79B];
	[tilespmem:s8+$0xDB00] =	vst v1  }
0x52b: {  	v3 =	vld [tilespmem:s14+$0x870];
	s4 =	rddreg [dreg:$0x8];
	[tilespmem:s0+$0xDB80] =	vst v2  }
0x52c: {  	[tilespmem:s4+$0xDB80] =	vst v0;
	v0 =	vld [tilespmem:s30+$0x870]  }
0x52d: {  	[tilespmem:s6+$0xDB80] =	vst v5  }
0x52e: {  	s7 =	sld [smem:$0x79F]  }
0x52f: {  	s1 =	sadd.s32 s3, s28;
	s3 =	sld [smem:$0x79D];
	[tilespmem:s13+$0xDB80] =	vst v4  }
0x530: {  	s1 =	sshrl.u32 s1, $0x3;
	[tilespmem:s2+$0xDB80] =	vst v3  }
0x531: {  	s5 =	smul.u32 $0x3000, s1;
	[tilespmem:s8+$0xDB80] =	vst v0  }
0x532: {  	s2 =	sld [smem:$0x79E]  }
0x533: {  	s1 =	sadd.s32 s3, s7;
	s0 =	sadd.s32 $0x12000, s5  }
0x534: {  	s1 =	sshrl.u32 s1, $0x3;
	s0 =	sshrl.u32 s0, $0x2;
	s10 =	sld [smem:$0x7A1]  }
0x535: {  	s1 =	smul.u32 $0x3000, s1;
	s11 =	sld [smem:$0x7B1];
	s7 =	sor.u32 s2, s0  }
0x536: {  	s12 =	sld [smem:$0x7A0];
	v0 =	vld [tilespmem:s7+$0x0]  }
0x537: {  	s15 =	sld [smem:$0x7B3];
	s9 =	sadd.s32 $0x12000, s1  }
0x538: {  	s0 =	sshrl.u32 s9, $0x2;
	s6 =	sadd.s32 $0x800, s11  }
0x539: {  	s5 =	sor.u32 s10, s0;
	s0 =	sadd.s32 s6, s12  }
0x53a: {  	s0 =	sor.u32 s15, s0  }
0x53b: {  	s13 =	sld [smem:$0x7B8];
	[tilespmem:s0+$0xD800] =	vst v0  }
0x53c: {  	v1 =	vld [tilespmem:s5+$0x0];
	s14 =	sld [smem:$0x7A2]  }
0x53d: {  	s18 =	sld [smem:$0x7BA]  }
0x53e: {  	s9 =	sadd.s32 $0x800, s13  }
0x53f: {  	s1 =	sadd.s32 s9, s14  }
0x540: {  	v0 =	vld [tilespmem:s7+$0x10];
	s16 =	sor.u32 s18, s1  }
0x541: {  	[tilespmem:s16+$0xD800] =	vst v1  }
0x542: {  	v1 =	vld [tilespmem:s5+$0x10];
	_ =	sdelay $0x2  }
0x543: {  	[tilespmem:s0+$0xD880] =	vst v0  }
0x544: {  	v0 =	vld [tilespmem:s7+$0x20]  }
0x545: {  	[tilespmem:s16+$0xD880] =	vst v1  }
0x546: {  	v1 =	vld [tilespmem:s5+$0x20];
	_ =	sdelay $0x2  }
0x547: {  	[tilespmem:s0+$0xD900] =	vst v0  }
0x548: {  	v0 =	vld [tilespmem:s7+$0x30]  }
0x549: {  	[tilespmem:s16+$0xD900] =	vst v1  }
0x54a: {  	v1 =	vld [tilespmem:s5+$0x30];
	_ =	sdelay $0x2  }
0x54b: {  	[tilespmem:s0+$0xD980] =	vst v0  }
0x54c: {  	v0 =	vld [tilespmem:s7+$0x40]  }
0x54d: {  	[tilespmem:s16+$0xD980] =	vst v1  }
0x54e: {  	v1 =	vld [tilespmem:s5+$0x40];
	_ =	sdelay $0x2  }
0x54f: {  	[tilespmem:s0+$0xDA00] =	vst v0  }
0x550: {  	v0 =	vld [tilespmem:s7+$0x50]  }
0x551: {  	[tilespmem:s16+$0xDA00] =	vst v1  }
0x552: {  	v1 =	vld [tilespmem:s5+$0x50];
	_ =	sdelay $0x2  }
0x553: {  	[tilespmem:s0+$0xDA80] =	vst v0  }
0x554: {  	v0 =	vld [tilespmem:s7+$0x60]  }
0x555: {  	[tilespmem:s16+$0xDA80] =	vst v1  }
0x556: {  	v1 =	vld [tilespmem:s5+$0x60]  }
0x557: {  	s17 =	sld [smem:$0x7A4]  }
0x558: {  	s19 =	sld [smem:$0x7A3]  }
0x559: {  	[tilespmem:s0+$0xDB00] =	vst v0  }
0x55a: {  	v0 =	vld [tilespmem:s7+$0x70];
	s20 =	sld [smem:$0x7A9]  }
0x55b: {  	s4 =	sld [smem:$0x7A7];
	s1 =	sadd.s32 s19, s17;
	[tilespmem:s16+$0xDB00] =	vst v1  }
0x55c: {  	s1 =	sshrl.u32 s1, $0x3;
	v1 =	vld [tilespmem:s5+$0x70]  }
0x55d: {  	s1 =	smul.u32 $0x3000, s1  }
0x55e: {  	s22 =	sld [smem:$0x7A5]  }
0x55f: {  	s3 =	sadd.s32 s4, s20;
	[tilespmem:s0+$0xDB80] =	vst v0;
	s1 =	sadd.s32 $0x12000, s1  }
0x560: {  	s3 =	sshrl.u32 s3, $0x3;
	s24 =	sld [smem:$0x7AB];
	s1 =	sshrl.u32 s1, $0x2  }
0x561: {  	s21 =	smul.u32 $0x3000, s3;
	s25 =	sld [smem:$0x7BF];
	s3 =	sor.u32 s22, s1;
	[tilespmem:s16+$0xDB80] =	vst v1  }
0x562: {  	v0 =	vld [tilespmem:s3+$0x0];
	s26 =	sld [smem:$0x7A8]  }
0x563: {  	v2 =	vld [tilespmem:s7+$0x400];
	s23 =	sadd.s32 $0x12000, s21;
	s2 =	sld [smem:$0x7A6]  }
0x564: {  	s0 =	sshrl.u32 s23, $0x2;
	s8 =	sadd.s32 $0x800, s25  }
0x565: {  	s1 =	sor.u32 s24, s0;
	s22 =	rddreg [dreg:$0x4];
	s0 =	sadd.s32 s8, s26  }
0x566: {  	s2 =	sadd.s32 s6, s2;
	s0 =	sor.u32 s22, s0  }
0x567: {  	s28 =	sld [smem:$0x7C2];
	s10 =	sor.u32 s15, s2;
	[tilespmem:s0+$0xD800] =	vst v0  }
0x568: {  	s12 =	sld [smem:$0x7AC];
	[tilespmem:s10+$0xD800] =	vst v2  }
0x569: {  	v1 =	vld [tilespmem:s1+$0x0];
	s14 =	sld [smem:$0x7AA]  }
0x56a: {  	v3 =	vld [tilespmem:s5+$0x400];
	s20 =	sld [smem:$0x7C4]  }
0x56b: {  	s13 =	sadd.s32 $0x800, s28  }
0x56c: {  	v0 =	vld [tilespmem:s3+$0x10];
	s2 =	sadd.s32 s13, s12  }
0x56d: {  	v2 =	vld [tilespmem:s7+$0x410];
	s4 =	sadd.s32 s9, s14;
	s16 =	sor.u32 s20, s2  }
0x56e: {  	s17 =	sor.u32 s18, s4;
	[tilespmem:s16+$0xD800] =	vst v1  }
0x56f: {  	v1 =	vld [tilespmem:s1+$0x10];
	[tilespmem:s17+$0xD800] =	vst v3  }
0x570: {  	v3 =	vld [tilespmem:s5+$0x410]  }
0x571: {  	[tilespmem:s0+$0xD880] =	vst v0  }
0x572: {  	v0 =	vld [tilespmem:s3+$0x20];
	[tilespmem:s10+$0xD880] =	vst v2  }
0x573: {  	v2 =	vld [tilespmem:s7+$0x420]  }
0x574: {  	[tilespmem:s16+$0xD880] =	vst v1  }
0x575: {  	v1 =	vld [tilespmem:s1+$0x20];
	[tilespmem:s17+$0xD880] =	vst v3  }
0x576: {  	v3 =	vld [tilespmem:s5+$0x420]  }
0x577: {  	[tilespmem:s0+$0xD900] =	vst v0  }
0x578: {  	v0 =	vld [tilespmem:s3+$0x30];
	[tilespmem:s10+$0xD900] =	vst v2  }
0x579: {  	v2 =	vld [tilespmem:s7+$0x430]  }
0x57a: {  	[tilespmem:s16+$0xD900] =	vst v1  }
0x57b: {  	v1 =	vld [tilespmem:s1+$0x30];
	[tilespmem:s17+$0xD900] =	vst v3  }
0x57c: {  	v3 =	vld [tilespmem:s5+$0x430]  }
0x57d: {  	[tilespmem:s0+$0xD980] =	vst v0  }
0x57e: {  	v0 =	vld [tilespmem:s3+$0x40];
	[tilespmem:s10+$0xD980] =	vst v2  }
0x57f: {  	v2 =	vld [tilespmem:s7+$0x440]  }
0x580: {  	[tilespmem:s16+$0xD980] =	vst v1  }
0x581: {  	v1 =	vld [tilespmem:s1+$0x40];
	[tilespmem:s17+$0xD980] =	vst v3  }
0x582: {  	v3 =	vld [tilespmem:s5+$0x440]  }
0x583: {  	[tilespmem:s0+$0xDA00] =	vst v0  }
0x584: {  	v0 =	vld [tilespmem:s3+$0x50];
	[tilespmem:s10+$0xDA00] =	vst v2  }
0x585: {  	v2 =	vld [tilespmem:s7+$0x450]  }
0x586: {  	[tilespmem:s16+$0xDA00] =	vst v1  }
0x587: {  	v1 =	vld [tilespmem:s1+$0x50];
	[tilespmem:s17+$0xDA00] =	vst v3  }
0x588: {  	v3 =	vld [tilespmem:s5+$0x450]  }
0x589: {  	[tilespmem:s0+$0xDA80] =	vst v0  }
0x58a: {  	v0 =	vld [tilespmem:s3+$0x60];
	[tilespmem:s10+$0xDA80] =	vst v2  }
0x58b: {  	v2 =	vld [tilespmem:s7+$0x460]  }
0x58c: {  	[tilespmem:s16+$0xDA80] =	vst v1  }
0x58d: {  	v1 =	vld [tilespmem:s1+$0x60];
	[tilespmem:s17+$0xDA80] =	vst v3  }
0x58e: {  	s19 =	sld [smem:$0x7AF];
	v3 =	vld [tilespmem:s5+$0x460]  }
0x58f: {  	s12 =	sld [smem:$0x7AD];
	[tilespmem:s0+$0xDB00] =	vst v0  }
0x590: {  	[tilespmem:s10+$0xDB00] =	vst v2;
	v0 =	vld [tilespmem:s3+$0x70]  }
0x591: {  	s21 =	sld [smem:$0x7B6];
	v2 =	vld [tilespmem:s7+$0x470]  }
0x592: {  	s23 =	sld [smem:$0x7AE];
	[tilespmem:s16+$0xDB00] =	vst v1  }
0x593: {  	v1 =	vld [tilespmem:s1+$0x70];
	[tilespmem:s17+$0xDB00] =	vst v3  }
0x594: {  	s4 =	sadd.s32 s12, s19;
	v3 =	vld [tilespmem:s5+$0x470]  }
0x595: {  	s4 =	sshrl.u32 s4, $0x3;
	s24 =	sld [smem:$0x7B0];
	[tilespmem:s0+$0xDB80] =	vst v0  }
0x596: {  	s4 =	smul.u32 $0x3000, s4;
	[tilespmem:s10+$0xDB80] =	vst v2  }
0x597: {  	s12 =	sadd.s32 s23, s21;
	s11 =	sld [smem:$0x7B7]  }
0x598: {  	s12 =	sshrl.u32 s12, $0x3;
	s4 =	sadd.s32 $0x12000, s4;
	s26 =	sld [smem:$0x7C9];
	[tilespmem:s16+$0xDB80] =	vst v1  }
0x599: {  	s12 =	smul.u32 $0x3000, s12;
	s4 =	sshrl.u32 s4, $0x2;
	s10 =	sld [smem:$0x7B4];
	[tilespmem:s17+$0xDB80] =	vst v3  }
0x59a: {  	s4 =	sor.u32 s24, s4;
	s29 =	sld [smem:$0x7CA]  }
0x59b: {  	s25 =	sadd.s32 $0x12000, s12;
	v0 =	vld [tilespmem:s4+$0x0];
	s2 =	sld [smem:$0x7B5]  }
0x59c: {  	v2 =	vld [tilespmem:s3+$0x400];
	s0 =	sshrl.u32 s25, $0x2;
	s28 =	sld [smem:$0x7B2]  }
0x59d: {  	s0 =	sor.u32 s11, s0;
	s11 =	sadd.s32 $0x800, s26;
	s12 =	sld [smem:$0x7C6]  }
0x59e: {  	s10 =	sadd.s32 s11, s10  }
0x59f: {  	s14 =	sor.u32 s29, s10;
	s2 =	sadd.s32 s8, s2  }
0x5a0: {  	v4 =	vld [tilespmem:s7+$0x800];
	s6 =	sadd.s32 s6, s28;
	s17 =	sadd.s32 $0x800, s12;
	[tilespmem:s14+$0xD800] =	vst v0;
	s12 =	sor.u32 s22, s2  }
0x5a1: {  	s6 =	sor.u32 s15, s6;
	s15 =	sld [smem:$0x7BB];
	[tilespmem:s12+$0xD800] =	vst v2  }
0x5a2: {  	v1 =	vld [tilespmem:s0+$0x0];
	s16 =	sld [smem:$0x7BC]  }
0x5a3: {  	v3 =	vld [tilespmem:s1+$0x400];
	s19 =	sld [smem:$0x7C8]  }
0x5a4: {  	v5 =	vld [tilespmem:s4+$0x10]  }
0x5a5: {  	v2 =	vld [tilespmem:s3+$0x410];
	[tilespmem:s6+$0xD800] =	vst v4;
	s2 =	sadd.s32 s17, s15  }
0x5a6: {  	v0 =	vld [tilespmem:s5+$0x800];
	s23 =	sld [smem:$0x7B9];
	s10 =	sadd.s32 s13, s16;
	s16 =	sor.u32 s19, s2  }
0x5a7: {  	s15 =	sor.u32 s20, s10;
	[tilespmem:s16+$0xD800] =	vst v1;
	v1 =	vld [tilespmem:s7+$0x810]  }
0x5a8: {  	v4 =	vld [tilespmem:s0+$0x10];
	[tilespmem:s15+$0xD800] =	vst v3  }
0x5a9: {  	s2 =	sadd.s32 s9, s23;
	[tilespmem:s14+$0xD880] =	vst v5;
	v3 =	vld [tilespmem:s1+$0x410]  }
0x5aa: {  	s10 =	sor.u32 s18, s2;
	v5 =	vld [tilespmem:s4+$0x20];
	[tilespmem:s12+$0xD880] =	vst v2  }
0x5ab: {  	[tilespmem:s10+$0xD800] =	vst v0;
	v2 =	vld [tilespmem:s3+$0x420]  }
0x5ac: {  	v0 =	vld [tilespmem:s5+$0x810];
	[tilespmem:s6+$0xD880] =	vst v1  }
0x5ad: {  	[tilespmem:s16+$0xD880] =	vst v4;
	v1 =	vld [tilespmem:s7+$0x820]  }
0x5ae: {  	v4 =	vld [tilespmem:s0+$0x20];
	[tilespmem:s15+$0xD880] =	vst v3  }
0x5af: {  	[tilespmem:s14+$0xD900] =	vst v5;
	v3 =	vld [tilespmem:s1+$0x420]  }
0x5b0: {  	v5 =	vld [tilespmem:s4+$0x30];
	[tilespmem:s12+$0xD900] =	vst v2  }
0x5b1: {  	[tilespmem:s10+$0xD880] =	vst v0;
	v2 =	vld [tilespmem:s3+$0x430]  }
0x5b2: {  	v0 =	vld [tilespmem:s5+$0x820];
	[tilespmem:s6+$0xD900] =	vst v1  }
0x5b3: {  	[tilespmem:s16+$0xD900] =	vst v4;
	v1 =	vld [tilespmem:s7+$0x830]  }
0x5b4: {  	v4 =	vld [tilespmem:s0+$0x30];
	[tilespmem:s15+$0xD900] =	vst v3  }
0x5b5: {  	[tilespmem:s14+$0xD980] =	vst v5;
	v3 =	vld [tilespmem:s1+$0x430]  }
0x5b6: {  	[tilespmem:s12+$0xD980] =	vst v2  }
0x5b7: {  	[tilespmem:s10+$0xD900] =	vst v0  }
0x5b8: {  	v5 =	vld [tilespmem:s5+$0x830];
	[tilespmem:s6+$0xD980] =	vst v1  }
0x5b9: {  	v6 =	vld [tilespmem:s4+$0x40];
	[tilespmem:s16+$0xD980] =	vst v4  }
0x5ba: {  	[tilespmem:s15+$0xD980] =	vst v3  }
0x5bb: {  	s24 =	sld [smem:$0x7C3]  }
0x5bc: {  	s25 =	sld [smem:$0x7C1]  }
0x5bd: {  	s28 =	sld [smem:$0x7C7];
	[tilespmem:s10+$0xD980] =	vst v5  }
0x5be: {  	[tilespmem:s14+$0xDA00] =	vst v6  }
0x5bf: {  	v4 =	vld [tilespmem:s0+$0x40];
	s30 =	sld [smem:$0x7BE]  }
0x5c0: {  	v2 =	vld [tilespmem:s3+$0x440];
	s21 =	rddreg [dreg:$0x6]  }
0x5c1: {  	v3 =	vld [tilespmem:s1+$0x440];
	s9 =	sld [smem:$0x7BD];
	s2 =	sadd.s32 s13, s24  }
0x5c2: {  	v0 =	vld [tilespmem:s7+$0x840];
	s26 =	sadd.s32 s17, s25;
	s17 =	sadd.s32 s17, s28;
	s31 =	sor.u32 s20, s2  }
0x5c3: {  	v1 =	vld [tilespmem:s5+$0x840];
	s13 =	sor.u32 s19, s26;
	s18 =	sor.u32 s19, s17;
	s2 =	simm.s32 $0x4  }
.LBB2_10:
0x5c4: {  	s2 =	sadd.s32 $0x2, s2;
	v5 =	vld [tilespmem:s4+$0x50];
	[tilespmem:s16+$0xDA00] =	vst v4  }
0x5c5: {  	[dreg:$0x6] =	wrdreg s21;
	s17 =	smul.u32 $0xAB, s2;
	s21 =	sor.u32 $0x1, s2;
	[tilespmem:s12+$0xDA00] =	vst v2;
	v4 =	vld [tilespmem:s0+$0x50]  }
0x5c6: {  	s26 =	sand.u32 $0xFF, s21;
	[tilespmem:s15+$0xDA00] =	vst v3;
	v2 =	vld [tilespmem:s3+$0x450]  }
0x5c7: {  	[dreg:$0x4] =	wrdreg s22;
	s19 =	sshrl.u32 s17, $0x9;
	s20 =	smul.u32 $0xAB, s26;
	[tilespmem:s6+$0xDA00] =	vst v0;
	v3 =	vld [tilespmem:s1+$0x450]  }
0x5c8: {  	[dreg:$0x10] =	wrdreg s18;
	s22 =	sand.u32 $0x7F, s19;
	[tilespmem:s10+$0xDA00] =	vst v1;
	v0 =	vld [tilespmem:s7+$0x850]  }
0x5c9: {  	s17 =	sshrl.u32 s17, $0x5;
	s28 =	smul.u32 $0x3, s22;
	s24 =	sshrl.u32 s20, $0x9;
	[tilespmem:s14+$0xDA80] =	vst v5;
	v1 =	vld [tilespmem:s5+$0x850]  }
0x5ca: {  	s19 =	sand.u32 $0x70, s17;
	s23 =	sshll.u32 s22, $0x7;
	s25 =	smul.u32 $0x3, s24;
	v5 =	vld [tilespmem:s4+$0x60];
	[tilespmem:s16+$0xDA80] =	vst v4  }
0x5cb: {  	s18 =	sand.u32 $0x380, s23;
	s23 =	sand.u32 $0xC00, s23;
	s26 =	ssub.s32 s2, s28;
	[tilespmem:s12+$0xDA80] =	vst v2;
	v4 =	vld [tilespmem:s0+$0x60]  }
0x5cc: {  	s17 =	sadd.s32 $0x800, s23;
	s26 =	sand.u32 $0xFF, s26;
	s21 =	ssub.s32 s21, s25;
	[tilespmem:s15+$0xDA80] =	vst v3;
	v2 =	vld [tilespmem:s3+$0x460]  }
0x5cd: {  	s28 =	sshll.u32 s26, $0x4;
	s23 =	smul.u32 $0x18, s26;
	s21 =	sand.u32 $0xFF, s21;
	[tilespmem:s6+$0xDA80] =	vst v0;
	v3 =	vld [tilespmem:s1+$0x460]  }
0x5ce: {  	s22 =	sadd.s32 s28, s22;
	s26 =	sshll.u32 s21, $0x4;
	[tilespmem:s10+$0xDA80] =	vst v1;
	v0 =	vld [tilespmem:s7+$0x860]  }
0x5cf: {  	s22 =	sshrl.u32 s22, $0x3;
	s28 =	sshrl.u32 s23, $0x3;
	s25 =	sadd.s32 s26, s24;
	[tilespmem:s14+$0xDB00] =	vst v5;
	v1 =	vld [tilespmem:s5+$0x860]  }
0x5d0: {  	s23 =	sadd.s32 $0x8, s23;
	s22 =	smul.u32 $0x3000, s22;
	s25 =	sshrl.u32 s25, $0x3;
	v5 =	vld [tilespmem:s4+$0x70];
	[tilespmem:s16+$0xDB00] =	vst v4  }
0x5d1: {  	s26 =	sshrl.u32 s23, $0x3;
	s23 =	smul.u32 $0x3000, s25;
	[tilespmem:s12+$0xDB00] =	vst v2;
	v4 =	vld [tilespmem:s0+$0x70]  }
0x5d2: {  	s25 =	smul.u32 $0x6000, s28;
	s28 =	sadd.s32 $0x8, s9;
	s22 =	sadd.s32 $0x12000, s22;
	[tilespmem:s15+$0xDB00] =	vst v3;
	v2 =	vld [tilespmem:s3+$0x470]  }
0x5d3: {  	s9 =	sshrl.u32 s28, $0x3;
	s28 =	sadd.s32 $0xC000, s30;
	s23 =	sadd.s32 $0x12000, s23;
	[tilespmem:s6+$0xDB00] =	vst v0;
	v3 =	vld [tilespmem:s1+$0x470]  }
0x5d4: {  	s22 =	sshrl.u32 s22, $0x2;
	v0 =	vld [tilespmem:s7+$0x870];
	s7 =	smul.u32 $0x18, s21;
	s21 =	sshll.u32 s24, $0x7  }
0x5d5: {  	s23 =	sshrl.u32 s23, $0x2;
	[tilespmem:s10+$0xDB00] =	vst v1;
	s22 =	sor.u32 s18, s22;
	s24 =	sand.u32 $0x380, s21  }
0x5d6: {  	[tilespmem:s14+$0xDB80] =	vst v5;
	v1 =	vld [tilespmem:s5+$0x870];
	s5 =	smul.u32 $0x6000, s9;
	s24 =	sor.u32 s24, s23;
	s23 =	sshrl.u32 s7, $0x3  }
0x5d7: {  	s14 =	sshrl.u32 s20, $0x5;
	s20 =	sand.u32 $0xC00, s21;
	v5 =	vld [tilespmem:s24+$0x0];
	s18 =	smul.u32 $0x6000, s23;
	[tilespmem:s16+$0xDB80] =	vst v4  }
0x5d8: {  	s9 =	sshrl.u32 s28, $0x2;
	s20 =	sadd.s32 $0x800, s20;
	[tilespmem:s12+$0xDB80] =	vst v2;
	v4 =	vld [tilespmem:s22+$0x0]  }
0x5d9: {  	s5 =	sshrl.u32 s5, $0x2;
	s23 =	sand.u32 $0x70, s14;
	[tilespmem:s15+$0xDB80] =	vst v3;
	v2 =	vld [tilespmem:s4+$0x400];
	s21 =	sshrl.u32 s18, $0x2  }
0x5da: {  	s16 =	sadd.s32 s8, s9;
	s15 =	sshrl.u32 s25, $0x2;
	[tilespmem:s6+$0xDB80] =	vst v0;
	v3 =	vld [tilespmem:s0+$0x400];
	s6 =	sadd.s32 s20, s21  }
0x5db: {  	s9 =	rddreg [dreg:$0x4];
	[tilespmem:s10+$0xDB80] =	vst v1;
	v0 =	vld [tilespmem:s3+$0x800];
	s21 =	sadd.s32 s17, s15;
	s14 =	sor.u32 s23, s6  }
0x5dc: {  	s5 =	sadd.s32 s11, s5;
	v1 =	vld [tilespmem:s1+$0x800];
	s6 =	sor.u32 s9, s16;
	s16 =	sor.u32 s19, s21;
	[tilespmem:s14+$0xD800] =	vst v5  }
0x5dd: {  	s12 =	sor.u32 s29, s5;
	v5 =	vld [tilespmem:s24+$0x10];
	[tilespmem:s16+$0xD800] =	vst v4  }
0x5de: {  	s28 =	smul.u32 $0x6000, s26;
	[tilespmem:s12+$0xD800] =	vst v2;
	v4 =	vld [tilespmem:s22+$0x10]  }
0x5df: {  	s15 =	sadd.s32 $0xC000, s25;
	[tilespmem:s13+$0xD800] =	vst v3;
	v2 =	vld [tilespmem:s4+$0x410]  }
0x5e0: {  	s9 =	smov.u32 s7;
	s21 =	sshrl.u32 s28, $0x2;
	s5 =	sshrl.u32 s15, $0x2;
	[tilespmem:s6+$0xD800] =	vst v0;
	v3 =	vld [tilespmem:s0+$0x410]  }
0x5e1: {  	s7 =	smov.u32 s3;
	s8 =	sadd.s32 s17, s21;
	s5 =	sadd.s32 s17, s5;
	[tilespmem:s31+$0xD800] =	vst v1;
	v0 =	vld [tilespmem:s3+$0x810]  }
0x5e2: {  	s17 =	sor.u32 s19, s5;
	s3 =	smov.u32 s4;
	s4 =	smov.u32 s24;
	v1 =	vld [tilespmem:s1+$0x810];
	[tilespmem:s14+$0xD880] =	vst v5  }
0x5e3: {  	s5 =	smov.u32 s1;
	s1 =	smov.u32 s0;
	s0 =	smov.u32 s22;
	v5 =	vld [tilespmem:s4+$0x20];
	[tilespmem:s16+$0xD880] =	vst v4  }
0x5e4: {  	s15 =	smov.u32 s13;
	[tilespmem:s12+$0xD880] =	vst v2;
	v4 =	vld [tilespmem:s0+$0x20]  }
0x5e5: {  	[tilespmem:s15+$0xD880] =	vst v3;
	v2 =	vld [tilespmem:s3+$0x420]  }
0x5e6: {  	s10 =	smov.u32 s31;
	[tilespmem:s6+$0xD880] =	vst v0;
	v3 =	vld [tilespmem:s1+$0x420]  }
0x5e7: {  	[tilespmem:s10+$0xD880] =	vst v1;
	v0 =	vld [tilespmem:s7+$0x820]  }
0x5e8: {  	v1 =	vld [tilespmem:s5+$0x820];
	[tilespmem:s14+$0xD900] =	vst v5  }
0x5e9: {  	v5 =	vld [tilespmem:s4+$0x30];
	[tilespmem:s16+$0xD900] =	vst v4  }
0x5ea: {  	[tilespmem:s12+$0xD900] =	vst v2;
	v4 =	vld [tilespmem:s0+$0x30]  }
0x5eb: {  	[tilespmem:s15+$0xD900] =	vst v3;
	v2 =	vld [tilespmem:s3+$0x430]  }
0x5ec: {  	[tilespmem:s6+$0xD900] =	vst v0;
	v3 =	vld [tilespmem:s1+$0x430]  }
0x5ed: {  	[tilespmem:s10+$0xD900] =	vst v1;
	v0 =	vld [tilespmem:s7+$0x830]  }
0x5ee: {  	v1 =	vld [tilespmem:s5+$0x830];
	[tilespmem:s14+$0xD980] =	vst v5  }
0x5ef: {  	p0 =	slt.u32 s2, $0x2E;
	v5 =	vld [tilespmem:s4+$0x40];
	[tilespmem:s16+$0xD980] =	vst v4  }
.Ltmp4:
0x5f0: {  	s26 =	rddreg [dreg:$0x6];
	[tilespmem:s12+$0xD980] =	vst v2;
	v4 =	vld [tilespmem:s0+$0x40];
	(pc) =	sbr.rel @p0 .LBB2_10-.Ltmp4, $4  }
0x5f1: {  	s30 =	smov.u32 s26;
	s28 =	rddreg [dreg:$0x10];
	[tilespmem:s15+$0xD980] =	vst v3;
	v2 =	vld [tilespmem:s3+$0x440]  }
0x5f2: {  	s21 =	smov.u32 s18;
	s25 =	sor.u32 s19, s8;
	s8 =	smov.u32 s11;
	[tilespmem:s6+$0xD980] =	vst v0;
	v3 =	vld [tilespmem:s1+$0x440]  }
0x5f3: {  	s11 =	smov.u32 s20;
	s13 =	smov.u32 s25;
	s18 =	smov.u32 s17;
	[tilespmem:s10+$0xD980] =	vst v1;
	v0 =	vld [tilespmem:s7+$0x840]  }
0x5f4: {  	s31 =	smov.u32 s28;
	s22 =	smov.u32 s29;
	s29 =	smov.u32 s23;
	v1 =	vld [tilespmem:s5+$0x840];
	[tilespmem:s14+$0xDA00] =	vst v5  }
0x5f5: {  	v5 =	vld [tilespmem:s4+$0x50];
	[tilespmem:s16+$0xDA00] =	vst v4  }
0x5f6: {  	v4 =	vld [tilespmem:s0+$0x50];
	_ =	sdelay $0x3  }
0x5f7: {  	[tilespmem:s14+$0xDA80] =	vst v5  }
0x5f8: {  	v5 =	vld [tilespmem:s4+$0x60];
	[tilespmem:s16+$0xDA80] =	vst v4  }
0x5f9: {  	v4 =	vld [tilespmem:s0+$0x60];
	_ =	sdelay $0x3  }
0x5fa: {  	[tilespmem:s14+$0xDB00] =	vst v5  }
0x5fb: {  	v5 =	vld [tilespmem:s4+$0x70];
	[tilespmem:s16+$0xDB00] =	vst v4  }
0x5fc: {  	v4 =	vld [tilespmem:s0+$0x70];
	_ =	sdelay $0x2  }
0x5fd: {  	s17 =	sadd.s32 $0x8, s9  }
0x5fe: {  	s19 =	sshrl.u32 s17, $0x3;
	[tilespmem:s14+$0xDB80] =	vst v5  }
0x5ff: {  	s14 =	smul.u32 $0x6000, s19;
	v5 =	vld [tilespmem:s4+$0x400];
	[tilespmem:s16+$0xDB80] =	vst v4  }
0x600: {  	v4 =	vld [tilespmem:s0+$0x400]  }
0x601: {  	s14 =	sshrl.u32 s14, $0x2  }
0x602: {  	s14 =	sadd.s32 s11, s14  }
0x603: {  	s14 =	sor.u32 s29, s14  }
0x604: {  	[tilespmem:s14+$0xD800] =	vst v5  }
0x605: {  	v5 =	vld [tilespmem:s4+$0x410];
	[tilespmem:s13+$0xD800] =	vst v4  }
0x606: {  	v4 =	vld [tilespmem:s0+$0x410];
	_ =	sdelay $0x3  }
0x607: {  	[tilespmem:s14+$0xD880] =	vst v5  }
0x608: {  	v5 =	vld [tilespmem:s4+$0x420];
	[tilespmem:s13+$0xD880] =	vst v4  }
0x609: {  	v4 =	vld [tilespmem:s0+$0x420];
	_ =	sdelay $0x3  }
0x60a: {  	[tilespmem:s14+$0xD900] =	vst v5  }
0x60b: {  	v5 =	vld [tilespmem:s4+$0x430];
	[tilespmem:s13+$0xD900] =	vst v4  }
0x60c: {  	v4 =	vld [tilespmem:s0+$0x430];
	_ =	sdelay $0x3  }
0x60d: {  	[tilespmem:s14+$0xD980] =	vst v5  }
0x60e: {  	v5 =	vld [tilespmem:s4+$0x440];
	[tilespmem:s13+$0xD980] =	vst v4  }
0x60f: {  	v4 =	vld [tilespmem:s0+$0x440]  }
0x610: {  	[tilespmem:s12+$0xDA00] =	vst v2  }
0x611: {  	v2 =	vld [tilespmem:s3+$0x450];
	[tilespmem:s15+$0xDA00] =	vst v3  }
0x612: {  	v3 =	vld [tilespmem:s1+$0x450]  }
0x613: {  	[tilespmem:s14+$0xDA00] =	vst v5  }
0x614: {  	v5 =	vld [tilespmem:s4+$0x450];
	[tilespmem:s13+$0xDA00] =	vst v4  }
0x615: {  	v4 =	vld [tilespmem:s0+$0x450]  }
0x616: {  	[tilespmem:s12+$0xDA80] =	vst v2  }
0x617: {  	v2 =	vld [tilespmem:s3+$0x460];
	[tilespmem:s15+$0xDA80] =	vst v3  }
0x618: {  	v3 =	vld [tilespmem:s1+$0x460]  }
0x619: {  	[tilespmem:s14+$0xDA80] =	vst v5  }
0x61a: {  	v5 =	vld [tilespmem:s4+$0x460];
	[tilespmem:s13+$0xDA80] =	vst v4  }
0x61b: {  	v4 =	vld [tilespmem:s0+$0x460]  }
0x61c: {  	[tilespmem:s12+$0xDB00] =	vst v2  }
0x61d: {  	v2 =	vld [tilespmem:s3+$0x470];
	[tilespmem:s15+$0xDB00] =	vst v3  }
0x61e: {  	v3 =	vld [tilespmem:s1+$0x470]  }
0x61f: {  	[tilespmem:s14+$0xDB00] =	vst v5  }
0x620: {  	v5 =	vld [tilespmem:s4+$0x470];
	[tilespmem:s13+$0xDB00] =	vst v4  }
0x621: {  	v4 =	vld [tilespmem:s0+$0x470]  }
0x622: {  	[tilespmem:s12+$0xDB80] =	vst v2  }
0x623: {  	v2 =	vld [tilespmem:s3+$0x800];
	[tilespmem:s15+$0xDB80] =	vst v3  }
0x624: {  	s20 =	sadd.s32 $0xC000, s30;
	v3 =	vld [tilespmem:s1+$0x800]  }
0x625: {  	s12 =	sshrl.u32 s20, $0x2;
	[tilespmem:s14+$0xDB80] =	vst v5  }
0x626: {  	s8 =	sadd.s32 s8, s12;
	v5 =	vld [tilespmem:s4+$0x800];
	[tilespmem:s13+$0xDB80] =	vst v4  }
0x627: {  	s21 =	sadd.s32 $0xC000, s21;
	s12 =	sor.u32 s22, s8;
	v4 =	vld [tilespmem:s0+$0x800]  }
0x628: {  	s22 =	sshrl.u32 s21, $0x2;
	[tilespmem:s12+$0xD800] =	vst v2  }
0x629: {  	s8 =	sadd.s32 s11, s22;
	v2 =	vld [tilespmem:s3+$0x810];
	[tilespmem:s31+$0xD800] =	vst v3  }
0x62a: {  	s8 =	sor.u32 s29, s8;
	v3 =	vld [tilespmem:s1+$0x810]  }
0x62b: {  	[tilespmem:s8+$0xD800] =	vst v5  }
0x62c: {  	v5 =	vld [tilespmem:s4+$0x810];
	[tilespmem:s18+$0xD800] =	vst v4  }
0x62d: {  	v4 =	vld [tilespmem:s0+$0x810]  }
0x62e: {  	[tilespmem:s12+$0xD880] =	vst v2  }
0x62f: {  	v2 =	vld [tilespmem:s3+$0x820];
	[tilespmem:s31+$0xD880] =	vst v3  }
0x630: {  	v3 =	vld [tilespmem:s1+$0x820]  }
0x631: {  	[tilespmem:s8+$0xD880] =	vst v5  }
0x632: {  	v5 =	vld [tilespmem:s4+$0x820];
	[tilespmem:s18+$0xD880] =	vst v4  }
0x633: {  	v4 =	vld [tilespmem:s0+$0x820]  }
0x634: {  	[tilespmem:s12+$0xD900] =	vst v2  }
0x635: {  	v2 =	vld [tilespmem:s3+$0x830];
	[tilespmem:s31+$0xD900] =	vst v3  }
0x636: {  	v3 =	vld [tilespmem:s1+$0x830]  }
0x637: {  	[tilespmem:s8+$0xD900] =	vst v5  }
0x638: {  	v5 =	vld [tilespmem:s4+$0x830];
	[tilespmem:s18+$0xD900] =	vst v4  }
0x639: {  	v4 =	vld [tilespmem:s0+$0x830]  }
0x63a: {  	[tilespmem:s12+$0xD980] =	vst v2  }
0x63b: {  	v2 =	vld [tilespmem:s3+$0x840];
	[tilespmem:s31+$0xD980] =	vst v3  }
0x63c: {  	[tilespmem:s6+$0xDA00] =	vst v0;
	v3 =	vld [tilespmem:s1+$0x840]  }
0x63d: {  	[tilespmem:s8+$0xD980] =	vst v5  }
0x63e: {  	v5 =	vld [tilespmem:s4+$0x840];
	[tilespmem:s18+$0xD980] =	vst v4  }
0x63f: {  	[tilespmem:s10+$0xDA00] =	vst v1;
	v0 =	vld [tilespmem:s0+$0x840]  }
0x640: {  	v1 =	vld [tilespmem:s5+$0x850];
	[tilespmem:s12+$0xDA00] =	vst v2  }
0x641: {  	v2 =	vld [tilespmem:s3+$0x850];
	[tilespmem:s31+$0xDA00] =	vst v3  }
0x642: {  	v3 =	vld [tilespmem:s1+$0x850]  }
0x643: {  	v4 =	vld [tilespmem:s7+$0x850];
	[tilespmem:s8+$0xDA00] =	vst v5  }
0x644: {  	v5 =	vld [tilespmem:s4+$0x850];
	[tilespmem:s18+$0xDA00] =	vst v0  }
0x645: {  	s23 =	simm.s32 $0x0;
	[tilespmem:s10+$0xDA80] =	vst v1;
	v0 =	vld [tilespmem:s0+$0x850]  }
0x646: {  	s24 =	sor.u32 $0x1, s23;
	v1 =	vld [tilespmem:s5+$0x860];
	[tilespmem:s12+$0xDA80] =	vst v2  }
0x647: {  	s25 =	sand.u32 $0xFF, s24;
	v2 =	vld [tilespmem:s3+$0x860];
	[tilespmem:s31+$0xDA80] =	vst v3  }
0x648: {  	s11 =	smul.u32 $0xAB, s25;
	v3 =	vld [tilespmem:s1+$0x860];
	[tilespmem:s6+$0xDA80] =	vst v4  }
0x649: {  	s14 =	smul.u32 $0xAB, s23;
	v4 =	vld [tilespmem:s7+$0x860];
	[tilespmem:s8+$0xDA80] =	vst v5  }
0x64a: {  	s28 =	sshrl.u32 s11, $0x9;
	v5 =	vld [tilespmem:s4+$0x860];
	[tilespmem:s18+$0xDA80] =	vst v0  }
0x64b: {  	[tilespmem:s10+$0xDB00] =	vst v1;
	s29 =	smul.u32 $0x3, s28;
	s26 =	sshrl.u32 s14, $0x9;
	v0 =	vld [tilespmem:s0+$0x860]  }
0x64c: {  	v1 =	vld [tilespmem:s5+$0x870];
	[tilespmem:s12+$0xDB00] =	vst v2;
	s15 =	sand.u32 $0x7F, s26  }
0x64d: {  	s9 =	ssub.s32 s24, s29;
	v2 =	vld [tilespmem:s3+$0x870];
	[tilespmem:s31+$0xDB00] =	vst v3;
	s2 =	smul.u32 $0x3, s15  }
0x64e: {  	s5 =	sand.u32 $0xFF, s9;
	v3 =	vld [tilespmem:s1+$0x870];
	[tilespmem:s6+$0xDB00] =	vst v4  }
0x64f: {  	s19 =	sshll.u32 s5, $0x4;
	s13 =	ssub.s32 $0x0, s2;
	v4 =	vld [tilespmem:s7+$0x870];
	[tilespmem:s8+$0xDB00] =	vst v5  }
0x650: {  	s3 =	sadd.s32 s19, s28;
	s17 =	sand.u32 $0xFF, s13;
	v5 =	vld [tilespmem:s4+$0x870];
	[tilespmem:s18+$0xDB00] =	vst v0  }
0x651: {  	[tilespmem:s10+$0xDB80] =	vst v1;
	s3 =	sshrl.u32 s3, $0x3;
	s20 =	sshll.u32 s17, $0x4;
	v0 =	vld [tilespmem:s0+$0x870]  }
0x652: {  	s3 =	smul.u32 $0x3000, s3;
	[tilespmem:s12+$0xDB80] =	vst v2;
	s21 =	sadd.s32 s20, s15  }
0x653: {  	s23 =	sshll.u32 s28, $0x7;
	[tilespmem:s31+$0xDB80] =	vst v3;
	s4 =	smul.u32 $0x18, s5;
	s0 =	sshrl.u32 s21, $0x3  }
0x654: {  	s3 =	sadd.s32 $0x24000, s3;
	s25 =	sand.u32 $0x380, s23;
	[tilespmem:s6+$0xDB80] =	vst v4;
	s0 =	smul.u32 $0x3000, s0  }
0x655: {  	s3 =	sshrl.u32 s3, $0x2;
	s22 =	sshll.u32 s15, $0x7;
	s24 =	smul.u32 $0x18, s17;
	[tilespmem:s8+$0xDB80] =	vst v5  }
0x656: {  	s26 =	sshrl.u32 s4, $0x3;
	s2 =	sadd.s32 $0x24000, s0;
	s0 =	sor.u32 s25, s3;
	[tilespmem:s18+$0xDB80] =	vst v0  }
0x657: {  	s28 =	sand.u32 $0x380, s22;
	s5 =	sshrl.u32 s11, $0x5;
	s29 =	smul.u32 $0x6000, s26;
	v0 =	vld [tilespmem:s0+$0x0]  }
0x658: {  	s31 =	sshrl.u32 s24, $0x3;
	s9 =	sand.u32 $0x70, s5;
	s3 =	sand.u32 $0xC00, s23  }
0x659: {  	s2 =	sshrl.u32 s2, $0x2;
	s13 =	sor.u32 $0x1000, s3;
	s10 =	sshrl.u32 s29, $0x2  }
0x65a: {  	s1 =	sor.u32 s28, s2;
	s2 =	sadd.s32 s13, s10;
	[smem:$0x79A] =	sst s29  }
0x65b: {  	s11 =	smul.u32 $0x6000, s31;
	s2 =	sor.u32 s9, s2;
	v1 =	vld [tilespmem:s1+$0x0]  }
0x65c: {  	s12 =	sand.u32 $0xC00, s22;
	[tilespmem:s2+$0xD800] =	vst v0  }
0x65d: {  	s14 =	sshrl.u32 s14, $0x5;
	s15 =	sor.u32 $0x1000, s12;
	s16 =	sshrl.u32 s11, $0x2;
	v0 =	vld [tilespmem:s0+$0x10]  }
0x65e: {  	s14 =	sand.u32 $0x70, s14;
	s3 =	sadd.s32 s15, s16  }
0x65f: {  	s5 =	sor.u32 s14, s3  }
0x660: {  	[tilespmem:s5+$0xD800] =	vst v1  }
0x661: {  	v1 =	vld [tilespmem:s1+$0x10]  }
0x662: {  	[tilespmem:s2+$0xD880] =	vst v0  }
0x663: {  	v0 =	vld [tilespmem:s0+$0x20];
	_ =	sdelay $0x2  }
0x664: {  	[tilespmem:s5+$0xD880] =	vst v1  }
0x665: {  	v1 =	vld [tilespmem:s1+$0x20]  }
0x666: {  	[tilespmem:s2+$0xD900] =	vst v0  }
0x667: {  	v0 =	vld [tilespmem:s0+$0x30];
	_ =	sdelay $0x2  }
0x668: {  	[tilespmem:s5+$0xD900] =	vst v1  }
0x669: {  	v1 =	vld [tilespmem:s1+$0x30]  }
0x66a: {  	[tilespmem:s2+$0xD980] =	vst v0  }
0x66b: {  	v0 =	vld [tilespmem:s0+$0x40];
	_ =	sdelay $0x2  }
0x66c: {  	[tilespmem:s5+$0xD980] =	vst v1  }
0x66d: {  	v1 =	vld [tilespmem:s1+$0x40]  }
0x66e: {  	s17 =	simm.s32 $0x2;
	[tilespmem:s2+$0xDA00] =	vst v0  }
0x66f: {  	s3 =	sor.u32 $0x1, s17;
	v0 =	vld [tilespmem:s0+$0x50]  }
0x670: {  	s19 =	sand.u32 $0xFF, s3  }
0x671: {  	s8 =	smul.u32 $0xAB, s19  }
0x672: {  	s18 =	smul.u32 $0xAB, s17;
	[tilespmem:s5+$0xDA00] =	vst v1  }
0x673: {  	s22 =	sshrl.u32 s8, $0x9;
	v1 =	vld [tilespmem:s1+$0x50]  }
0x674: {  	s20 =	sshrl.u32 s18, $0x9;
	s23 =	smul.u32 $0x3, s22;
	[tilespmem:s2+$0xDA80] =	vst v0  }
0x675: {  	s4 =	sadd.s32 $0x8, s4;
	s10 =	sand.u32 $0x7F, s20;
	v0 =	vld [tilespmem:s0+$0x60]  }
0x676: {  	s4 =	sshrl.u32 s4, $0x3;
	s21 =	smul.u32 $0x3, s10;
	s3 =	ssub.s32 s3, s23  }
0x677: {  	s7 =	sadd.s32 $0x8, s24;
	s4 =	smul.u32 $0x6000, s4;
	s3 =	sand.u32 $0xFF, s3  }
0x678: {  	s7 =	sshrl.u32 s7, $0x3;
	s16 =	ssub.s32 $0x2, s21;
	s19 =	sshll.u32 s3, $0x4;
	[tilespmem:s5+$0xDA80] =	vst v1  }
0x679: {  	s4 =	sshrl.u32 s4, $0x2;
	s16 =	sand.u32 $0xFF, s16;
	s26 =	sadd.s32 s19, s22;
	v1 =	vld [tilespmem:s1+$0x60]  }
0x67a: {  	s24 =	sshll.u32 s16, $0x4;
	s17 =	smul.u32 $0x18, s16;
	s16 =	sshrl.u32 s26, $0x3;
	[tilespmem:s2+$0xDB00] =	vst v0  }
0x67b: {  	s6 =	sshrl.u32 s18, $0x5;
	s18 =	sshll.u32 s22, $0x7;
	s28 =	smul.u32 $0x3000, s16;
	v0 =	vld [tilespmem:s0+$0x70]  }
0x67c: {  	s20 =	smul.u32 $0x6000, s7;
	s23 =	sand.u32 $0x380, s18;
	s18 =	sand.u32 $0xC00, s18  }
0x67d: {  	s25 =	sadd.s32 s24, s10;
	s16 =	smul.u32 $0x18, s3;
	s12 =	sadd.s32 $0x24000, s28  }
0x67e: {  	s10 =	sshll.u32 s10, $0x7;
	s7 =	sshrl.u32 s25, $0x3;
	s3 =	sshrl.u32 s12, $0x2;
	[tilespmem:s5+$0xDB00] =	vst v1  }
0x67f: {  	s7 =	smul.u32 $0x3000, s7;
	s24 =	sshrl.u32 s16, $0x3;
	s3 =	sor.u32 s23, s3;
	v1 =	vld [tilespmem:s1+$0x70]  }
0x680: {  	s29 =	sand.u32 $0x380, s10;
	s31 =	sshrl.u32 s17, $0x3;
	s25 =	smul.u32 $0x6000, s24;
	[tilespmem:s2+$0xDB80] =	vst v0;
	v0 =	vld [tilespmem:s3+$0x0]  }
0x681: {  	s26 =	sshrl.u32 s8, $0x5;
	s8 =	sor.u32 $0x1000, s18;
	s7 =	sadd.s32 $0x24000, s7;
	v2 =	vld [tilespmem:s0+$0x400]  }
0x682: {  	s23 =	sshrl.u32 s7, $0x2;
	s7 =	sand.u32 $0x70, s26;
	s28 =	sshrl.u32 s25, $0x2  }
0x683: {  	s2 =	sor.u32 s29, s23;
	s29 =	sadd.s32 s8, s28;
	[dreg:$0x9] =	wrdreg s25  }
0x684: {  	s4 =	sadd.s32 s13, s4;
	s19 =	smul.u32 $0x6000, s31;
	s22 =	sor.u32 s7, s29;
	[tilespmem:s5+$0xDB80] =	vst v1;
	v1 =	vld [tilespmem:s2+$0x0]  }
0x685: {  	s10 =	sand.u32 $0xC00, s10;
	s25 =	sor.u32 s9, s4;
	v3 =	vld [tilespmem:s1+$0x400];
	[tilespmem:s22+$0xD800] =	vst v0  }
0x686: {  	s31 =	sshrl.u32 s19, $0x2;
	s24 =	sor.u32 $0x1000, s10;
	v0 =	vld [tilespmem:s3+$0x10];
	[tilespmem:s25+$0xD800] =	vst v2  }
0x687: {  	s10 =	sshrl.u32 s20, $0x2;
	s23 =	sand.u32 $0x70, s6;
	s5 =	sadd.s32 s24, s31;
	v2 =	vld [tilespmem:s0+$0x410]  }
0x688: {  	s4 =	sadd.s32 s15, s10;
	s21 =	sor.u32 s23, s5  }
0x689: {  	s20 =	sor.u32 s14, s4;
	[tilespmem:s21+$0xD800] =	vst v1  }
0x68a: {  	v1 =	vld [tilespmem:s2+$0x10];
	[tilespmem:s20+$0xD800] =	vst v3  }
0x68b: {  	v3 =	vld [tilespmem:s1+$0x410];
	[tilespmem:s22+$0xD880] =	vst v0  }
0x68c: {  	v0 =	vld [tilespmem:s3+$0x20];
	[tilespmem:s25+$0xD880] =	vst v2  }
0x68d: {  	v2 =	vld [tilespmem:s0+$0x420];
	_ =	sdelay $0x1  }
0x68e: {  	[tilespmem:s21+$0xD880] =	vst v1  }
0x68f: {  	v1 =	vld [tilespmem:s2+$0x20];
	[tilespmem:s20+$0xD880] =	vst v3  }
0x690: {  	v3 =	vld [tilespmem:s1+$0x420];
	[tilespmem:s22+$0xD900] =	vst v0  }
0x691: {  	v0 =	vld [tilespmem:s3+$0x30];
	[tilespmem:s25+$0xD900] =	vst v2  }
0x692: {  	v2 =	vld [tilespmem:s0+$0x430];
	_ =	sdelay $0x1  }
0x693: {  	[tilespmem:s21+$0xD900] =	vst v1  }
0x694: {  	v1 =	vld [tilespmem:s2+$0x30];
	[tilespmem:s20+$0xD900] =	vst v3  }
0x695: {  	v3 =	vld [tilespmem:s1+$0x430];
	[tilespmem:s22+$0xD980] =	vst v0  }
0x696: {  	v0 =	vld [tilespmem:s3+$0x40];
	[tilespmem:s25+$0xD980] =	vst v2  }
0x697: {  	v2 =	vld [tilespmem:s0+$0x440]  }
0x698: {  	s10 =	simm.s32 $0x4  }
0x699: {  	s12 =	sor.u32 $0x1, s10;
	[tilespmem:s21+$0xD980] =	vst v1  }
0x69a: {  	s29 =	smul.u32 $0xAB, s10;
	s18 =	sand.u32 $0xFF, s12;
	v1 =	vld [tilespmem:s2+$0x40];
	[tilespmem:s20+$0xD980] =	vst v3  }
0x69b: {  	s30 =	smul.u32 $0xAB, s18;
	v3 =	vld [tilespmem:s1+$0x440];
	[tilespmem:s22+$0xDA00] =	vst v0  }
0x69c: {  	v0 =	vld [tilespmem:s3+$0x50];
	[tilespmem:s25+$0xDA00] =	vst v2  }
0x69d: {  	s26 =	sshrl.u32 s29, $0x9;
	s18 =	sshrl.u32 s30, $0x9;
	v2 =	vld [tilespmem:s0+$0x450]  }
0x69e: {  	s5 =	sand.u32 $0x7F, s26;
	s26 =	smul.u32 $0x3, s18  }
0x69f: {  	s28 =	smul.u32 $0x3, s5;
	[tilespmem:s21+$0xDA00] =	vst v1  }
0x6a0: {  	s4 =	ssub.s32 s12, s26;
	v1 =	vld [tilespmem:s2+$0x50];
	[tilespmem:s20+$0xDA00] =	vst v3  }
0x6a1: {  	s6 =	ssub.s32 $0x4, s28;
	s28 =	sand.u32 $0xFF, s4;
	v3 =	vld [tilespmem:s1+$0x450];
	[tilespmem:s22+$0xDA80] =	vst v0  }
0x6a2: {  	s12 =	sshll.u32 s28, $0x4;
	v0 =	vld [tilespmem:s3+$0x60];
	[tilespmem:s25+$0xDA80] =	vst v2  }
0x6a3: {  	s26 =	sadd.s32 s12, s18;
	v2 =	vld [tilespmem:s0+$0x460]  }
0x6a4: {  	s6 =	sand.u32 $0xFF, s6;
	s26 =	sshrl.u32 s26, $0x3  }
0x6a5: {  	s31 =	sshll.u32 s6, $0x4;
	s26 =	smul.u32 $0x3000, s26;
	[tilespmem:s21+$0xDA80] =	vst v1  }
0x6a6: {  	s4 =	sadd.s32 s31, s5;
	s31 =	sshll.u32 s5, $0x7;
	[tilespmem:s20+$0xDA80] =	vst v3  }
0x6a7: {  	s4 =	sshrl.u32 s4, $0x3;
	s12 =	sshll.u32 s18, $0x7;
	s18 =	sadd.s32 $0x24000, s26;
	[tilespmem:s22+$0xDB00] =	vst v0  }
0x6a8: {  	s4 =	smul.u32 $0x3000, s4;
	s26 =	sand.u32 $0x380, s12;
	s5 =	sshrl.u32 s18, $0x2;
	v1 =	vld [tilespmem:s2+$0x60];
	[tilespmem:s25+$0xDB00] =	vst v2  }
0x6a9: {  	s5 =	sor.u32 s26, s5;
	v3 =	vld [tilespmem:s1+$0x460];
	s26 =	sld [smem:$0x79A]  }
0x6aa: {  	s4 =	sadd.s32 $0x24000, s4;
	v0 =	vld [tilespmem:s3+$0x70]  }
0x6ab: {  	s17 =	sadd.s32 $0x8, s17;
	s4 =	sshrl.u32 s4, $0x2;
	s18 =	sand.u32 $0x380, s31  }
0x6ac: {  	s17 =	sshrl.u32 s17, $0x3;
	s4 =	sor.u32 s18, s4;
	v2 =	vld [tilespmem:s0+$0x470];
	s18 =	sadd.s32 $0xC000, s26  }
0x6ad: {  	s12 =	sand.u32 $0xC00, s12;
	[tilespmem:s21+$0xDB00] =	vst v1;
	s26 =	smul.u32 $0x18, s6;
	s18 =	sshrl.u32 s18, $0x2  }
0x6ae: {  	s12 =	sor.u32 $0x1000, s12;
	[tilespmem:s20+$0xDB00] =	vst v3;
	s6 =	sadd.s32 s13, s18;
	s18 =	smul.u32 $0x18, s28  }
0x6af: {  	v1 =	vld [tilespmem:s2+$0x70];
	[tilespmem:s22+$0xDB80] =	vst v0;
	s22 =	sadd.s32 $0xC000, s11;
	s11 =	smov.u32 s8;
	s28 =	sshrl.u32 s26, $0x3  }
0x6b0: {  	v3 =	vld [tilespmem:s1+$0x470];
	s9 =	sor.u32 s9, s6;
	s6 =	smul.u32 $0x6000, s17;
	s17 =	sshrl.u32 s18, $0x3  }
0x6b1: {  	v0 =	vld [tilespmem:s5+$0x0];
	s13 =	sadd.s32 $0x8, s16;
	[tilespmem:s25+$0xDB80] =	vst v2;
	s16 =	sshrl.u32 s29, $0x5;
	s8 =	smul.u32 $0x6000, s17  }
0x6b2: {  	s29 =	sshrl.u32 s30, $0x5;
	s28 =	smul.u32 $0x6000, s28;
	s13 =	sshrl.u32 s13, $0x3;
	v4 =	vld [tilespmem:s0+$0x800]  }
0x6b3: {  	v2 =	vld [tilespmem:s3+$0x400];
	s30 =	smov.u32 s7;
	s17 =	smul.u32 $0x6000, s13;
	[dreg:$0xe] =	wrdreg s8  }
0x6b4: {  	s13 =	sand.u32 $0x70, s29;
	s29 =	sand.u32 $0xC00, s31;
	s8 =	sshrl.u32 s8, $0x2;
	[tilespmem:s21+$0xDB80] =	vst v1;
	v1 =	vld [tilespmem:s4+$0x0]  }
0x6b5: {  	s31 =	sshrl.u32 s28, $0x2;
	s17 =	sshrl.u32 s17, $0x2;
	s25 =	sadd.s32 s12, s8  }
0x6b6: {  	[tilespmem:s20+$0xDB80] =	vst v3;
	s17 =	sadd.s32 s11, s17;
	s20 =	sor.u32 s13, s25;
	v3 =	vld [tilespmem:s2+$0x400];
	s25 =	sor.u32 $0x1000, s29  }
0x6b7: {  	[tilespmem:s9+$0xD800] =	vst v4;
	s17 =	sor.u32 s7, s17;
	s29 =	sand.u32 $0x70, s16;
	s7 =	sadd.s32 s25, s31  }
0x6b8: {  	s6 =	sshrl.u32 s6, $0x2;
	s8 =	sshrl.u32 s22, $0x2;
	[tilespmem:s20+$0xD800] =	vst v0;
	v0 =	vld [tilespmem:s1+$0x800];
	s22 =	sor.u32 s29, s7  }
0x6b9: {  	s6 =	sadd.s32 s24, s6;
	v5 =	vld [tilespmem:s5+$0x10];
	[tilespmem:s22+$0xD800] =	vst v1  }
0x6ba: {  	s21 =	sor.u32 s23, s6;
	[tilespmem:s17+$0xD800] =	vst v2;
	v4 =	vld [tilespmem:s4+$0x10]  }
0x6bb: {  	s15 =	sadd.s32 s15, s8;
	v2 =	vld [tilespmem:s3+$0x410];
	[tilespmem:s21+$0xD800] =	vst v3  }
0x6bc: {  	s16 =	sor.u32 s14, s15;
	v3 =	vld [tilespmem:s2+$0x410]  }
0x6bd: {  	v1 =	vld [tilespmem:s0+$0x810];
	[tilespmem:s16+$0xD800] =	vst v0  }
0x6be: {  	[tilespmem:s20+$0xD880] =	vst v5;
	v0 =	vld [tilespmem:s1+$0x810]  }
0x6bf: {  	v5 =	vld [tilespmem:s5+$0x20];
	[tilespmem:s22+$0xD880] =	vst v4  }
0x6c0: {  	[tilespmem:s17+$0xD880] =	vst v2;
	v4 =	vld [tilespmem:s4+$0x20]  }
0x6c1: {  	v2 =	vld [tilespmem:s3+$0x420];
	[tilespmem:s21+$0xD880] =	vst v3  }
0x6c2: {  	[tilespmem:s9+$0xD880] =	vst v1;
	v3 =	vld [tilespmem:s2+$0x420]  }
0x6c3: {  	v1 =	vld [tilespmem:s0+$0x820];
	[tilespmem:s16+$0xD880] =	vst v0  }
0x6c4: {  	[tilespmem:s20+$0xD900] =	vst v5;
	v0 =	vld [tilespmem:s1+$0x820]  }
0x6c5: {  	v5 =	vld [tilespmem:s5+$0x30];
	[tilespmem:s22+$0xD900] =	vst v4  }
0x6c6: {  	[tilespmem:s17+$0xD900] =	vst v2;
	v4 =	vld [tilespmem:s4+$0x30]  }
0x6c7: {  	v2 =	vld [tilespmem:s3+$0x430];
	[tilespmem:s21+$0xD900] =	vst v3  }
0x6c8: {  	[tilespmem:s9+$0xD900] =	vst v1;
	v3 =	vld [tilespmem:s2+$0x430]  }
0x6c9: {  	v1 =	vld [tilespmem:s0+$0x830];
	[tilespmem:s16+$0xD900] =	vst v0  }
0x6ca: {  	s15 =	sadd.s32 $0x8, s26;
	[tilespmem:s20+$0xD980] =	vst v5;
	v5 =	vld [tilespmem:s1+$0x830]  }
0x6cb: {  	s6 =	sshrl.u32 s15, $0x3;
	v6 =	vld [tilespmem:s5+$0x40];
	[tilespmem:s22+$0xD980] =	vst v4  }
0x6cc: {  	s6 =	smul.u32 $0x6000, s6;
	[tilespmem:s17+$0xD980] =	vst v2;
	v4 =	vld [tilespmem:s4+$0x40]  }
0x6cd: {  	s26 =	sadd.s32 $0xC000, s19;
	s31 =	sadd.s32 $0xC000, s28;
	v2 =	vld [tilespmem:s3+$0x440];
	[tilespmem:s21+$0xD980] =	vst v3  }
0x6ce: {  	s14 =	sshrl.u32 s26, $0x2;
	s15 =	sshrl.u32 s31, $0x2;
	s6 =	sshrl.u32 s6, $0x2;
	[tilespmem:s9+$0xD980] =	vst v1;
	v3 =	vld [tilespmem:s2+$0x440]  }
0x6cf: {  	s14 =	sadd.s32 s24, s14;
	s15 =	sadd.s32 s25, s15;
	s6 =	sadd.s32 s25, s6;
	v0 =	vld [tilespmem:s0+$0x840];
	[tilespmem:s16+$0xD980] =	vst v5  }
0x6d0: {  	s14 =	sor.u32 s23, s14;
	s15 =	sor.u32 s29, s15;
	s19 =	sor.u32 s29, s6;
	[tilespmem:s20+$0xDA00] =	vst v6;
	v1 =	vld [tilespmem:s1+$0x840]  }
.LBB2_12:
0x6d1: {  	s10 =	sadd.s32 $0x2, s10;
	v5 =	vld [tilespmem:s5+$0x50];
	[tilespmem:s22+$0xDA00] =	vst v4  }
0x6d2: {  	s6 =	smul.u32 $0xAB, s10;
	s28 =	sor.u32 $0x1, s10;
	[tilespmem:s17+$0xDA00] =	vst v2;
	v4 =	vld [tilespmem:s4+$0x50]  }
0x6d3: {  	s23 =	sand.u32 $0xFF, s28;
	[tilespmem:s21+$0xDA00] =	vst v3;
	v2 =	vld [tilespmem:s3+$0x450]  }
0x6d4: {  	s24 =	sshrl.u32 s6, $0x9;
	s25 =	smul.u32 $0xAB, s23;
	[tilespmem:s9+$0xDA00] =	vst v0;
	v3 =	vld [tilespmem:s2+$0x450]  }
0x6d5: {  	s29 =	sand.u32 $0x7F, s24;
	[tilespmem:s16+$0xDA00] =	vst v1;
	v0 =	vld [tilespmem:s0+$0x850]  }
0x6d6: {  	[dreg:$0x14] =	wrdreg s15;
	s8 =	smul.u32 $0x3, s29;
	s31 =	sshrl.u32 s25, $0x9;
	[tilespmem:s20+$0xDA80] =	vst v5;
	v1 =	vld [tilespmem:s1+$0x850]  }
0x6d7: {  	s15 =	smov.u32 s30;
	s6 =	sshrl.u32 s6, $0x5;
	s30 =	smul.u32 $0x3, s31;
	v5 =	vld [tilespmem:s5+$0x60];
	[tilespmem:s22+$0xDA80] =	vst v4  }
0x6d8: {  	s23 =	sand.u32 $0x70, s6;
	s6 =	ssub.s32 s10, s8;
	[tilespmem:s17+$0xDA80] =	vst v2;
	v4 =	vld [tilespmem:s4+$0x60]  }
0x6d9: {  	s18 =	sadd.s32 $0x8, s18;
	s6 =	sand.u32 $0xFF, s6;
	s28 =	ssub.s32 s28, s30;
	[tilespmem:s21+$0xDA80] =	vst v3;
	v2 =	vld [tilespmem:s3+$0x460]  }
0x6da: {  	s30 =	sshll.u32 s6, $0x4;
	s6 =	smul.u32 $0x18, s6;
	s28 =	sand.u32 $0xFF, s28;
	[tilespmem:s9+$0xDA80] =	vst v0;
	v3 =	vld [tilespmem:s2+$0x460]  }
0x6db: {  	s24 =	sshll.u32 s29, $0x7;
	s29 =	sadd.s32 s30, s29;
	s30 =	sshll.u32 s28, $0x4;
	[tilespmem:s16+$0xDA80] =	vst v1;
	v0 =	vld [tilespmem:s0+$0x860]  }
0x6dc: {  	s29 =	sshrl.u32 s29, $0x3;
	s7 =	sshrl.u32 s6, $0x3;
	s30 =	sadd.s32 s30, s31;
	[tilespmem:s20+$0xDB00] =	vst v5;
	v1 =	vld [tilespmem:s1+$0x860]  }
0x6dd: {  	s6 =	sadd.s32 $0x8, s6;
	s29 =	smul.u32 $0x3000, s29;
	s8 =	sshrl.u32 s30, $0x3;
	v5 =	vld [tilespmem:s5+$0x70];
	[tilespmem:s22+$0xDB00] =	vst v4  }
0x6de: {  	s26 =	sand.u32 $0x380, s24;
	s30 =	sshrl.u32 s6, $0x3;
	s6 =	smul.u32 $0x3000, s8;
	[tilespmem:s17+$0xDB00] =	vst v2;
	v4 =	vld [tilespmem:s4+$0x70]  }
0x6df: {  	s24 =	sand.u32 $0xC00, s24;
	s8 =	sadd.s32 $0x24000, s29;
	s29 =	smul.u32 $0x6000, s7;
	[tilespmem:s21+$0xDB00] =	vst v3;
	v2 =	vld [tilespmem:s3+$0x470]  }
0x6e0: {  	s7 =	sshll.u32 s31, $0x7;
	s6 =	sadd.s32 $0x24000, s6;
	s8 =	sshrl.u32 s8, $0x2;
	[tilespmem:s9+$0xDB00] =	vst v0;
	v3 =	vld [tilespmem:s2+$0x470]  }
0x6e1: {  	s31 =	sand.u32 $0x380, s7;
	v0 =	vld [tilespmem:s0+$0x870];
	s0 =	smov.u32 s3;
	s3 =	smul.u32 $0x18, s28  }
0x6e2: {  	s6 =	sshrl.u32 s6, $0x2;
	[tilespmem:s16+$0xDB00] =	vst v1;
	s28 =	sor.u32 s26, s8;
	s8 =	sshrl.u32 s18, $0x3  }
0x6e3: {  	s31 =	sor.u32 s31, s6;
	[tilespmem:s20+$0xDB80] =	vst v5;
	v1 =	vld [tilespmem:s1+$0x870];
	s1 =	smul.u32 $0x6000, s8;
	s6 =	sshrl.u32 s3, $0x3  }
0x6e4: {  	s24 =	sor.u32 $0x1000, s24;
	s20 =	rddreg [dreg:$0x9];
	v5 =	vld [tilespmem:s31+$0x0];
	s26 =	smul.u32 $0x6000, s6;
	[tilespmem:s22+$0xDB80] =	vst v4  }
0x6e5: {  	s7 =	sand.u32 $0xC00, s7;
	s8 =	sadd.s32 $0xC000, s20;
	s1 =	sshrl.u32 s1, $0x2;
	[tilespmem:s17+$0xDB80] =	vst v2;
	v4 =	vld [tilespmem:s28+$0x0]  }
0x6e6: {  	s17 =	sshrl.u32 s25, $0x5;
	s25 =	sor.u32 $0x1000, s7;
	[tilespmem:s21+$0xDB80] =	vst v3;
	v2 =	vld [tilespmem:s5+$0x400];
	s18 =	sshrl.u32 s26, $0x2  }
0x6e7: {  	s22 =	sshrl.u32 s29, $0x2;
	[tilespmem:s9+$0xDB80] =	vst v0;
	s6 =	sand.u32 $0x70, s17;
	v3 =	vld [tilespmem:s4+$0x400];
	s7 =	sadd.s32 s25, s18  }
0x6e8: {  	s21 =	sshrl.u32 s8, $0x2;
	s8 =	sadd.s32 s24, s22;
	[tilespmem:s16+$0xDB80] =	vst v1;
	v0 =	vld [tilespmem:s0+$0x800];
	s20 =	sor.u32 s6, s7  }
0x6e9: {  	s1 =	sadd.s32 s12, s1;
	s22 =	sor.u32 s23, s8;
	v1 =	vld [tilespmem:s2+$0x800];
	[tilespmem:s20+$0xD800] =	vst v5  }
0x6ea: {  	s17 =	sor.u32 s13, s1;
	s7 =	sadd.s32 s11, s21;
	s11 =	smul.u32 $0x6000, s30;
	v5 =	vld [tilespmem:s31+$0x10];
	[tilespmem:s22+$0xD800] =	vst v4  }
0x6eb: {  	s16 =	sadd.s32 $0xC000, s29;
	[tilespmem:s17+$0xD800] =	vst v2;
	v4 =	vld [tilespmem:s28+$0x10]  }
0x6ec: {  	s1 =	sshrl.u32 s16, $0x2;
	s9 =	sor.u32 s15, s7;
	s21 =	sshrl.u32 s11, $0x2;
	[tilespmem:s19+$0xD800] =	vst v3;
	v2 =	vld [tilespmem:s5+$0x410]  }
0x6ed: {  	s1 =	sadd.s32 s24, s1;
	s7 =	sadd.s32 s24, s21;
	[tilespmem:s9+$0xD800] =	vst v0;
	v3 =	vld [tilespmem:s4+$0x410]  }
0x6ee: {  	s7 =	sor.u32 s23, s7;
	s23 =	sor.u32 s23, s1;
	[tilespmem:s14+$0xD800] =	vst v1;
	s1 =	smov.u32 s2;
	v0 =	vld [tilespmem:s0+$0x810]  }
0x6ef: {  	s18 =	smov.u32 s3;
	s3 =	smov.u32 s5;
	s5 =	smov.u32 s31;
	v1 =	vld [tilespmem:s1+$0x810];
	[tilespmem:s20+$0xD880] =	vst v5  }
0x6f0: {  	s2 =	smov.u32 s4;
	s4 =	smov.u32 s28;
	v5 =	vld [tilespmem:s5+$0x20];
	[tilespmem:s22+$0xD880] =	vst v4  }
0x6f1: {  	s21 =	smov.u32 s19;
	[tilespmem:s17+$0xD880] =	vst v2;
	v4 =	vld [tilespmem:s4+$0x20]  }
0x6f2: {  	[tilespmem:s21+$0xD880] =	vst v3;
	v2 =	vld [tilespmem:s3+$0x420]  }
0x6f3: {  	s16 =	smov.u32 s14;
	[tilespmem:s9+$0xD880] =	vst v0;
	v3 =	vld [tilespmem:s2+$0x420]  }
0x6f4: {  	[tilespmem:s16+$0xD880] =	vst v1;
	v0 =	vld [tilespmem:s0+$0x820]  }
0x6f5: {  	v1 =	vld [tilespmem:s1+$0x820];
	[tilespmem:s20+$0xD900] =	vst v5  }
0x6f6: {  	v5 =	vld [tilespmem:s5+$0x30];
	[tilespmem:s22+$0xD900] =	vst v4  }
0x6f7: {  	[tilespmem:s17+$0xD900] =	vst v2;
	v4 =	vld [tilespmem:s4+$0x30]  }
0x6f8: {  	[tilespmem:s21+$0xD900] =	vst v3;
	v2 =	vld [tilespmem:s3+$0x430]  }
0x6f9: {  	[tilespmem:s9+$0xD900] =	vst v0;
	v3 =	vld [tilespmem:s2+$0x430]  }
0x6fa: {  	[tilespmem:s16+$0xD900] =	vst v1;
	v0 =	vld [tilespmem:s0+$0x830]  }
0x6fb: {  	v1 =	vld [tilespmem:s1+$0x830];
	[tilespmem:s20+$0xD980] =	vst v5  }
0x6fc: {  	p0 =	slt.u32 s10, $0x2E;
	v5 =	vld [tilespmem:s5+$0x40];
	[tilespmem:s22+$0xD980] =	vst v4  }
.Ltmp5:
0x6fd: {  	s29 =	smov.u32 s26;
	s24 =	rddreg [dreg:$0xe];
	[tilespmem:s17+$0xD980] =	vst v2;
	v4 =	vld [tilespmem:s4+$0x40];
	(pc) =	sbr.rel @p0 .LBB2_12-.Ltmp5, $4  }
0x6fe: {  	s30 =	smov.u32 s13;
	[dreg:$0xe] =	wrdreg s29;
	[tilespmem:s21+$0xD980] =	vst v3;
	v2 =	vld [tilespmem:s3+$0x440]  }
0x6ff: {  	s13 =	smov.u32 s6;
	s28 =	smov.u32 s24;
	s31 =	rddreg [dreg:$0x14];
	[tilespmem:s9+$0xD980] =	vst v0;
	v3 =	vld [tilespmem:s2+$0x440]  }
0x700: {  	s11 =	smov.u32 s12;
	s12 =	smov.u32 s25;
	[dreg:$0x9] =	wrdreg s28;
	[tilespmem:s16+$0xD980] =	vst v1;
	v0 =	vld [tilespmem:s0+$0x840]  }
0x701: {  	s19 =	smov.u32 s7;
	s14 =	smov.u32 s31;
	s15 =	smov.u32 s23;
	v1 =	vld [tilespmem:s1+$0x840];
	[tilespmem:s20+$0xDA00] =	vst v5  }
0x702: {  	v5 =	vld [tilespmem:s5+$0x50];
	[tilespmem:s22+$0xDA00] =	vst v4  }
0x703: {  	v4 =	vld [tilespmem:s4+$0x50];
	_ =	sdelay $0x3  }
0x704: {  	[tilespmem:s20+$0xDA80] =	vst v5  }
0x705: {  	v5 =	vld [tilespmem:s5+$0x60];
	[tilespmem:s22+$0xDA80] =	vst v4  }
0x706: {  	v4 =	vld [tilespmem:s4+$0x60];
	_ =	sdelay $0x3  }
0x707: {  	[tilespmem:s20+$0xDB00] =	vst v5  }
0x708: {  	v5 =	vld [tilespmem:s5+$0x70];
	[tilespmem:s22+$0xDB00] =	vst v4  }
0x709: {  	v4 =	vld [tilespmem:s4+$0x70];
	_ =	sdelay $0x2  }
0x70a: {  	s6 =	sadd.s32 $0x8, s18  }
0x70b: {  	s6 =	sshrl.u32 s6, $0x3;
	[tilespmem:s20+$0xDB80] =	vst v5  }
0x70c: {  	s6 =	smul.u32 $0x6000, s6;
	[tilespmem:s22+$0xDB80] =	vst v4;
	v60 =	vld [tilespmem:s5+$0x400]  }
0x70d: {  	v61 =	vld [tilespmem:s4+$0x400]  }
0x70e: {  	s6 =	sshrl.u32 s6, $0x2  }
0x70f: {  	s6 =	sadd.s32 s12, s6  }
0x710: {  	s6 =	sor.u32 s13, s6  }
0x711: {  	[tilespmem:s6+$0xD800] =	vst v60  }
0x712: {  	v4 =	vld [tilespmem:s5+$0x410];
	[tilespmem:s19+$0xD800] =	vst v61  }
0x713: {  	v5 =	vld [tilespmem:s4+$0x410];
	_ =	sdelay $0x3  }
0x714: {  	[tilespmem:s6+$0xD880] =	vst v4  }
0x715: {  	v4 =	vld [tilespmem:s5+$0x420];
	[tilespmem:s19+$0xD880] =	vst v5  }
0x716: {  	v5 =	vld [tilespmem:s4+$0x420];
	_ =	sdelay $0x3  }
0x717: {  	[tilespmem:s6+$0xD900] =	vst v4  }
0x718: {  	v4 =	vld [tilespmem:s5+$0x430];
	[tilespmem:s19+$0xD900] =	vst v5  }
0x719: {  	v5 =	vld [tilespmem:s4+$0x430];
	_ =	sdelay $0x3  }
0x71a: {  	[tilespmem:s6+$0xD980] =	vst v4  }
0x71b: {  	v4 =	vld [tilespmem:s5+$0x440];
	[tilespmem:s19+$0xD980] =	vst v5  }
0x71c: {  	v5 =	vld [tilespmem:s4+$0x440];
	_ =	sdelay $0x1  }
0x71d: {  	[tilespmem:s17+$0xDA00] =	vst v2  }
0x71e: {  	v2 =	vld [tilespmem:s3+$0x450];
	[tilespmem:s21+$0xDA00] =	vst v3  }
0x71f: {  	v3 =	vld [tilespmem:s2+$0x450];
	[tilespmem:s6+$0xDA00] =	vst v4  }
0x720: {  	v4 =	vld [tilespmem:s5+$0x450];
	[tilespmem:s19+$0xDA00] =	vst v5  }
0x721: {  	v5 =	vld [tilespmem:s4+$0x450];
	_ =	sdelay $0x1  }
0x722: {  	[tilespmem:s17+$0xDA80] =	vst v2  }
0x723: {  	v2 =	vld [tilespmem:s3+$0x460];
	[tilespmem:s21+$0xDA80] =	vst v3  }
0x724: {  	v3 =	vld [tilespmem:s2+$0x460];
	[tilespmem:s6+$0xDA80] =	vst v4  }
0x725: {  	v4 =	vld [tilespmem:s5+$0x460];
	[tilespmem:s19+$0xDA80] =	vst v5  }
0x726: {  	v5 =	vld [tilespmem:s4+$0x460];
	_ =	sdelay $0x1  }
0x727: {  	[tilespmem:s17+$0xDB00] =	vst v2  }
0x728: {  	v2 =	vld [tilespmem:s3+$0x470];
	[tilespmem:s21+$0xDB00] =	vst v3  }
0x729: {  	v3 =	vld [tilespmem:s2+$0x470];
	[tilespmem:s6+$0xDB00] =	vst v4  }
0x72a: {  	v4 =	vld [tilespmem:s5+$0x470];
	[tilespmem:s19+$0xDB00] =	vst v5  }
0x72b: {  	v5 =	vld [tilespmem:s4+$0x470];
	_ =	sdelay $0x1  }
0x72c: {  	[tilespmem:s17+$0xDB80] =	vst v2  }
0x72d: {  	[tilespmem:s21+$0xDB80] =	vst v3  }
0x72e: {  	v3 =	vld [tilespmem:s2+$0x800];
	[tilespmem:s6+$0xDB80] =	vst v4  }
0x72f: {  	v2 =	vld [tilespmem:s3+$0x800];
	s6 =	rddreg [dreg:$0x9];
	[tilespmem:s19+$0xDB80] =	vst v5  }
0x730: {  	v4 =	vld [tilespmem:s5+$0x800];
	s6 =	sadd.s32 $0xC000, s6;
	s7 =	rddreg [dreg:$0xe]  }
0x731: {  	v5 =	vld [tilespmem:s4+$0x800];
	s6 =	sshrl.u32 s6, $0x2;
	s7 =	sadd.s32 $0xC000, s7  }
0x732: {  	s6 =	sadd.s32 s11, s6;
	s7 =	sshrl.u32 s7, $0x2  }
0x733: {  	[tilespmem:s14+$0xD800] =	vst v3;
	s6 =	sor.u32 s30, s6;
	s7 =	sadd.s32 s12, s7  }
0x734: {  	v3 =	vld [tilespmem:s2+$0x810];
	[tilespmem:s6+$0xD800] =	vst v2;
	s7 =	sor.u32 s13, s7  }
0x735: {  	v2 =	vld [tilespmem:s3+$0x810];
	[tilespmem:s7+$0xD800] =	vst v4  }
0x736: {  	[tilespmem:s15+$0xD800] =	vst v5;
	v4 =	vld [tilespmem:s5+$0x810]  }
0x737: {  	v5 =	vld [tilespmem:s4+$0x810];
	_ =	sdelay $0x1  }
0x738: {  	[tilespmem:s14+$0xD880] =	vst v3  }
0x739: {  	v3 =	vld [tilespmem:s2+$0x820];
	[tilespmem:s6+$0xD880] =	vst v2  }
0x73a: {  	v2 =	vld [tilespmem:s3+$0x820];
	[tilespmem:s7+$0xD880] =	vst v4  }
0x73b: {  	[tilespmem:s15+$0xD880] =	vst v5;
	v4 =	vld [tilespmem:s5+$0x820]  }
0x73c: {  	v5 =	vld [tilespmem:s4+$0x820];
	_ =	sdelay $0x1  }
0x73d: {  	[tilespmem:s14+$0xD900] =	vst v3  }
0x73e: {  	v3 =	vld [tilespmem:s2+$0x830];
	[tilespmem:s6+$0xD900] =	vst v2  }
0x73f: {  	v2 =	vld [tilespmem:s3+$0x830];
	[tilespmem:s7+$0xD900] =	vst v4  }
0x740: {  	[tilespmem:s15+$0xD900] =	vst v5;
	v4 =	vld [tilespmem:s5+$0x830]  }
0x741: {  	v5 =	vld [tilespmem:s4+$0x830];
	_ =	sdelay $0x1  }
0x742: {  	[tilespmem:s14+$0xD980] =	vst v3  }
0x743: {  	v3 =	vld [tilespmem:s2+$0x840];
	[tilespmem:s6+$0xD980] =	vst v2  }
0x744: {  	v2 =	vld [tilespmem:s3+$0x840];
	[tilespmem:s7+$0xD980] =	vst v4  }
0x745: {  	[tilespmem:s15+$0xD980] =	vst v5;
	v4 =	vld [tilespmem:s5+$0x840]  }
0x746: {  	[tilespmem:s16+$0xDA00] =	vst v1;
	v62 =	vld [tilespmem:s4+$0x840]  }
0x747: {  	[tilespmem:s9+$0xDA00] =	vst v0;
	v1 =	vld [tilespmem:s1+$0x850]  }
0x748: {  	v63 =	vld [tilespmem:s0+$0x850];
	[tilespmem:s14+$0xDA00] =	vst v3  }
0x749: {  	v3 =	vld [tilespmem:s2+$0x850];
	[tilespmem:s6+$0xDA00] =	vst v2  }
0x74a: {  	v2 =	vld [tilespmem:s3+$0x850];
	[tilespmem:s7+$0xDA00] =	vst v4  }
0x74b: {  	[tilespmem:s15+$0xDA00] =	vst v62;
	v4 =	vld [tilespmem:s5+$0x850]  }
0x74c: {  	[tilespmem:s16+$0xDA80] =	vst v1;
	v0 =	vld [tilespmem:s4+$0x850]  }
0x74d: {  	[tilespmem:s9+$0xDA80] =	vst v63;
	v1 =	vld [tilespmem:s1+$0x860]  }
0x74e: {  	v5 =	vld [tilespmem:s0+$0x860];
	[tilespmem:s14+$0xDA80] =	vst v3  }
0x74f: {  	v3 =	vld [tilespmem:s2+$0x860];
	[tilespmem:s6+$0xDA80] =	vst v2  }
0x750: {  	v2 =	vld [tilespmem:s3+$0x860];
	[tilespmem:s7+$0xDA80] =	vst v4  }
0x751: {  	[tilespmem:s15+$0xDA80] =	vst v0;
	v4 =	vld [tilespmem:s5+$0x860]  }
0x752: {  	[tilespmem:s16+$0xDB00] =	vst v1;
	v0 =	vld [tilespmem:s4+$0x860]  }
0x753: {  	v1 =	vld [tilespmem:s1+$0x870];
	[tilespmem:s9+$0xDB00] =	vst v5  }
0x754: {  	v5 =	vld [tilespmem:s0+$0x870];
	[tilespmem:s14+$0xDB00] =	vst v3  }
0x755: {  	v3 =	vld [tilespmem:s2+$0x870];
	[tilespmem:s6+$0xDB00] =	vst v2  }
0x756: {  	v2 =	vld [tilespmem:s3+$0x870];
	[tilespmem:s7+$0xDB00] =	vst v4  }
0x757: {  	[tilespmem:s15+$0xDB00] =	vst v0;
	v4 =	vld [tilespmem:s5+$0x870]  }
0x758: {  	[tilespmem:s16+$0xDB80] =	vst v1;
	v0 =	vld [tilespmem:s4+$0x870]  }
0x759: {  	[tilespmem:s9+$0xDB80] =	vst v5  }
0x75a: {  	[tilespmem:s14+$0xDB80] =	vst v3  }
0x75b: {  	[tilespmem:s6+$0xDB80] =	vst v2  }
0x75c: {  	[tilespmem:s7+$0xDB80] =	vst v4  }
0x75d: {  	s29 =	simm.s32 $0xD800;
	[tilespmem:s15+$0xDB80] =	vst v0  }
0x75e: {  	s13 =	simm.s32 $0x0;
	s4 =	simm.s32 $0x1;
	s28 =	rddreg [dreg:$0x1e]  }
0x75f: {  	[hbm4b:s28+s13] =	stream.linear.scatter [tilespmem:s29], [sflag:$0x1], $0xD800, $0x38;
	[tilespmem:$0x1B000] =	vst v63  }
0x760: {  	_ =	swait.ge [sflag:s4], $0xD800  }
0x761: {  	s30 =	sld [smem:$0x7CD];
	_ =	sdelay $0x2  }
0x762: {  	s31 =	rddreg [dreg:$0x1f];
	s1 =	sadd.s32 $0x1, s30  }
0x763: {  	p0 =	sne.s32 s1, s31  }
.Ltmp6:
0x764: {  	_ = 	snop;
	(pc) =	sbr.rel @p0 .LBB2_1-.Ltmp6, $3  }
0x765: {  	_ =	sdelay $0x1  }
0x766: {  	[sflag:s4] =	ssyncset.done $0x0  }
0x767: {  	[sflag:s4] =	ssyncadd.s32 $0xFFFF2800  }
0x768: {  	_ =	sfence.sel $0x180000  }
0x769: {  	[bflag:$0x0] =	sbarrier.arrive $0xFFFF  }
0x76a: {  	_ =	strace $0x90000047  }
0x76b: {  	s0 =	stileid.u32;
	[bflag:$0x2] =	sbarrier.arrive $0xFFFF  }
0x76c: {  	p0 =	sne.s32 s0, $0x0;
	s0 =	rddreg [dreg:$0x2]  }
0x76d: {  	s0 =	sadd.s32 @!p0 $0x100000, s0  }
0x76e: {  	[sflag:s0] =	ssyncadd.tile.s32 @!p0 $0x1;
	_ =	shalt  }
.Lfunc_end2:
_tile_overlayer_lowered:
.L_overlay_start_2:
0x76f: {  	(tag) =	ssettag $0x2  }
0x770: {  	s0 =	rddreg [dreg:$0x0];
	s2 =	stileid.u32  }
0x771: {  	s1 =	rddreg [dreg:$0x1];
	p0 =	sne.s32 s2, $0x0  }
0x772: {  	s3 =	rddreg [dreg:$0x2];
	[bflag:$0x3] =	sbarrier.arrive $0xFFFF;
	s2 =	simm.s32 @!p0 $0x1C01  }
0x773: {  	[timem:s3], [sflag:s2] =	dma.local @!p0 [hbm:s0], s1  }
0x774: {  	s0 =	simm.s32 @!p0 $0x1  }
0x775: {  	_ =	swait.ge @!p0 [sflag:s0], s1  }
0x776: {  	s1 =	ssub.s32 @!p0 $0x0, s1;
	[sflag:s0] =	ssyncset.done @!p0 $0x0  }
0x777: {  	[sflag:s0] =	ssyncadd.s32 @!p0 s1  }
0x778: {  	[bflag:$0x3] =	sbarrier.arrive $0xFFFF  }
0x779: {  	_ =	shalt  }

// kernel: kernel.8.cloned.1.call-start
scs
__scs_entry_jumppad:
0x0: {  	(pc) =	sbr.rel $0x88, $3  }
0x1: {  	(tag) =	ssettag $0x0;
	lr =	simm.s32 $0x1  }
0x2: {  	[smem:$0x3F9E] =	sst lr;
	_ =	strace $0xD0000000  }
0x3: {  	_ = 	snop  }
0x4: {  	_ = 	snop  }
0x5: {  	_ = 	snop  }
0x6: {  	_ = 	snop  }
0x7: {  	_ = 	snop  }
__scs_overlays_trampoline_lowered:
0x8: {  	[smem:$0x3FAD] =	sst s0  }
0x9: {  	[smem:$0x3FAE] =	sst s1  }
0xa: {  	[smem:$0x3FAF] =	sst s2  }
0xb: {  	[smem:$0x3FB0] =	sst s3  }
0xc: {  	[smem:$0x3FB1] =	sst s4  }
0xd: {  	[smem:$0x3FB2] =	sst s5  }
0xe: {  	[smem:$0x3FB3] =	sst s6  }
0xf: {  	[smem:$0x3FB4] =	sst s7  }
0x10: {  	[smem:$0x3FB5] =	sst s8  }
0x11: {  	[smem:$0x3FB6] =	sst s9;
	s0 =	simm.s32 @!p0 $0x0  }
0x12: {  	s1 =	sld [smem:$0x3F9C];
	s0 =	simm.s32 @p0 $0x1  }
0x13: {  	[smem:$0x3FB7] =	sst s0;
	s0 =	simm.s32 @!p1 $0x0  }
0x14: {  	s2 =	sld [smem:$0x3F9B];
	s0 =	simm.s32 @p1 $0x1  }
0x15: {  	[smem:$0x3FB8] =	sst s0;
	s0 =	simm.s32 @!p2 $0x0  }
0x16: {  	s3 =	sld [smem:$0x3FDB];
	s0 =	simm.s32 @p2 $0x1  }
0x17: {  	s4 =	simm.s32 $0x1BF5;
	[smem:$0x3FBA] =	sst s0  }
0x18: {  	s0 =	sld [smem:$0x3F9D];
	_ =	swait.ge [sflag:s4], $0x0  }
0x19: {  	s7 =	sld [smem:$0x3F9E]  }
0x1a: {  	s8 =	sadd.s32 $0xFFFFE003, lr  }
0x1b: {  	s9 =	sadd.s32 $0xFFFFFEF7, lr;
	s5 =	simm.s32 $0xFFFFFFFF;
	p2 =	slt.u32 s8, $0xFFFFF086  }
0x1c: {  	p1 =	slt.u32 s9, $0xF7A;
	s5 =	simm.s32 @!p2 $0x0  }
0x1d: {  	s5 =	simm.s32 @p1 $0x1;
	p0 =	seq.s32 s7, s2  }
0x1e: {  	s7 =	smul.u32 @!p0 $0xF7A, s2;
	p2 =	seq.s32 @!p0 s5, $0x0  }
0x1f: {  	s9 =	smul.u32 $0xF7A, s1;
	s8 =	simm.s32 @!p0 $0x1BF5;
	p2 =	por !p2, p0  }
0x20: {  	[sflag:s8] =	ssyncset.s32 @!p0 $0xFFFFF086;
	s6 =	sadd.s32 @!p0 s3, s7;
	s7 =	simm.s32 @!p0 $0x108  }
0x21: {  	s3 =	sadd.s32 s3, s9;
	s6 =	sadd.s32 @!p0 $0x88, s6;
	s7 =	simm.s32 @p2 $0x1082  }
0x22: {  	[simem:s7], [sflag:s8] =	dma.local @!p0 [hbm:s6], $0xF7A  }
0x23: {  	s9 =	sor.u32 $0xD0000000, s2;
	s6 =	simm.s32 $0x108;
	_ =	swait.ge @!p0 [sflag:s8], $0x0  }
0x24: {  	s3 =	sadd.s32 $0x88, s3;
	s6 =	simm.s32 @!p1 $0x1082;
	[sflag:s4] =	ssyncset.s32 $0xFFFFF086  }
0x25: {  	[simem:s6], [sflag:s4] =	dma.local [hbm:s3], $0xF7A  }
0x26: {  	[smem:$0x3F9E] =	sst s1;
	(tag) =	ssettag s2;
	_ =	strace s9  }
0x27: {  	s1 =	sld [smem:$0x3FAE]  }
0x28: {  	s2 =	sld [smem:$0x3FAF]  }
0x29: {  	s4 =	sld [smem:$0x3FB1]  }
0x2a: {  	p0 =	seq.s32 s5, $0x0;
	s5 =	sld [smem:$0x3FB2]  }
0x2b: {  	s6 =	sld [smem:$0x3FB3]  }
0x2c: {  	s7 =	sld [smem:$0x3FB4]  }
0x2d: {  	s3 =	simm.s32 $0x108;
	s8 =	sld [smem:$0x3FB5]  }
0x2e: {  	s3 =	simm.s32 @!p0 $0x1082;
	s9 =	sld [smem:$0x3FB6]  }
0x2f: {  	lr =	sadd.s32 s0, s3;
	s0 =	sld [smem:$0x3FAD]  }
0x30: {  	s3 =	sld [smem:$0x3FB0]  }
0x31: {  	[smem:$0x3FB9] =	sst s10  }
0x32: {  	s10 =	sld [smem:$0x3FB7];
	_ =	sdelay $0x3  }
0x33: {  	p0 =	seq.s32 s10, $0x1;
	s10 =	sld [smem:$0x3FB9];
	_ =	sdelay $0x3  }
0x34: {  	[smem:$0x3FB9] =	sst s10  }
0x35: {  	s10 =	sld [smem:$0x3FB8];
	_ =	sdelay $0x3  }
0x36: {  	p1 =	seq.s32 s10, $0x1;
	s10 =	sld [smem:$0x3FB9];
	_ =	sdelay $0x3  }
0x37: {  	[smem:$0x3FB9] =	sst s10  }
0x38: {  	s10 =	sld [smem:$0x3FBA]  }
0x39: {  	_ = 	snop;
	(pc) =	sbr.ind lr, $3  }
0x3a: {  	_ = 	snop  }
0x3b: {  	_ = 	snop  }
0x3c: {  	p2 =	seq.s32 s10, $0x1;
	s10 =	sld [smem:$0x3FB9]  }
0x3d: {  	_ =	shalt  }
0x3e: {  	_ =	shalt  }
0x3f: {  	_ =	shalt  }
0x40: {  	_ =	shalt  }
0x41: {  	_ =	shalt  }
0x42: {  	_ =	shalt  }
0x43: {  	_ =	shalt  }
0x44: {  	_ =	shalt  }
0x45: {  	_ =	shalt  }
0x46: {  	_ =	shalt  }
0x47: {  	_ =	shalt  }
0x48: {  	_ =	shalt  }
0x49: {  	_ =	shalt  }
0x4a: {  	_ =	shalt  }
0x4b: {  	_ =	shalt  }
0x4c: {  	_ =	shalt  }
0x4d: {  	_ =	shalt  }
0x4e: {  	_ =	shalt  }
0x4f: {  	_ =	shalt  }
0x50: {  	_ =	shalt  }
0x51: {  	_ =	shalt  }
0x52: {  	_ =	shalt  }
0x53: {  	_ =	shalt  }
0x54: {  	_ =	shalt  }
0x55: {  	_ =	shalt  }
0x56: {  	_ =	shalt  }
0x57: {  	_ =	shalt  }
0x58: {  	_ =	shalt  }
0x59: {  	_ =	shalt  }
0x5a: {  	_ =	shalt  }
0x5b: {  	_ =	shalt  }
0x5c: {  	_ =	shalt  }
0x5d: {  	_ =	shalt  }
0x5e: {  	_ =	shalt  }
0x5f: {  	_ =	shalt  }
0x60: {  	_ =	shalt  }
0x61: {  	_ =	shalt  }
0x62: {  	_ =	shalt  }
0x63: {  	_ =	shalt  }
0x64: {  	_ =	shalt  }
0x65: {  	_ =	shalt  }
0x66: {  	_ =	shalt  }
0x67: {  	_ =	shalt  }
0x68: {  	_ =	shalt  }
0x69: {  	_ =	shalt  }
0x6a: {  	_ =	shalt  }
0x6b: {  	_ =	shalt  }
0x6c: {  	_ =	shalt  }
0x6d: {  	_ =	shalt  }
0x6e: {  	_ =	shalt  }
0x6f: {  	_ =	shalt  }
0x70: {  	_ =	shalt  }
0x71: {  	_ =	shalt  }
0x72: {  	_ =	shalt  }
0x73: {  	_ =	shalt  }
0x74: {  	_ =	shalt  }
0x75: {  	_ =	shalt  }
0x76: {  	_ =	shalt  }
0x77: {  	_ =	shalt  }
0x78: {  	_ =	shalt  }
0x79: {  	_ =	shalt  }
0x7a: {  	_ =	shalt  }
0x7b: {  	_ =	shalt  }
0x7c: {  	_ =	shalt  }
0x7d: {  	_ =	shalt  }
0x7e: {  	_ =	shalt  }
0x7f: {  	_ =	shalt  }
0x80: {  	_ =	shalt  }
0x81: {  	_ =	shalt  }
0x82: {  	_ =	shalt  }
0x83: {  	_ =	shalt  }
0x84: {  	_ =	shalt  }
0x85: {  	_ =	shalt  }
0x86: {  	_ =	shalt  }
0x87: {  	_ =	shalt  }
.Lfunc_end0:
.L_simem_size_0:
called_computation.1_lowered:
.L_overlay_start_0:
0x88: {  	s2 =	sld [smem:$0x3FD9]  }
0x89: {  	s3 =	sld [smem:$0x3FFE];
	_ =	sdelay $0x1  }
0x8a: {  	s1 =	srdreg.scid  }
0x8b: {  	s0 =	sand.u32 $0x1, s1  }
0x8c: {  	s14 =	sshll.u32 s0, $0xA;
	s2 =	sadd.s32 s3, s2  }
0x8d: {  	s2 =	sadd.s32 s2, s14  }
0x8e: {  	[smem:$0x3FC5] =	sst s2  }
0x8f: {  	_ = 	snop  }
0x90: {  	s2 =	sld [smem:$0x3FD0];
	_ =	sdelay $0x2  }
0x91: {  	s15 =	simm.s32 $0xA;
	s4 =	simm.s32 $0x10  }
0x92: {  	[smem:s4], [sflag:s15] =	dma.local [hbm:s2], $0x1  }
0x93: {  	_ =	swait.eq [sflag:s15], $0x1  }
0x94: {  	[sflag:s15] =	ssyncset.done $0x0  }
0x95: {  	[sflag:s15] =	ssyncadd.s32 $0xFFFFFFFF  }
0x96: {  	s16 =	sld [smem:$0x11];
	(tm) =	ssettm $0x1  }
0x97: {  	s17 =	sld [smem:$0x3FFB];
	_ =	sdelay $0x3  }
0x98: {  	_ =	strace s17  }
0x99: {  	s3 =	sld [smem:$0x3FFC];
	_ =	sdelay $0x3  }
0x9a: {  	_ =	strace s3  }
0x9b: {  	s3 =	sld [smem:$0x3FFD];
	_ =	sdelay $0x3  }
0x9c: {  	_ =	strace s3  }
0x9d: {  	_ =	strace $0x8FFFFFFF  }
0x9e: {  	s18 =	sld [smem:$0x3FDB];
	_ =	sdelay $0x1  }
0x9f: {  	s19 =	simm.s32 $_scs_section_size  }
0xa0: {  	s5 =	simm.s32 $_size__tile_overlayer_lowered;
	s6 =	simm.s32 $_tile_overlayer_lowered  }
0xa1: {  	s22 =	simm.s32 $0x1BFF;
	s21 =	sshll.u32 s6, $0x1;
	s3 =	sadd.s32 s19, s18  }
0xa2: {  	s7 =	simm.s32 $0x0;
	s20 =	sshll.u32 s5, $0x1;
	s5 =	sadd.s32 s21, s3  }
0xa3: {  	[timem:s7], [sflag:s22] =	dma.local [hbm:s5], s20  }
0xa4: {  	_ =	swait.ge [sflag:s22], s20  }
0xa5: {  	s4 =	ssub.s32 $0x0, s20;
	[sflag:s22] =	ssyncset.done $0x0  }
0xa6: {  	[sflag:s22] =	ssyncadd.s32 s4;
	_ =	sdelay $0x1  }
0xa7: {  	s23 =	simm.s32 $0x1B8B  }
0xa8: {  	_ =	swait.ge [sflag:s23], $0x1  }
0xa9: {  	[sflag:s23] =	ssyncset.done $0x0  }
0xaa: {  	s25 =	simm.s32 $0x1B8E;
	s24 =	sld [smem:$0x3FFE];
	[sflag:s23] =	ssyncadd.s32 $0xFFFFFFFF  }
0xab: {  	s26 =	simm.s32 $execute0_lowered;
	[smem:$0x3FD2] =	sst s25  }
0xac: {  	s5 =	sshll.u32 s26, $0x1;
	_ =	strace $0x80000049;
	[dreg:$0x1] =	wrdreg $0xFFFFFFFF  }
0xad: {  	s28 =	simm.s32 $_size_execute0_lowered;
	s3 =	sadd.s32 s3, s5;
	[dreg:$0x0] =	wrdreg $0x0  }
0xae: {  	s5 =	sshll.u32 s28, $0x1;
	[dreg:$0x2] =	wrdreg s3  }
0xaf: {  	[dreg:$0x3] =	wrdreg s5  }
0xb0: {  	[dreg:$0x4] =	wrdreg $0xC0  }
0xb1: {  	_ =	task [dreg:s7], $0x5FFFF  }
0xb2: {  	[dreg:$0x1] =	wrdreg $0xFFFFFFFF  }
0xb3: {  	[dreg:$0x0] =	wrdreg $0x60  }
0xb4: {  	[dreg:$0x2] =	wrdreg s24  }
0xb5: {  	[dreg:$0x3] =	wrdreg s16  }
0xb6: {  	[dreg:$0x4] =	wrdreg $0x9  }
0xb7: {  	_ =	task.clear_ibuf [dreg:s7], $0x5FFFF;
	_ =	strace $0x90000049  }
0xb8: {  	s29 =	simm.s32 $0x9;
	_ =	strace $0x8000004B  }
0xb9: {  	_ =	swait.ge [sflag:s29], $0x1  }
0xba: {  	[sflag:s29] =	ssyncadd.s32 $0xFFFFFFFF  }
0xbb: {  	_ =	strace $0x9000004B  }
0xbc: {  	_ =	sfence  }
0xbd: {  	s30 =	sld [smem:$0x0];
	_ =	sdelay $0x2  }
0xbe: {  	s31 =	sshll.u32 s1, $0xD;
	s1 =	sshrl.u32 s1, $0x2  }
0xbf: {  	s3 =	sand.u32 $0x4000, s31;
	s1 =	sadd.s32 s1, s30  }
0xc0: {  	s0 =	sor.u32 s3, s0;
	s1 =	sshll.u32 s1, $0x11  }
0xc1: {  	s0 =	sor.u32 s1, s0  }
0xc2: {  	s0 =	sadd.s32 $0x8F2B, s0  }
0xc3: {  	[sflag:s0] =	ssyncadd.remote.s32 $0x1  }
0xc4: {  	_ =	sfence.sel $0xFFFF  }
0xc5: {  	[dreg:$0x0] =	wrdreg $0xFFFFFFFF;
	(pc) =	sbr.abs _section_cstart, $3  }
0xc6: {  	[dreg:$0x1] =	wrdreg $0xFFFFFFFF  }
0xc7: {  	_ =	task.clear_ibuf [dreg:s7], $0x2FFFF;
	_ =	strace $0x9FFFFFFF  }
0xc8: {  	(tm) =	ssettm $0x7FFFFFFF  }
0xc9: {  	_ =	shalt  }
tec
execute0_lowered:
.L_overlay_start_1:
0x0: {  	(tag) =	ssettag $0x1  }
0x1: {  	s0 =	stileid.u32  }
0x2: {  	s1 =	srdreg.scid;
	s2 =	sshll.u32 s0, $0x1;
	s4 =	sshrl.u32 s0, $0x1  }
0x3: {  	s3 =	sand.u32 $0x1, s1;
	s29 =	sand.u32 $0x2, s2;
	s7 =	smul.u32 $0x12000, s4  }
0x4: {  	s5 =	rddreg [dreg:$0x0];
	s4 =	smul.u32 $0x5A000, s4;
	s6 =	sor.u32 s3, s29  }
0x5: {  	s8 =	rddreg [dreg:$0x1];
	s2 =	simm.s32 $0x0;
	s9 =	smul.u32 $0x4800, s6  }
0x6: {  	[smem:$0x7FF] =	sst s2;
	s3 =	ssub.s32 $0x2, s3;
	s6 =	smul.u32 $0x16800, s6  }
0x7: {  	s1 =	rddreg [dreg:$0x2];
	_ =	strace $0x8000004A;
	s30 =	sshrl.u32 s3, $0x1  }
0x8: {  	s31 =	ssub.s32 s3, s30;
	s7 =	sadd.s32 s7, s9;
	s4 =	sadd.s32 s4, s6  }
0x9: {  	s6 =	simm.s32 $0x1;
	s7 =	sshrl.u32 s7, $0x3;
	s4 =	sshrl.u32 s4, $0x3  }
0xa: {  	s5 =	sadd.s32 s7, s5;
	s4 =	sadd.s32 s8, s4;
	s7 =	simm.s32 $0x4800  }
0xb: {  	v0 =	vimm.f32 $0.0e+00;
	v1 =	vimm.f32 $1.000000000e+00;
	s8 =	simm.s32 $0x0;
	s3 =	sadd.s32 $0x1200, s5;
	s5 =	smax.u32 s31, $0x1  }
.LBB2_1:
0xc: {  	[tilespmem:s2], [sflag:$0x1] =	stream.linear.gather [hbm4b:s3+s2], $0x4800, $0x38;
	[tilespmem:$0x1B000] =	vst v63  }
0xd: {  	s9 =	simm.s32 $0x0  }
0xe: {  	s9 =	smul.u32 $0x5000, s9  }
0xf: {  	_ =	swait.ge [sflag:s6], $0x4800  }
0x10: {  	s10 =	sand.u32 $0x380, s2;
	[sflag:s6] =	ssyncset.done $0x0;
	s9 =	sshra.s32 s9, $0x2  }
0x11: {  	[sflag:s6] =	ssyncadd.s32 $0xFFFFB800;
	s9 =	sor.u32 s10, s9  }
0x12: {  	[tilespmem:s9+$0x5830] =	vst v0  }
0x13: {  	[tilespmem:s9+$0x4800] =	vst v0  }
0x14: {  	[tilespmem:s9+$0x4810] =	vst v0  }
0x15: {  	[tilespmem:s9+$0x4820] =	vst v0  }
0x16: {  	[tilespmem:s9+$0x4830] =	vst v0  }
0x17: {  	[tilespmem:s9+$0x4840] =	vst v0  }
0x18: {  	[tilespmem:s9+$0x4850] =	vst v0  }
0x19: {  	[tilespmem:s9+$0x4860] =	vst v0  }
0x1a: {  	[tilespmem:s9+$0x4870] =	vst v0  }
0x1b: {  	[tilespmem:s9+$0x4C00] =	vst v0  }
0x1c: {  	[tilespmem:s9+$0x4C10] =	vst v0  }
0x1d: {  	[tilespmem:s9+$0x4C20] =	vst v0  }
0x1e: {  	[tilespmem:s9+$0x4C30] =	vst v0  }
0x1f: {  	[tilespmem:s9+$0x4C40] =	vst v0  }
0x20: {  	[tilespmem:s9+$0x4C50] =	vst v0  }
0x21: {  	[tilespmem:s9+$0x4C60] =	vst v0  }
0x22: {  	[tilespmem:s9+$0x4C70] =	vst v0  }
0x23: {  	[tilespmem:s9+$0x5000] =	vst v0  }
0x24: {  	[tilespmem:s9+$0x5010] =	vst v0  }
0x25: {  	[tilespmem:s9+$0x5020] =	vst v0  }
0x26: {  	[tilespmem:s9+$0x5030] =	vst v0  }
0x27: {  	[tilespmem:s9+$0x5040] =	vst v0  }
0x28: {  	[tilespmem:s9+$0x5050] =	vst v0  }
0x29: {  	[tilespmem:s9+$0x5060] =	vst v0  }
0x2a: {  	[tilespmem:s9+$0x5070] =	vst v0  }
0x2b: {  	[tilespmem:s9+$0x5400] =	vst v0  }
0x2c: {  	[tilespmem:s9+$0x5410] =	vst v0  }
0x2d: {  	[tilespmem:s9+$0x5420] =	vst v0  }
0x2e: {  	[tilespmem:s9+$0x5430] =	vst v0  }
0x2f: {  	[tilespmem:s9+$0x5440] =	vst v0  }
0x30: {  	[tilespmem:s9+$0x5450] =	vst v0  }
0x31: {  	s12 =	simm.s32 $0x0;
	s11 =	simm.s32 $0x2;
	s10 =	simm.s32 $0x0;
	[tilespmem:s9+$0x5460] =	vst v0  }
.LBB2_2:
0x32: {  	p0 =	sne.s32 s11, $0x8F;
	s12 =	smul.u32 $0x5000, s12;
	[tilespmem:s9+$0x5470] =	vst v0  }
0x33: {  	s10 =	sadd.s32 $0x80, s10;
	[tilespmem:s9+$0x5800] =	vst v0  }
0x34: {  	s13 =	sand.u32 $0x380, s10;
	s12 =	sshra.s32 s12, $0x2;
	[tilespmem:s9+$0x5810] =	vst v0  }
0x35: {  	[tilespmem:s9+$0x5820] =	vst v0;
	s9 =	sor.u32 s13, s12  }
0x36: {  	[tilespmem:s9+$0x5830] =	vst v0  }
0x37: {  	[tilespmem:s9+$0x4800] =	vst v0  }
0x38: {  	[tilespmem:s9+$0x4810] =	vst v0  }
0x39: {  	[tilespmem:s9+$0x4820] =	vst v0  }
0x3a: {  	[tilespmem:s9+$0x4830] =	vst v0  }
0x3b: {  	[tilespmem:s9+$0x4840] =	vst v0  }
0x3c: {  	[tilespmem:s9+$0x4850] =	vst v0  }
0x3d: {  	[tilespmem:s9+$0x4860] =	vst v0  }
0x3e: {  	[tilespmem:s9+$0x4870] =	vst v0  }
0x3f: {  	[tilespmem:s9+$0x4C00] =	vst v0  }
0x40: {  	[tilespmem:s9+$0x4C10] =	vst v0  }
0x41: {  	[tilespmem:s9+$0x4C20] =	vst v0  }
0x42: {  	[tilespmem:s9+$0x4C30] =	vst v0  }
0x43: {  	[tilespmem:s9+$0x4C40] =	vst v0  }
0x44: {  	[tilespmem:s9+$0x4C50] =	vst v0  }
0x45: {  	[tilespmem:s9+$0x4C60] =	vst v0  }
0x46: {  	[tilespmem:s9+$0x4C70] =	vst v0  }
0x47: {  	[tilespmem:s9+$0x5000] =	vst v0  }
0x48: {  	[tilespmem:s9+$0x5010] =	vst v0  }
0x49: {  	[tilespmem:s9+$0x5020] =	vst v0  }
0x4a: {  	[tilespmem:s9+$0x5030] =	vst v0  }
0x4b: {  	[tilespmem:s9+$0x5040] =	vst v0  }
0x4c: {  	[tilespmem:s9+$0x5050] =	vst v0  }
0x4d: {  	[tilespmem:s9+$0x5060] =	vst v0  }
0x4e: {  	[tilespmem:s9+$0x5070] =	vst v0  }
0x4f: {  	[tilespmem:s9+$0x5400] =	vst v0  }
0x50: {  	[tilespmem:s9+$0x5410] =	vst v0  }
.Ltmp0:
0x51: {  	[tilespmem:s9+$0x5420] =	vst v0;
	(pc) =	sbr.rel @p0 .LBB2_2-.Ltmp0, $4  }
0x52: {  	[tilespmem:s9+$0x5430] =	vst v0  }
0x53: {  	[tilespmem:s9+$0x5440] =	vst v0  }
0x54: {  	[tilespmem:s9+$0x5450] =	vst v0  }
0x55: {  	s12 =	sshrl.u32 s11, $0x3;
	s11 =	sadd.s32 $0x1, s11;
	[tilespmem:s9+$0x5460] =	vst v0  }
0x56: {  	s11 =	smul.u32 $0x5000, s12;
	[tilespmem:s9+$0x5470] =	vst v0  }
0x57: {  	[tilespmem:s9+$0x5800] =	vst v0;
	s10 =	sadd.s32 $0x80, s10  }
0x58: {  	[tilespmem:s9+$0x5810] =	vst v0;
	s10 =	sand.u32 $0x380, s10;
	s11 =	sshra.s32 s11, $0x2  }
0x59: {  	[tilespmem:s9+$0x5820] =	vst v0;
	s10 =	sor.u32 s10, s11  }
0x5a: {  	[tilespmem:s10+$0x5830] =	vst v0  }
0x5b: {  	[tilespmem:s10+$0x4800] =	vst v0  }
0x5c: {  	[tilespmem:s10+$0x4810] =	vst v0  }
0x5d: {  	[tilespmem:s10+$0x4820] =	vst v0  }
0x5e: {  	[tilespmem:s10+$0x4830] =	vst v0  }
0x5f: {  	[tilespmem:s10+$0x4840] =	vst v0  }
0x60: {  	[tilespmem:s10+$0x4850] =	vst v0  }
0x61: {  	[tilespmem:s10+$0x4860] =	vst v0  }
0x62: {  	[tilespmem:s10+$0x4870] =	vst v0  }
0x63: {  	[tilespmem:s10+$0x4C00] =	vst v0  }
0x64: {  	[tilespmem:s10+$0x4C10] =	vst v0  }
0x65: {  	[tilespmem:s10+$0x4C20] =	vst v0  }
0x66: {  	[tilespmem:s10+$0x4C30] =	vst v0  }
0x67: {  	[tilespmem:s10+$0x4C40] =	vst v0  }
0x68: {  	[tilespmem:s10+$0x4C50] =	vst v0  }
0x69: {  	[tilespmem:s10+$0x4C60] =	vst v0  }
0x6a: {  	[tilespmem:s10+$0x4C70] =	vst v0  }
0x6b: {  	[tilespmem:s10+$0x5000] =	vst v0  }
0x6c: {  	[tilespmem:s10+$0x5010] =	vst v0  }
0x6d: {  	[tilespmem:s10+$0x5020] =	vst v0  }
0x6e: {  	[tilespmem:s10+$0x5030] =	vst v0  }
0x6f: {  	[tilespmem:s10+$0x5040] =	vst v0  }
0x70: {  	[tilespmem:s10+$0x5050] =	vst v0  }
0x71: {  	[tilespmem:s10+$0x5060] =	vst v0  }
0x72: {  	[tilespmem:s10+$0x5070] =	vst v0  }
0x73: {  	[tilespmem:s10+$0x5400] =	vst v0  }
0x74: {  	[tilespmem:s10+$0x5410] =	vst v0  }
0x75: {  	[tilespmem:s10+$0x5420] =	vst v0  }
0x76: {  	[tilespmem:s10+$0x5430] =	vst v0  }
0x77: {  	[tilespmem:s10+$0x5440] =	vst v0  }
0x78: {  	[tilespmem:s10+$0x5450] =	vst v0  }
0x79: {  	[tilespmem:s10+$0x5460] =	vst v0  }
0x7a: {  	[tilespmem:s10+$0x5470] =	vst v0  }
0x7b: {  	[tilespmem:s10+$0x5800] =	vst v0  }
0x7c: {  	[tilespmem:s10+$0x5810] =	vst v0  }
0x7d: {  	s9 =	simm.s32 $0x0;
	[tilespmem:s10+$0x5820] =	vst v0  }
0x7e: {  	s11 =	simm.s32 $0x0;
	s10 =	simm.s32 $0x1;
	v2 =	vld [tilespmem:s9+$0x0]  }
.LBB2_4:
0x7f: {  	p0 =	sne.s32 s10, $0x8F;
	_ =	sdelay $0x1  }
0x80: {  	v3 =	vmov s9;
	s9 =	smov.u32 s10  }
0x81: {  	v4 =	vshrl.u32 v3, $0x3  }
0x82: {  	v4 =	vmul.u32 $0x1400, v4;
	v5 =	vshll.u32 v2, $0x3  }
0x83: {  	v3 =	vshll.u32 v3, $0x7;
	v5 =	vand.u32 $0xFFFFFC00, v5  }
0x84: {  	v3 =	vand.u32 $0x380, v3;
	v4 =	vadd.s32 v4, v5  }
0x85: {  	v2 =	vand.u32 $0x7F, v2;
	v3 =	vor.u32 v3, v4  }
0x86: {  	v2 =	vor.u32 v2, v3;
	_ =	sdelay $0x1  }
.Ltmp1:
0x87: {  	(pc) =	sbr.rel @p0 .LBB2_4-.Ltmp1, $3  }
0x88: {  	_ =	sdelay $0x1  }
0x89: {  	s11 =	sadd.s32 $0x80, s11;
	[tilespmem:v2+s7+$0x0] =	vst.idx.msk $0x7f, v1  }
0x8a: {  	s10 =	sadd.s32 $0x1, s10;
	v2 =	vld [tilespmem:s11+$0x0]  }
0x8b: {  	_ =	sdelay $0x1  }
0x8c: {  	v3 =	vmov s9  }
0x8d: {  	v4 =	vshrl.u32 v3, $0x3  }
0x8e: {  	v4 =	vmul.u32 $0x1400, v4;
	v5 =	vshll.u32 v2, $0x3  }
0x8f: {  	v3 =	vshll.u32 v3, $0x7;
	v5 =	vand.u32 $0xFFFFFC00, v5  }
0x90: {  	v3 =	vand.u32 $0x380, v3;
	v4 =	vadd.s32 v4, v5  }
0x91: {  	v2 =	vand.u32 $0x7F, v2;
	v3 =	vor.u32 v3, v4  }
0x92: {  	v2 =	vor.u32 v2, v3;
	_ =	sdelay $0x2  }
0x93: {  	s8 =	sadd.s32 $0x1, s8  }
0x94: {  	p0 =	sne.s32 s8, s5  }
.Ltmp2:
0x95: {  	[tilespmem:v2+s7+$0x0] =	vst.idx.msk $0x7f, v1;
	(pc) =	sbr.rel @p0 .LBB2_1-.Ltmp2, $4  }
0x96: {  	[hbm4b:s4+s2] =	stream.linear.scatter [tilespmem:s7], [sflag:$0x1], $0x16800, $0x38;
	[tilespmem:$0x1B000] =	vst v63  }
0x97: {  	_ =	swait.ge [sflag:s6], $0x16800  }
0x98: {  	[sflag:s6] =	ssyncset.done $0x0  }
0x99: {  	[sflag:s6] =	ssyncadd.s32 $0xFFFE9800  }
0x9a: {  	_ =	sfence.sel $0x180000  }
0x9b: {  	[bflag:$0x0] =	sbarrier.arrive $0xFFFF  }
0x9c: {  	p0 =	sne.s32 s0, $0x0;
	_ =	strace $0x9000004A  }
0x9d: {  	s0 =	sadd.s32 @!p0 $0x100000, s1;
	[bflag:$0x2] =	sbarrier.arrive $0xFFFF  }
0x9e: {  	[sflag:s0] =	ssyncadd.tile.s32 @!p0 $0x1;
	_ =	shalt  }
.Lfunc_end2:
_tile_overlayer_lowered:
.L_overlay_start_2:
0x9f: {  	(tag) =	ssettag $0x2  }
0xa0: {  	s0 =	rddreg [dreg:$0x0];
	s2 =	stileid.u32  }
0xa1: {  	s1 =	rddreg [dreg:$0x1];
	p0 =	sne.s32 s2, $0x0  }
0xa2: {  	s3 =	rddreg [dreg:$0x2];
	[bflag:$0x3] =	sbarrier.arrive $0xFFFF;
	s2 =	simm.s32 @!p0 $0x1C01  }
0xa3: {  	[timem:s3], [sflag:s2] =	dma.local @!p0 [hbm:s0], s1  }
0xa4: {  	s0 =	simm.s32 @!p0 $0x1  }
0xa5: {  	_ =	swait.ge @!p0 [sflag:s0], s1  }
0xa6: {  	s1 =	ssub.s32 @!p0 $0x0, s1;
	[sflag:s0] =	ssyncset.done @!p0 $0x0  }
0xa7: {  	[sflag:s0] =	ssyncadd.s32 @!p0 s1  }
0xa8: {  	[bflag:$0x3] =	sbarrier.arrive $0xFFFF  }
0xa9: {  	_ =	shalt  }

</sc_bundles>
